<compile_context>
chip_gen: v7x
topology: tpu7x:2x2x1
jax: 0.10.2.dev20260603
libtpu: 0.0.44.dev20260713+nightly
codegen_flags: <defaults>
</compile_context>

<pallas_src>
import functools

import jax
import jax.numpy as jnp
from jax import lax
from jax.experimental import pallas as pl
from jax.experimental.pallas import tpu as pltpu
from jax.experimental.pallas import tpu_sc as plsc

_NC = 2
_NS = 16
_NW = _NC * _NS
_CH = 16
_NB = 3


@jax.jit
def _sc_gather(idx, table):
    bsz, seq = idx.shape
    _, d = table.shape
    n_rows = bsz * seq
    b_per_w = n_rows // _NW
    w_per_b = seq // b_per_w
    n_chunks = b_per_w // _CH
    mesh = plsc.VectorSubcoreMesh(core_axis_name="c", subcore_axis_name="s")

    @functools.partial(
        pl.kernel,
        out_type=jax.ShapeDtypeStruct((bsz, seq, d), jnp.float32),
        mesh=mesh,
        scratch_types=[
            pltpu.VMEM((b_per_w,), jnp.int32),
            pltpu.VMEM((_NB, _CH, d), jnp.float32),
            pltpu.SemaphoreType.DMA((_NB,)),
            pltpu.SemaphoreType.DMA((_NB,)),
        ],
    )
    def k(idx_hbm, table_hbm, out_hbm, idx_v, bufs, gsem, osem):
        wid = lax.axis_index("s") * _NC + lax.axis_index("c")
        row = wid // w_per_b
        col = (wid % w_per_b) * b_per_w
        pltpu.sync_copy(idx_hbm.at[row, pl.ds(col, b_per_w)], idx_v)

        def gather(c, b):
            return pltpu.async_copy(
                table_hbm.at[idx_v.at[pl.ds(c * _CH, _CH)]], bufs.at[b], gsem.at[b]
            )

        def put(c, b):
            return pltpu.async_copy(
                bufs.at[b], out_hbm.at[row, pl.ds(col + c * _CH, _CH)], osem.at[b]
            )

        gdesc = [None] * _NB
        odesc = [None] * _NB
        for c in range(min(_NB - 1, n_chunks)):
            gdesc[c % _NB] = gather(c, c % _NB)
        for c in range(n_chunks):
            b = c % _NB
            nc = c + _NB - 1
            if nc < n_chunks:
                fb = nc % _NB
                if odesc[fb] is not None:
                    odesc[fb].wait()
                gdesc[fb] = gather(nc, fb)
            gdesc[b].wait()
            odesc[b] = put(c, b)
        for c in range(max(0, n_chunks - _NB), n_chunks):
            odesc[c % _NB].wait()

    return k(idx, table)


def kernel(input_ids, shared_weight):
    return _sc_gather(input_ids, shared_weight)

# --- scband reference (transcript-rebuilt; emitter-appended) ---
"""Pipeline reference for scband-t5-embeddings-87634512708338 (READ-ONLY COPY).

The authoritative reference and input builder live on the scoring server;
editing this copy changes nothing except your own understanding.
"""

import jax, jax.numpy as jnp
import numpy as np

VOCAB = 100000
D_MODEL = 1024
BATCH = 4
SEQ = 4096

def setup_inputs(seed: int = 0) -> dict:
    key = jax.random.key(seed)
    k_tab, k_ids = jax.random.split(key)
    # nn.Embedding weight initialized ~ N(0, 1) per _init_weights (factor=1.0)
    shared_weight = jax.random.normal(k_tab, (VOCAB, D_MODEL), dtype=jnp.float32)
    input_ids = jax.random.randint(k_ids, (BATCH, SEQ), 0, VOCAB, dtype=jnp.int64) if jax.config.jax_enable_x64 else jax.random.randint(k_ids, (BATCH, SEQ), 0, VOCAB, dtype=jnp.int32)
    return {"input_ids": input_ids, "shared_weight": shared_weight}

def reference(input_ids, shared_weight):
    # T5Embeddings.forward: return self.shared(input_ids)
    # embedding lookup == row gather from the table
    return jnp.take(shared_weight, input_ids, axis=0)

if __name__ == "__main__":
    import jax
    _d = setup_inputs()
    print(jax.jit(kernel)(*tuple(_d.values())))

</pallas_src>

<mosaic_0001>
#map = affine_map<(d0, d1) -> (0, 0)>
#map1 = affine_map<(d0, d1) -> (0, 0, 0)>
module attributes {stable_mosaic.version = 14 : i64} {
  func.func @k(%arg0: i32, %arg1: i32, %arg2: memref<4x4096xi32, #tpu.memory_space<hbm>>, %arg3: memref<100000x1024xf32, #tpu.memory_space<hbm>>, %arg4: memref<4x4096x1024xf32, #tpu.memory_space<hbm>>, %arg5: memref<512xi32, #tpu.memory_space<vmem>>, %arg6: memref<3x16x1024xf32, #tpu.memory_space<vmem>>, %arg7: memref<3x!tpu.dma_semaphore, #tpu.memory_space<semaphore_mem>>, %arg8: memref<3x!tpu.dma_semaphore, #tpu.memory_space<semaphore_mem>>) attributes {dimension_semantics = [#tpu.dimension_semantics<core_parallel>, #tpu.dimension_semantics<subcore_parallel>], iteration_bounds = array<i64: 2, 16>, scalar_prefetch = 0 : i64, scratch_operands = 4 : i64, tpu.core_type = #tpu.core_type<sc_vector_subcore>, window_params = [{transform_indices = #map}, {transform_indices = #map}, {transform_indices = #map1}]} {
    %mul3A = arith.constant 2 : i32
    %mul3A_0 = arith.muli %arg1, %mul3A : i32
    %add3A = arith.addi %mul3A_0, %arg0 : i32
    %jit3A = arith.constant 8 : i32
    %div3A = arith.divsi %add3A, %jit3A : i32
    %sign3A = arith.constant 0 : i32
    %sign3A_1 = arith.cmpi sgt, %add3A, %sign3A : i32
    %sign3A_2 = arith.extui %sign3A_1 : i1 to i32
    %sign3A_3 = arith.constant 0 : i32
    %sign3A_4 = arith.cmpi slt, %add3A, %sign3A_3 : i32
    %sign3A_5 = arith.extui %sign3A_4 : i1 to i32
    %sign3A_6 = arith.subi %sign3A_2, %sign3A_5 : i32
    %sign3A_7 = arith.constant 0 : i32
    %sign3A_8 = arith.cmpi sgt, %jit3A, %sign3A_7 : i32
    %sign3A_9 = arith.extui %sign3A_8 : i1 to i32
    %sign3A_10 = arith.constant 0 : i32
    %sign3A_11 = arith.cmpi slt, %jit3A, %sign3A_10 : i32
    %sign3A_12 = arith.extui %sign3A_11 : i1 to i32
    %sign3A_13 = arith.subi %sign3A_9, %sign3A_12 : i32
    %ne3A = arith.cmpi ne, %sign3A_6, %sign3A_13 : i32
    %rem3A = arith.remsi %add3A, %jit3A : i32
    %ne3A_14 = arith.constant 0 : i32
    %ne3A_15 = arith.cmpi ne, %rem3A, %ne3A_14 : i32
    %and3A = arith.andi %ne3A, %ne3A_15 : i1
    %sub3A = arith.constant 1 : i32
    %sub3A_16 = arith.subi %div3A, %sub3A : i32
    %select_n3A = arith.select %and3A, %sub3A_16, %div3A : i32
    %jit3A_17 = arith.constant 8 : i32
    %eq3A = arith.constant 0 : i32
    %eq3A_18 = arith.cmpi eq, %jit3A_17, %eq3A : i32
    %jit3A_19 = arith.constant 1 : i32
    %select_n3A_20 = arith.select %eq3A_18, %jit3A_19, %jit3A_17 : i32
    %rem3A_21 = arith.remsi %add3A, %select_n3A_20 : i32
    %ne3A_22 = arith.constant 0 : i32
    %ne3A_23 = arith.cmpi ne, %rem3A_21, %ne3A_22 : i32
    %lt3A = arith.constant 0 : i32
    %lt3A_24 = arith.cmpi slt, %rem3A_21, %lt3A : i32
    %lt3A_25 = arith.constant 0 : i32
    %lt3A_26 = arith.cmpi slt, %select_n3A_20, %lt3A_25 : i32
    %ne3A_27 = arith.xori %lt3A_24, %lt3A_26 : i1
    %and3A_28 = arith.andi %ne3A_27, %ne3A_23 : i1
    %add3A_29 = arith.addi %rem3A_21, %select_n3A_20 : i32
    %select_n3A_30 = arith.select %and3A_28, %add3A_29, %rem3A_21 : i32
    %mul3A_31 = arith.constant 512 : i32
    %mul3A_32 = arith.muli %select_n3A_30, %mul3A_31 : i32
    "tpu.region"() ({
      %run_scoped3A = tpu.sem_alloc : memref<!tpu.dma_semaphore, #tpu.memory_space<semaphore_mem>>
      %dma_start3A_2079 = tpu.memref_slice %arg2[%select_n3A, %mul3A_32] : memref<4x4096xi32, #tpu.memory_space<hbm>> -> memref<1x512xi32, #tpu.memory_space<hbm>>
      %dma_start3A_2080 = tpu.memref_squeeze %dma_start3A_2079 : memref<1x512xi32, #tpu.memory_space<hbm>> -> memref<512xi32, #tpu.memory_space<hbm>>
      %dma_start3A_2081 = tpu.memref_slice %arg2[%select_n3A, %mul3A_32] : memref<4x4096xi32, #tpu.memory_space<hbm>> -> memref<1x512xi32, #tpu.memory_space<hbm>>
      %dma_start3A_2082 = tpu.memref_squeeze %dma_start3A_2081 : memref<1x512xi32, #tpu.memory_space<hbm>> -> memref<512xi32, #tpu.memory_space<hbm>>
      tpu.enqueue_dma source(%dma_start3A_2082 : memref<512xi32, #tpu.memory_space<hbm>>) target(%arg5 : memref<512xi32, #tpu.memory_space<vmem>>) target_semaphore(%run_scoped3A : memref<!tpu.dma_semaphore, #tpu.memory_space<semaphore_mem>>)
      %dma_wait3A_2083 = tpu.memref_slice %arg2[%select_n3A, %mul3A_32] : memref<4x4096xi32, #tpu.memory_space<hbm>> -> memref<1x512xi32, #tpu.memory_space<hbm>>
      %dma_wait3A_2084 = tpu.memref_squeeze %dma_wait3A_2083 : memref<1x512xi32, #tpu.memory_space<hbm>> -> memref<512xi32, #tpu.memory_space<hbm>>
      %dma_wait3A_2085 = tpu.memref_slice %arg2[%select_n3A, %mul3A_32] : memref<4x4096xi32, #tpu.memory_space<hbm>> -> memref<1x512xi32, #tpu.memory_space<hbm>>
      %dma_wait3A_2086 = tpu.memref_squeeze %dma_wait3A_2085 : memref<1x512xi32, #tpu.memory_space<hbm>> -> memref<512xi32, #tpu.memory_space<hbm>>
      tpu.wait_dma2 semaphore(%run_scoped3A : memref<!tpu.dma_semaphore, #tpu.memory_space<semaphore_mem>>) src(%dma_wait3A_2086 : memref<512xi32, #tpu.memory_space<hbm>>) dst(%arg5 : memref<512xi32, #tpu.memory_space<vmem>>)
      tpu.yield
    }) : () -> ()
    %dma_start3A = arith.constant 0 : i32
    %dma_start3A_33 = arith.constant 0 : i32
    %dma_start3A_34 = arith.constant 0 : i32
    %dma_start3A_35 = arith.constant 0 : i32
    %dma_start3A_36 = tpu.memref_slice %arg6[%dma_start3A, %dma_start3A_34, %dma_start3A_35] : memref<3x16x1024xf32, #tpu.memory_space<vmem>> -> memref<1x16x1024xf32, #tpu.memory_space<vmem>>
    %dma_start3A_37 = tpu.memref_squeeze %dma_start3A_36 : memref<1x16x1024xf32, #tpu.memory_space<vmem>> -> memref<16x1024xf32, #tpu.memory_space<vmem>>
    %dma_start3A_38 = arith.constant 0 : i32
    %dma_start3A_39 = tpu.memref_slice %arg5[%dma_start3A_38] : memref<512xi32, #tpu.memory_space<vmem>> -> memref<16xi32, #tpu.memory_space<vmem>>
    %dma_start3A_40 = arith.constant 0 : i32
    %dma_start3A_41 = arith.constant 0 : i32
    %dma_start3A_42 = tpu.memref_slice %arg3[%dma_start3A_40, %dma_start3A_41] : memref<100000x1024xf32, #tpu.memory_space<hbm>> -> memref<100000x1024xf32, #tpu.memory_space<hbm>>
    %dma_start3A_43 = tpu.memref_slice %arg7[%dma_start3A_33] : memref<3x!tpu.dma_semaphore, #tpu.memory_space<semaphore_mem>> -> memref<1x!tpu.dma_semaphore, #tpu.memory_space<semaphore_mem>>
    %dma_start3A_44 = tpu.memref_squeeze %dma_start3A_43 : memref<1x!tpu.dma_semaphore, #tpu.memory_space<semaphore_mem>> -> memref<!tpu.dma_semaphore, #tpu.memory_space<semaphore_mem>>
    tpu.enqueue_indirect_dma source(%dma_start3A_42 : memref<100000x1024xf32, #tpu.memory_space<hbm>>) target(%dma_start3A_37 : memref<16x1024xf32, #tpu.memory_space<vmem>>) offsets(%dma_start3A_39 : memref<16xi32, #tpu.memory_space<vmem>>) semaphore(%dma_start3A_44 : memref<!tpu.dma_semaphore, #tpu.memory_space<semaphore_mem>>)
    %dma_start3A_45 = arith.constant 1 : i32
    %dma_start3A_46 = arith.constant 1 : i32
    %dma_start3A_47 = arith.constant 0 : i32
    %dma_start3A_48 = arith.constant 0 : i32
    %dma_start3A_49 = tpu.memref_slice %arg6[%dma_start3A_45, %dma_start3A_47, %dma_start3A_48] : memref<3x16x1024xf32, #tpu.memory_space<vmem>> -> memref<1x16x1024xf32, #tpu.memory_space<vmem>>
    %dma_start3A_50 = tpu.memref_squeeze %dma_start3A_49 : memref<1x16x1024xf32, #tpu.memory_space<vmem>> -> memref<16x1024xf32, #tpu.memory_space<vmem>>
    %dma_start3A_51 = arith.constant 16 : i32
    %dma_start3A_52 = tpu.memref_slice %arg5[%dma_start3A_51] : memref<512xi32, #tpu.memory_space<vmem>> -> memref<16xi32, #tpu.memory_space<vmem>>
    %dma_start3A_53 = arith.constant 0 : i32
    %dma_start3A_54 = arith.constant 0 : i32
    %dma_start3A_55 = tpu.memref_slice %arg3[%dma_start3A_53, %dma_start3A_54] : memref<100000x1024xf32, #tpu.memory_space<hbm>> -> memref<100000x1024xf32, #tpu.memory_space<hbm>>
    %dma_start3A_56 = tpu.memref_slice %arg7[%dma_start3A_46] : memref<3x!tpu.dma_semaphore, #tpu.memory_space<semaphore_mem>> -> memref<1x!tpu.dma_semaphore, #tpu.memory_space<semaphore_mem>>
    %dma_start3A_57 = tpu.memref_squeeze %dma_start3A_56 : memref<1x!tpu.dma_semaphore, #tpu.memory_space<semaphore_mem>> -> memref<!tpu.dma_semaphore, #tpu.memory_space<semaphore_mem>>
    tpu.enqueue_indirect_dma source(%dma_start3A_55 : memref<100000x1024xf32, #tpu.memory_space<hbm>>) target(%dma_start3A_50 : memref<16x1024xf32, #tpu.memory_space<vmem>>) offsets(%dma_start3A_52 : memref<16xi32, #tpu.memory_space<vmem>>) semaphore(%dma_start3A_57 : memref<!tpu.dma_semaphore, #tpu.memory_space<semaphore_mem>>)
    %dma_start3A_58 = arith.constant 2 : i32
    %dma_start3A_59 = arith.constant 2 : i32
    %dma_start3A_60 = arith.constant 0 : i32
    %dma_start3A_61 = arith.constant 0 : i32
    %dma_start3A_62 = tpu.memref_slice %arg6[%dma_start3A_58, %dma_start3A_60, %dma_start3A_61] : memref<3x16x1024xf32, #tpu.memory_space<vmem>> -> memref<1x16x1024xf32, #tpu.memory_space<vmem>>
    %dma_start3A_63 = tpu.memref_squeeze %dma_start3A_62 : memref<1x16x1024xf32, #tpu.memory_space<vmem>> -> memref<16x1024xf32, #tpu.memory_space<vmem>>
    %dma_start3A_64 = arith.constant 32 : i32
    %dma_start3A_65 = tpu.memref_slice %arg5[%dma_start3A_64] : memref<512xi32, #tpu.memory_space<vmem>> -> memref<16xi32, #tpu.memory_space<vmem>>
    %dma_start3A_66 = arith.constant 0 : i32
    %dma_start3A_67 = arith.constant 0 : i32
    %dma_start3A_68 = tpu.memref_slice %arg3[%dma_start3A_66, %dma_start3A_67] : memref<100000x1024xf32, #tpu.memory_space<hbm>> -> memref<100000x1024xf32, #tpu.memory_space<hbm>>
    %dma_start3A_69 = tpu.memref_slice %arg7[%dma_start3A_59] : memref<3x!tpu.dma_semaphore, #tpu.memory_space<semaphore_mem>> -> memref<1x!tpu.dma_semaphore, #tpu.memory_space<semaphore_mem>>
    %dma_start3A_70 = tpu.memref_squeeze %dma_start3A_69 : memref<1x!tpu.dma_semaphore, #tpu.memory_space<semaphore_mem>> -> memref<!tpu.dma_semaphore, #tpu.memory_space<semaphore_mem>>
    tpu.enqueue_indirect_dma source(%dma_start3A_68 : memref<100000x1024xf32, #tpu.memory_space<hbm>>) target(%dma_start3A_63 : memref<16x1024xf32, #tpu.memory_space<vmem>>) offsets(%dma_start3A_65 : memref<16xi32, #tpu.memory_space<vmem>>) semaphore(%dma_start3A_70 : memref<!tpu.dma_semaphore, #tpu.memory_space<semaphore_mem>>)
    %dma_wait3A = arith.constant 0 : i32
    %dma_wait3A_71 = arith.constant 0 : i32
    %dma_wait3A_72 = arith.constant 0 : i32
    %dma_wait3A_73 = arith.constant 0 : i32
    %dma_wait3A_74 = tpu.memref_slice %arg6[%dma_wait3A, %dma_wait3A_72, %dma_wait3A_73] : memref<3x16x1024xf32, #tpu.memory_space<vmem>> -> memref<1x16x1024xf32, #tpu.memory_space<vmem>>
    %dma_wait3A_75 = tpu.memref_squeeze %dma_wait3A_74 : memref<1x16x1024xf32, #tpu.memory_space<vmem>> -> memref<16x1024xf32, #tpu.memory_space<vmem>>
    %dma_wait3A_76 = arith.constant 0 : i32
    %dma_wait3A_77 = tpu.memref_slice %arg5[%dma_wait3A_76] : memref<512xi32, #tpu.memory_space<vmem>> -> memref<16xi32, #tpu.memory_space<vmem>>
    %dma_wait3A_78 = arith.constant 0 : i32
    %dma_wait3A_79 = arith.constant 0 : i32
    %dma_wait3A_80 = tpu.memref_slice %arg3[%dma_wait3A_78, %dma_wait3A_79] : memref<100000x1024xf32, #tpu.memory_space<hbm>> -> memref<100000x1024xf32, #tpu.memory_space<hbm>>
    %dma_wait3A_81 = tpu.memref_slice %arg7[%dma_wait3A_71] : memref<3x!tpu.dma_semaphore, #tpu.memory_space<semaphore_mem>> -> memref<1x!tpu.dma_semaphore, #tpu.memory_space<semaphore_mem>>
    %dma_wait3A_82 = tpu.memref_squeeze %dma_wait3A_81 : memref<1x!tpu.dma_semaphore, #tpu.memory_space<semaphore_mem>> -> memref<!tpu.dma_semaphore, #tpu.memory_space<semaphore_mem>>
    tpu.wait_indirect_dma semaphore(%dma_wait3A_82 : memref<!tpu.dma_semaphore, #tpu.memory_space<semaphore_mem>>) src(%dma_wait3A_80 : memref<100000x1024xf32, #tpu.memory_space<hbm>>) dst(%dma_wait3A_75 : memref<16x1024xf32, #tpu.memory_space<vmem>>)
    %add3A_83 = arith.constant 0 : i32
    %add3A_84 = arith.addi %mul3A_32, %add3A_83 : i32
    %dma_start3A_85 = arith.constant 0 : i32
    %dma_start3A_86 = arith.constant 0 : i32
    %dma_start3A_87 = arith.constant 0 : i32
    %dma_start3A_88 = arith.constant 0 : i32
    %dma_start3A_89 = tpu.memref_slice %arg6[%dma_start3A_85, %dma_start3A_87, %dma_start3A_88] : memref<3x16x1024xf32, #tpu.memory_space<vmem>> -> memref<1x16x1024xf32, #tpu.memory_space<vmem>>
    %dma_start3A_90 = tpu.memref_squeeze %dma_start3A_89 : memref<1x16x1024xf32, #tpu.memory_space<vmem>> -> memref<16x1024xf32, #tpu.memory_space<vmem>>
    %dma_start3A_91 = arith.constant 0 : i32
    %dma_start3A_92 = tpu.memref_slice %arg4[%select_n3A, %add3A_84, %dma_start3A_91] : memref<4x4096x1024xf32, #tpu.memory_space<hbm>> -> memref<1x16x1024xf32, #tpu.memory_space<hbm>>
    %dma_start3A_93 = tpu.memref_squeeze %dma_start3A_92 : memref<1x16x1024xf32, #tpu.memory_space<hbm>> -> memref<16x1024xf32, #tpu.memory_space<hbm>>
    %dma_start3A_94 = tpu.memref_slice %arg8[%dma_start3A_86] : memref<3x!tpu.dma_semaphore, #tpu.memory_space<semaphore_mem>> -> memref<1x!tpu.dma_semaphore, #tpu.memory_space<semaphore_mem>>
    %dma_start3A_95 = tpu.memref_squeeze %dma_start3A_94 : memref<1x!tpu.dma_semaphore, #tpu.memory_space<semaphore_mem>> -> memref<!tpu.dma_semaphore, #tpu.memory_space<semaphore_mem>>
    %dma_start3A_96 = arith.constant 0 : i32
    %dma_start3A_97 = tpu.memref_slice %arg4[%select_n3A, %add3A_84, %dma_start3A_96] : memref<4x4096x1024xf32, #tpu.memory_space<hbm>> -> memref<1x16x1024xf32, #tpu.memory_space<hbm>>
    %dma_start3A_98 = tpu.memref_squeeze %dma_start3A_97 : memref<1x16x1024xf32, #tpu.memory_space<hbm>> -> memref<16x1024xf32, #tpu.memory_space<hbm>>
    %dma_start3A_99 = arith.constant 0 : i32
    %dma_start3A_100 = arith.constant 0 : i32
    %dma_start3A_101 = tpu.memref_slice %arg6[%dma_start3A_85, %dma_start3A_99, %dma_start3A_100] : memref<3x16x1024xf32, #tpu.memory_space<vmem>> -> memref<1x16x1024xf32, #tpu.memory_space<vmem>>
    %dma_start3A_102 = tpu.memref_squeeze %dma_start3A_101 : memref<1x16x1024xf32, #tpu.memory_space<vmem>> -> memref<16x1024xf32, #tpu.memory_space<vmem>>
    tpu.enqueue_dma source(%dma_start3A_102 : memref<16x1024xf32, #tpu.memory_space<vmem>>) target(%dma_start3A_98 : memref<16x1024xf32, #tpu.memory_space<hbm>>) target_semaphore(%dma_start3A_95 : memref<!tpu.dma_semaphore, #tpu.memory_space<semaphore_mem>>)
    %dma_wait3A_103 = arith.constant 0 : i32
    %dma_wait3A_104 = arith.constant 0 : i32
    %dma_wait3A_105 = arith.constant 0 : i32
    %dma_wait3A_106 = arith.constant 0 : i32
    %dma_wait3A_107 = tpu.memref_slice %arg6[%dma_wait3A_103, %dma_wait3A_105, %dma_wait3A_106] : memref<3x16x1024xf32, #tpu.memory_space<vmem>> -> memref<1x16x1024xf32, #tpu.memory_space<vmem>>
    %dma_wait3A_108 = tpu.memref_squeeze %dma_wait3A_107 : memref<1x16x1024xf32, #tpu.memory_space<vmem>> -> memref<16x1024xf32, #tpu.memory_space<vmem>>
    %dma_wait3A_109 = arith.constant 0 : i32
    %dma_wait3A_110 = tpu.memref_slice %arg4[%select_n3A, %add3A_84, %dma_wait3A_109] : memref<4x4096x1024xf32, #tpu.memory_space<hbm>> -> memref<1x16x1024xf32, #tpu.memory_space<hbm>>
    %dma_wait3A_111 = tpu.memref_squeeze %dma_wait3A_110 : memref<1x16x1024xf32, #tpu.memory_space<hbm>> -> memref<16x1024xf32, #tpu.memory_space<hbm>>
    %dma_wait3A_112 = tpu.memref_slice %arg8[%dma_wait3A_104] : memref<3x!tpu.dma_semaphore, #tpu.memory_space<semaphore_mem>> -> memref<1x!tpu.dma_semaphore, #tpu.memory_space<semaphore_mem>>
    %dma_wait3A_113 = tpu.memref_squeeze %dma_wait3A_112 : memref<1x!tpu.dma_semaphore, #tpu.memory_space<semaphore_mem>> -> memref<!tpu.dma_semaphore, #tpu.memory_space<semaphore_mem>>
    %dma_wait3A_114 = arith.constant 0 : i32
    %dma_wait3A_115 = tpu.memref_slice %arg4[%select_n3A, %add3A_84, %dma_wait3A_114] : memref<4x4096x1024xf32, #tpu.memory_space<hbm>> -> memref<1x16x1024xf32, #tpu.memory_space<hbm>>
    %dma_wait3A_116 = tpu.memref_squeeze %dma_wait3A_115 : memref<1x16x1024xf32, #tpu.memory_space<hbm>> -> memref<16x1024xf32, #tpu.memory_space<hbm>>
    %dma_wait3A_117 = arith.constant 0 : i32
    %dma_wait3A_118 = arith.constant 0 : i32
    %dma_wait3A_119 = tpu.memref_slice %arg6[%dma_wait3A_103, %dma_wait3A_117, %dma_wait3A_118] : memref<3x16x1024xf32, #tpu.memory_space<vmem>> -> memref<1x16x1024xf32, #tpu.memory_space<vmem>>
    %dma_wait3A_120 = tpu.memref_squeeze %dma_wait3A_119 : memref<1x16x1024xf32, #tpu.memory_space<vmem>> -> memref<16x1024xf32, #tpu.memory_space<vmem>>
    tpu.wait_dma2 semaphore(%dma_wait3A_113 : memref<!tpu.dma_semaphore, #tpu.memory_space<semaphore_mem>>) src(%dma_wait3A_120 : memref<16x1024xf32, #tpu.memory_space<vmem>>) dst(%dma_wait3A_116 : memref<16x1024xf32, #tpu.memory_space<hbm>>)
    %dma_start3A_121 = arith.constant 0 : i32
    %dma_start3A_122 = arith.constant 0 : i32
    %dma_start3A_123 = arith.constant 0 : i32
    %dma_start3A_124 = arith.constant 0 : i32
    %dma_start3A_125 = tpu.memref_slice %arg6[%dma_start3A_121, %dma_start3A_123, %dma_start3A_124] : memref<3x16x1024xf32, #tpu.memory_space<vmem>> -> memref<1x16x1024xf32, #tpu.memory_space<vmem>>
    %dma_start3A_126 = tpu.memref_squeeze %dma_start3A_125 : memref<1x16x1024xf32, #tpu.memory_space<vmem>> -> memref<16x1024xf32, #tpu.memory_space<vmem>>
    %dma_start3A_127 = arith.constant 48 : i32
    %dma_start3A_128 = tpu.memref_slice %arg5[%dma_start3A_127] : memref<512xi32, #tpu.memory_space<vmem>> -> memref<16xi32, #tpu.memory_space<vmem>>
    %dma_start3A_129 = arith.constant 0 : i32
    %dma_start3A_130 = arith.constant 0 : i32
    %dma_start3A_131 = tpu.memref_slice %arg3[%dma_start3A_129, %dma_start3A_130] : memref<100000x1024xf32, #tpu.memory_space<hbm>> -> memref<100000x1024xf32, #tpu.memory_space<hbm>>
    %dma_start3A_132 = tpu.memref_slice %arg7[%dma_start3A_122] : memref<3x!tpu.dma_semaphore, #tpu.memory_space<semaphore_mem>> -> memref<1x!tpu.dma_semaphore, #tpu.memory_space<semaphore_mem>>
    %dma_start3A_133 = tpu.memref_squeeze %dma_start3A_132 : memref<1x!tpu.dma_semaphore, #tpu.memory_space<semaphore_mem>> -> memref<!tpu.dma_semaphore, #tpu.memory_space<semaphore_mem>>
    tpu.enqueue_indirect_dma source(%dma_start3A_131 : memref<100000x1024xf32, #tpu.memory_space<hbm>>) target(%dma_start3A_126 : memref<16x1024xf32, #tpu.memory_space<vmem>>) offsets(%dma_start3A_128 : memref<16xi32, #tpu.memory_space<vmem>>) semaphore(%dma_start3A_133 : memref<!tpu.dma_semaphore, #tpu.memory_space<semaphore_mem>>)
    %dma_wait3A_134 = arith.constant 1 : i32
    %dma_wait3A_135 = arith.constant 1 : i32
    %dma_wait3A_136 = arith.constant 0 : i32
    %dma_wait3A_137 = arith.constant 0 : i32
    %dma_wait3A_138 = tpu.memref_slice %arg6[%dma_wait3A_134, %dma_wait3A_136, %dma_wait3A_137] : memref<3x16x1024xf32, #tpu.memory_space<vmem>> -> memref<1x16x1024xf32, #tpu.memory_space<vmem>>
    %dma_wait3A_139 = tpu.memref_squeeze %dma_wait3A_138 : memref<1x16x1024xf32, #tpu.memory_space<vmem>> -> memref<16x1024xf32, #tpu.memory_space<vmem>>
    %dma_wait3A_140 = arith.constant 16 : i32
    %dma_wait3A_141 = tpu.memref_slice %arg5[%dma_wait3A_140] : memref<512xi32, #tpu.memory_space<vmem>> -> memref<16xi32, #tpu.memory_space<vmem>>
    %dma_wait3A_142 = arith.constant 0 : i32
    %dma_wait3A_143 = arith.constant 0 : i32
    %dma_wait3A_144 = tpu.memref_slice %arg3[%dma_wait3A_142, %dma_wait3A_143] : memref<100000x1024xf32, #tpu.memory_space<hbm>> -> memref<100000x1024xf32, #tpu.memory_space<hbm>>
    %dma_wait3A_145 = tpu.memref_slice %arg7[%dma_wait3A_135] : memref<3x!tpu.dma_semaphore, #tpu.memory_space<semaphore_mem>> -> memref<1x!tpu.dma_semaphore, #tpu.memory_space<semaphore_mem>>
    %dma_wait3A_146 = tpu.memref_squeeze %dma_wait3A_145 : memref<1x!tpu.dma_semaphore, #tpu.memory_space<semaphore_mem>> -> memref<!tpu.dma_semaphore, #tpu.memory_space<semaphore_mem>>
    tpu.wait_indirect_dma semaphore(%dma_wait3A_146 : memref<!tpu.dma_semaphore, #tpu.memory_space<semaphore_mem>>) src(%dma_wait3A_144 : memref<100000x1024xf32, #tpu.memory_space<hbm>>) dst(%dma_wait3A_139 : memref<16x1024xf32, #tpu.memory_space<vmem>>)
    %add3A_147 = arith.constant 16 : i32
    %add3A_148 = arith.addi %mul3A_32, %add3A_147 : i32
    %dma_start3A_149 = arith.constant 1 : i32
    %dma_start3A_150 = arith.constant 1 : i32
    %dma_start3A_151 = arith.constant 0 : i32
    %dma_start3A_152 = arith.constant 0 : i32
    %dma_start3A_153 = tpu.memref_slice %arg6[%dma_start3A_149, %dma_start3A_151, %dma_start3A_152] : memref<3x16x1024xf32, #tpu.memory_space<vmem>> -> memref<1x16x1024xf32, #tpu.memory_space<vmem>>
    %dma_start3A_154 = tpu.memref_squeeze %dma_start3A_153 : memref<1x16x1024xf32, #tpu.memory_space<vmem>> -> memref<16x1024xf32, #tpu.memory_space<vmem>>
    %dma_start3A_155 = arith.constant 0 : i32
    %dma_start3A_156 = tpu.memref_slice %arg4[%select_n3A, %add3A_148, %dma_start3A_155] : memref<4x4096x1024xf32, #tpu.memory_space<hbm>> -> memref<1x16x1024xf32, #tpu.memory_space<hbm>>
    %dma_start3A_157 = tpu.memref_squeeze %dma_start3A_156 : memref<1x16x1024xf32, #tpu.memory_space<hbm>> -> memref<16x1024xf32, #tpu.memory_space<hbm>>
    %dma_start3A_158 = tpu.memref_slice %arg8[%dma_start3A_150] : memref<3x!tpu.dma_semaphore, #tpu.memory_space<semaphore_mem>> -> memref<1x!tpu.dma_semaphore, #tpu.memory_space<semaphore_mem>>
    %dma_start3A_159 = tpu.memref_squeeze %dma_start3A_158 : memref<1x!tpu.dma_semaphore, #tpu.memory_space<semaphore_mem>> -> memref<!tpu.dma_semaphore, #tpu.memory_space<semaphore_mem>>
    %dma_start3A_160 = arith.constant 0 : i32
    %dma_start3A_161 = tpu.memref_slice %arg4[%select_n3A, %add3A_148, %dma_start3A_160] : memref<4x4096x1024xf32, #tpu.memory_space<hbm>> -> memref<1x16x1024xf32, #tpu.memory_space<hbm>>
    %dma_start3A_162 = tpu.memref_squeeze %dma_start3A_161 : memref<1x16x1024xf32, #tpu.memory_space<hbm>> -> memref<16x1024xf32, #tpu.memory_space<hbm>>
    %dma_start3A_163 = arith.constant 0 : i32
    %dma_start3A_164 = arith.constant 0 : i32
    %dma_start3A_165 = tpu.memref_slice %arg6[%dma_start3A_149, %dma_start3A_163, %dma_start3A_164] : memref<3x16x1024xf32, #tpu.memory_space<vmem>> -> memref<1x16x1024xf32, #tpu.memory_space<vmem>>
    %dma_start3A_166 = tpu.memref_squeeze %dma_start3A_165 : memref<1x16x1024xf32, #tpu.memory_space<vmem>> -> memref<16x1024xf32, #tpu.memory_space<vmem>>
    tpu.enqueue_dma source(%dma_start3A_166 : memref<16x1024xf32, #tpu.memory_space<vmem>>) target(%dma_start3A_162 : memref<16x1024xf32, #tpu.memory_space<hbm>>) target_semaphore(%dma_start3A_159 : memref<!tpu.dma_semaphore, #tpu.memory_space<semaphore_mem>>)
    %dma_wait3A_167 = arith.constant 1 : i32
    %dma_wait3A_168 = arith.constant 1 : i32
    %dma_wait3A_169 = arith.constant 0 : i32
    %dma_wait3A_170 = arith.constant 0 : i32
    %dma_wait3A_171 = tpu.memref_slice %arg6[%dma_wait3A_167, %dma_wait3A_169, %dma_wait3A_170] : memref<3x16x1024xf32, #tpu.memory_space<vmem>> -> memref<1x16x1024xf32, #tpu.memory_space<vmem>>
    %dma_wait3A_172 = tpu.memref_squeeze %dma_wait3A_171 : memref<1x16x1024xf32, #tpu.memory_space<vmem>> -> memref<16x1024xf32, #tpu.memory_space<vmem>>
    %dma_wait3A_173 = arith.constant 0 : i32
    %dma_wait3A_174 = tpu.memref_slice %arg4[%select_n3A, %add3A_148, %dma_wait3A_173] : memref<4x4096x1024xf32, #tpu.memory_space<hbm>> -> memref<1x16x1024xf32, #tpu.memory_space<hbm>>
    %dma_wait3A_175 = tpu.memref_squeeze %dma_wait3A_174 : memref<1x16x1024xf32, #tpu.memory_space<hbm>> -> memref<16x1024xf32, #tpu.memory_space<hbm>>
    %dma_wait3A_176 = tpu.memref_slice %arg8[%dma_wait3A_168] : memref<3x!tpu.dma_semaphore, #tpu.memory_space<semaphore_mem>> -> memref<1x!tpu.dma_semaphore, #tpu.memory_space<semaphore_mem>>
    %dma_wait3A_177 = tpu.memref_squeeze %dma_wait3A_176 : memref<1x!tpu.dma_semaphore, #tpu.memory_space<semaphore_mem>> -> memref<!tpu.dma_semaphore, #tpu.memory_space<semaphore_mem>>
    %dma_wait3A_178 = arith.constant 0 : i32
    %dma_wait3A_179 = tpu.memref_slice %arg4[%select_n3A, %add3A_148, %dma_wait3A_178] : memref<4x4096x1024xf32, #tpu.memory_space<hbm>> -> memref<1x16x1024xf32, #tpu.memory_space<hbm>>
    %dma_wait3A_180 = tpu.memref_squeeze %dma_wait3A_179 : memref<1x16x1024xf32, #tpu.memory_space<hbm>> -> memref<16x1024xf32, #tpu.memory_space<hbm>>
    %dma_wait3A_181 = arith.constant 0 : i32
    %dma_wait3A_182 = arith.constant 0 : i32
    %dma_wait3A_183 = tpu.memref_slice %arg6[%dma_wait3A_167, %dma_wait3A_181, %dma_wait3A_182] : memref<3x16x1024xf32, #tpu.memory_space<vmem>> -> memref<1x16x1024xf32, #tpu.memory_space<vmem>>
    %dma_wait3A_184 = tpu.memref_squeeze %dma_wait3A_183 : memref<1x16x1024xf32, #tpu.memory_space<vmem>> -> memref<16x1024xf32, #tpu.memory_space<vmem>>
    tpu.wait_dma2 semaphore(%dma_wait3A_177 : memref<!tpu.dma_semaphore, #tpu.memory_space<semaphore_mem>>) src(%dma_wait3A_184 : memref<16x1024xf32, #tpu.memory_space<vmem>>) dst(%dma_wait3A_180 : memref<16x1024xf32, #tpu.memory_space<hbm>>)
    %dma_start3A_185 = arith.constant 1 : i32
    %dma_start3A_186 = arith.constant 1 : i32
    %dma_start3A_187 = arith.constant 0 : i32
    %dma_start3A_188 = arith.constant 0 : i32
    %dma_start3A_189 = tpu.memref_slice %arg6[%dma_start3A_185, %dma_start3A_187, %dma_start3A_188] : memref<3x16x1024xf32, #tpu.memory_space<vmem>> -> memref<1x16x1024xf32, #tpu.memory_space<vmem>>
    %dma_start3A_190 = tpu.memref_squeeze %dma_start3A_189 : memref<1x16x1024xf32, #tpu.memory_space<vmem>> -> memref<16x1024xf32, #tpu.memory_space<vmem>>
    %dma_start3A_191 = arith.constant 64 : i32
    %dma_start3A_192 = tpu.memref_slice %arg5[%dma_start3A_191] : memref<512xi32, #tpu.memory_space<vmem>> -> memref<16xi32, #tpu.memory_space<vmem>>
    %dma_start3A_193 = arith.constant 0 : i32
    %dma_start3A_194 = arith.constant 0 : i32
    %dma_start3A_195 = tpu.memref_slice %arg3[%dma_start3A_193, %dma_start3A_194] : memref<100000x1024xf32, #tpu.memory_space<hbm>> -> memref<100000x1024xf32, #tpu.memory_space<hbm>>
    %dma_start3A_196 = tpu.memref_slice %arg7[%dma_start3A_186] : memref<3x!tpu.dma_semaphore, #tpu.memory_space<semaphore_mem>> -> memref<1x!tpu.dma_semaphore, #tpu.memory_space<semaphore_mem>>
    %dma_start3A_197 = tpu.memref_squeeze %dma_start3A_196 : memref<1x!tpu.dma_semaphore, #tpu.memory_space<semaphore_mem>> -> memref<!tpu.dma_semaphore, #tpu.memory_space<semaphore_mem>>
    tpu.enqueue_indirect_dma source(%dma_start3A_195 : memref<100000x1024xf32, #tpu.memory_space<hbm>>) target(%dma_start3A_190 : memref<16x1024xf32, #tpu.memory_space<vmem>>) offsets(%dma_start3A_192 : memref<16xi32, #tpu.memory_space<vmem>>) semaphore(%dma_start3A_197 : memref<!tpu.dma_semaphore, #tpu.memory_space<semaphore_mem>>)
    %dma_wait3A_198 = arith.constant 2 : i32
    %dma_wait3A_199 = arith.constant 2 : i32
    %dma_wait3A_200 = arith.constant 0 : i32
    %dma_wait3A_201 = arith.constant 0 : i32
    %dma_wait3A_202 = tpu.memref_slice %arg6[%dma_wait3A_198, %dma_wait3A_200, %dma_wait3A_201] : memref<3x16x1024xf32, #tpu.memory_space<vmem>> -> memref<1x16x1024xf32, #tpu.memory_space<vmem>>
    %dma_wait3A_203 = tpu.memref_squeeze %dma_wait3A_202 : memref<1x16x1024xf32, #tpu.memory_space<vmem>> -> memref<16x1024xf32, #tpu.memory_space<vmem>>
    %dma_wait3A_204 = arith.constant 32 : i32
    %dma_wait3A_205 = tpu.memref_slice %arg5[%dma_wait3A_204] : memref<512xi32, #tpu.memory_space<vmem>> -> memref<16xi32, #tpu.memory_space<vmem>>
    %dma_wait3A_206 = arith.constant 0 : i32
    %dma_wait3A_207 = arith.constant 0 : i32
    %dma_wait3A_208 = tpu.memref_slice %arg3[%dma_wait3A_206, %dma_wait3A_207] : memref<100000x1024xf32, #tpu.memory_space<hbm>> -> memref<100000x1024xf32, #tpu.memory_space<hbm>>
    %dma_wait3A_209 = tpu.memref_slice %arg7[%dma_wait3A_199] : memref<3x!tpu.dma_semaphore, #tpu.memory_space<semaphore_mem>> -> memref<1x!tpu.dma_semaphore, #tpu.memory_space<semaphore_mem>>
    %dma_wait3A_210 = tpu.memref_squeeze %dma_wait3A_209 : memref<1x!tpu.dma_semaphore, #tpu.memory_space<semaphore_mem>> -> memref<!tpu.dma_semaphore, #tpu.memory_space<semaphore_mem>>
    tpu.wait_indirect_dma semaphore(%dma_wait3A_210 : memref<!tpu.dma_semaphore, #tpu.memory_space<semaphore_mem>>) src(%dma_wait3A_208 : memref<100000x1024xf32, #tpu.memory_space<hbm>>) dst(%dma_wait3A_203 : memref<16x1024xf32, #tpu.memory_space<vmem>>)
    %add3A_211 = arith.constant 32 : i32
    %add3A_212 = arith.addi %mul3A_32, %add3A_211 : i32
    %dma_start3A_213 = arith.constant 2 : i32
    %dma_start3A_214 = arith.constant 2 : i32
    %dma_start3A_215 = arith.constant 0 : i32
    %dma_start3A_216 = arith.constant 0 : i32
    %dma_start3A_217 = tpu.memref_slice %arg6[%dma_start3A_213, %dma_start3A_215, %dma_start3A_216] : memref<3x16x1024xf32, #tpu.memory_space<vmem>> -> memref<1x16x1024xf32, #tpu.memory_space<vmem>>
    %dma_start3A_218 = tpu.memref_squeeze %dma_start3A_217 : memref<1x16x1024xf32, #tpu.memory_space<vmem>> -> memref<16x1024xf32, #tpu.memory_space<vmem>>
    %dma_start3A_219 = arith.constant 0 : i32
    %dma_start3A_220 = tpu.memref_slice %arg4[%select_n3A, %add3A_212, %dma_start3A_219] : memref<4x4096x1024xf32, #tpu.memory_space<hbm>> -> memref<1x16x1024xf32, #tpu.memory_space<hbm>>
    %dma_start3A_221 = tpu.memref_squeeze %dma_start3A_220 : memref<1x16x1024xf32, #tpu.memory_space<hbm>> -> memref<16x1024xf32, #tpu.memory_space<hbm>>
    %dma_start3A_222 = tpu.memref_slice %arg8[%dma_start3A_214] : memref<3x!tpu.dma_semaphore, #tpu.memory_space<semaphore_mem>> -> memref<1x!tpu.dma_semaphore, #tpu.memory_space<semaphore_mem>>
    %dma_start3A_223 = tpu.memref_squeeze %dma_start3A_222 : memref<1x!tpu.dma_semaphore, #tpu.memory_space<semaphore_mem>> -> memref<!tpu.dma_semaphore, #tpu.memory_space<semaphore_mem>>
    %dma_start3A_224 = arith.constant 0 : i32
    %dma_start3A_225 = tpu.memref_slice %arg4[%select_n3A, %add3A_212, %dma_start3A_224] : memref<4x4096x1024xf32, #tpu.memory_space<hbm>> -> memref<1x16x1024xf32, #tpu.memory_space<hbm>>
    %dma_start3A_226 = tpu.memref_squeeze %dma_start3A_225 : memref<1x16x1024xf32, #tpu.memory_space<hbm>> -> memref<16x1024xf32, #tpu.memory_space<hbm>>
    %dma_start3A_227 = arith.constant 0 : i32
    %dma_start3A_228 = arith.constant 0 : i32
    %dma_start3A_229 = tpu.memref_slice %arg6[%dma_start3A_213, %dma_start3A_227, %dma_start3A_228] : memref<3x16x1024xf32, #tpu.memory_space<vmem>> -> memref<1x16x1024xf32, #tpu.memory_space<vmem>>
    %dma_start3A_230 = tpu.memref_squeeze %dma_start3A_229 : memref<1x16x1024xf32, #tpu.memory_space<vmem>> -> memref<16x1024xf32, #tpu.memory_space<vmem>>
    tpu.enqueue_dma source(%dma_start3A_230 : memref<16x1024xf32, #tpu.memory_space<vmem>>) target(%dma_start3A_226 : memref<16x1024xf32, #tpu.memory_space<hbm>>) target_semaphore(%dma_start3A_223 : memref<!tpu.dma_semaphore, #tpu.memory_space<semaphore_mem>>)
    %dma_wait3A_231 = arith.constant 2 : i32
    %dma_wait3A_232 = arith.constant 2 : i32
    %dma_wait3A_233 = arith.constant 0 : i32
    %dma_wait3A_234 = arith.constant 0 : i32
    %dma_wait3A_235 = tpu.memref_slice %arg6[%dma_wait3A_231, %dma_wait3A_233, %dma_wait3A_234] : memref<3x16x1024xf32, #tpu.memory_space<vmem>> -> memref<1x16x1024xf32, #tpu.memory_space<vmem>>
    %dma_wait3A_236 = tpu.memref_squeeze %dma_wait3A_235 : memref<1x16x1024xf32, #tpu.memory_space<vmem>> -> memref<16x1024xf32, #tpu.memory_space<vmem>>
    %dma_wait3A_237 = arith.constant 0 : i32
    %dma_wait3A_238 = tpu.memref_slice %arg4[%select_n3A, %add3A_212, %dma_wait3A_237] : memref<4x4096x1024xf32, #tpu.memory_space<hbm>> -> memref<1x16x1024xf32, #tpu.memory_space<hbm>>
    %dma_wait3A_239 = tpu.memref_squeeze %dma_wait3A_238 : memref<1x16x1024xf32, #tpu.memory_space<hbm>> -> memref<16x1024xf32, #tpu.memory_space<hbm>>
    %dma_wait3A_240 = tpu.memref_slice %arg8[%dma_wait3A_232] : memref<3x!tpu.dma_semaphore, #tpu.memory_space<semaphore_mem>> -> memref<1x!tpu.dma_semaphore, #tpu.memory_space<semaphore_mem>>
    %dma_wait3A_241 = tpu.memref_squeeze %dma_wait3A_240 : memref<1x!tpu.dma_semaphore, #tpu.memory_space<semaphore_mem>> -> memref<!tpu.dma_semaphore, #tpu.memory_space<semaphore_mem>>
    %dma_wait3A_242 = arith.constant 0 : i32
    %dma_wait3A_243 = tpu.memref_slice %arg4[%select_n3A, %add3A_212, %dma_wait3A_242] : memref<4x4096x1024xf32, #tpu.memory_space<hbm>> -> memref<1x16x1024xf32, #tpu.memory_space<hbm>>
    %dma_wait3A_244 = tpu.memref_squeeze %dma_wait3A_243 : memref<1x16x1024xf32, #tpu.memory_space<hbm>> -> memref<16x1024xf32, #tpu.memory_space<hbm>>
    %dma_wait3A_245 = arith.constant 0 : i32
    %dma_wait3A_246 = arith.constant 0 : i32
    %dma_wait3A_247 = tpu.memref_slice %arg6[%dma_wait3A_231, %dma_wait3A_245, %dma_wait3A_246] : memref<3x16x1024xf32, #tpu.memory_space<vmem>> -> memref<1x16x1024xf32, #tpu.memory_space<vmem>>
    %dma_wait3A_248 = tpu.memref_squeeze %dma_wait3A_247 : memref<1x16x1024xf32, #tpu.memory_space<vmem>> -> memref<16x1024xf32, #tpu.memory_space<vmem>>
    tpu.wait_dma2 semaphore(%dma_wait3A_241 : memref<!tpu.dma_semaphore, #tpu.memory_space<semaphore_mem>>) src(%dma_wait3A_248 : memref<16x1024xf32, #tpu.memory_space<vmem>>) dst(%dma_wait3A_244 : memref<16x1024xf32, #tpu.memory_space<hbm>>)
    %dma_start3A_249 = arith.constant 2 : i32
    %dma_start3A_250 = arith.constant 2 : i32
    %dma_start3A_251 = arith.constant 0 : i32
    %dma_start3A_252 = arith.constant 0 : i32
    %dma_start3A_253 = tpu.memref_slice %arg6[%dma_start3A_249, %dma_start3A_251, %dma_start3A_252] : memref<3x16x1024xf32, #tpu.memory_space<vmem>> -> memref<1x16x1024xf32, #tpu.memory_space<vmem>>
    %dma_start3A_254 = tpu.memref_squeeze %dma_start3A_253 : memref<1x16x1024xf32, #tpu.memory_space<vmem>> -> memref<16x1024xf32, #tpu.memory_space<vmem>>
    %dma_start3A_255 = arith.constant 80 : i32
    %dma_start3A_256 = tpu.memref_slice %arg5[%dma_start3A_255] : memref<512xi32, #tpu.memory_space<vmem>> -> memref<16xi32, #tpu.memory_space<vmem>>
    %dma_start3A_257 = arith.constant 0 : i32
    %dma_start3A_258 = arith.constant 0 : i32
    %dma_start3A_259 = tpu.memref_slice %arg3[%dma_start3A_257, %dma_start3A_258] : memref<100000x1024xf32, #tpu.memory_space<hbm>> -> memref<100000x1024xf32, #tpu.memory_space<hbm>>
    %dma_start3A_260 = tpu.memref_slice %arg7[%dma_start3A_250] : memref<3x!tpu.dma_semaphore, #tpu.memory_space<semaphore_mem>> -> memref<1x!tpu.dma_semaphore, #tpu.memory_space<semaphore_mem>>
    %dma_start3A_261 = tpu.memref_squeeze %dma_start3A_260 : memref<1x!tpu.dma_semaphore, #tpu.memory_space<semaphore_mem>> -> memref<!tpu.dma_semaphore, #tpu.memory_space<semaphore_mem>>
    tpu.enqueue_indirect_dma source(%dma_start3A_259 : memref<100000x1024xf32, #tpu.memory_space<hbm>>) target(%dma_start3A_254 : memref<16x1024xf32, #tpu.memory_space<vmem>>) offsets(%dma_start3A_256 : memref<16xi32, #tpu.memory_space<vmem>>) semaphore(%dma_start3A_261 : memref<!tpu.dma_semaphore, #tpu.memory_space<semaphore_mem>>)
    %dma_wait3A_262 = arith.constant 0 : i32
    %dma_wait3A_263 = arith.constant 0 : i32
    %dma_wait3A_264 = arith.constant 0 : i32
    %dma_wait3A_265 = arith.constant 0 : i32
    %dma_wait3A_266 = tpu.memref_slice %arg6[%dma_wait3A_262, %dma_wait3A_264, %dma_wait3A_265] : memref<3x16x1024xf32, #tpu.memory_space<vmem>> -> memref<1x16x1024xf32, #tpu.memory_space<vmem>>
    %dma_wait3A_267 = tpu.memref_squeeze %dma_wait3A_266 : memref<1x16x1024xf32, #tpu.memory_space<vmem>> -> memref<16x1024xf32, #tpu.memory_space<vmem>>
    %dma_wait3A_268 = arith.constant 48 : i32
    %dma_wait3A_269 = tpu.memref_slice %arg5[%dma_wait3A_268] : memref<512xi32, #tpu.memory_space<vmem>> -> memref<16xi32, #tpu.memory_space<vmem>>
    %dma_wait3A_270 = arith.constant 0 : i32
    %dma_wait3A_271 = arith.constant 0 : i32
    %dma_wait3A_272 = tpu.memref_slice %arg3[%dma_wait3A_270, %dma_wait3A_271] : memref<100000x1024xf32, #tpu.memory_space<hbm>> -> memref<100000x1024xf32, #tpu.memory_space<hbm>>
    %dma_wait3A_273 = tpu.memref_slice %arg7[%dma_wait3A_263] : memref<3x!tpu.dma_semaphore, #tpu.memory_space<semaphore_mem>> -> memref<1x!tpu.dma_semaphore, #tpu.memory_space<semaphore_mem>>
    %dma_wait3A_274 = tpu.memref_squeeze %dma_wait3A_273 : memref<1x!tpu.dma_semaphore, #tpu.memory_space<semaphore_mem>> -> memref<!tpu.dma_semaphore, #tpu.memory_space<semaphore_mem>>
    tpu.wait_indirect_dma semaphore(%dma_wait3A_274 : memref<!tpu.dma_semaphore, #tpu.memory_space<semaphore_mem>>) src(%dma_wait3A_272 : memref<100000x1024xf32, #tpu.memory_space<hbm>>) dst(%dma_wait3A_267 : memref<16x1024xf32, #tpu.memory_space<vmem>>)
    %add3A_275 = arith.constant 48 : i32
    %add3A_276 = arith.addi %mul3A_32, %add3A_275 : i32
    %dma_start3A_277 = arith.constant 0 : i32
    %dma_start3A_278 = arith.constant 0 : i32
    %dma_start3A_279 = arith.constant 0 : i32
    %dma_start3A_280 = arith.constant 0 : i32
    %dma_start3A_281 = tpu.memref_slice %arg6[%dma_start3A_277, %dma_start3A_279, %dma_start3A_280] : memref<3x16x1024xf32, #tpu.memory_space<vmem>> -> memref<1x16x1024xf32, #tpu.memory_space<vmem>>
    %dma_start3A_282 = tpu.memref_squeeze %dma_start3A_281 : memref<1x16x1024xf32, #tpu.memory_space<vmem>> -> memref<16x1024xf32, #tpu.memory_space<vmem>>
    %dma_start3A_283 = arith.constant 0 : i32
    %dma_start3A_284 = tpu.memref_slice %arg4[%select_n3A, %add3A_276, %dma_start3A_283] : memref<4x4096x1024xf32, #tpu.memory_space<hbm>> -> memref<1x16x1024xf32, #tpu.memory_space<hbm>>
    %dma_start3A_285 = tpu.memref_squeeze %dma_start3A_284 : memref<1x16x1024xf32, #tpu.memory_space<hbm>> -> memref<16x1024xf32, #tpu.memory_space<hbm>>
    %dma_start3A_286 = tpu.memref_slice %arg8[%dma_start3A_278] : memref<3x!tpu.dma_semaphore, #tpu.memory_space<semaphore_mem>> -> memref<1x!tpu.dma_semaphore, #tpu.memory_space<semaphore_mem>>
    %dma_start3A_287 = tpu.memref_squeeze %dma_start3A_286 : memref<1x!tpu.dma_semaphore, #tpu.memory_space<semaphore_mem>> -> memref<!tpu.dma_semaphore, #tpu.memory_space<semaphore_mem>>
    %dma_start3A_288 = arith.constant 0 : i32
    %dma_start3A_289 = tpu.memref_slice %arg4[%select_n3A, %add3A_276, %dma_start3A_288] : memref<4x4096x1024xf32, #tpu.memory_space<hbm>> -> memref<1x16x1024xf32, #tpu.memory_space<hbm>>
    %dma_start3A_290 = tpu.memref_squeeze %dma_start3A_289 : memref<1x16x1024xf32, #tpu.memory_space<hbm>> -> memref<16x1024xf32, #tpu.memory_space<hbm>>
    %dma_start3A_291 = arith.constant 0 : i32
    %dma_start3A_292 = arith.constant 0 : i32
    %dma_start3A_293 = tpu.memref_slice %arg6[%dma_start3A_277, %dma_start3A_291, %dma_start3A_292] : memref<3x16x1024xf32, #tpu.memory_space<vmem>> -> memref<1x16x1024xf32, #tpu.memory_space<vmem>>
    %dma_start3A_294 = tpu.memref_squeeze %dma_start3A_293 : memref<1x16x1024xf32, #tpu.memory_space<vmem>> -> memref<16x1024xf32, #tpu.memory_space<vmem>>
    tpu.enqueue_dma source(%dma_start3A_294 : memref<16x1024xf32, #tpu.memory_space<vmem>>) target(%dma_start3A_290 : memref<16x1024xf32, #tpu.memory_space<hbm>>) target_semaphore(%dma_start3A_287 : memref<!tpu.dma_semaphore, #tpu.memory_space<semaphore_mem>>)
    %dma_wait3A_295 = arith.constant 0 : i32
    %dma_wait3A_296 = arith.constant 0 : i32
    %dma_wait3A_297 = arith.constant 0 : i32
    %dma_wait3A_298 = arith.constant 0 : i32
    %dma_wait3A_299 = tpu.memref_slice %arg6[%dma_wait3A_295, %dma_wait3A_297, %dma_wait3A_298] : memref<3x16x1024xf32, #tpu.memory_space<vmem>> -> memref<1x16x1024xf32, #tpu.memory_space<vmem>>
    %dma_wait3A_300 = tpu.memref_squeeze %dma_wait3A_299 : memref<1x16x1024xf32, #tpu.memory_space<vmem>> -> memref<16x1024xf32, #tpu.memory_space<vmem>>
    %dma_wait3A_301 = arith.constant 0 : i32
    %dma_wait3A_302 = tpu.memref_slice %arg4[%select_n3A, %add3A_276, %dma_wait3A_301] : memref<4x4096x1024xf32, #tpu.memory_space<hbm>> -> memref<1x16x1024xf32, #tpu.memory_space<hbm>>
    %dma_wait3A_303 = tpu.memref_squeeze %dma_wait3A_302 : memref<1x16x1024xf32, #tpu.memory_space<hbm>> -> memref<16x1024xf32, #tpu.memory_space<hbm>>
    %dma_wait3A_304 = tpu.memref_slice %arg8[%dma_wait3A_296] : memref<3x!tpu.dma_semaphore, #tpu.memory_space<semaphore_mem>> -> memref<1x!tpu.dma_semaphore, #tpu.memory_space<semaphore_mem>>
    %dma_wait3A_305 = tpu.memref_squeeze %dma_wait3A_304 : memref<1x!tpu.dma_semaphore, #tpu.memory_space<semaphore_mem>> -> memref<!tpu.dma_semaphore, #tpu.memory_space<semaphore_mem>>
    %dma_wait3A_306 = arith.constant 0 : i32
    %dma_wait3A_307 = tpu.memref_slice %arg4[%select_n3A, %add3A_276, %dma_wait3A_306] : memref<4x4096x1024xf32, #tpu.memory_space<hbm>> -> memref<1x16x1024xf32, #tpu.memory_space<hbm>>
    %dma_wait3A_308 = tpu.memref_squeeze %dma_wait3A_307 : memref<1x16x1024xf32, #tpu.memory_space<hbm>> -> memref<16x1024xf32, #tpu.memory_space<hbm>>
    %dma_wait3A_309 = arith.constant 0 : i32
    %dma_wait3A_310 = arith.constant 0 : i32
    %dma_wait3A_311 = tpu.memref_slice %arg6[%dma_wait3A_295, %dma_wait3A_309, %dma_wait3A_310] : memref<3x16x1024xf32, #tpu.memory_space<vmem>> -> memref<1x16x1024xf32, #tpu.memory_space<vmem>>
    %dma_wait3A_312 = tpu.memref_squeeze %dma_wait3A_311 : memref<1x16x1024xf32, #tpu.memory_space<vmem>> -> memref<16x1024xf32, #tpu.memory_space<vmem>>
    tpu.wait_dma2 semaphore(%dma_wait3A_305 : memref<!tpu.dma_semaphore, #tpu.memory_space<semaphore_mem>>) src(%dma_wait3A_312 : memref<16x1024xf32, #tpu.memory_space<vmem>>) dst(%dma_wait3A_308 : memref<16x1024xf32, #tpu.memory_space<hbm>>)
    %dma_start3A_313 = arith.constant 0 : i32
    %dma_start3A_314 = arith.constant 0 : i32
    %dma_start3A_315 = arith.constant 0 : i32
    %dma_start3A_316 = arith.constant 0 : i32
    %dma_start3A_317 = tpu.memref_slice %arg6[%dma_start3A_313, %dma_start3A_315, %dma_start3A_316] : memref<3x16x1024xf32, #tpu.memory_space<vmem>> -> memref<1x16x1024xf32, #tpu.memory_space<vmem>>
    %dma_start3A_318 = tpu.memref_squeeze %dma_start3A_317 : memref<1x16x1024xf32, #tpu.memory_space<vmem>> -> memref<16x1024xf32, #tpu.memory_space<vmem>>
    %dma_start3A_319 = arith.constant 96 : i32
    %dma_start3A_320 = tpu.memref_slice %arg5[%dma_start3A_319] : memref<512xi32, #tpu.memory_space<vmem>> -> memref<16xi32, #tpu.memory_space<vmem>>
    %dma_start3A_321 = arith.constant 0 : i32
    %dma_start3A_322 = arith.constant 0 : i32
    %dma_start3A_323 = tpu.memref_slice %arg3[%dma_start3A_321, %dma_start3A_322] : memref<100000x1024xf32, #tpu.memory_space<hbm>> -> memref<100000x1024xf32, #tpu.memory_space<hbm>>
    %dma_start3A_324 = tpu.memref_slice %arg7[%dma_start3A_314] : memref<3x!tpu.dma_semaphore, #tpu.memory_space<semaphore_mem>> -> memref<1x!tpu.dma_semaphore, #tpu.memory_space<semaphore_mem>>
    %dma_start3A_325 = tpu.memref_squeeze %dma_start3A_324 : memref<1x!tpu.dma_semaphore, #tpu.memory_space<semaphore_mem>> -> memref<!tpu.dma_semaphore, #tpu.memory_space<semaphore_mem>>
    tpu.enqueue_indirect_dma source(%dma_start3A_323 : memref<100000x1024xf32, #tpu.memory_space<hbm>>) target(%dma_start3A_318 : memref<16x1024xf32, #tpu.memory_space<vmem>>) offsets(%dma_start3A_320 : memref<16xi32, #tpu.memory_space<vmem>>) semaphore(%dma_start3A_325 : memref<!tpu.dma_semaphore, #tpu.memory_space<semaphore_mem>>)
    %dma_wait3A_326 = arith.constant 1 : i32
    %dma_wait3A_327 = arith.constant 1 : i32
    %dma_wait3A_328 = arith.constant 0 : i32
    %dma_wait3A_329 = arith.constant 0 : i32
    %dma_wait3A_330 = tpu.memref_slice %arg6[%dma_wait3A_326, %dma_wait3A_328, %dma_wait3A_329] : memref<3x16x1024xf32, #tpu.memory_space<vmem>> -> memref<1x16x1024xf32, #tpu.memory_space<vmem>>
    %dma_wait3A_331 = tpu.memref_squeeze %dma_wait3A_330 : memref<1x16x1024xf32, #tpu.memory_space<vmem>> -> memref<16x1024xf32, #tpu.memory_space<vmem>>
    %dma_wait3A_332 = arith.constant 64 : i32
    %dma_wait3A_333 = tpu.memref_slice %arg5[%dma_wait3A_332] : memref<512xi32, #tpu.memory_space<vmem>> -> memref<16xi32, #tpu.memory_space<vmem>>
    %dma_wait3A_334 = arith.constant 0 : i32
    %dma_wait3A_335 = arith.constant 0 : i32
    %dma_wait3A_336 = tpu.memref_slice %arg3[%dma_wait3A_334, %dma_wait3A_335] : memref<100000x1024xf32, #tpu.memory_space<hbm>> -> memref<100000x1024xf32, #tpu.memory_space<hbm>>
    %dma_wait3A_337 = tpu.memref_slice %arg7[%dma_wait3A_327] : memref<3x!tpu.dma_semaphore, #tpu.memory_space<semaphore_mem>> -> memref<1x!tpu.dma_semaphore, #tpu.memory_space<semaphore_mem>>
    %dma_wait3A_338 = tpu.memref_squeeze %dma_wait3A_337 : memref<1x!tpu.dma_semaphore, #tpu.memory_space<semaphore_mem>> -> memref<!tpu.dma_semaphore, #tpu.memory_space<semaphore_mem>>
    tpu.wait_indirect_dma semaphore(%dma_wait3A_338 : memref<!tpu.dma_semaphore, #tpu.memory_space<semaphore_mem>>) src(%dma_wait3A_336 : memref<100000x1024xf32, #tpu.memory_space<hbm>>) dst(%dma_wait3A_331 : memref<16x1024xf32, #tpu.memory_space<vmem>>)
    %add3A_339 = arith.constant 64 : i32
    %add3A_340 = arith.addi %mul3A_32, %add3A_339 : i32
    %dma_start3A_341 = arith.constant 1 : i32
    %dma_start3A_342 = arith.constant 1 : i32
    %dma_start3A_343 = arith.constant 0 : i32
    %dma_start3A_344 = arith.constant 0 : i32
    %dma_start3A_345 = tpu.memref_slice %arg6[%dma_start3A_341, %dma_start3A_343, %dma_start3A_344] : memref<3x16x1024xf32, #tpu.memory_space<vmem>> -> memref<1x16x1024xf32, #tpu.memory_space<vmem>>
    %dma_start3A_346 = tpu.memref_squeeze %dma_start3A_345 : memref<1x16x1024xf32, #tpu.memory_space<vmem>> -> memref<16x1024xf32, #tpu.memory_space<vmem>>
    %dma_start3A_347 = arith.constant 0 : i32
    %dma_start3A_348 = tpu.memref_slice %arg4[%select_n3A, %add3A_340, %dma_start3A_347] : memref<4x4096x1024xf32, #tpu.memory_space<hbm>> -> memref<1x16x1024xf32, #tpu.memory_space<hbm>>
    %dma_start3A_349 = tpu.memref_squeeze %dma_start3A_348 : memref<1x16x1024xf32, #tpu.memory_space<hbm>> -> memref<16x1024xf32, #tpu.memory_space<hbm>>
    %dma_start3A_350 = tpu.memref_slice %arg8[%dma_start3A_342] : memref<3x!tpu.dma_semaphore, #tpu.memory_space<semaphore_mem>> -> memref<1x!tpu.dma_semaphore, #tpu.memory_space<semaphore_mem>>
    %dma_start3A_351 = tpu.memref_squeeze %dma_start3A_350 : memref<1x!tpu.dma_semaphore, #tpu.memory_space<semaphore_mem>> -> memref<!tpu.dma_semaphore, #tpu.memory_space<semaphore_mem>>
    %dma_start3A_352 = arith.constant 0 : i32
    %dma_start3A_353 = tpu.memref_slice %arg4[%select_n3A, %add3A_340, %dma_start3A_352] : memref<4x4096x1024xf32, #tpu.memory_space<hbm>> -> memref<1x16x1024xf32, #tpu.memory_space<hbm>>
    %dma_start3A_354 = tpu.memref_squeeze %dma_start3A_353 : memref<1x16x1024xf32, #tpu.memory_space<hbm>> -> memref<16x1024xf32, #tpu.memory_space<hbm>>
    %dma_start3A_355 = arith.constant 0 : i32
    %dma_start3A_356 = arith.constant 0 : i32
    %dma_start3A_357 = tpu.memref_slice %arg6[%dma_start3A_341, %dma_start3A_355, %dma_start3A_356] : memref<3x16x1024xf32, #tpu.memory_space<vmem>> -> memref<1x16x1024xf32, #tpu.memory_space<vmem>>
    %dma_start3A_358 = tpu.memref_squeeze %dma_start3A_357 : memref<1x16x1024xf32, #tpu.memory_space<vmem>> -> memref<16x1024xf32, #tpu.memory_space<vmem>>
    tpu.enqueue_dma source(%dma_start3A_358 : memref<16x1024xf32, #tpu.memory_space<vmem>>) target(%dma_start3A_354 : memref<16x1024xf32, #tpu.memory_space<hbm>>) target_semaphore(%dma_start3A_351 : memref<!tpu.dma_semaphore, #tpu.memory_space<semaphore_mem>>)
    %dma_wait3A_359 = arith.constant 1 : i32
    %dma_wait3A_360 = arith.constant 1 : i32
    %dma_wait3A_361 = arith.constant 0 : i32
    %dma_wait3A_362 = arith.constant 0 : i32
    %dma_wait3A_363 = tpu.memref_slice %arg6[%dma_wait3A_359, %dma_wait3A_361, %dma_wait3A_362] : memref<3x16x1024xf32, #tpu.memory_space<vmem>> -> memref<1x16x1024xf32, #tpu.memory_space<vmem>>
    %dma_wait3A_364 = tpu.memref_squeeze %dma_wait3A_363 : memref<1x16x1024xf32, #tpu.memory_space<vmem>> -> memref<16x1024xf32, #tpu.memory_space<vmem>>
    %dma_wait3A_365 = arith.constant 0 : i32
    %dma_wait3A_366 = tpu.memref_slice %arg4[%select_n3A, %add3A_340, %dma_wait3A_365] : memref<4x4096x1024xf32, #tpu.memory_space<hbm>> -> memref<1x16x1024xf32, #tpu.memory_space<hbm>>
    %dma_wait3A_367 = tpu.memref_squeeze %dma_wait3A_366 : memref<1x16x1024xf32, #tpu.memory_space<hbm>> -> memref<16x1024xf32, #tpu.memory_space<hbm>>
    %dma_wait3A_368 = tpu.memref_slice %arg8[%dma_wait3A_360] : memref<3x!tpu.dma_semaphore, #tpu.memory_space<semaphore_mem>> -> memref<1x!tpu.dma_semaphore, #tpu.memory_space<semaphore_mem>>
    %dma_wait3A_369 = tpu.memref_squeeze %dma_wait3A_368 : memref<1x!tpu.dma_semaphore, #tpu.memory_space<semaphore_mem>> -> memref<!tpu.dma_semaphore, #tpu.memory_space<semaphore_mem>>
    %dma_wait3A_370 = arith.constant 0 : i32
    %dma_wait3A_371 = tpu.memref_slice %arg4[%select_n3A, %add3A_340, %dma_wait3A_370] : memref<4x4096x1024xf32, #tpu.memory_space<hbm>> -> memref<1x16x1024xf32, #tpu.memory_space<hbm>>
    %dma_wait3A_372 = tpu.memref_squeeze %dma_wait3A_371 : memref<1x16x1024xf32, #tpu.memory_space<hbm>> -> memref<16x1024xf32, #tpu.memory_space<hbm>>
    %dma_wait3A_373 = arith.constant 0 : i32
    %dma_wait3A_374 = arith.constant 0 : i32
    %dma_wait3A_375 = tpu.memref_slice %arg6[%dma_wait3A_359, %dma_wait3A_373, %dma_wait3A_374] : memref<3x16x1024xf32, #tpu.memory_space<vmem>> -> memref<1x16x1024xf32, #tpu.memory_space<vmem>>
    %dma_wait3A_376 = tpu.memref_squeeze %dma_wait3A_375 : memref<1x16x1024xf32, #tpu.memory_space<vmem>> -> memref<16x1024xf32, #tpu.memory_space<vmem>>
    tpu.wait_dma2 semaphore(%dma_wait3A_369 : memref<!tpu.dma_semaphore, #tpu.memory_space<semaphore_mem>>) src(%dma_wait3A_376 : memref<16x1024xf32, #tpu.memory_space<vmem>>) dst(%dma_wait3A_372 : memref<16x1024xf32, #tpu.memory_space<hbm>>)
    %dma_start3A_377 = arith.constant 1 : i32
    %dma_start3A_378 = arith.constant 1 : i32
    %dma_start3A_379 = arith.constant 0 : i32
    %dma_start3A_380 = arith.constant 0 : i32
    %dma_start3A_381 = tpu.memref_slice %arg6[%dma_start3A_377, %dma_start3A_379, %dma_start3A_380] : memref<3x16x1024xf32, #tpu.memory_space<vmem>> -> memref<1x16x1024xf32, #tpu.memory_space<vmem>>
    %dma_start3A_382 = tpu.memref_squeeze %dma_start3A_381 : memref<1x16x1024xf32, #tpu.memory_space<vmem>> -> memref<16x1024xf32, #tpu.memory_space<vmem>>
    %dma_start3A_383 = arith.constant 112 : i32
    %dma_start3A_384 = tpu.memref_slice %arg5[%dma_start3A_383] : memref<512xi32, #tpu.memory_space<vmem>> -> memref<16xi32, #tpu.memory_space<vmem>>
    %dma_start3A_385 = arith.constant 0 : i32
    %dma_start3A_386 = arith.constant 0 : i32
    %dma_start3A_387 = tpu.memref_slice %arg3[%dma_start3A_385, %dma_start3A_386] : memref<100000x1024xf32, #tpu.memory_space<hbm>> -> memref<100000x1024xf32, #tpu.memory_space<hbm>>
    %dma_start3A_388 = tpu.memref_slice %arg7[%dma_start3A_378] : memref<3x!tpu.dma_semaphore, #tpu.memory_space<semaphore_mem>> -> memref<1x!tpu.dma_semaphore, #tpu.memory_space<semaphore_mem>>
    %dma_start3A_389 = tpu.memref_squeeze %dma_start3A_388 : memref<1x!tpu.dma_semaphore, #tpu.memory_space<semaphore_mem>> -> memref<!tpu.dma_semaphore, #tpu.memory_space<semaphore_mem>>
    tpu.enqueue_indirect_dma source(%dma_start3A_387 : memref<100000x1024xf32, #tpu.memory_space<hbm>>) target(%dma_start3A_382 : memref<16x1024xf32, #tpu.memory_space<vmem>>) offsets(%dma_start3A_384 : memref<16xi32, #tpu.memory_space<vmem>>) semaphore(%dma_start3A_389 : memref<!tpu.dma_semaphore, #tpu.memory_space<semaphore_mem>>)
    %dma_wait3A_390 = arith.constant 2 : i32
    %dma_wait3A_391 = arith.constant 2 : i32
    %dma_wait3A_392 = arith.constant 0 : i32
    %dma_wait3A_393 = arith.constant 0 : i32
    %dma_wait3A_394 = tpu.memref_slice %arg6[%dma_wait3A_390, %dma_wait3A_392, %dma_wait3A_393] : memref<3x16x1024xf32, #tpu.memory_space<vmem>> -> memref<1x16x1024xf32, #tpu.memory_space<vmem>>
    %dma_wait3A_395 = tpu.memref_squeeze %dma_wait3A_394 : memref<1x16x1024xf32, #tpu.memory_space<vmem>> -> memref<16x1024xf32, #tpu.memory_space<vmem>>
    %dma_wait3A_396 = arith.constant 80 : i32
    %dma_wait3A_397 = tpu.memref_slice %arg5[%dma_wait3A_396] : memref<512xi32, #tpu.memory_space<vmem>> -> memref<16xi32, #tpu.memory_space<vmem>>
    %dma_wait3A_398 = arith.constant 0 : i32
    %dma_wait3A_399 = arith.constant 0 : i32
    %dma_wait3A_400 = tpu.memref_slice %arg3[%dma_wait3A_398, %dma_wait3A_399] : memref<100000x1024xf32, #tpu.memory_space<hbm>> -> memref<100000x1024xf32, #tpu.memory_space<hbm>>
    %dma_wait3A_401 = tpu.memref_slice %arg7[%dma_wait3A_391] : memref<3x!tpu.dma_semaphore, #tpu.memory_space<semaphore_mem>> -> memref<1x!tpu.dma_semaphore, #tpu.memory_space<semaphore_mem>>
    %dma_wait3A_402 = tpu.memref_squeeze %dma_wait3A_401 : memref<1x!tpu.dma_semaphore, #tpu.memory_space<semaphore_mem>> -> memref<!tpu.dma_semaphore, #tpu.memory_space<semaphore_mem>>
    tpu.wait_indirect_dma semaphore(%dma_wait3A_402 : memref<!tpu.dma_semaphore, #tpu.memory_space<semaphore_mem>>) src(%dma_wait3A_400 : memref<100000x1024xf32, #tpu.memory_space<hbm>>) dst(%dma_wait3A_395 : memref<16x1024xf32, #tpu.memory_space<vmem>>)
    %add3A_403 = arith.constant 80 : i32
    %add3A_404 = arith.addi %mul3A_32, %add3A_403 : i32
    %dma_start3A_405 = arith.constant 2 : i32
    %dma_start3A_406 = arith.constant 2 : i32
    %dma_start3A_407 = arith.constant 0 : i32
    %dma_start3A_408 = arith.constant 0 : i32
    %dma_start3A_409 = tpu.memref_slice %arg6[%dma_start3A_405, %dma_start3A_407, %dma_start3A_408] : memref<3x16x1024xf32, #tpu.memory_space<vmem>> -> memref<1x16x1024xf32, #tpu.memory_space<vmem>>
    %dma_start3A_410 = tpu.memref_squeeze %dma_start3A_409 : memref<1x16x1024xf32, #tpu.memory_space<vmem>> -> memref<16x1024xf32, #tpu.memory_space<vmem>>
    %dma_start3A_411 = arith.constant 0 : i32
    %dma_start3A_412 = tpu.memref_slice %arg4[%select_n3A, %add3A_404, %dma_start3A_411] : memref<4x4096x1024xf32, #tpu.memory_space<hbm>> -> memref<1x16x1024xf32, #tpu.memory_space<hbm>>
    %dma_start3A_413 = tpu.memref_squeeze %dma_start3A_412 : memref<1x16x1024xf32, #tpu.memory_space<hbm>> -> memref<16x1024xf32, #tpu.memory_space<hbm>>
    %dma_start3A_414 = tpu.memref_slice %arg8[%dma_start3A_406] : memref<3x!tpu.dma_semaphore, #tpu.memory_space<semaphore_mem>> -> memref<1x!tpu.dma_semaphore, #tpu.memory_space<semaphore_mem>>
    %dma_start3A_415 = tpu.memref_squeeze %dma_start3A_414 : memref<1x!tpu.dma_semaphore, #tpu.memory_space<semaphore_mem>> -> memref<!tpu.dma_semaphore, #tpu.memory_space<semaphore_mem>>
    %dma_start3A_416 = arith.constant 0 : i32
    %dma_start3A_417 = tpu.memref_slice %arg4[%select_n3A, %add3A_404, %dma_start3A_416] : memref<4x4096x1024xf32, #tpu.memory_space<hbm>> -> memref<1x16x1024xf32, #tpu.memory_space<hbm>>
    %dma_start3A_418 = tpu.memref_squeeze %dma_start3A_417 : memref<1x16x1024xf32, #tpu.memory_space<hbm>> -> memref<16x1024xf32, #tpu.memory_space<hbm>>
    %dma_start3A_419 = arith.constant 0 : i32
    %dma_start3A_420 = arith.constant 0 : i32
    %dma_start3A_421 = tpu.memref_slice %arg6[%dma_start3A_405, %dma_start3A_419, %dma_start3A_420] : memref<3x16x1024xf32, #tpu.memory_space<vmem>> -> memref<1x16x1024xf32, #tpu.memory_space<vmem>>
    %dma_start3A_422 = tpu.memref_squeeze %dma_start3A_421 : memref<1x16x1024xf32, #tpu.memory_space<vmem>> -> memref<16x1024xf32, #tpu.memory_space<vmem>>
    tpu.enqueue_dma source(%dma_start3A_422 : memref<16x1024xf32, #tpu.memory_space<vmem>>) target(%dma_start3A_418 : memref<16x1024xf32, #tpu.memory_space<hbm>>) target_semaphore(%dma_start3A_415 : memref<!tpu.dma_semaphore, #tpu.memory_space<semaphore_mem>>)
    %dma_wait3A_423 = arith.constant 2 : i32
    %dma_wait3A_424 = arith.constant 2 : i32
    %dma_wait3A_425 = arith.constant 0 : i32
    %dma_wait3A_426 = arith.constant 0 : i32
    %dma_wait3A_427 = tpu.memref_slice %arg6[%dma_wait3A_423, %dma_wait3A_425, %dma_wait3A_426] : memref<3x16x1024xf32, #tpu.memory_space<vmem>> -> memref<1x16x1024xf32, #tpu.memory_space<vmem>>
    %dma_wait3A_428 = tpu.memref_squeeze %dma_wait3A_427 : memref<1x16x1024xf32, #tpu.memory_space<vmem>> -> memref<16x1024xf32, #tpu.memory_space<vmem>>
    %dma_wait3A_429 = arith.constant 0 : i32
    %dma_wait3A_430 = tpu.memref_slice %arg4[%select_n3A, %add3A_404, %dma_wait3A_429] : memref<4x4096x1024xf32, #tpu.memory_space<hbm>> -> memref<1x16x1024xf32, #tpu.memory_space<hbm>>
    %dma_wait3A_431 = tpu.memref_squeeze %dma_wait3A_430 : memref<1x16x1024xf32, #tpu.memory_space<hbm>> -> memref<16x1024xf32, #tpu.memory_space<hbm>>
    %dma_wait3A_432 = tpu.memref_slice %arg8[%dma_wait3A_424] : memref<3x!tpu.dma_semaphore, #tpu.memory_space<semaphore_mem>> -> memref<1x!tpu.dma_semaphore, #tpu.memory_space<semaphore_mem>>
    %dma_wait3A_433 = tpu.memref_squeeze %dma_wait3A_432 : memref<1x!tpu.dma_semaphore, #tpu.memory_space<semaphore_mem>> -> memref<!tpu.dma_semaphore, #tpu.memory_space<semaphore_mem>>
    %dma_wait3A_434 = arith.constant 0 : i32
    %dma_wait3A_435 = tpu.memref_slice %arg4[%select_n3A, %add3A_404, %dma_wait3A_434] : memref<4x4096x1024xf32, #tpu.memory_space<hbm>> -> memref<1x16x1024xf32, #tpu.memory_space<hbm>>
    %dma_wait3A_436 = tpu.memref_squeeze %dma_wait3A_435 : memref<1x16x1024xf32, #tpu.memory_space<hbm>> -> memref<16x1024xf32, #tpu.memory_space<hbm>>
    %dma_wait3A_437 = arith.constant 0 : i32
    %dma_wait3A_438 = arith.constant 0 : i32
    %dma_wait3A_439 = tpu.memref_slice %arg6[%dma_wait3A_423, %dma_wait3A_437, %dma_wait3A_438] : memref<3x16x1024xf32, #tpu.memory_space<vmem>> -> memref<1x16x1024xf32, #tpu.memory_space<vmem>>
    %dma_wait3A_440 = tpu.memref_squeeze %dma_wait3A_439 : memref<1x16x1024xf32, #tpu.memory_space<vmem>> -> memref<16x1024xf32, #tpu.memory_space<vmem>>
    tpu.wait_dma2 semaphore(%dma_wait3A_433 : memref<!tpu.dma_semaphore, #tpu.memory_space<semaphore_mem>>) src(%dma_wait3A_440 : memref<16x1024xf32, #tpu.memory_space<vmem>>) dst(%dma_wait3A_436 : memref<16x1024xf32, #tpu.memory_space<hbm>>)
    %dma_start3A_441 = arith.constant 2 : i32
    %dma_start3A_442 = arith.constant 2 : i32
    %dma_start3A_443 = arith.constant 0 : i32
    %dma_start3A_444 = arith.constant 0 : i32
    %dma_start3A_445 = tpu.memref_slice %arg6[%dma_start3A_441, %dma_start3A_443, %dma_start3A_444] : memref<3x16x1024xf32, #tpu.memory_space<vmem>> -> memref<1x16x1024xf32, #tpu.memory_space<vmem>>
    %dma_start3A_446 = tpu.memref_squeeze %dma_start3A_445 : memref<1x16x1024xf32, #tpu.memory_space<vmem>> -> memref<16x1024xf32, #tpu.memory_space<vmem>>
    %dma_start3A_447 = arith.constant 128 : i32
    %dma_start3A_448 = tpu.memref_slice %arg5[%dma_start3A_447] : memref<512xi32, #tpu.memory_space<vmem>> -> memref<16xi32, #tpu.memory_space<vmem>>
    %dma_start3A_449 = arith.constant 0 : i32
    %dma_start3A_450 = arith.constant 0 : i32
    %dma_start3A_451 = tpu.memref_slice %arg3[%dma_start3A_449, %dma_start3A_450] : memref<100000x1024xf32, #tpu.memory_space<hbm>> -> memref<100000x1024xf32, #tpu.memory_space<hbm>>
    %dma_start3A_452 = tpu.memref_slice %arg7[%dma_start3A_442] : memref<3x!tpu.dma_semaphore, #tpu.memory_space<semaphore_mem>> -> memref<1x!tpu.dma_semaphore, #tpu.memory_space<semaphore_mem>>
    %dma_start3A_453 = tpu.memref_squeeze %dma_start3A_452 : memref<1x!tpu.dma_semaphore, #tpu.memory_space<semaphore_mem>> -> memref<!tpu.dma_semaphore, #tpu.memory_space<semaphore_mem>>
    tpu.enqueue_indirect_dma source(%dma_start3A_451 : memref<100000x1024xf32, #tpu.memory_space<hbm>>) target(%dma_start3A_446 : memref<16x1024xf32, #tpu.memory_space<vmem>>) offsets(%dma_start3A_448 : memref<16xi32, #tpu.memory_space<vmem>>) semaphore(%dma_start3A_453 : memref<!tpu.dma_semaphore, #tpu.memory_space<semaphore_mem>>)
    %dma_wait3A_454 = arith.constant 0 : i32
    %dma_wait3A_455 = arith.constant 0 : i32
    %dma_wait3A_456 = arith.constant 0 : i32
    %dma_wait3A_457 = arith.constant 0 : i32
    %dma_wait3A_458 = tpu.memref_slice %arg6[%dma_wait3A_454, %dma_wait3A_456, %dma_wait3A_457] : memref<3x16x1024xf32, #tpu.memory_space<vmem>> -> memref<1x16x1024xf32, #tpu.memory_space<vmem>>
    %dma_wait3A_459 = tpu.memref_squeeze %dma_wait3A_458 : memref<1x16x1024xf32, #tpu.memory_space<vmem>> -> memref<16x1024xf32, #tpu.memory_space<vmem>>
    %dma_wait3A_460 = arith.constant 96 : i32
    %dma_wait3A_461 = tpu.memref_slice %arg5[%dma_wait3A_460] : memref<512xi32, #tpu.memory_space<vmem>> -> memref<16xi32, #tpu.memory_space<vmem>>
    %dma_wait3A_462 = arith.constant 0 : i32
    %dma_wait3A_463 = arith.constant 0 : i32
    %dma_wait3A_464 = tpu.memref_slice %arg3[%dma_wait3A_462, %dma_wait3A_463] : memref<100000x1024xf32, #tpu.memory_space<hbm>> -> memref<100000x1024xf32, #tpu.memory_space<hbm>>
    %dma_wait3A_465 = tpu.memref_slice %arg7[%dma_wait3A_455] : memref<3x!tpu.dma_semaphore, #tpu.memory_space<semaphore_mem>> -> memref<1x!tpu.dma_semaphore, #tpu.memory_space<semaphore_mem>>
    %dma_wait3A_466 = tpu.memref_squeeze %dma_wait3A_465 : memref<1x!tpu.dma_semaphore, #tpu.memory_space<semaphore_mem>> -> memref<!tpu.dma_semaphore, #tpu.memory_space<semaphore_mem>>
    tpu.wait_indirect_dma semaphore(%dma_wait3A_466 : memref<!tpu.dma_semaphore, #tpu.memory_space<semaphore_mem>>) src(%dma_wait3A_464 : memref<100000x1024xf32, #tpu.memory_space<hbm>>) dst(%dma_wait3A_459 : memref<16x1024xf32, #tpu.memory_space<vmem>>)
    %add3A_467 = arith.constant 96 : i32
    %add3A_468 = arith.addi %mul3A_32, %add3A_467 : i32
    %dma_start3A_469 = arith.constant 0 : i32
    %dma_start3A_470 = arith.constant 0 : i32
    %dma_start3A_471 = arith.constant 0 : i32
    %dma_start3A_472 = arith.constant 0 : i32
    %dma_start3A_473 = tpu.memref_slice %arg6[%dma_start3A_469, %dma_start3A_471, %dma_start3A_472] : memref<3x16x1024xf32, #tpu.memory_space<vmem>> -> memref<1x16x1024xf32, #tpu.memory_space<vmem>>
    %dma_start3A_474 = tpu.memref_squeeze %dma_start3A_473 : memref<1x16x1024xf32, #tpu.memory_space<vmem>> -> memref<16x1024xf32, #tpu.memory_space<vmem>>
    %dma_start3A_475 = arith.constant 0 : i32
    %dma_start3A_476 = tpu.memref_slice %arg4[%select_n3A, %add3A_468, %dma_start3A_475] : memref<4x4096x1024xf32, #tpu.memory_space<hbm>> -> memref<1x16x1024xf32, #tpu.memory_space<hbm>>
    %dma_start3A_477 = tpu.memref_squeeze %dma_start3A_476 : memref<1x16x1024xf32, #tpu.memory_space<hbm>> -> memref<16x1024xf32, #tpu.memory_space<hbm>>
    %dma_start3A_478 = tpu.memref_slice %arg8[%dma_start3A_470] : memref<3x!tpu.dma_semaphore, #tpu.memory_space<semaphore_mem>> -> memref<1x!tpu.dma_semaphore, #tpu.memory_space<semaphore_mem>>
    %dma_start3A_479 = tpu.memref_squeeze %dma_start3A_478 : memref<1x!tpu.dma_semaphore, #tpu.memory_space<semaphore_mem>> -> memref<!tpu.dma_semaphore, #tpu.memory_space<semaphore_mem>>
    %dma_start3A_480 = arith.constant 0 : i32
    %dma_start3A_481 = tpu.memref_slice %arg4[%select_n3A, %add3A_468, %dma_start3A_480] : memref<4x4096x1024xf32, #tpu.memory_space<hbm>> -> memref<1x16x1024xf32, #tpu.memory_space<hbm>>
    %dma_start3A_482 = tpu.memref_squeeze %dma_start3A_481 : memref<1x16x1024xf32, #tpu.memory_space<hbm>> -> memref<16x1024xf32, #tpu.memory_space<hbm>>
    %dma_start3A_483 = arith.constant 0 : i32
    %dma_start3A_484 = arith.constant 0 : i32
    %dma_start3A_485 = tpu.memref_slice %arg6[%dma_start3A_469, %dma_start3A_483, %dma_start3A_484] : memref<3x16x1024xf32, #tpu.memory_space<vmem>> -> memref<1x16x1024xf32, #tpu.memory_space<vmem>>
    %dma_start3A_486 = tpu.memref_squeeze %dma_start3A_485 : memref<1x16x1024xf32, #tpu.memory_space<vmem>> -> memref<16x1024xf32, #tpu.memory_space<vmem>>
    tpu.enqueue_dma source(%dma_start3A_486 : memref<16x1024xf32, #tpu.memory_space<vmem>>) target(%dma_start3A_482 : memref<16x1024xf32, #tpu.memory_space<hbm>>) target_semaphore(%dma_start3A_479 : memref<!tpu.dma_semaphore, #tpu.memory_space<semaphore_mem>>)
    %dma_wait3A_487 = arith.constant 0 : i32
    %dma_wait3A_488 = arith.constant 0 : i32
    %dma_wait3A_489 = arith.constant 0 : i32
    %dma_wait3A_490 = arith.constant 0 : i32
    %dma_wait3A_491 = tpu.memref_slice %arg6[%dma_wait3A_487, %dma_wait3A_489, %dma_wait3A_490] : memref<3x16x1024xf32, #tpu.memory_space<vmem>> -> memref<1x16x1024xf32, #tpu.memory_space<vmem>>
    %dma_wait3A_492 = tpu.memref_squeeze %dma_wait3A_491 : memref<1x16x1024xf32, #tpu.memory_space<vmem>> -> memref<16x1024xf32, #tpu.memory_space<vmem>>
    %dma_wait3A_493 = arith.constant 0 : i32
    %dma_wait3A_494 = tpu.memref_slice %arg4[%select_n3A, %add3A_468, %dma_wait3A_493] : memref<4x4096x1024xf32, #tpu.memory_space<hbm>> -> memref<1x16x1024xf32, #tpu.memory_space<hbm>>
    %dma_wait3A_495 = tpu.memref_squeeze %dma_wait3A_494 : memref<1x16x1024xf32, #tpu.memory_space<hbm>> -> memref<16x1024xf32, #tpu.memory_space<hbm>>
    %dma_wait3A_496 = tpu.memref_slice %arg8[%dma_wait3A_488] : memref<3x!tpu.dma_semaphore, #tpu.memory_space<semaphore_mem>> -> memref<1x!tpu.dma_semaphore, #tpu.memory_space<semaphore_mem>>
    %dma_wait3A_497 = tpu.memref_squeeze %dma_wait3A_496 : memref<1x!tpu.dma_semaphore, #tpu.memory_space<semaphore_mem>> -> memref<!tpu.dma_semaphore, #tpu.memory_space<semaphore_mem>>
    %dma_wait3A_498 = arith.constant 0 : i32
    %dma_wait3A_499 = tpu.memref_slice %arg4[%select_n3A, %add3A_468, %dma_wait3A_498] : memref<4x4096x1024xf32, #tpu.memory_space<hbm>> -> memref<1x16x1024xf32, #tpu.memory_space<hbm>>
    %dma_wait3A_500 = tpu.memref_squeeze %dma_wait3A_499 : memref<1x16x1024xf32, #tpu.memory_space<hbm>> -> memref<16x1024xf32, #tpu.memory_space<hbm>>
    %dma_wait3A_501 = arith.constant 0 : i32
    %dma_wait3A_502 = arith.constant 0 : i32
    %dma_wait3A_503 = tpu.memref_slice %arg6[%dma_wait3A_487, %dma_wait3A_501, %dma_wait3A_502] : memref<3x16x1024xf32, #tpu.memory_space<vmem>> -> memref<1x16x1024xf32, #tpu.memory_space<vmem>>
    %dma_wait3A_504 = tpu.memref_squeeze %dma_wait3A_503 : memref<1x16x1024xf32, #tpu.memory_space<vmem>> -> memref<16x1024xf32, #tpu.memory_space<vmem>>
    tpu.wait_dma2 semaphore(%dma_wait3A_497 : memref<!tpu.dma_semaphore, #tpu.memory_space<semaphore_mem>>) src(%dma_wait3A_504 : memref<16x1024xf32, #tpu.memory_space<vmem>>) dst(%dma_wait3A_500 : memref<16x1024xf32, #tpu.memory_space<hbm>>)
    %dma_start3A_505 = arith.constant 0 : i32
    %dma_start3A_506 = arith.constant 0 : i32
    %dma_start3A_507 = arith.constant 0 : i32
    %dma_start3A_508 = arith.constant 0 : i32
    %dma_start3A_509 = tpu.memref_slice %arg6[%dma_start3A_505, %dma_start3A_507, %dma_start3A_508] : memref<3x16x1024xf32, #tpu.memory_space<vmem>> -> memref<1x16x1024xf32, #tpu.memory_space<vmem>>
    %dma_start3A_510 = tpu.memref_squeeze %dma_start3A_509 : memref<1x16x1024xf32, #tpu.memory_space<vmem>> -> memref<16x1024xf32, #tpu.memory_space<vmem>>
    %dma_start3A_511 = arith.constant 144 : i32
    %dma_start3A_512 = tpu.memref_slice %arg5[%dma_start3A_511] : memref<512xi32, #tpu.memory_space<vmem>> -> memref<16xi32, #tpu.memory_space<vmem>>
    %dma_start3A_513 = arith.constant 0 : i32
    %dma_start3A_514 = arith.constant 0 : i32
    %dma_start3A_515 = tpu.memref_slice %arg3[%dma_start3A_513, %dma_start3A_514] : memref<100000x1024xf32, #tpu.memory_space<hbm>> -> memref<100000x1024xf32, #tpu.memory_space<hbm>>
    %dma_start3A_516 = tpu.memref_slice %arg7[%dma_start3A_506] : memref<3x!tpu.dma_semaphore, #tpu.memory_space<semaphore_mem>> -> memref<1x!tpu.dma_semaphore, #tpu.memory_space<semaphore_mem>>
    %dma_start3A_517 = tpu.memref_squeeze %dma_start3A_516 : memref<1x!tpu.dma_semaphore, #tpu.memory_space<semaphore_mem>> -> memref<!tpu.dma_semaphore, #tpu.memory_space<semaphore_mem>>
    tpu.enqueue_indirect_dma source(%dma_start3A_515 : memref<100000x1024xf32, #tpu.memory_space<hbm>>) target(%dma_start3A_510 : memref<16x1024xf32, #tpu.memory_space<vmem>>) offsets(%dma_start3A_512 : memref<16xi32, #tpu.memory_space<vmem>>) semaphore(%dma_start3A_517 : memref<!tpu.dma_semaphore, #tpu.memory_space<semaphore_mem>>)
    %dma_wait3A_518 = arith.constant 1 : i32
    %dma_wait3A_519 = arith.constant 1 : i32
    %dma_wait3A_520 = arith.constant 0 : i32
    %dma_wait3A_521 = arith.constant 0 : i32
    %dma_wait3A_522 = tpu.memref_slice %arg6[%dma_wait3A_518, %dma_wait3A_520, %dma_wait3A_521] : memref<3x16x1024xf32, #tpu.memory_space<vmem>> -> memref<1x16x1024xf32, #tpu.memory_space<vmem>>
    %dma_wait3A_523 = tpu.memref_squeeze %dma_wait3A_522 : memref<1x16x1024xf32, #tpu.memory_space<vmem>> -> memref<16x1024xf32, #tpu.memory_space<vmem>>
    %dma_wait3A_524 = arith.constant 112 : i32
    %dma_wait3A_525 = tpu.memref_slice %arg5[%dma_wait3A_524] : memref<512xi32, #tpu.memory_space<vmem>> -> memref<16xi32, #tpu.memory_space<vmem>>
    %dma_wait3A_526 = arith.constant 0 : i32
    %dma_wait3A_527 = arith.constant 0 : i32
    %dma_wait3A_528 = tpu.memref_slice %arg3[%dma_wait3A_526, %dma_wait3A_527] : memref<100000x1024xf32, #tpu.memory_space<hbm>> -> memref<100000x1024xf32, #tpu.memory_space<hbm>>
    %dma_wait3A_529 = tpu.memref_slice %arg7[%dma_wait3A_519] : memref<3x!tpu.dma_semaphore, #tpu.memory_space<semaphore_mem>> -> memref<1x!tpu.dma_semaphore, #tpu.memory_space<semaphore_mem>>
    %dma_wait3A_530 = tpu.memref_squeeze %dma_wait3A_529 : memref<1x!tpu.dma_semaphore, #tpu.memory_space<semaphore_mem>> -> memref<!tpu.dma_semaphore, #tpu.memory_space<semaphore_mem>>
    tpu.wait_indirect_dma semaphore(%dma_wait3A_530 : memref<!tpu.dma_semaphore, #tpu.memory_space<semaphore_mem>>) src(%dma_wait3A_528 : memref<100000x1024xf32, #tpu.memory_space<hbm>>) dst(%dma_wait3A_523 : memref<16x1024xf32, #tpu.memory_space<vmem>>)
    %add3A_531 = arith.constant 112 : i32
    %add3A_532 = arith.addi %mul3A_32, %add3A_531 : i32
    %dma_start3A_533 = arith.constant 1 : i32
    %dma_start3A_534 = arith.constant 1 : i32
    %dma_start3A_535 = arith.constant 0 : i32
    %dma_start3A_536 = arith.constant 0 : i32
    %dma_start3A_537 = tpu.memref_slice %arg6[%dma_start3A_533, %dma_start3A_535, %dma_start3A_536] : memref<3x16x1024xf32, #tpu.memory_space<vmem>> -> memref<1x16x1024xf32, #tpu.memory_space<vmem>>
    %dma_start3A_538 = tpu.memref_squeeze %dma_start3A_537 : memref<1x16x1024xf32, #tpu.memory_space<vmem>> -> memref<16x1024xf32, #tpu.memory_space<vmem>>
    %dma_start3A_539 = arith.constant 0 : i32
    %dma_start3A_540 = tpu.memref_slice %arg4[%select_n3A, %add3A_532, %dma_start3A_539] : memref<4x4096x1024xf32, #tpu.memory_space<hbm>> -> memref<1x16x1024xf32, #tpu.memory_space<hbm>>
    %dma_start3A_541 = tpu.memref_squeeze %dma_start3A_540 : memref<1x16x1024xf32, #tpu.memory_space<hbm>> -> memref<16x1024xf32, #tpu.memory_space<hbm>>
    %dma_start3A_542 = tpu.memref_slice %arg8[%dma_start3A_534] : memref<3x!tpu.dma_semaphore, #tpu.memory_space<semaphore_mem>> -> memref<1x!tpu.dma_semaphore, #tpu.memory_space<semaphore_mem>>
    %dma_start3A_543 = tpu.memref_squeeze %dma_start3A_542 : memref<1x!tpu.dma_semaphore, #tpu.memory_space<semaphore_mem>> -> memref<!tpu.dma_semaphore, #tpu.memory_space<semaphore_mem>>
    %dma_start3A_544 = arith.constant 0 : i32
    %dma_start3A_545 = tpu.memref_slice %arg4[%select_n3A, %add3A_532, %dma_start3A_544] : memref<4x4096x1024xf32, #tpu.memory_space<hbm>> -> memref<1x16x1024xf32, #tpu.memory_space<hbm>>
    %dma_start3A_546 = tpu.memref_squeeze %dma_start3A_545 : memref<1x16x1024xf32, #tpu.memory_space<hbm>> -> memref<16x1024xf32, #tpu.memory_space<hbm>>
    %dma_start3A_547 = arith.constant 0 : i32
    %dma_start3A_548 = arith.constant 0 : i32
    %dma_start3A_549 = tpu.memref_slice %arg6[%dma_start3A_533, %dma_start3A_547, %dma_start3A_548] : memref<3x16x1024xf32, #tpu.memory_space<vmem>> -> memref<1x16x1024xf32, #tpu.memory_space<vmem>>
    %dma_start3A_550 = tpu.memref_squeeze %dma_start3A_549 : memref<1x16x1024xf32, #tpu.memory_space<vmem>> -> memref<16x1024xf32, #tpu.memory_space<vmem>>
    tpu.enqueue_dma source(%dma_start3A_550 : memref<16x1024xf32, #tpu.memory_space<vmem>>) target(%dma_start3A_546 : memref<16x1024xf32, #tpu.memory_space<hbm>>) target_semaphore(%dma_start3A_543 : memref<!tpu.dma_semaphore, #tpu.memory_space<semaphore_mem>>)
    %dma_wait3A_551 = arith.constant 1 : i32
    %dma_wait3A_552 = arith.constant 1 : i32
    %dma_wait3A_553 = arith.constant 0 : i32
    %dma_wait3A_554 = arith.constant 0 : i32
    %dma_wait3A_555 = tpu.memref_slice %arg6[%dma_wait3A_551, %dma_wait3A_553, %dma_wait3A_554] : memref<3x16x1024xf32, #tpu.memory_space<vmem>> -> memref<1x16x1024xf32, #tpu.memory_space<vmem>>
    %dma_wait3A_556 = tpu.memref_squeeze %dma_wait3A_555 : memref<1x16x1024xf32, #tpu.memory_space<vmem>> -> memref<16x1024xf32, #tpu.memory_space<vmem>>
    %dma_wait3A_557 = arith.constant 0 : i32
    %dma_wait3A_558 = tpu.memref_slice %arg4[%select_n3A, %add3A_532, %dma_wait3A_557] : memref<4x4096x1024xf32, #tpu.memory_space<hbm>> -> memref<1x16x1024xf32, #tpu.memory_space<hbm>>
    %dma_wait3A_559 = tpu.memref_squeeze %dma_wait3A_558 : memref<1x16x1024xf32, #tpu.memory_space<hbm>> -> memref<16x1024xf32, #tpu.memory_space<hbm>>
    %dma_wait3A_560 = tpu.memref_slice %arg8[%dma_wait3A_552] : memref<3x!tpu.dma_semaphore, #tpu.memory_space<semaphore_mem>> -> memref<1x!tpu.dma_semaphore, #tpu.memory_space<semaphore_mem>>
    %dma_wait3A_561 = tpu.memref_squeeze %dma_wait3A_560 : memref<1x!tpu.dma_semaphore, #tpu.memory_space<semaphore_mem>> -> memref<!tpu.dma_semaphore, #tpu.memory_space<semaphore_mem>>
    %dma_wait3A_562 = arith.constant 0 : i32
    %dma_wait3A_563 = tpu.memref_slice %arg4[%select_n3A, %add3A_532, %dma_wait3A_562] : memref<4x4096x1024xf32, #tpu.memory_space<hbm>> -> memref<1x16x1024xf32, #tpu.memory_space<hbm>>
    %dma_wait3A_564 = tpu.memref_squeeze %dma_wait3A_563 : memref<1x16x1024xf32, #tpu.memory_space<hbm>> -> memref<16x1024xf32, #tpu.memory_space<hbm>>
    %dma_wait3A_565 = arith.constant 0 : i32
    %dma_wait3A_566 = arith.constant 0 : i32
    %dma_wait3A_567 = tpu.memref_slice %arg6[%dma_wait3A_551, %dma_wait3A_565, %dma_wait3A_566] : memref<3x16x1024xf32, #tpu.memory_space<vmem>> -> memref<1x16x1024xf32, #tpu.memory_space<vmem>>
    %dma_wait3A_568 = tpu.memref_squeeze %dma_wait3A_567 : memref<1x16x1024xf32, #tpu.memory_space<vmem>> -> memref<16x1024xf32, #tpu.memory_space<vmem>>
    tpu.wait_dma2 semaphore(%dma_wait3A_561 : memref<!tpu.dma_semaphore, #tpu.memory_space<semaphore_mem>>) src(%dma_wait3A_568 : memref<16x1024xf32, #tpu.memory_space<vmem>>) dst(%dma_wait3A_564 : memref<16x1024xf32, #tpu.memory_space<hbm>>)
    %dma_start3A_569 = arith.constant 1 : i32
    %dma_start3A_570 = arith.constant 1 : i32
    %dma_start3A_571 = arith.constant 0 : i32
    %dma_start3A_572 = arith.constant 0 : i32
    %dma_start3A_573 = tpu.memref_slice %arg6[%dma_start3A_569, %dma_start3A_571, %dma_start3A_572] : memref<3x16x1024xf32, #tpu.memory_space<vmem>> -> memref<1x16x1024xf32, #tpu.memory_space<vmem>>
    %dma_start3A_574 = tpu.memref_squeeze %dma_start3A_573 : memref<1x16x1024xf32, #tpu.memory_space<vmem>> -> memref<16x1024xf32, #tpu.memory_space<vmem>>
    %dma_start3A_575 = arith.constant 160 : i32
    %dma_start3A_576 = tpu.memref_slice %arg5[%dma_start3A_575] : memref<512xi32, #tpu.memory_space<vmem>> -> memref<16xi32, #tpu.memory_space<vmem>>
    %dma_start3A_577 = arith.constant 0 : i32
    %dma_start3A_578 = arith.constant 0 : i32
    %dma_start3A_579 = tpu.memref_slice %arg3[%dma_start3A_577, %dma_start3A_578] : memref<100000x1024xf32, #tpu.memory_space<hbm>> -> memref<100000x1024xf32, #tpu.memory_space<hbm>>
    %dma_start3A_580 = tpu.memref_slice %arg7[%dma_start3A_570] : memref<3x!tpu.dma_semaphore, #tpu.memory_space<semaphore_mem>> -> memref<1x!tpu.dma_semaphore, #tpu.memory_space<semaphore_mem>>
    %dma_start3A_581 = tpu.memref_squeeze %dma_start3A_580 : memref<1x!tpu.dma_semaphore, #tpu.memory_space<semaphore_mem>> -> memref<!tpu.dma_semaphore, #tpu.memory_space<semaphore_mem>>
    tpu.enqueue_indirect_dma source(%dma_start3A_579 : memref<100000x1024xf32, #tpu.memory_space<hbm>>) target(%dma_start3A_574 : memref<16x1024xf32, #tpu.memory_space<vmem>>) offsets(%dma_start3A_576 : memref<16xi32, #tpu.memory_space<vmem>>) semaphore(%dma_start3A_581 : memref<!tpu.dma_semaphore, #tpu.memory_space<semaphore_mem>>)
    %dma_wait3A_582 = arith.constant 2 : i32
    %dma_wait3A_583 = arith.constant 2 : i32
    %dma_wait3A_584 = arith.constant 0 : i32
    %dma_wait3A_585 = arith.constant 0 : i32
    %dma_wait3A_586 = tpu.memref_slice %arg6[%dma_wait3A_582, %dma_wait3A_584, %dma_wait3A_585] : memref<3x16x1024xf32, #tpu.memory_space<vmem>> -> memref<1x16x1024xf32, #tpu.memory_space<vmem>>
    %dma_wait3A_587 = tpu.memref_squeeze %dma_wait3A_586 : memref<1x16x1024xf32, #tpu.memory_space<vmem>> -> memref<16x1024xf32, #tpu.memory_space<vmem>>
    %dma_wait3A_588 = arith.constant 128 : i32
    %dma_wait3A_589 = tpu.memref_slice %arg5[%dma_wait3A_588] : memref<512xi32, #tpu.memory_space<vmem>> -> memref<16xi32, #tpu.memory_space<vmem>>
    %dma_wait3A_590 = arith.constant 0 : i32
    %dma_wait3A_591 = arith.constant 0 : i32
    %dma_wait3A_592 = tpu.memref_slice %arg3[%dma_wait3A_590, %dma_wait3A_591] : memref<100000x1024xf32, #tpu.memory_space<hbm>> -> memref<100000x1024xf32, #tpu.memory_space<hbm>>
    %dma_wait3A_593 = tpu.memref_slice %arg7[%dma_wait3A_583] : memref<3x!tpu.dma_semaphore, #tpu.memory_space<semaphore_mem>> -> memref<1x!tpu.dma_semaphore, #tpu.memory_space<semaphore_mem>>
    %dma_wait3A_594 = tpu.memref_squeeze %dma_wait3A_593 : memref<1x!tpu.dma_semaphore, #tpu.memory_space<semaphore_mem>> -> memref<!tpu.dma_semaphore, #tpu.memory_space<semaphore_mem>>
    tpu.wait_indirect_dma semaphore(%dma_wait3A_594 : memref<!tpu.dma_semaphore, #tpu.memory_space<semaphore_mem>>) src(%dma_wait3A_592 : memref<100000x1024xf32, #tpu.memory_space<hbm>>) dst(%dma_wait3A_587 : memref<16x1024xf32, #tpu.memory_space<vmem>>)
    %add3A_595 = arith.constant 128 : i32
    %add3A_596 = arith.addi %mul3A_32, %add3A_595 : i32
    %dma_start3A_597 = arith.constant 2 : i32
    %dma_start3A_598 = arith.constant 2 : i32
    %dma_start3A_599 = arith.constant 0 : i32
    %dma_start3A_600 = arith.constant 0 : i32
    %dma_start3A_601 = tpu.memref_slice %arg6[%dma_start3A_597, %dma_start3A_599, %dma_start3A_600] : memref<3x16x1024xf32, #tpu.memory_space<vmem>> -> memref<1x16x1024xf32, #tpu.memory_space<vmem>>
    %dma_start3A_602 = tpu.memref_squeeze %dma_start3A_601 : memref<1x16x1024xf32, #tpu.memory_space<vmem>> -> memref<16x1024xf32, #tpu.memory_space<vmem>>
    %dma_start3A_603 = arith.constant 0 : i32
    %dma_start3A_604 = tpu.memref_slice %arg4[%select_n3A, %add3A_596, %dma_start3A_603] : memref<4x4096x1024xf32, #tpu.memory_space<hbm>> -> memref<1x16x1024xf32, #tpu.memory_space<hbm>>
    %dma_start3A_605 = tpu.memref_squeeze %dma_start3A_604 : memref<1x16x1024xf32, #tpu.memory_space<hbm>> -> memref<16x1024xf32, #tpu.memory_space<hbm>>
    %dma_start3A_606 = tpu.memref_slice %arg8[%dma_start3A_598] : memref<3x!tpu.dma_semaphore, #tpu.memory_space<semaphore_mem>> -> memref<1x!tpu.dma_semaphore, #tpu.memory_space<semaphore_mem>>
    %dma_start3A_607 = tpu.memref_squeeze %dma_start3A_606 : memref<1x!tpu.dma_semaphore, #tpu.memory_space<semaphore_mem>> -> memref<!tpu.dma_semaphore, #tpu.memory_space<semaphore_mem>>
    %dma_start3A_608 = arith.constant 0 : i32
    %dma_start3A_609 = tpu.memref_slice %arg4[%select_n3A, %add3A_596, %dma_start3A_608] : memref<4x4096x1024xf32, #tpu.memory_space<hbm>> -> memref<1x16x1024xf32, #tpu.memory_space<hbm>>
    %dma_start3A_610 = tpu.memref_squeeze %dma_start3A_609 : memref<1x16x1024xf32, #tpu.memory_space<hbm>> -> memref<16x1024xf32, #tpu.memory_space<hbm>>
    %dma_start3A_611 = arith.constant 0 : i32
    %dma_start3A_612 = arith.constant 0 : i32
    %dma_start3A_613 = tpu.memref_slice %arg6[%dma_start3A_597, %dma_start3A_611, %dma_start3A_612] : memref<3x16x1024xf32, #tpu.memory_space<vmem>> -> memref<1x16x1024xf32, #tpu.memory_space<vmem>>
    %dma_start3A_614 = tpu.memref_squeeze %dma_start3A_613 : memref<1x16x1024xf32, #tpu.memory_space<vmem>> -> memref<16x1024xf32, #tpu.memory_space<vmem>>
    tpu.enqueue_dma source(%dma_start3A_614 : memref<16x1024xf32, #tpu.memory_space<vmem>>) target(%dma_start3A_610 : memref<16x1024xf32, #tpu.memory_space<hbm>>) target_semaphore(%dma_start3A_607 : memref<!tpu.dma_semaphore, #tpu.memory_space<semaphore_mem>>)
    %dma_wait3A_615 = arith.constant 2 : i32
    %dma_wait3A_616 = arith.constant 2 : i32
    %dma_wait3A_617 = arith.constant 0 : i32
    %dma_wait3A_618 = arith.constant 0 : i32
    %dma_wait3A_619 = tpu.memref_slice %arg6[%dma_wait3A_615, %dma_wait3A_617, %dma_wait3A_618] : memref<3x16x1024xf32, #tpu.memory_space<vmem>> -> memref<1x16x1024xf32, #tpu.memory_space<vmem>>
    %dma_wait3A_620 = tpu.memref_squeeze %dma_wait3A_619 : memref<1x16x1024xf32, #tpu.memory_space<vmem>> -> memref<16x1024xf32, #tpu.memory_space<vmem>>
    %dma_wait3A_621 = arith.constant 0 : i32
    %dma_wait3A_622 = tpu.memref_slice %arg4[%select_n3A, %add3A_596, %dma_wait3A_621] : memref<4x4096x1024xf32, #tpu.memory_space<hbm>> -> memref<1x16x1024xf32, #tpu.memory_space<hbm>>
    %dma_wait3A_623 = tpu.memref_squeeze %dma_wait3A_622 : memref<1x16x1024xf32, #tpu.memory_space<hbm>> -> memref<16x1024xf32, #tpu.memory_space<hbm>>
    %dma_wait3A_624 = tpu.memref_slice %arg8[%dma_wait3A_616] : memref<3x!tpu.dma_semaphore, #tpu.memory_space<semaphore_mem>> -> memref<1x!tpu.dma_semaphore, #tpu.memory_space<semaphore_mem>>
    %dma_wait3A_625 = tpu.memref_squeeze %dma_wait3A_624 : memref<1x!tpu.dma_semaphore, #tpu.memory_space<semaphore_mem>> -> memref<!tpu.dma_semaphore, #tpu.memory_space<semaphore_mem>>
    %dma_wait3A_626 = arith.constant 0 : i32
    %dma_wait3A_627 = tpu.memref_slice %arg4[%select_n3A, %add3A_596, %dma_wait3A_626] : memref<4x4096x1024xf32, #tpu.memory_space<hbm>> -> memref<1x16x1024xf32, #tpu.memory_space<hbm>>
    %dma_wait3A_628 = tpu.memref_squeeze %dma_wait3A_627 : memref<1x16x1024xf32, #tpu.memory_space<hbm>> -> memref<16x1024xf32, #tpu.memory_space<hbm>>
    %dma_wait3A_629 = arith.constant 0 : i32
    %dma_wait3A_630 = arith.constant 0 : i32
    %dma_wait3A_631 = tpu.memref_slice %arg6[%dma_wait3A_615, %dma_wait3A_629, %dma_wait3A_630] : memref<3x16x1024xf32, #tpu.memory_space<vmem>> -> memref<1x16x1024xf32, #tpu.memory_space<vmem>>
    %dma_wait3A_632 = tpu.memref_squeeze %dma_wait3A_631 : memref<1x16x1024xf32, #tpu.memory_space<vmem>> -> memref<16x1024xf32, #tpu.memory_space<vmem>>
    tpu.wait_dma2 semaphore(%dma_wait3A_625 : memref<!tpu.dma_semaphore, #tpu.memory_space<semaphore_mem>>) src(%dma_wait3A_632 : memref<16x1024xf32, #tpu.memory_space<vmem>>) dst(%dma_wait3A_628 : memref<16x1024xf32, #tpu.memory_space<hbm>>)
    %dma_start3A_633 = arith.constant 2 : i32
    %dma_start3A_634 = arith.constant 2 : i32
    %dma_start3A_635 = arith.constant 0 : i32
    %dma_start3A_636 = arith.constant 0 : i32
    %dma_start3A_637 = tpu.memref_slice %arg6[%dma_start3A_633, %dma_start3A_635, %dma_start3A_636] : memref<3x16x1024xf32, #tpu.memory_space<vmem>> -> memref<1x16x1024xf32, #tpu.memory_space<vmem>>
    %dma_start3A_638 = tpu.memref_squeeze %dma_start3A_637 : memref<1x16x1024xf32, #tpu.memory_space<vmem>> -> memref<16x1024xf32, #tpu.memory_space<vmem>>
    %dma_start3A_639 = arith.constant 176 : i32
    %dma_start3A_640 = tpu.memref_slice %arg5[%dma_start3A_639] : memref<512xi32, #tpu.memory_space<vmem>> -> memref<16xi32, #tpu.memory_space<vmem>>
    %dma_start3A_641 = arith.constant 0 : i32
    %dma_start3A_642 = arith.constant 0 : i32
    %dma_start3A_643 = tpu.memref_slice %arg3[%dma_start3A_641, %dma_start3A_642] : memref<100000x1024xf32, #tpu.memory_space<hbm>> -> memref<100000x1024xf32, #tpu.memory_space<hbm>>
    %dma_start3A_644 = tpu.memref_slice %arg7[%dma_start3A_634] : memref<3x!tpu.dma_semaphore, #tpu.memory_space<semaphore_mem>> -> memref<1x!tpu.dma_semaphore, #tpu.memory_space<semaphore_mem>>
    %dma_start3A_645 = tpu.memref_squeeze %dma_start3A_644 : memref<1x!tpu.dma_semaphore, #tpu.memory_space<semaphore_mem>> -> memref<!tpu.dma_semaphore, #tpu.memory_space<semaphore_mem>>
    tpu.enqueue_indirect_dma source(%dma_start3A_643 : memref<100000x1024xf32, #tpu.memory_space<hbm>>) target(%dma_start3A_638 : memref<16x1024xf32, #tpu.memory_space<vmem>>) offsets(%dma_start3A_640 : memref<16xi32, #tpu.memory_space<vmem>>) semaphore(%dma_start3A_645 : memref<!tpu.dma_semaphore, #tpu.memory_space<semaphore_mem>>)
    %dma_wait3A_646 = arith.constant 0 : i32
    %dma_wait3A_647 = arith.constant 0 : i32
    %dma_wait3A_648 = arith.constant 0 : i32
    %dma_wait3A_649 = arith.constant 0 : i32
    %dma_wait3A_650 = tpu.memref_slice %arg6[%dma_wait3A_646, %dma_wait3A_648, %dma_wait3A_649] : memref<3x16x1024xf32, #tpu.memory_space<vmem>> -> memref<1x16x1024xf32, #tpu.memory_space<vmem>>
    %dma_wait3A_651 = tpu.memref_squeeze %dma_wait3A_650 : memref<1x16x1024xf32, #tpu.memory_space<vmem>> -> memref<16x1024xf32, #tpu.memory_space<vmem>>
    %dma_wait3A_652 = arith.constant 144 : i32
    %dma_wait3A_653 = tpu.memref_slice %arg5[%dma_wait3A_652] : memref<512xi32, #tpu.memory_space<vmem>> -> memref<16xi32, #tpu.memory_space<vmem>>
    %dma_wait3A_654 = arith.constant 0 : i32
    %dma_wait3A_655 = arith.constant 0 : i32
    %dma_wait3A_656 = tpu.memref_slice %arg3[%dma_wait3A_654, %dma_wait3A_655] : memref<100000x1024xf32, #tpu.memory_space<hbm>> -> memref<100000x1024xf32, #tpu.memory_space<hbm>>
    %dma_wait3A_657 = tpu.memref_slice %arg7[%dma_wait3A_647] : memref<3x!tpu.dma_semaphore, #tpu.memory_space<semaphore_mem>> -> memref<1x!tpu.dma_semaphore, #tpu.memory_space<semaphore_mem>>
    %dma_wait3A_658 = tpu.memref_squeeze %dma_wait3A_657 : memref<1x!tpu.dma_semaphore, #tpu.memory_space<semaphore_mem>> -> memref<!tpu.dma_semaphore, #tpu.memory_space<semaphore_mem>>
    tpu.wait_indirect_dma semaphore(%dma_wait3A_658 : memref<!tpu.dma_semaphore, #tpu.memory_space<semaphore_mem>>) src(%dma_wait3A_656 : memref<100000x1024xf32, #tpu.memory_space<hbm>>) dst(%dma_wait3A_651 : memref<16x1024xf32, #tpu.memory_space<vmem>>)
    %add3A_659 = arith.constant 144 : i32
    %add3A_660 = arith.addi %mul3A_32, %add3A_659 : i32
    %dma_start3A_661 = arith.constant 0 : i32
    %dma_start3A_662 = arith.constant 0 : i32
    %dma_start3A_663 = arith.constant 0 : i32
    %dma_start3A_664 = arith.constant 0 : i32
    %dma_start3A_665 = tpu.memref_slice %arg6[%dma_start3A_661, %dma_start3A_663, %dma_start3A_664] : memref<3x16x1024xf32, #tpu.memory_space<vmem>> -> memref<1x16x1024xf32, #tpu.memory_space<vmem>>
    %dma_start3A_666 = tpu.memref_squeeze %dma_start3A_665 : memref<1x16x1024xf32, #tpu.memory_space<vmem>> -> memref<16x1024xf32, #tpu.memory_space<vmem>>
    %dma_start3A_667 = arith.constant 0 : i32
    %dma_start3A_668 = tpu.memref_slice %arg4[%select_n3A, %add3A_660, %dma_start3A_667] : memref<4x4096x1024xf32, #tpu.memory_space<hbm>> -> memref<1x16x1024xf32, #tpu.memory_space<hbm>>
    %dma_start3A_669 = tpu.memref_squeeze %dma_start3A_668 : memref<1x16x1024xf32, #tpu.memory_space<hbm>> -> memref<16x1024xf32, #tpu.memory_space<hbm>>
    %dma_start3A_670 = tpu.memref_slice %arg8[%dma_start3A_662] : memref<3x!tpu.dma_semaphore, #tpu.memory_space<semaphore_mem>> -> memref<1x!tpu.dma_semaphore, #tpu.memory_space<semaphore_mem>>
    %dma_start3A_671 = tpu.memref_squeeze %dma_start3A_670 : memref<1x!tpu.dma_semaphore, #tpu.memory_space<semaphore_mem>> -> memref<!tpu.dma_semaphore, #tpu.memory_space<semaphore_mem>>
    %dma_start3A_672 = arith.constant 0 : i32
    %dma_start3A_673 = tpu.memref_slice %arg4[%select_n3A, %add3A_660, %dma_start3A_672] : memref<4x4096x1024xf32, #tpu.memory_space<hbm>> -> memref<1x16x1024xf32, #tpu.memory_space<hbm>>
    %dma_start3A_674 = tpu.memref_squeeze %dma_start3A_673 : memref<1x16x1024xf32, #tpu.memory_space<hbm>> -> memref<16x1024xf32, #tpu.memory_space<hbm>>
    %dma_start3A_675 = arith.constant 0 : i32
    %dma_start3A_676 = arith.constant 0 : i32
    %dma_start3A_677 = tpu.memref_slice %arg6[%dma_start3A_661, %dma_start3A_675, %dma_start3A_676] : memref<3x16x1024xf32, #tpu.memory_space<vmem>> -> memref<1x16x1024xf32, #tpu.memory_space<vmem>>
    %dma_start3A_678 = tpu.memref_squeeze %dma_start3A_677 : memref<1x16x1024xf32, #tpu.memory_space<vmem>> -> memref<16x1024xf32, #tpu.memory_space<vmem>>
    tpu.enqueue_dma source(%dma_start3A_678 : memref<16x1024xf32, #tpu.memory_space<vmem>>) target(%dma_start3A_674 : memref<16x1024xf32, #tpu.memory_space<hbm>>) target_semaphore(%dma_start3A_671 : memref<!tpu.dma_semaphore, #tpu.memory_space<semaphore_mem>>)
    %dma_wait3A_679 = arith.constant 0 : i32
    %dma_wait3A_680 = arith.constant 0 : i32
    %dma_wait3A_681 = arith.constant 0 : i32
    %dma_wait3A_682 = arith.constant 0 : i32
    %dma_wait3A_683 = tpu.memref_slice %arg6[%dma_wait3A_679, %dma_wait3A_681, %dma_wait3A_682] : memref<3x16x1024xf32, #tpu.memory_space<vmem>> -> memref<1x16x1024xf32, #tpu.memory_space<vmem>>
    %dma_wait3A_684 = tpu.memref_squeeze %dma_wait3A_683 : memref<1x16x1024xf32, #tpu.memory_space<vmem>> -> memref<16x1024xf32, #tpu.memory_space<vmem>>
    %dma_wait3A_685 = arith.constant 0 : i32
    %dma_wait3A_686 = tpu.memref_slice %arg4[%select_n3A, %add3A_660, %dma_wait3A_685] : memref<4x4096x1024xf32, #tpu.memory_space<hbm>> -> memref<1x16x1024xf32, #tpu.memory_space<hbm>>
    %dma_wait3A_687 = tpu.memref_squeeze %dma_wait3A_686 : memref<1x16x1024xf32, #tpu.memory_space<hbm>> -> memref<16x1024xf32, #tpu.memory_space<hbm>>
    %dma_wait3A_688 = tpu.memref_slice %arg8[%dma_wait3A_680] : memref<3x!tpu.dma_semaphore, #tpu.memory_space<semaphore_mem>> -> memref<1x!tpu.dma_semaphore, #tpu.memory_space<semaphore_mem>>
    %dma_wait3A_689 = tpu.memref_squeeze %dma_wait3A_688 : memref<1x!tpu.dma_semaphore, #tpu.memory_space<semaphore_mem>> -> memref<!tpu.dma_semaphore, #tpu.memory_space<semaphore_mem>>
    %dma_wait3A_690 = arith.constant 0 : i32
    %dma_wait3A_691 = tpu.memref_slice %arg4[%select_n3A, %add3A_660, %dma_wait3A_690] : memref<4x4096x1024xf32, #tpu.memory_space<hbm>> -> memref<1x16x1024xf32, #tpu.memory_space<hbm>>
    %dma_wait3A_692 = tpu.memref_squeeze %dma_wait3A_691 : memref<1x16x1024xf32, #tpu.memory_space<hbm>> -> memref<16x1024xf32, #tpu.memory_space<hbm>>
    %dma_wait3A_693 = arith.constant 0 : i32
    %dma_wait3A_694 = arith.constant 0 : i32
    %dma_wait3A_695 = tpu.memref_slice %arg6[%dma_wait3A_679, %dma_wait3A_693, %dma_wait3A_694] : memref<3x16x1024xf32, #tpu.memory_space<vmem>> -> memref<1x16x1024xf32, #tpu.memory_space<vmem>>
    %dma_wait3A_696 = tpu.memref_squeeze %dma_wait3A_695 : memref<1x16x1024xf32, #tpu.memory_space<vmem>> -> memref<16x1024xf32, #tpu.memory_space<vmem>>
    tpu.wait_dma2 semaphore(%dma_wait3A_689 : memref<!tpu.dma_semaphore, #tpu.memory_space<semaphore_mem>>) src(%dma_wait3A_696 : memref<16x1024xf32, #tpu.memory_space<vmem>>) dst(%dma_wait3A_692 : memref<16x1024xf32, #tpu.memory_space<hbm>>)
    %dma_start3A_697 = arith.constant 0 : i32
    %dma_start3A_698 = arith.constant 0 : i32
    %dma_start3A_699 = arith.constant 0 : i32
    %dma_start3A_700 = arith.constant 0 : i32
    %dma_start3A_701 = tpu.memref_slice %arg6[%dma_start3A_697, %dma_start3A_699, %dma_start3A_700] : memref<3x16x1024xf32, #tpu.memory_space<vmem>> -> memref<1x16x1024xf32, #tpu.memory_space<vmem>>
    %dma_start3A_702 = tpu.memref_squeeze %dma_start3A_701 : memref<1x16x1024xf32, #tpu.memory_space<vmem>> -> memref<16x1024xf32, #tpu.memory_space<vmem>>
    %dma_start3A_703 = arith.constant 192 : i32
    %dma_start3A_704 = tpu.memref_slice %arg5[%dma_start3A_703] : memref<512xi32, #tpu.memory_space<vmem>> -> memref<16xi32, #tpu.memory_space<vmem>>
    %dma_start3A_705 = arith.constant 0 : i32
    %dma_start3A_706 = arith.constant 0 : i32
    %dma_start3A_707 = tpu.memref_slice %arg3[%dma_start3A_705, %dma_start3A_706] : memref<100000x1024xf32, #tpu.memory_space<hbm>> -> memref<100000x1024xf32, #tpu.memory_space<hbm>>
    %dma_start3A_708 = tpu.memref_slice %arg7[%dma_start3A_698] : memref<3x!tpu.dma_semaphore, #tpu.memory_space<semaphore_mem>> -> memref<1x!tpu.dma_semaphore, #tpu.memory_space<semaphore_mem>>
    %dma_start3A_709 = tpu.memref_squeeze %dma_start3A_708 : memref<1x!tpu.dma_semaphore, #tpu.memory_space<semaphore_mem>> -> memref<!tpu.dma_semaphore, #tpu.memory_space<semaphore_mem>>
    tpu.enqueue_indirect_dma source(%dma_start3A_707 : memref<100000x1024xf32, #tpu.memory_space<hbm>>) target(%dma_start3A_702 : memref<16x1024xf32, #tpu.memory_space<vmem>>) offsets(%dma_start3A_704 : memref<16xi32, #tpu.memory_space<vmem>>) semaphore(%dma_start3A_709 : memref<!tpu.dma_semaphore, #tpu.memory_space<semaphore_mem>>)
    %dma_wait3A_710 = arith.constant 1 : i32
    %dma_wait3A_711 = arith.constant 1 : i32
    %dma_wait3A_712 = arith.constant 0 : i32
    %dma_wait3A_713 = arith.constant 0 : i32
    %dma_wait3A_714 = tpu.memref_slice %arg6[%dma_wait3A_710, %dma_wait3A_712, %dma_wait3A_713] : memref<3x16x1024xf32, #tpu.memory_space<vmem>> -> memref<1x16x1024xf32, #tpu.memory_space<vmem>>
    %dma_wait3A_715 = tpu.memref_squeeze %dma_wait3A_714 : memref<1x16x1024xf32, #tpu.memory_space<vmem>> -> memref<16x1024xf32, #tpu.memory_space<vmem>>
    %dma_wait3A_716 = arith.constant 160 : i32
    %dma_wait3A_717 = tpu.memref_slice %arg5[%dma_wait3A_716] : memref<512xi32, #tpu.memory_space<vmem>> -> memref<16xi32, #tpu.memory_space<vmem>>
    %dma_wait3A_718 = arith.constant 0 : i32
    %dma_wait3A_719 = arith.constant 0 : i32
    %dma_wait3A_720 = tpu.memref_slice %arg3[%dma_wait3A_718, %dma_wait3A_719] : memref<100000x1024xf32, #tpu.memory_space<hbm>> -> memref<100000x1024xf32, #tpu.memory_space<hbm>>
    %dma_wait3A_721 = tpu.memref_slice %arg7[%dma_wait3A_711] : memref<3x!tpu.dma_semaphore, #tpu.memory_space<semaphore_mem>> -> memref<1x!tpu.dma_semaphore, #tpu.memory_space<semaphore_mem>>
    %dma_wait3A_722 = tpu.memref_squeeze %dma_wait3A_721 : memref<1x!tpu.dma_semaphore, #tpu.memory_space<semaphore_mem>> -> memref<!tpu.dma_semaphore, #tpu.memory_space<semaphore_mem>>
    tpu.wait_indirect_dma semaphore(%dma_wait3A_722 : memref<!tpu.dma_semaphore, #tpu.memory_space<semaphore_mem>>) src(%dma_wait3A_720 : memref<100000x1024xf32, #tpu.memory_space<hbm>>) dst(%dma_wait3A_715 : memref<16x1024xf32, #tpu.memory_space<vmem>>)
    %add3A_723 = arith.constant 160 : i32
    %add3A_724 = arith.addi %mul3A_32, %add3A_723 : i32
    %dma_start3A_725 = arith.constant 1 : i32
    %dma_start3A_726 = arith.constant 1 : i32
    %dma_start3A_727 = arith.constant 0 : i32
    %dma_start3A_728 = arith.constant 0 : i32
    %dma_start3A_729 = tpu.memref_slice %arg6[%dma_start3A_725, %dma_start3A_727, %dma_start3A_728] : memref<3x16x1024xf32, #tpu.memory_space<vmem>> -> memref<1x16x1024xf32, #tpu.memory_space<vmem>>
    %dma_start3A_730 = tpu.memref_squeeze %dma_start3A_729 : memref<1x16x1024xf32, #tpu.memory_space<vmem>> -> memref<16x1024xf32, #tpu.memory_space<vmem>>
    %dma_start3A_731 = arith.constant 0 : i32
    %dma_start3A_732 = tpu.memref_slice %arg4[%select_n3A, %add3A_724, %dma_start3A_731] : memref<4x4096x1024xf32, #tpu.memory_space<hbm>> -> memref<1x16x1024xf32, #tpu.memory_space<hbm>>
    %dma_start3A_733 = tpu.memref_squeeze %dma_start3A_732 : memref<1x16x1024xf32, #tpu.memory_space<hbm>> -> memref<16x1024xf32, #tpu.memory_space<hbm>>
    %dma_start3A_734 = tpu.memref_slice %arg8[%dma_start3A_726] : memref<3x!tpu.dma_semaphore, #tpu.memory_space<semaphore_mem>> -> memref<1x!tpu.dma_semaphore, #tpu.memory_space<semaphore_mem>>
    %dma_start3A_735 = tpu.memref_squeeze %dma_start3A_734 : memref<1x!tpu.dma_semaphore, #tpu.memory_space<semaphore_mem>> -> memref<!tpu.dma_semaphore, #tpu.memory_space<semaphore_mem>>
    %dma_start3A_736 = arith.constant 0 : i32
    %dma_start3A_737 = tpu.memref_slice %arg4[%select_n3A, %add3A_724, %dma_start3A_736] : memref<4x4096x1024xf32, #tpu.memory_space<hbm>> -> memref<1x16x1024xf32, #tpu.memory_space<hbm>>
    %dma_start3A_738 = tpu.memref_squeeze %dma_start3A_737 : memref<1x16x1024xf32, #tpu.memory_space<hbm>> -> memref<16x1024xf32, #tpu.memory_space<hbm>>
    %dma_start3A_739 = arith.constant 0 : i32
    %dma_start3A_740 = arith.constant 0 : i32
    %dma_start3A_741 = tpu.memref_slice %arg6[%dma_start3A_725, %dma_start3A_739, %dma_start3A_740] : memref<3x16x1024xf32, #tpu.memory_space<vmem>> -> memref<1x16x1024xf32, #tpu.memory_space<vmem>>
    %dma_start3A_742 = tpu.memref_squeeze %dma_start3A_741 : memref<1x16x1024xf32, #tpu.memory_space<vmem>> -> memref<16x1024xf32, #tpu.memory_space<vmem>>
    tpu.enqueue_dma source(%dma_start3A_742 : memref<16x1024xf32, #tpu.memory_space<vmem>>) target(%dma_start3A_738 : memref<16x1024xf32, #tpu.memory_space<hbm>>) target_semaphore(%dma_start3A_735 : memref<!tpu.dma_semaphore, #tpu.memory_space<semaphore_mem>>)
    %dma_wait3A_743 = arith.constant 1 : i32
    %dma_wait3A_744 = arith.constant 1 : i32
    %dma_wait3A_745 = arith.constant 0 : i32
    %dma_wait3A_746 = arith.constant 0 : i32
    %dma_wait3A_747 = tpu.memref_slice %arg6[%dma_wait3A_743, %dma_wait3A_745, %dma_wait3A_746] : memref<3x16x1024xf32, #tpu.memory_space<vmem>> -> memref<1x16x1024xf32, #tpu.memory_space<vmem>>
    %dma_wait3A_748 = tpu.memref_squeeze %dma_wait3A_747 : memref<1x16x1024xf32, #tpu.memory_space<vmem>> -> memref<16x1024xf32, #tpu.memory_space<vmem>>
    %dma_wait3A_749 = arith.constant 0 : i32
    %dma_wait3A_750 = tpu.memref_slice %arg4[%select_n3A, %add3A_724, %dma_wait3A_749] : memref<4x4096x1024xf32, #tpu.memory_space<hbm>> -> memref<1x16x1024xf32, #tpu.memory_space<hbm>>
    %dma_wait3A_751 = tpu.memref_squeeze %dma_wait3A_750 : memref<1x16x1024xf32, #tpu.memory_space<hbm>> -> memref<16x1024xf32, #tpu.memory_space<hbm>>
    %dma_wait3A_752 = tpu.memref_slice %arg8[%dma_wait3A_744] : memref<3x!tpu.dma_semaphore, #tpu.memory_space<semaphore_mem>> -> memref<1x!tpu.dma_semaphore, #tpu.memory_space<semaphore_mem>>
    %dma_wait3A_753 = tpu.memref_squeeze %dma_wait3A_752 : memref<1x!tpu.dma_semaphore, #tpu.memory_space<semaphore_mem>> -> memref<!tpu.dma_semaphore, #tpu.memory_space<semaphore_mem>>
    %dma_wait3A_754 = arith.constant 0 : i32
    %dma_wait3A_755 = tpu.memref_slice %arg4[%select_n3A, %add3A_724, %dma_wait3A_754] : memref<4x4096x1024xf32, #tpu.memory_space<hbm>> -> memref<1x16x1024xf32, #tpu.memory_space<hbm>>
    %dma_wait3A_756 = tpu.memref_squeeze %dma_wait3A_755 : memref<1x16x1024xf32, #tpu.memory_space<hbm>> -> memref<16x1024xf32, #tpu.memory_space<hbm>>
    %dma_wait3A_757 = arith.constant 0 : i32
    %dma_wait3A_758 = arith.constant 0 : i32
    %dma_wait3A_759 = tpu.memref_slice %arg6[%dma_wait3A_743, %dma_wait3A_757, %dma_wait3A_758] : memref<3x16x1024xf32, #tpu.memory_space<vmem>> -> memref<1x16x1024xf32, #tpu.memory_space<vmem>>
    %dma_wait3A_760 = tpu.memref_squeeze %dma_wait3A_759 : memref<1x16x1024xf32, #tpu.memory_space<vmem>> -> memref<16x1024xf32, #tpu.memory_space<vmem>>
    tpu.wait_dma2 semaphore(%dma_wait3A_753 : memref<!tpu.dma_semaphore, #tpu.memory_space<semaphore_mem>>) src(%dma_wait3A_760 : memref<16x1024xf32, #tpu.memory_space<vmem>>) dst(%dma_wait3A_756 : memref<16x1024xf32, #tpu.memory_space<hbm>>)
    %dma_start3A_761 = arith.constant 1 : i32
    %dma_start3A_762 = arith.constant 1 : i32
    %dma_start3A_763 = arith.constant 0 : i32
    %dma_start3A_764 = arith.constant 0 : i32
    %dma_start3A_765 = tpu.memref_slice %arg6[%dma_start3A_761, %dma_start3A_763, %dma_start3A_764] : memref<3x16x1024xf32, #tpu.memory_space<vmem>> -> memref<1x16x1024xf32, #tpu.memory_space<vmem>>
    %dma_start3A_766 = tpu.memref_squeeze %dma_start3A_765 : memref<1x16x1024xf32, #tpu.memory_space<vmem>> -> memref<16x1024xf32, #tpu.memory_space<vmem>>
    %dma_start3A_767 = arith.constant 208 : i32
    %dma_start3A_768 = tpu.memref_slice %arg5[%dma_start3A_767] : memref<512xi32, #tpu.memory_space<vmem>> -> memref<16xi32, #tpu.memory_space<vmem>>
    %dma_start3A_769 = arith.constant 0 : i32
    %dma_start3A_770 = arith.constant 0 : i32
    %dma_start3A_771 = tpu.memref_slice %arg3[%dma_start3A_769, %dma_start3A_770] : memref<100000x1024xf32, #tpu.memory_space<hbm>> -> memref<100000x1024xf32, #tpu.memory_space<hbm>>
    %dma_start3A_772 = tpu.memref_slice %arg7[%dma_start3A_762] : memref<3x!tpu.dma_semaphore, #tpu.memory_space<semaphore_mem>> -> memref<1x!tpu.dma_semaphore, #tpu.memory_space<semaphore_mem>>
    %dma_start3A_773 = tpu.memref_squeeze %dma_start3A_772 : memref<1x!tpu.dma_semaphore, #tpu.memory_space<semaphore_mem>> -> memref<!tpu.dma_semaphore, #tpu.memory_space<semaphore_mem>>
    tpu.enqueue_indirect_dma source(%dma_start3A_771 : memref<100000x1024xf32, #tpu.memory_space<hbm>>) target(%dma_start3A_766 : memref<16x1024xf32, #tpu.memory_space<vmem>>) offsets(%dma_start3A_768 : memref<16xi32, #tpu.memory_space<vmem>>) semaphore(%dma_start3A_773 : memref<!tpu.dma_semaphore, #tpu.memory_space<semaphore_mem>>)
    %dma_wait3A_774 = arith.constant 2 : i32
    %dma_wait3A_775 = arith.constant 2 : i32
    %dma_wait3A_776 = arith.constant 0 : i32
    %dma_wait3A_777 = arith.constant 0 : i32
    %dma_wait3A_778 = tpu.memref_slice %arg6[%dma_wait3A_774, %dma_wait3A_776, %dma_wait3A_777] : memref<3x16x1024xf32, #tpu.memory_space<vmem>> -> memref<1x16x1024xf32, #tpu.memory_space<vmem>>
    %dma_wait3A_779 = tpu.memref_squeeze %dma_wait3A_778 : memref<1x16x1024xf32, #tpu.memory_space<vmem>> -> memref<16x1024xf32, #tpu.memory_space<vmem>>
    %dma_wait3A_780 = arith.constant 176 : i32
    %dma_wait3A_781 = tpu.memref_slice %arg5[%dma_wait3A_780] : memref<512xi32, #tpu.memory_space<vmem>> -> memref<16xi32, #tpu.memory_space<vmem>>
    %dma_wait3A_782 = arith.constant 0 : i32
    %dma_wait3A_783 = arith.constant 0 : i32
    %dma_wait3A_784 = tpu.memref_slice %arg3[%dma_wait3A_782, %dma_wait3A_783] : memref<100000x1024xf32, #tpu.memory_space<hbm>> -> memref<100000x1024xf32, #tpu.memory_space<hbm>>
    %dma_wait3A_785 = tpu.memref_slice %arg7[%dma_wait3A_775] : memref<3x!tpu.dma_semaphore, #tpu.memory_space<semaphore_mem>> -> memref<1x!tpu.dma_semaphore, #tpu.memory_space<semaphore_mem>>
    %dma_wait3A_786 = tpu.memref_squeeze %dma_wait3A_785 : memref<1x!tpu.dma_semaphore, #tpu.memory_space<semaphore_mem>> -> memref<!tpu.dma_semaphore, #tpu.memory_space<semaphore_mem>>
    tpu.wait_indirect_dma semaphore(%dma_wait3A_786 : memref<!tpu.dma_semaphore, #tpu.memory_space<semaphore_mem>>) src(%dma_wait3A_784 : memref<100000x1024xf32, #tpu.memory_space<hbm>>) dst(%dma_wait3A_779 : memref<16x1024xf32, #tpu.memory_space<vmem>>)
    %add3A_787 = arith.constant 176 : i32
    %add3A_788 = arith.addi %mul3A_32, %add3A_787 : i32
    %dma_start3A_789 = arith.constant 2 : i32
    %dma_start3A_790 = arith.constant 2 : i32
    %dma_start3A_791 = arith.constant 0 : i32
    %dma_start3A_792 = arith.constant 0 : i32
    %dma_start3A_793 = tpu.memref_slice %arg6[%dma_start3A_789, %dma_start3A_791, %dma_start3A_792] : memref<3x16x1024xf32, #tpu.memory_space<vmem>> -> memref<1x16x1024xf32, #tpu.memory_space<vmem>>
    %dma_start3A_794 = tpu.memref_squeeze %dma_start3A_793 : memref<1x16x1024xf32, #tpu.memory_space<vmem>> -> memref<16x1024xf32, #tpu.memory_space<vmem>>
    %dma_start3A_795 = arith.constant 0 : i32
    %dma_start3A_796 = tpu.memref_slice %arg4[%select_n3A, %add3A_788, %dma_start3A_795] : memref<4x4096x1024xf32, #tpu.memory_space<hbm>> -> memref<1x16x1024xf32, #tpu.memory_space<hbm>>
    %dma_start3A_797 = tpu.memref_squeeze %dma_start3A_796 : memref<1x16x1024xf32, #tpu.memory_space<hbm>> -> memref<16x1024xf32, #tpu.memory_space<hbm>>
    %dma_start3A_798 = tpu.memref_slice %arg8[%dma_start3A_790] : memref<3x!tpu.dma_semaphore, #tpu.memory_space<semaphore_mem>> -> memref<1x!tpu.dma_semaphore, #tpu.memory_space<semaphore_mem>>
    %dma_start3A_799 = tpu.memref_squeeze %dma_start3A_798 : memref<1x!tpu.dma_semaphore, #tpu.memory_space<semaphore_mem>> -> memref<!tpu.dma_semaphore, #tpu.memory_space<semaphore_mem>>
    %dma_start3A_800 = arith.constant 0 : i32
    %dma_start3A_801 = tpu.memref_slice %arg4[%select_n3A, %add3A_788, %dma_start3A_800] : memref<4x4096x1024xf32, #tpu.memory_space<hbm>> -> memref<1x16x1024xf32, #tpu.memory_space<hbm>>
    %dma_start3A_802 = tpu.memref_squeeze %dma_start3A_801 : memref<1x16x1024xf32, #tpu.memory_space<hbm>> -> memref<16x1024xf32, #tpu.memory_space<hbm>>
    %dma_start3A_803 = arith.constant 0 : i32
    %dma_start3A_804 = arith.constant 0 : i32
    %dma_start3A_805 = tpu.memref_slice %arg6[%dma_start3A_789, %dma_start3A_803, %dma_start3A_804] : memref<3x16x1024xf32, #tpu.memory_space<vmem>> -> memref<1x16x1024xf32, #tpu.memory_space<vmem>>
    %dma_start3A_806 = tpu.memref_squeeze %dma_start3A_805 : memref<1x16x1024xf32, #tpu.memory_space<vmem>> -> memref<16x1024xf32, #tpu.memory_space<vmem>>
    tpu.enqueue_dma source(%dma_start3A_806 : memref<16x1024xf32, #tpu.memory_space<vmem>>) target(%dma_start3A_802 : memref<16x1024xf32, #tpu.memory_space<hbm>>) target_semaphore(%dma_start3A_799 : memref<!tpu.dma_semaphore, #tpu.memory_space<semaphore_mem>>)
    %dma_wait3A_807 = arith.constant 2 : i32
    %dma_wait3A_808 = arith.constant 2 : i32
    %dma_wait3A_809 = arith.constant 0 : i32
    %dma_wait3A_810 = arith.constant 0 : i32
    %dma_wait3A_811 = tpu.memref_slice %arg6[%dma_wait3A_807, %dma_wait3A_809, %dma_wait3A_810] : memref<3x16x1024xf32, #tpu.memory_space<vmem>> -> memref<1x16x1024xf32, #tpu.memory_space<vmem>>
    %dma_wait3A_812 = tpu.memref_squeeze %dma_wait3A_811 : memref<1x16x1024xf32, #tpu.memory_space<vmem>> -> memref<16x1024xf32, #tpu.memory_space<vmem>>
    %dma_wait3A_813 = arith.constant 0 : i32
    %dma_wait3A_814 = tpu.memref_slice %arg4[%select_n3A, %add3A_788, %dma_wait3A_813] : memref<4x4096x1024xf32, #tpu.memory_space<hbm>> -> memref<1x16x1024xf32, #tpu.memory_space<hbm>>
    %dma_wait3A_815 = tpu.memref_squeeze %dma_wait3A_814 : memref<1x16x1024xf32, #tpu.memory_space<hbm>> -> memref<16x1024xf32, #tpu.memory_space<hbm>>
    %dma_wait3A_816 = tpu.memref_slice %arg8[%dma_wait3A_808] : memref<3x!tpu.dma_semaphore, #tpu.memory_space<semaphore_mem>> -> memref<1x!tpu.dma_semaphore, #tpu.memory_space<semaphore_mem>>
    %dma_wait3A_817 = tpu.memref_squeeze %dma_wait3A_816 : memref<1x!tpu.dma_semaphore, #tpu.memory_space<semaphore_mem>> -> memref<!tpu.dma_semaphore, #tpu.memory_space<semaphore_mem>>
    %dma_wait3A_818 = arith.constant 0 : i32
    %dma_wait3A_819 = tpu.memref_slice %arg4[%select_n3A, %add3A_788, %dma_wait3A_818] : memref<4x4096x1024xf32, #tpu.memory_space<hbm>> -> memref<1x16x1024xf32, #tpu.memory_space<hbm>>
    %dma_wait3A_820 = tpu.memref_squeeze %dma_wait3A_819 : memref<1x16x1024xf32, #tpu.memory_space<hbm>> -> memref<16x1024xf32, #tpu.memory_space<hbm>>
    %dma_wait3A_821 = arith.constant 0 : i32
    %dma_wait3A_822 = arith.constant 0 : i32
    %dma_wait3A_823 = tpu.memref_slice %arg6[%dma_wait3A_807, %dma_wait3A_821, %dma_wait3A_822] : memref<3x16x1024xf32, #tpu.memory_space<vmem>> -> memref<1x16x1024xf32, #tpu.memory_space<vmem>>
    %dma_wait3A_824 = tpu.memref_squeeze %dma_wait3A_823 : memref<1x16x1024xf32, #tpu.memory_space<vmem>> -> memref<16x1024xf32, #tpu.memory_space<vmem>>
    tpu.wait_dma2 semaphore(%dma_wait3A_817 : memref<!tpu.dma_semaphore, #tpu.memory_space<semaphore_mem>>) src(%dma_wait3A_824 : memref<16x1024xf32, #tpu.memory_space<vmem>>) dst(%dma_wait3A_820 : memref<16x1024xf32, #tpu.memory_space<hbm>>)
    %dma_start3A_825 = arith.constant 2 : i32
    %dma_start3A_826 = arith.constant 2 : i32
    %dma_start3A_827 = arith.constant 0 : i32
    %dma_start3A_828 = arith.constant 0 : i32
    %dma_start3A_829 = tpu.memref_slice %arg6[%dma_start3A_825, %dma_start3A_827, %dma_start3A_828] : memref<3x16x1024xf32, #tpu.memory_space<vmem>> -> memref<1x16x1024xf32, #tpu.memory_space<vmem>>
    %dma_start3A_830 = tpu.memref_squeeze %dma_start3A_829 : memref<1x16x1024xf32, #tpu.memory_space<vmem>> -> memref<16x1024xf32, #tpu.memory_space<vmem>>
    %dma_start3A_831 = arith.constant 224 : i32
    %dma_start3A_832 = tpu.memref_slice %arg5[%dma_start3A_831] : memref<512xi32, #tpu.memory_space<vmem>> -> memref<16xi32, #tpu.memory_space<vmem>>
    %dma_start3A_833 = arith.constant 0 : i32
    %dma_start3A_834 = arith.constant 0 : i32
    %dma_start3A_835 = tpu.memref_slice %arg3[%dma_start3A_833, %dma_start3A_834] : memref<100000x1024xf32, #tpu.memory_space<hbm>> -> memref<100000x1024xf32, #tpu.memory_space<hbm>>
    %dma_start3A_836 = tpu.memref_slice %arg7[%dma_start3A_826] : memref<3x!tpu.dma_semaphore, #tpu.memory_space<semaphore_mem>> -> memref<1x!tpu.dma_semaphore, #tpu.memory_space<semaphore_mem>>
    %dma_start3A_837 = tpu.memref_squeeze %dma_start3A_836 : memref<1x!tpu.dma_semaphore, #tpu.memory_space<semaphore_mem>> -> memref<!tpu.dma_semaphore, #tpu.memory_space<semaphore_mem>>
    tpu.enqueue_indirect_dma source(%dma_start3A_835 : memref<100000x1024xf32, #tpu.memory_space<hbm>>) target(%dma_start3A_830 : memref<16x1024xf32, #tpu.memory_space<vmem>>) offsets(%dma_start3A_832 : memref<16xi32, #tpu.memory_space<vmem>>) semaphore(%dma_start3A_837 : memref<!tpu.dma_semaphore, #tpu.memory_space<semaphore_mem>>)
    %dma_wait3A_838 = arith.constant 0 : i32
    %dma_wait3A_839 = arith.constant 0 : i32
    %dma_wait3A_840 = arith.constant 0 : i32
    %dma_wait3A_841 = arith.constant 0 : i32
    %dma_wait3A_842 = tpu.memref_slice %arg6[%dma_wait3A_838, %dma_wait3A_840, %dma_wait3A_841] : memref<3x16x1024xf32, #tpu.memory_space<vmem>> -> memref<1x16x1024xf32, #tpu.memory_space<vmem>>
    %dma_wait3A_843 = tpu.memref_squeeze %dma_wait3A_842 : memref<1x16x1024xf32, #tpu.memory_space<vmem>> -> memref<16x1024xf32, #tpu.memory_space<vmem>>
    %dma_wait3A_844 = arith.constant 192 : i32
    %dma_wait3A_845 = tpu.memref_slice %arg5[%dma_wait3A_844] : memref<512xi32, #tpu.memory_space<vmem>> -> memref<16xi32, #tpu.memory_space<vmem>>
    %dma_wait3A_846 = arith.constant 0 : i32
    %dma_wait3A_847 = arith.constant 0 : i32
    %dma_wait3A_848 = tpu.memref_slice %arg3[%dma_wait3A_846, %dma_wait3A_847] : memref<100000x1024xf32, #tpu.memory_space<hbm>> -> memref<100000x1024xf32, #tpu.memory_space<hbm>>
    %dma_wait3A_849 = tpu.memref_slice %arg7[%dma_wait3A_839] : memref<3x!tpu.dma_semaphore, #tpu.memory_space<semaphore_mem>> -> memref<1x!tpu.dma_semaphore, #tpu.memory_space<semaphore_mem>>
    %dma_wait3A_850 = tpu.memref_squeeze %dma_wait3A_849 : memref<1x!tpu.dma_semaphore, #tpu.memory_space<semaphore_mem>> -> memref<!tpu.dma_semaphore, #tpu.memory_space<semaphore_mem>>
    tpu.wait_indirect_dma semaphore(%dma_wait3A_850 : memref<!tpu.dma_semaphore, #tpu.memory_space<semaphore_mem>>) src(%dma_wait3A_848 : memref<100000x1024xf32, #tpu.memory_space<hbm>>) dst(%dma_wait3A_843 : memref<16x1024xf32, #tpu.memory_space<vmem>>)
    %add3A_851 = arith.constant 192 : i32
    %add3A_852 = arith.addi %mul3A_32, %add3A_851 : i32
    %dma_start3A_853 = arith.constant 0 : i32
    %dma_start3A_854 = arith.constant 0 : i32
    %dma_start3A_855 = arith.constant 0 : i32
    %dma_start3A_856 = arith.constant 0 : i32
    %dma_start3A_857 = tpu.memref_slice %arg6[%dma_start3A_853, %dma_start3A_855, %dma_start3A_856] : memref<3x16x1024xf32, #tpu.memory_space<vmem>> -> memref<1x16x1024xf32, #tpu.memory_space<vmem>>
    %dma_start3A_858 = tpu.memref_squeeze %dma_start3A_857 : memref<1x16x1024xf32, #tpu.memory_space<vmem>> -> memref<16x1024xf32, #tpu.memory_space<vmem>>
    %dma_start3A_859 = arith.constant 0 : i32
    %dma_start3A_860 = tpu.memref_slice %arg4[%select_n3A, %add3A_852, %dma_start3A_859] : memref<4x4096x1024xf32, #tpu.memory_space<hbm>> -> memref<1x16x1024xf32, #tpu.memory_space<hbm>>
    %dma_start3A_861 = tpu.memref_squeeze %dma_start3A_860 : memref<1x16x1024xf32, #tpu.memory_space<hbm>> -> memref<16x1024xf32, #tpu.memory_space<hbm>>
    %dma_start3A_862 = tpu.memref_slice %arg8[%dma_start3A_854] : memref<3x!tpu.dma_semaphore, #tpu.memory_space<semaphore_mem>> -> memref<1x!tpu.dma_semaphore, #tpu.memory_space<semaphore_mem>>
    %dma_start3A_863 = tpu.memref_squeeze %dma_start3A_862 : memref<1x!tpu.dma_semaphore, #tpu.memory_space<semaphore_mem>> -> memref<!tpu.dma_semaphore, #tpu.memory_space<semaphore_mem>>
    %dma_start3A_864 = arith.constant 0 : i32
    %dma_start3A_865 = tpu.memref_slice %arg4[%select_n3A, %add3A_852, %dma_start3A_864] : memref<4x4096x1024xf32, #tpu.memory_space<hbm>> -> memref<1x16x1024xf32, #tpu.memory_space<hbm>>
    %dma_start3A_866 = tpu.memref_squeeze %dma_start3A_865 : memref<1x16x1024xf32, #tpu.memory_space<hbm>> -> memref<16x1024xf32, #tpu.memory_space<hbm>>
    %dma_start3A_867 = arith.constant 0 : i32
    %dma_start3A_868 = arith.constant 0 : i32
    %dma_start3A_869 = tpu.memref_slice %arg6[%dma_start3A_853, %dma_start3A_867, %dma_start3A_868] : memref<3x16x1024xf32, #tpu.memory_space<vmem>> -> memref<1x16x1024xf32, #tpu.memory_space<vmem>>
    %dma_start3A_870 = tpu.memref_squeeze %dma_start3A_869 : memref<1x16x1024xf32, #tpu.memory_space<vmem>> -> memref<16x1024xf32, #tpu.memory_space<vmem>>
    tpu.enqueue_dma source(%dma_start3A_870 : memref<16x1024xf32, #tpu.memory_space<vmem>>) target(%dma_start3A_866 : memref<16x1024xf32, #tpu.memory_space<hbm>>) target_semaphore(%dma_start3A_863 : memref<!tpu.dma_semaphore, #tpu.memory_space<semaphore_mem>>)
    %dma_wait3A_871 = arith.constant 0 : i32
    %dma_wait3A_872 = arith.constant 0 : i32
    %dma_wait3A_873 = arith.constant 0 : i32
    %dma_wait3A_874 = arith.constant 0 : i32
    %dma_wait3A_875 = tpu.memref_slice %arg6[%dma_wait3A_871, %dma_wait3A_873, %dma_wait3A_874] : memref<3x16x1024xf32, #tpu.memory_space<vmem>> -> memref<1x16x1024xf32, #tpu.memory_space<vmem>>
    %dma_wait3A_876 = tpu.memref_squeeze %dma_wait3A_875 : memref<1x16x1024xf32, #tpu.memory_space<vmem>> -> memref<16x1024xf32, #tpu.memory_space<vmem>>
    %dma_wait3A_877 = arith.constant 0 : i32
    %dma_wait3A_878 = tpu.memref_slice %arg4[%select_n3A, %add3A_852, %dma_wait3A_877] : memref<4x4096x1024xf32, #tpu.memory_space<hbm>> -> memref<1x16x1024xf32, #tpu.memory_space<hbm>>
    %dma_wait3A_879 = tpu.memref_squeeze %dma_wait3A_878 : memref<1x16x1024xf32, #tpu.memory_space<hbm>> -> memref<16x1024xf32, #tpu.memory_space<hbm>>
    %dma_wait3A_880 = tpu.memref_slice %arg8[%dma_wait3A_872] : memref<3x!tpu.dma_semaphore, #tpu.memory_space<semaphore_mem>> -> memref<1x!tpu.dma_semaphore, #tpu.memory_space<semaphore_mem>>
    %dma_wait3A_881 = tpu.memref_squeeze %dma_wait3A_880 : memref<1x!tpu.dma_semaphore, #tpu.memory_space<semaphore_mem>> -> memref<!tpu.dma_semaphore, #tpu.memory_space<semaphore_mem>>
    %dma_wait3A_882 = arith.constant 0 : i32
    %dma_wait3A_883 = tpu.memref_slice %arg4[%select_n3A, %add3A_852, %dma_wait3A_882] : memref<4x4096x1024xf32, #tpu.memory_space<hbm>> -> memref<1x16x1024xf32, #tpu.memory_space<hbm>>
    %dma_wait3A_884 = tpu.memref_squeeze %dma_wait3A_883 : memref<1x16x1024xf32, #tpu.memory_space<hbm>> -> memref<16x1024xf32, #tpu.memory_space<hbm>>
    %dma_wait3A_885 = arith.constant 0 : i32
    %dma_wait3A_886 = arith.constant 0 : i32
    %dma_wait3A_887 = tpu.memref_slice %arg6[%dma_wait3A_871, %dma_wait3A_885, %dma_wait3A_886] : memref<3x16x1024xf32, #tpu.memory_space<vmem>> -> memref<1x16x1024xf32, #tpu.memory_space<vmem>>
    %dma_wait3A_888 = tpu.memref_squeeze %dma_wait3A_887 : memref<1x16x1024xf32, #tpu.memory_space<vmem>> -> memref<16x1024xf32, #tpu.memory_space<vmem>>
    tpu.wait_dma2 semaphore(%dma_wait3A_881 : memref<!tpu.dma_semaphore, #tpu.memory_space<semaphore_mem>>) src(%dma_wait3A_888 : memref<16x1024xf32, #tpu.memory_space<vmem>>) dst(%dma_wait3A_884 : memref<16x1024xf32, #tpu.memory_space<hbm>>)
    %dma_start3A_889 = arith.constant 0 : i32
    %dma_start3A_890 = arith.constant 0 : i32
    %dma_start3A_891 = arith.constant 0 : i32
    %dma_start3A_892 = arith.constant 0 : i32
    %dma_start3A_893 = tpu.memref_slice %arg6[%dma_start3A_889, %dma_start3A_891, %dma_start3A_892] : memref<3x16x1024xf32, #tpu.memory_space<vmem>> -> memref<1x16x1024xf32, #tpu.memory_space<vmem>>
    %dma_start3A_894 = tpu.memref_squeeze %dma_start3A_893 : memref<1x16x1024xf32, #tpu.memory_space<vmem>> -> memref<16x1024xf32, #tpu.memory_space<vmem>>
    %dma_start3A_895 = arith.constant 240 : i32
    %dma_start3A_896 = tpu.memref_slice %arg5[%dma_start3A_895] : memref<512xi32, #tpu.memory_space<vmem>> -> memref<16xi32, #tpu.memory_space<vmem>>
    %dma_start3A_897 = arith.constant 0 : i32
    %dma_start3A_898 = arith.constant 0 : i32
    %dma_start3A_899 = tpu.memref_slice %arg3[%dma_start3A_897, %dma_start3A_898] : memref<100000x1024xf32, #tpu.memory_space<hbm>> -> memref<100000x1024xf32, #tpu.memory_space<hbm>>
    %dma_start3A_900 = tpu.memref_slice %arg7[%dma_start3A_890] : memref<3x!tpu.dma_semaphore, #tpu.memory_space<semaphore_mem>> -> memref<1x!tpu.dma_semaphore, #tpu.memory_space<semaphore_mem>>
    %dma_start3A_901 = tpu.memref_squeeze %dma_start3A_900 : memref<1x!tpu.dma_semaphore, #tpu.memory_space<semaphore_mem>> -> memref<!tpu.dma_semaphore, #tpu.memory_space<semaphore_mem>>
    tpu.enqueue_indirect_dma source(%dma_start3A_899 : memref<100000x1024xf32, #tpu.memory_space<hbm>>) target(%dma_start3A_894 : memref<16x1024xf32, #tpu.memory_space<vmem>>) offsets(%dma_start3A_896 : memref<16xi32, #tpu.memory_space<vmem>>) semaphore(%dma_start3A_901 : memref<!tpu.dma_semaphore, #tpu.memory_space<semaphore_mem>>)
    %dma_wait3A_902 = arith.constant 1 : i32
    %dma_wait3A_903 = arith.constant 1 : i32
    %dma_wait3A_904 = arith.constant 0 : i32
    %dma_wait3A_905 = arith.constant 0 : i32
    %dma_wait3A_906 = tpu.memref_slice %arg6[%dma_wait3A_902, %dma_wait3A_904, %dma_wait3A_905] : memref<3x16x1024xf32, #tpu.memory_space<vmem>> -> memref<1x16x1024xf32, #tpu.memory_space<vmem>>
    %dma_wait3A_907 = tpu.memref_squeeze %dma_wait3A_906 : memref<1x16x1024xf32, #tpu.memory_space<vmem>> -> memref<16x1024xf32, #tpu.memory_space<vmem>>
    %dma_wait3A_908 = arith.constant 208 : i32
    %dma_wait3A_909 = tpu.memref_slice %arg5[%dma_wait3A_908] : memref<512xi32, #tpu.memory_space<vmem>> -> memref<16xi32, #tpu.memory_space<vmem>>
    %dma_wait3A_910 = arith.constant 0 : i32
    %dma_wait3A_911 = arith.constant 0 : i32
    %dma_wait3A_912 = tpu.memref_slice %arg3[%dma_wait3A_910, %dma_wait3A_911] : memref<100000x1024xf32, #tpu.memory_space<hbm>> -> memref<100000x1024xf32, #tpu.memory_space<hbm>>
    %dma_wait3A_913 = tpu.memref_slice %arg7[%dma_wait3A_903] : memref<3x!tpu.dma_semaphore, #tpu.memory_space<semaphore_mem>> -> memref<1x!tpu.dma_semaphore, #tpu.memory_space<semaphore_mem>>
    %dma_wait3A_914 = tpu.memref_squeeze %dma_wait3A_913 : memref<1x!tpu.dma_semaphore, #tpu.memory_space<semaphore_mem>> -> memref<!tpu.dma_semaphore, #tpu.memory_space<semaphore_mem>>
    tpu.wait_indirect_dma semaphore(%dma_wait3A_914 : memref<!tpu.dma_semaphore, #tpu.memory_space<semaphore_mem>>) src(%dma_wait3A_912 : memref<100000x1024xf32, #tpu.memory_space<hbm>>) dst(%dma_wait3A_907 : memref<16x1024xf32, #tpu.memory_space<vmem>>)
    %add3A_915 = arith.constant 208 : i32
    %add3A_916 = arith.addi %mul3A_32, %add3A_915 : i32
    %dma_start3A_917 = arith.constant 1 : i32
    %dma_start3A_918 = arith.constant 1 : i32
    %dma_start3A_919 = arith.constant 0 : i32
    %dma_start3A_920 = arith.constant 0 : i32
    %dma_start3A_921 = tpu.memref_slice %arg6[%dma_start3A_917, %dma_start3A_919, %dma_start3A_920] : memref<3x16x1024xf32, #tpu.memory_space<vmem>> -> memref<1x16x1024xf32, #tpu.memory_space<vmem>>
    %dma_start3A_922 = tpu.memref_squeeze %dma_start3A_921 : memref<1x16x1024xf32, #tpu.memory_space<vmem>> -> memref<16x1024xf32, #tpu.memory_space<vmem>>
    %dma_start3A_923 = arith.constant 0 : i32
    %dma_start3A_924 = tpu.memref_slice %arg4[%select_n3A, %add3A_916, %dma_start3A_923] : memref<4x4096x1024xf32, #tpu.memory_space<hbm>> -> memref<1x16x1024xf32, #tpu.memory_space<hbm>>
    %dma_start3A_925 = tpu.memref_squeeze %dma_start3A_924 : memref<1x16x1024xf32, #tpu.memory_space<hbm>> -> memref<16x1024xf32, #tpu.memory_space<hbm>>
    %dma_start3A_926 = tpu.memref_slice %arg8[%dma_start3A_918] : memref<3x!tpu.dma_semaphore, #tpu.memory_space<semaphore_mem>> -> memref<1x!tpu.dma_semaphore, #tpu.memory_space<semaphore_mem>>
    %dma_start3A_927 = tpu.memref_squeeze %dma_start3A_926 : memref<1x!tpu.dma_semaphore, #tpu.memory_space<semaphore_mem>> -> memref<!tpu.dma_semaphore, #tpu.memory_space<semaphore_mem>>
    %dma_start3A_928 = arith.constant 0 : i32
    %dma_start3A_929 = tpu.memref_slice %arg4[%select_n3A, %add3A_916, %dma_start3A_928] : memref<4x4096x1024xf32, #tpu.memory_space<hbm>> -> memref<1x16x1024xf32, #tpu.memory_space<hbm>>
    %dma_start3A_930 = tpu.memref_squeeze %dma_start3A_929 : memref<1x16x1024xf32, #tpu.memory_space<hbm>> -> memref<16x1024xf32, #tpu.memory_space<hbm>>
    %dma_start3A_931 = arith.constant 0 : i32
    %dma_start3A_932 = arith.constant 0 : i32
    %dma_start3A_933 = tpu.memref_slice %arg6[%dma_start3A_917, %dma_start3A_931, %dma_start3A_932] : memref<3x16x1024xf32, #tpu.memory_space<vmem>> -> memref<1x16x1024xf32, #tpu.memory_space<vmem>>
    %dma_start3A_934 = tpu.memref_squeeze %dma_start3A_933 : memref<1x16x1024xf32, #tpu.memory_space<vmem>> -> memref<16x1024xf32, #tpu.memory_space<vmem>>
    tpu.enqueue_dma source(%dma_start3A_934 : memref<16x1024xf32, #tpu.memory_space<vmem>>) target(%dma_start3A_930 : memref<16x1024xf32, #tpu.memory_space<hbm>>) target_semaphore(%dma_start3A_927 : memref<!tpu.dma_semaphore, #tpu.memory_space<semaphore_mem>>)
    %dma_wait3A_935 = arith.constant 1 : i32
    %dma_wait3A_936 = arith.constant 1 : i32
    %dma_wait3A_937 = arith.constant 0 : i32
    %dma_wait3A_938 = arith.constant 0 : i32
    %dma_wait3A_939 = tpu.memref_slice %arg6[%dma_wait3A_935, %dma_wait3A_937, %dma_wait3A_938] : memref<3x16x1024xf32, #tpu.memory_space<vmem>> -> memref<1x16x1024xf32, #tpu.memory_space<vmem>>
    %dma_wait3A_940 = tpu.memref_squeeze %dma_wait3A_939 : memref<1x16x1024xf32, #tpu.memory_space<vmem>> -> memref<16x1024xf32, #tpu.memory_space<vmem>>
    %dma_wait3A_941 = arith.constant 0 : i32
    %dma_wait3A_942 = tpu.memref_slice %arg4[%select_n3A, %add3A_916, %dma_wait3A_941] : memref<4x4096x1024xf32, #tpu.memory_space<hbm>> -> memref<1x16x1024xf32, #tpu.memory_space<hbm>>
    %dma_wait3A_943 = tpu.memref_squeeze %dma_wait3A_942 : memref<1x16x1024xf32, #tpu.memory_space<hbm>> -> memref<16x1024xf32, #tpu.memory_space<hbm>>
    %dma_wait3A_944 = tpu.memref_slice %arg8[%dma_wait3A_936] : memref<3x!tpu.dma_semaphore, #tpu.memory_space<semaphore_mem>> -> memref<1x!tpu.dma_semaphore, #tpu.memory_space<semaphore_mem>>
    %dma_wait3A_945 = tpu.memref_squeeze %dma_wait3A_944 : memref<1x!tpu.dma_semaphore, #tpu.memory_space<semaphore_mem>> -> memref<!tpu.dma_semaphore, #tpu.memory_space<semaphore_mem>>
    %dma_wait3A_946 = arith.constant 0 : i32
    %dma_wait3A_947 = tpu.memref_slice %arg4[%select_n3A, %add3A_916, %dma_wait3A_946] : memref<4x4096x1024xf32, #tpu.memory_space<hbm>> -> memref<1x16x1024xf32, #tpu.memory_space<hbm>>
    %dma_wait3A_948 = tpu.memref_squeeze %dma_wait3A_947 : memref<1x16x1024xf32, #tpu.memory_space<hbm>> -> memref<16x1024xf32, #tpu.memory_space<hbm>>
    %dma_wait3A_949 = arith.constant 0 : i32
    %dma_wait3A_950 = arith.constant 0 : i32
    %dma_wait3A_951 = tpu.memref_slice %arg6[%dma_wait3A_935, %dma_wait3A_949, %dma_wait3A_950] : memref<3x16x1024xf32, #tpu.memory_space<vmem>> -> memref<1x16x1024xf32, #tpu.memory_space<vmem>>
    %dma_wait3A_952 = tpu.memref_squeeze %dma_wait3A_951 : memref<1x16x1024xf32, #tpu.memory_space<vmem>> -> memref<16x1024xf32, #tpu.memory_space<vmem>>
    tpu.wait_dma2 semaphore(%dma_wait3A_945 : memref<!tpu.dma_semaphore, #tpu.memory_space<semaphore_mem>>) src(%dma_wait3A_952 : memref<16x1024xf32, #tpu.memory_space<vmem>>) dst(%dma_wait3A_948 : memref<16x1024xf32, #tpu.memory_space<hbm>>)
    %dma_start3A_953 = arith.constant 1 : i32
    %dma_start3A_954 = arith.constant 1 : i32
    %dma_start3A_955 = arith.constant 0 : i32
    %dma_start3A_956 = arith.constant 0 : i32
    %dma_start3A_957 = tpu.memref_slice %arg6[%dma_start3A_953, %dma_start3A_955, %dma_start3A_956] : memref<3x16x1024xf32, #tpu.memory_space<vmem>> -> memref<1x16x1024xf32, #tpu.memory_space<vmem>>
    %dma_start3A_958 = tpu.memref_squeeze %dma_start3A_957 : memref<1x16x1024xf32, #tpu.memory_space<vmem>> -> memref<16x1024xf32, #tpu.memory_space<vmem>>
    %dma_start3A_959 = arith.constant 256 : i32
    %dma_start3A_960 = tpu.memref_slice %arg5[%dma_start3A_959] : memref<512xi32, #tpu.memory_space<vmem>> -> memref<16xi32, #tpu.memory_space<vmem>>
    %dma_start3A_961 = arith.constant 0 : i32
    %dma_start3A_962 = arith.constant 0 : i32
    %dma_start3A_963 = tpu.memref_slice %arg3[%dma_start3A_961, %dma_start3A_962] : memref<100000x1024xf32, #tpu.memory_space<hbm>> -> memref<100000x1024xf32, #tpu.memory_space<hbm>>
    %dma_start3A_964 = tpu.memref_slice %arg7[%dma_start3A_954] : memref<3x!tpu.dma_semaphore, #tpu.memory_space<semaphore_mem>> -> memref<1x!tpu.dma_semaphore, #tpu.memory_space<semaphore_mem>>
    %dma_start3A_965 = tpu.memref_squeeze %dma_start3A_964 : memref<1x!tpu.dma_semaphore, #tpu.memory_space<semaphore_mem>> -> memref<!tpu.dma_semaphore, #tpu.memory_space<semaphore_mem>>
    tpu.enqueue_indirect_dma source(%dma_start3A_963 : memref<100000x1024xf32, #tpu.memory_space<hbm>>) target(%dma_start3A_958 : memref<16x1024xf32, #tpu.memory_space<vmem>>) offsets(%dma_start3A_960 : memref<16xi32, #tpu.memory_space<vmem>>) semaphore(%dma_start3A_965 : memref<!tpu.dma_semaphore, #tpu.memory_space<semaphore_mem>>)
    %dma_wait3A_966 = arith.constant 2 : i32
    %dma_wait3A_967 = arith.constant 2 : i32
    %dma_wait3A_968 = arith.constant 0 : i32
    %dma_wait3A_969 = arith.constant 0 : i32
    %dma_wait3A_970 = tpu.memref_slice %arg6[%dma_wait3A_966, %dma_wait3A_968, %dma_wait3A_969] : memref<3x16x1024xf32, #tpu.memory_space<vmem>> -> memref<1x16x1024xf32, #tpu.memory_space<vmem>>
    %dma_wait3A_971 = tpu.memref_squeeze %dma_wait3A_970 : memref<1x16x1024xf32, #tpu.memory_space<vmem>> -> memref<16x1024xf32, #tpu.memory_space<vmem>>
    %dma_wait3A_972 = arith.constant 224 : i32
    %dma_wait3A_973 = tpu.memref_slice %arg5[%dma_wait3A_972] : memref<512xi32, #tpu.memory_space<vmem>> -> memref<16xi32, #tpu.memory_space<vmem>>
    %dma_wait3A_974 = arith.constant 0 : i32
    %dma_wait3A_975 = arith.constant 0 : i32
    %dma_wait3A_976 = tpu.memref_slice %arg3[%dma_wait3A_974, %dma_wait3A_975] : memref<100000x1024xf32, #tpu.memory_space<hbm>> -> memref<100000x1024xf32, #tpu.memory_space<hbm>>
    %dma_wait3A_977 = tpu.memref_slice %arg7[%dma_wait3A_967] : memref<3x!tpu.dma_semaphore, #tpu.memory_space<semaphore_mem>> -> memref<1x!tpu.dma_semaphore, #tpu.memory_space<semaphore_mem>>
    %dma_wait3A_978 = tpu.memref_squeeze %dma_wait3A_977 : memref<1x!tpu.dma_semaphore, #tpu.memory_space<semaphore_mem>> -> memref<!tpu.dma_semaphore, #tpu.memory_space<semaphore_mem>>
    tpu.wait_indirect_dma semaphore(%dma_wait3A_978 : memref<!tpu.dma_semaphore, #tpu.memory_space<semaphore_mem>>) src(%dma_wait3A_976 : memref<100000x1024xf32, #tpu.memory_space<hbm>>) dst(%dma_wait3A_971 : memref<16x1024xf32, #tpu.memory_space<vmem>>)
    %add3A_979 = arith.constant 224 : i32
    %add3A_980 = arith.addi %mul3A_32, %add3A_979 : i32
    %dma_start3A_981 = arith.constant 2 : i32
    %dma_start3A_982 = arith.constant 2 : i32
    %dma_start3A_983 = arith.constant 0 : i32
    %dma_start3A_984 = arith.constant 0 : i32
    %dma_start3A_985 = tpu.memref_slice %arg6[%dma_start3A_981, %dma_start3A_983, %dma_start3A_984] : memref<3x16x1024xf32, #tpu.memory_space<vmem>> -> memref<1x16x1024xf32, #tpu.memory_space<vmem>>
    %dma_start3A_986 = tpu.memref_squeeze %dma_start3A_985 : memref<1x16x1024xf32, #tpu.memory_space<vmem>> -> memref<16x1024xf32, #tpu.memory_space<vmem>>
    %dma_start3A_987 = arith.constant 0 : i32
    %dma_start3A_988 = tpu.memref_slice %arg4[%select_n3A, %add3A_980, %dma_start3A_987] : memref<4x4096x1024xf32, #tpu.memory_space<hbm>> -> memref<1x16x1024xf32, #tpu.memory_space<hbm>>
    %dma_start3A_989 = tpu.memref_squeeze %dma_start3A_988 : memref<1x16x1024xf32, #tpu.memory_space<hbm>> -> memref<16x1024xf32, #tpu.memory_space<hbm>>
    %dma_start3A_990 = tpu.memref_slice %arg8[%dma_start3A_982] : memref<3x!tpu.dma_semaphore, #tpu.memory_space<semaphore_mem>> -> memref<1x!tpu.dma_semaphore, #tpu.memory_space<semaphore_mem>>
    %dma_start3A_991 = tpu.memref_squeeze %dma_start3A_990 : memref<1x!tpu.dma_semaphore, #tpu.memory_space<semaphore_mem>> -> memref<!tpu.dma_semaphore, #tpu.memory_space<semaphore_mem>>
    %dma_start3A_992 = arith.constant 0 : i32
    %dma_start3A_993 = tpu.memref_slice %arg4[%select_n3A, %add3A_980, %dma_start3A_992] : memref<4x4096x1024xf32, #tpu.memory_space<hbm>> -> memref<1x16x1024xf32, #tpu.memory_space<hbm>>
    %dma_start3A_994 = tpu.memref_squeeze %dma_start3A_993 : memref<1x16x1024xf32, #tpu.memory_space<hbm>> -> memref<16x1024xf32, #tpu.memory_space<hbm>>
    %dma_start3A_995 = arith.constant 0 : i32
    %dma_start3A_996 = arith.constant 0 : i32
    %dma_start3A_997 = tpu.memref_slice %arg6[%dma_start3A_981, %dma_start3A_995, %dma_start3A_996] : memref<3x16x1024xf32, #tpu.memory_space<vmem>> -> memref<1x16x1024xf32, #tpu.memory_space<vmem>>
    %dma_start3A_998 = tpu.memref_squeeze %dma_start3A_997 : memref<1x16x1024xf32, #tpu.memory_space<vmem>> -> memref<16x1024xf32, #tpu.memory_space<vmem>>
    tpu.enqueue_dma source(%dma_start3A_998 : memref<16x1024xf32, #tpu.memory_space<vmem>>) target(%dma_start3A_994 : memref<16x1024xf32, #tpu.memory_space<hbm>>) target_semaphore(%dma_start3A_991 : memref<!tpu.dma_semaphore, #tpu.memory_space<semaphore_mem>>)
    %dma_wait3A_999 = arith.constant 2 : i32
    %dma_wait3A_1000 = arith.constant 2 : i32
    %dma_wait3A_1001 = arith.constant 0 : i32
    %dma_wait3A_1002 = arith.constant 0 : i32
    %dma_wait3A_1003 = tpu.memref_slice %arg6[%dma_wait3A_999, %dma_wait3A_1001, %dma_wait3A_1002] : memref<3x16x1024xf32, #tpu.memory_space<vmem>> -> memref<1x16x1024xf32, #tpu.memory_space<vmem>>
    %dma_wait3A_1004 = tpu.memref_squeeze %dma_wait3A_1003 : memref<1x16x1024xf32, #tpu.memory_space<vmem>> -> memref<16x1024xf32, #tpu.memory_space<vmem>>
    %dma_wait3A_1005 = arith.constant 0 : i32
    %dma_wait3A_1006 = tpu.memref_slice %arg4[%select_n3A, %add3A_980, %dma_wait3A_1005] : memref<4x4096x1024xf32, #tpu.memory_space<hbm>> -> memref<1x16x1024xf32, #tpu.memory_space<hbm>>
    %dma_wait3A_1007 = tpu.memref_squeeze %dma_wait3A_1006 : memref<1x16x1024xf32, #tpu.memory_space<hbm>> -> memref<16x1024xf32, #tpu.memory_space<hbm>>
    %dma_wait3A_1008 = tpu.memref_slice %arg8[%dma_wait3A_1000] : memref<3x!tpu.dma_semaphore, #tpu.memory_space<semaphore_mem>> -> memref<1x!tpu.dma_semaphore, #tpu.memory_space<semaphore_mem>>
    %dma_wait3A_1009 = tpu.memref_squeeze %dma_wait3A_1008 : memref<1x!tpu.dma_semaphore, #tpu.memory_space<semaphore_mem>> -> memref<!tpu.dma_semaphore, #tpu.memory_space<semaphore_mem>>
    %dma_wait3A_1010 = arith.constant 0 : i32
    %dma_wait3A_1011 = tpu.memref_slice %arg4[%select_n3A, %add3A_980, %dma_wait3A_1010] : memref<4x4096x1024xf32, #tpu.memory_space<hbm>> -> memref<1x16x1024xf32, #tpu.memory_space<hbm>>
    %dma_wait3A_1012 = tpu.memref_squeeze %dma_wait3A_1011 : memref<1x16x1024xf32, #tpu.memory_space<hbm>> -> memref<16x1024xf32, #tpu.memory_space<hbm>>
    %dma_wait3A_1013 = arith.constant 0 : i32
    %dma_wait3A_1014 = arith.constant 0 : i32
    %dma_wait3A_1015 = tpu.memref_slice %arg6[%dma_wait3A_999, %dma_wait3A_1013, %dma_wait3A_1014] : memref<3x16x1024xf32, #tpu.memory_space<vmem>> -> memref<1x16x1024xf32, #tpu.memory_space<vmem>>
    %dma_wait3A_1016 = tpu.memref_squeeze %dma_wait3A_1015 : memref<1x16x1024xf32, #tpu.memory_space<vmem>> -> memref<16x1024xf32, #tpu.memory_space<vmem>>
    tpu.wait_dma2 semaphore(%dma_wait3A_1009 : memref<!tpu.dma_semaphore, #tpu.memory_space<semaphore_mem>>) src(%dma_wait3A_1016 : memref<16x1024xf32, #tpu.memory_space<vmem>>) dst(%dma_wait3A_1012 : memref<16x1024xf32, #tpu.memory_space<hbm>>)
    %dma_start3A_1017 = arith.constant 2 : i32
    %dma_start3A_1018 = arith.constant 2 : i32
    %dma_start3A_1019 = arith.constant 0 : i32
    %dma_start3A_1020 = arith.constant 0 : i32
    %dma_start3A_1021 = tpu.memref_slice %arg6[%dma_start3A_1017, %dma_start3A_1019, %dma_start3A_1020] : memref<3x16x1024xf32, #tpu.memory_space<vmem>> -> memref<1x16x1024xf32, #tpu.memory_space<vmem>>
    %dma_start3A_1022 = tpu.memref_squeeze %dma_start3A_1021 : memref<1x16x1024xf32, #tpu.memory_space<vmem>> -> memref<16x1024xf32, #tpu.memory_space<vmem>>
    %dma_start3A_1023 = arith.constant 272 : i32
    %dma_start3A_1024 = tpu.memref_slice %arg5[%dma_start3A_1023] : memref<512xi32, #tpu.memory_space<vmem>> -> memref<16xi32, #tpu.memory_space<vmem>>
    %dma_start3A_1025 = arith.constant 0 : i32
    %dma_start3A_1026 = arith.constant 0 : i32
    %dma_start3A_1027 = tpu.memref_slice %arg3[%dma_start3A_1025, %dma_start3A_1026] : memref<100000x1024xf32, #tpu.memory_space<hbm>> -> memref<100000x1024xf32, #tpu.memory_space<hbm>>
    %dma_start3A_1028 = tpu.memref_slice %arg7[%dma_start3A_1018] : memref<3x!tpu.dma_semaphore, #tpu.memory_space<semaphore_mem>> -> memref<1x!tpu.dma_semaphore, #tpu.memory_space<semaphore_mem>>
    %dma_start3A_1029 = tpu.memref_squeeze %dma_start3A_1028 : memref<1x!tpu.dma_semaphore, #tpu.memory_space<semaphore_mem>> -> memref<!tpu.dma_semaphore, #tpu.memory_space<semaphore_mem>>
    tpu.enqueue_indirect_dma source(%dma_start3A_1027 : memref<100000x1024xf32, #tpu.memory_space<hbm>>) target(%dma_start3A_1022 : memref<16x1024xf32, #tpu.memory_space<vmem>>) offsets(%dma_start3A_1024 : memref<16xi32, #tpu.memory_space<vmem>>) semaphore(%dma_start3A_1029 : memref<!tpu.dma_semaphore, #tpu.memory_space<semaphore_mem>>)
    %dma_wait3A_1030 = arith.constant 0 : i32
    %dma_wait3A_1031 = arith.constant 0 : i32
    %dma_wait3A_1032 = arith.constant 0 : i32
    %dma_wait3A_1033 = arith.constant 0 : i32
    %dma_wait3A_1034 = tpu.memref_slice %arg6[%dma_wait3A_1030, %dma_wait3A_1032, %dma_wait3A_1033] : memref<3x16x1024xf32, #tpu.memory_space<vmem>> -> memref<1x16x1024xf32, #tpu.memory_space<vmem>>
    %dma_wait3A_1035 = tpu.memref_squeeze %dma_wait3A_1034 : memref<1x16x1024xf32, #tpu.memory_space<vmem>> -> memref<16x1024xf32, #tpu.memory_space<vmem>>
    %dma_wait3A_1036 = arith.constant 240 : i32
    %dma_wait3A_1037 = tpu.memref_slice %arg5[%dma_wait3A_1036] : memref<512xi32, #tpu.memory_space<vmem>> -> memref<16xi32, #tpu.memory_space<vmem>>
    %dma_wait3A_1038 = arith.constant 0 : i32
    %dma_wait3A_1039 = arith.constant 0 : i32
    %dma_wait3A_1040 = tpu.memref_slice %arg3[%dma_wait3A_1038, %dma_wait3A_1039] : memref<100000x1024xf32, #tpu.memory_space<hbm>> -> memref<100000x1024xf32, #tpu.memory_space<hbm>>
    %dma_wait3A_1041 = tpu.memref_slice %arg7[%dma_wait3A_1031] : memref<3x!tpu.dma_semaphore, #tpu.memory_space<semaphore_mem>> -> memref<1x!tpu.dma_semaphore, #tpu.memory_space<semaphore_mem>>
    %dma_wait3A_1042 = tpu.memref_squeeze %dma_wait3A_1041 : memref<1x!tpu.dma_semaphore, #tpu.memory_space<semaphore_mem>> -> memref<!tpu.dma_semaphore, #tpu.memory_space<semaphore_mem>>
    tpu.wait_indirect_dma semaphore(%dma_wait3A_1042 : memref<!tpu.dma_semaphore, #tpu.memory_space<semaphore_mem>>) src(%dma_wait3A_1040 : memref<100000x1024xf32, #tpu.memory_space<hbm>>) dst(%dma_wait3A_1035 : memref<16x1024xf32, #tpu.memory_space<vmem>>)
    %add3A_1043 = arith.constant 240 : i32
    %add3A_1044 = arith.addi %mul3A_32, %add3A_1043 : i32
    %dma_start3A_1045 = arith.constant 0 : i32
    %dma_start3A_1046 = arith.constant 0 : i32
    %dma_start3A_1047 = arith.constant 0 : i32
    %dma_start3A_1048 = arith.constant 0 : i32
    %dma_start3A_1049 = tpu.memref_slice %arg6[%dma_start3A_1045, %dma_start3A_1047, %dma_start3A_1048] : memref<3x16x1024xf32, #tpu.memory_space<vmem>> -> memref<1x16x1024xf32, #tpu.memory_space<vmem>>
    %dma_start3A_1050 = tpu.memref_squeeze %dma_start3A_1049 : memref<1x16x1024xf32, #tpu.memory_space<vmem>> -> memref<16x1024xf32, #tpu.memory_space<vmem>>
    %dma_start3A_1051 = arith.constant 0 : i32
    %dma_start3A_1052 = tpu.memref_slice %arg4[%select_n3A, %add3A_1044, %dma_start3A_1051] : memref<4x4096x1024xf32, #tpu.memory_space<hbm>> -> memref<1x16x1024xf32, #tpu.memory_space<hbm>>
    %dma_start3A_1053 = tpu.memref_squeeze %dma_start3A_1052 : memref<1x16x1024xf32, #tpu.memory_space<hbm>> -> memref<16x1024xf32, #tpu.memory_space<hbm>>
    %dma_start3A_1054 = tpu.memref_slice %arg8[%dma_start3A_1046] : memref<3x!tpu.dma_semaphore, #tpu.memory_space<semaphore_mem>> -> memref<1x!tpu.dma_semaphore, #tpu.memory_space<semaphore_mem>>
    %dma_start3A_1055 = tpu.memref_squeeze %dma_start3A_1054 : memref<1x!tpu.dma_semaphore, #tpu.memory_space<semaphore_mem>> -> memref<!tpu.dma_semaphore, #tpu.memory_space<semaphore_mem>>
    %dma_start3A_1056 = arith.constant 0 : i32
    %dma_start3A_1057 = tpu.memref_slice %arg4[%select_n3A, %add3A_1044, %dma_start3A_1056] : memref<4x4096x1024xf32, #tpu.memory_space<hbm>> -> memref<1x16x1024xf32, #tpu.memory_space<hbm>>
    %dma_start3A_1058 = tpu.memref_squeeze %dma_start3A_1057 : memref<1x16x1024xf32, #tpu.memory_space<hbm>> -> memref<16x1024xf32, #tpu.memory_space<hbm>>
    %dma_start3A_1059 = arith.constant 0 : i32
    %dma_start3A_1060 = arith.constant 0 : i32
    %dma_start3A_1061 = tpu.memref_slice %arg6[%dma_start3A_1045, %dma_start3A_1059, %dma_start3A_1060] : memref<3x16x1024xf32, #tpu.memory_space<vmem>> -> memref<1x16x1024xf32, #tpu.memory_space<vmem>>
    %dma_start3A_1062 = tpu.memref_squeeze %dma_start3A_1061 : memref<1x16x1024xf32, #tpu.memory_space<vmem>> -> memref<16x1024xf32, #tpu.memory_space<vmem>>
    tpu.enqueue_dma source(%dma_start3A_1062 : memref<16x1024xf32, #tpu.memory_space<vmem>>) target(%dma_start3A_1058 : memref<16x1024xf32, #tpu.memory_space<hbm>>) target_semaphore(%dma_start3A_1055 : memref<!tpu.dma_semaphore, #tpu.memory_space<semaphore_mem>>)
    %dma_wait3A_1063 = arith.constant 0 : i32
    %dma_wait3A_1064 = arith.constant 0 : i32
    %dma_wait3A_1065 = arith.constant 0 : i32
    %dma_wait3A_1066 = arith.constant 0 : i32
    %dma_wait3A_1067 = tpu.memref_slice %arg6[%dma_wait3A_1063, %dma_wait3A_1065, %dma_wait3A_1066] : memref<3x16x1024xf32, #tpu.memory_space<vmem>> -> memref<1x16x1024xf32, #tpu.memory_space<vmem>>
    %dma_wait3A_1068 = tpu.memref_squeeze %dma_wait3A_1067 : memref<1x16x1024xf32, #tpu.memory_space<vmem>> -> memref<16x1024xf32, #tpu.memory_space<vmem>>
    %dma_wait3A_1069 = arith.constant 0 : i32
    %dma_wait3A_1070 = tpu.memref_slice %arg4[%select_n3A, %add3A_1044, %dma_wait3A_1069] : memref<4x4096x1024xf32, #tpu.memory_space<hbm>> -> memref<1x16x1024xf32, #tpu.memory_space<hbm>>
    %dma_wait3A_1071 = tpu.memref_squeeze %dma_wait3A_1070 : memref<1x16x1024xf32, #tpu.memory_space<hbm>> -> memref<16x1024xf32, #tpu.memory_space<hbm>>
    %dma_wait3A_1072 = tpu.memref_slice %arg8[%dma_wait3A_1064] : memref<3x!tpu.dma_semaphore, #tpu.memory_space<semaphore_mem>> -> memref<1x!tpu.dma_semaphore, #tpu.memory_space<semaphore_mem>>
    %dma_wait3A_1073 = tpu.memref_squeeze %dma_wait3A_1072 : memref<1x!tpu.dma_semaphore, #tpu.memory_space<semaphore_mem>> -> memref<!tpu.dma_semaphore, #tpu.memory_space<semaphore_mem>>
    %dma_wait3A_1074 = arith.constant 0 : i32
    %dma_wait3A_1075 = tpu.memref_slice %arg4[%select_n3A, %add3A_1044, %dma_wait3A_1074] : memref<4x4096x1024xf32, #tpu.memory_space<hbm>> -> memref<1x16x1024xf32, #tpu.memory_space<hbm>>
    %dma_wait3A_1076 = tpu.memref_squeeze %dma_wait3A_1075 : memref<1x16x1024xf32, #tpu.memory_space<hbm>> -> memref<16x1024xf32, #tpu.memory_space<hbm>>
    %dma_wait3A_1077 = arith.constant 0 : i32
    %dma_wait3A_1078 = arith.constant 0 : i32
    %dma_wait3A_1079 = tpu.memref_slice %arg6[%dma_wait3A_1063, %dma_wait3A_1077, %dma_wait3A_1078] : memref<3x16x1024xf32, #tpu.memory_space<vmem>> -> memref<1x16x1024xf32, #tpu.memory_space<vmem>>
    %dma_wait3A_1080 = tpu.memref_squeeze %dma_wait3A_1079 : memref<1x16x1024xf32, #tpu.memory_space<vmem>> -> memref<16x1024xf32, #tpu.memory_space<vmem>>
    tpu.wait_dma2 semaphore(%dma_wait3A_1073 : memref<!tpu.dma_semaphore, #tpu.memory_space<semaphore_mem>>) src(%dma_wait3A_1080 : memref<16x1024xf32, #tpu.memory_space<vmem>>) dst(%dma_wait3A_1076 : memref<16x1024xf32, #tpu.memory_space<hbm>>)
    %dma_start3A_1081 = arith.constant 0 : i32
    %dma_start3A_1082 = arith.constant 0 : i32
    %dma_start3A_1083 = arith.constant 0 : i32
    %dma_start3A_1084 = arith.constant 0 : i32
    %dma_start3A_1085 = tpu.memref_slice %arg6[%dma_start3A_1081, %dma_start3A_1083, %dma_start3A_1084] : memref<3x16x1024xf32, #tpu.memory_space<vmem>> -> memref<1x16x1024xf32, #tpu.memory_space<vmem>>
    %dma_start3A_1086 = tpu.memref_squeeze %dma_start3A_1085 : memref<1x16x1024xf32, #tpu.memory_space<vmem>> -> memref<16x1024xf32, #tpu.memory_space<vmem>>
    %dma_start3A_1087 = arith.constant 288 : i32
    %dma_start3A_1088 = tpu.memref_slice %arg5[%dma_start3A_1087] : memref<512xi32, #tpu.memory_space<vmem>> -> memref<16xi32, #tpu.memory_space<vmem>>
    %dma_start3A_1089 = arith.constant 0 : i32
    %dma_start3A_1090 = arith.constant 0 : i32
    %dma_start3A_1091 = tpu.memref_slice %arg3[%dma_start3A_1089, %dma_start3A_1090] : memref<100000x1024xf32, #tpu.memory_space<hbm>> -> memref<100000x1024xf32, #tpu.memory_space<hbm>>
    %dma_start3A_1092 = tpu.memref_slice %arg7[%dma_start3A_1082] : memref<3x!tpu.dma_semaphore, #tpu.memory_space<semaphore_mem>> -> memref<1x!tpu.dma_semaphore, #tpu.memory_space<semaphore_mem>>
    %dma_start3A_1093 = tpu.memref_squeeze %dma_start3A_1092 : memref<1x!tpu.dma_semaphore, #tpu.memory_space<semaphore_mem>> -> memref<!tpu.dma_semaphore, #tpu.memory_space<semaphore_mem>>
    tpu.enqueue_indirect_dma source(%dma_start3A_1091 : memref<100000x1024xf32, #tpu.memory_space<hbm>>) target(%dma_start3A_1086 : memref<16x1024xf32, #tpu.memory_space<vmem>>) offsets(%dma_start3A_1088 : memref<16xi32, #tpu.memory_space<vmem>>) semaphore(%dma_start3A_1093 : memref<!tpu.dma_semaphore, #tpu.memory_space<semaphore_mem>>)
    %dma_wait3A_1094 = arith.constant 1 : i32
    %dma_wait3A_1095 = arith.constant 1 : i32
    %dma_wait3A_1096 = arith.constant 0 : i32
    %dma_wait3A_1097 = arith.constant 0 : i32
    %dma_wait3A_1098 = tpu.memref_slice %arg6[%dma_wait3A_1094, %dma_wait3A_1096, %dma_wait3A_1097] : memref<3x16x1024xf32, #tpu.memory_space<vmem>> -> memref<1x16x1024xf32, #tpu.memory_space<vmem>>
    %dma_wait3A_1099 = tpu.memref_squeeze %dma_wait3A_1098 : memref<1x16x1024xf32, #tpu.memory_space<vmem>> -> memref<16x1024xf32, #tpu.memory_space<vmem>>
    %dma_wait3A_1100 = arith.constant 256 : i32
    %dma_wait3A_1101 = tpu.memref_slice %arg5[%dma_wait3A_1100] : memref<512xi32, #tpu.memory_space<vmem>> -> memref<16xi32, #tpu.memory_space<vmem>>
    %dma_wait3A_1102 = arith.constant 0 : i32
    %dma_wait3A_1103 = arith.constant 0 : i32
    %dma_wait3A_1104 = tpu.memref_slice %arg3[%dma_wait3A_1102, %dma_wait3A_1103] : memref<100000x1024xf32, #tpu.memory_space<hbm>> -> memref<100000x1024xf32, #tpu.memory_space<hbm>>
    %dma_wait3A_1105 = tpu.memref_slice %arg7[%dma_wait3A_1095] : memref<3x!tpu.dma_semaphore, #tpu.memory_space<semaphore_mem>> -> memref<1x!tpu.dma_semaphore, #tpu.memory_space<semaphore_mem>>
    %dma_wait3A_1106 = tpu.memref_squeeze %dma_wait3A_1105 : memref<1x!tpu.dma_semaphore, #tpu.memory_space<semaphore_mem>> -> memref<!tpu.dma_semaphore, #tpu.memory_space<semaphore_mem>>
    tpu.wait_indirect_dma semaphore(%dma_wait3A_1106 : memref<!tpu.dma_semaphore, #tpu.memory_space<semaphore_mem>>) src(%dma_wait3A_1104 : memref<100000x1024xf32, #tpu.memory_space<hbm>>) dst(%dma_wait3A_1099 : memref<16x1024xf32, #tpu.memory_space<vmem>>)
    %add3A_1107 = arith.constant 256 : i32
    %add3A_1108 = arith.addi %mul3A_32, %add3A_1107 : i32
    %dma_start3A_1109 = arith.constant 1 : i32
    %dma_start3A_1110 = arith.constant 1 : i32
    %dma_start3A_1111 = arith.constant 0 : i32
    %dma_start3A_1112 = arith.constant 0 : i32
    %dma_start3A_1113 = tpu.memref_slice %arg6[%dma_start3A_1109, %dma_start3A_1111, %dma_start3A_1112] : memref<3x16x1024xf32, #tpu.memory_space<vmem>> -> memref<1x16x1024xf32, #tpu.memory_space<vmem>>
    %dma_start3A_1114 = tpu.memref_squeeze %dma_start3A_1113 : memref<1x16x1024xf32, #tpu.memory_space<vmem>> -> memref<16x1024xf32, #tpu.memory_space<vmem>>
    %dma_start3A_1115 = arith.constant 0 : i32
    %dma_start3A_1116 = tpu.memref_slice %arg4[%select_n3A, %add3A_1108, %dma_start3A_1115] : memref<4x4096x1024xf32, #tpu.memory_space<hbm>> -> memref<1x16x1024xf32, #tpu.memory_space<hbm>>
    %dma_start3A_1117 = tpu.memref_squeeze %dma_start3A_1116 : memref<1x16x1024xf32, #tpu.memory_space<hbm>> -> memref<16x1024xf32, #tpu.memory_space<hbm>>
    %dma_start3A_1118 = tpu.memref_slice %arg8[%dma_start3A_1110] : memref<3x!tpu.dma_semaphore, #tpu.memory_space<semaphore_mem>> -> memref<1x!tpu.dma_semaphore, #tpu.memory_space<semaphore_mem>>
    %dma_start3A_1119 = tpu.memref_squeeze %dma_start3A_1118 : memref<1x!tpu.dma_semaphore, #tpu.memory_space<semaphore_mem>> -> memref<!tpu.dma_semaphore, #tpu.memory_space<semaphore_mem>>
    %dma_start3A_1120 = arith.constant 0 : i32
    %dma_start3A_1121 = tpu.memref_slice %arg4[%select_n3A, %add3A_1108, %dma_start3A_1120] : memref<4x4096x1024xf32, #tpu.memory_space<hbm>> -> memref<1x16x1024xf32, #tpu.memory_space<hbm>>
    %dma_start3A_1122 = tpu.memref_squeeze %dma_start3A_1121 : memref<1x16x1024xf32, #tpu.memory_space<hbm>> -> memref<16x1024xf32, #tpu.memory_space<hbm>>
    %dma_start3A_1123 = arith.constant 0 : i32
    %dma_start3A_1124 = arith.constant 0 : i32
    %dma_start3A_1125 = tpu.memref_slice %arg6[%dma_start3A_1109, %dma_start3A_1123, %dma_start3A_1124] : memref<3x16x1024xf32, #tpu.memory_space<vmem>> -> memref<1x16x1024xf32, #tpu.memory_space<vmem>>
    %dma_start3A_1126 = tpu.memref_squeeze %dma_start3A_1125 : memref<1x16x1024xf32, #tpu.memory_space<vmem>> -> memref<16x1024xf32, #tpu.memory_space<vmem>>
    tpu.enqueue_dma source(%dma_start3A_1126 : memref<16x1024xf32, #tpu.memory_space<vmem>>) target(%dma_start3A_1122 : memref<16x1024xf32, #tpu.memory_space<hbm>>) target_semaphore(%dma_start3A_1119 : memref<!tpu.dma_semaphore, #tpu.memory_space<semaphore_mem>>)
    %dma_wait3A_1127 = arith.constant 1 : i32
    %dma_wait3A_1128 = arith.constant 1 : i32
    %dma_wait3A_1129 = arith.constant 0 : i32
    %dma_wait3A_1130 = arith.constant 0 : i32
    %dma_wait3A_1131 = tpu.memref_slice %arg6[%dma_wait3A_1127, %dma_wait3A_1129, %dma_wait3A_1130] : memref<3x16x1024xf32, #tpu.memory_space<vmem>> -> memref<1x16x1024xf32, #tpu.memory_space<vmem>>
    %dma_wait3A_1132 = tpu.memref_squeeze %dma_wait3A_1131 : memref<1x16x1024xf32, #tpu.memory_space<vmem>> -> memref<16x1024xf32, #tpu.memory_space<vmem>>
    %dma_wait3A_1133 = arith.constant 0 : i32
    %dma_wait3A_1134 = tpu.memref_slice %arg4[%select_n3A, %add3A_1108, %dma_wait3A_1133] : memref<4x4096x1024xf32, #tpu.memory_space<hbm>> -> memref<1x16x1024xf32, #tpu.memory_space<hbm>>
    %dma_wait3A_1135 = tpu.memref_squeeze %dma_wait3A_1134 : memref<1x16x1024xf32, #tpu.memory_space<hbm>> -> memref<16x1024xf32, #tpu.memory_space<hbm>>
    %dma_wait3A_1136 = tpu.memref_slice %arg8[%dma_wait3A_1128] : memref<3x!tpu.dma_semaphore, #tpu.memory_space<semaphore_mem>> -> memref<1x!tpu.dma_semaphore, #tpu.memory_space<semaphore_mem>>
    %dma_wait3A_1137 = tpu.memref_squeeze %dma_wait3A_1136 : memref<1x!tpu.dma_semaphore, #tpu.memory_space<semaphore_mem>> -> memref<!tpu.dma_semaphore, #tpu.memory_space<semaphore_mem>>
    %dma_wait3A_1138 = arith.constant 0 : i32
    %dma_wait3A_1139 = tpu.memref_slice %arg4[%select_n3A, %add3A_1108, %dma_wait3A_1138] : memref<4x4096x1024xf32, #tpu.memory_space<hbm>> -> memref<1x16x1024xf32, #tpu.memory_space<hbm>>
    %dma_wait3A_1140 = tpu.memref_squeeze %dma_wait3A_1139 : memref<1x16x1024xf32, #tpu.memory_space<hbm>> -> memref<16x1024xf32, #tpu.memory_space<hbm>>
    %dma_wait3A_1141 = arith.constant 0 : i32
    %dma_wait3A_1142 = arith.constant 0 : i32
    %dma_wait3A_1143 = tpu.memref_slice %arg6[%dma_wait3A_1127, %dma_wait3A_1141, %dma_wait3A_1142] : memref<3x16x1024xf32, #tpu.memory_space<vmem>> -> memref<1x16x1024xf32, #tpu.memory_space<vmem>>
    %dma_wait3A_1144 = tpu.memref_squeeze %dma_wait3A_1143 : memref<1x16x1024xf32, #tpu.memory_space<vmem>> -> memref<16x1024xf32, #tpu.memory_space<vmem>>
    tpu.wait_dma2 semaphore(%dma_wait3A_1137 : memref<!tpu.dma_semaphore, #tpu.memory_space<semaphore_mem>>) src(%dma_wait3A_1144 : memref<16x1024xf32, #tpu.memory_space<vmem>>) dst(%dma_wait3A_1140 : memref<16x1024xf32, #tpu.memory_space<hbm>>)
    %dma_start3A_1145 = arith.constant 1 : i32
    %dma_start3A_1146 = arith.constant 1 : i32
    %dma_start3A_1147 = arith.constant 0 : i32
    %dma_start3A_1148 = arith.constant 0 : i32
    %dma_start3A_1149 = tpu.memref_slice %arg6[%dma_start3A_1145, %dma_start3A_1147, %dma_start3A_1148] : memref<3x16x1024xf32, #tpu.memory_space<vmem>> -> memref<1x16x1024xf32, #tpu.memory_space<vmem>>
    %dma_start3A_1150 = tpu.memref_squeeze %dma_start3A_1149 : memref<1x16x1024xf32, #tpu.memory_space<vmem>> -> memref<16x1024xf32, #tpu.memory_space<vmem>>
    %dma_start3A_1151 = arith.constant 304 : i32
    %dma_start3A_1152 = tpu.memref_slice %arg5[%dma_start3A_1151] : memref<512xi32, #tpu.memory_space<vmem>> -> memref<16xi32, #tpu.memory_space<vmem>>
    %dma_start3A_1153 = arith.constant 0 : i32
    %dma_start3A_1154 = arith.constant 0 : i32
    %dma_start3A_1155 = tpu.memref_slice %arg3[%dma_start3A_1153, %dma_start3A_1154] : memref<100000x1024xf32, #tpu.memory_space<hbm>> -> memref<100000x1024xf32, #tpu.memory_space<hbm>>
    %dma_start3A_1156 = tpu.memref_slice %arg7[%dma_start3A_1146] : memref<3x!tpu.dma_semaphore, #tpu.memory_space<semaphore_mem>> -> memref<1x!tpu.dma_semaphore, #tpu.memory_space<semaphore_mem>>
    %dma_start3A_1157 = tpu.memref_squeeze %dma_start3A_1156 : memref<1x!tpu.dma_semaphore, #tpu.memory_space<semaphore_mem>> -> memref<!tpu.dma_semaphore, #tpu.memory_space<semaphore_mem>>
    tpu.enqueue_indirect_dma source(%dma_start3A_1155 : memref<100000x1024xf32, #tpu.memory_space<hbm>>) target(%dma_start3A_1150 : memref<16x1024xf32, #tpu.memory_space<vmem>>) offsets(%dma_start3A_1152 : memref<16xi32, #tpu.memory_space<vmem>>) semaphore(%dma_start3A_1157 : memref<!tpu.dma_semaphore, #tpu.memory_space<semaphore_mem>>)
    %dma_wait3A_1158 = arith.constant 2 : i32
    %dma_wait3A_1159 = arith.constant 2 : i32
    %dma_wait3A_1160 = arith.constant 0 : i32
    %dma_wait3A_1161 = arith.constant 0 : i32
    %dma_wait3A_1162 = tpu.memref_slice %arg6[%dma_wait3A_1158, %dma_wait3A_1160, %dma_wait3A_1161] : memref<3x16x1024xf32, #tpu.memory_space<vmem>> -> memref<1x16x1024xf32, #tpu.memory_space<vmem>>
    %dma_wait3A_1163 = tpu.memref_squeeze %dma_wait3A_1162 : memref<1x16x1024xf32, #tpu.memory_space<vmem>> -> memref<16x1024xf32, #tpu.memory_space<vmem>>
    %dma_wait3A_1164 = arith.constant 272 : i32
    %dma_wait3A_1165 = tpu.memref_slice %arg5[%dma_wait3A_1164] : memref<512xi32, #tpu.memory_space<vmem>> -> memref<16xi32, #tpu.memory_space<vmem>>
    %dma_wait3A_1166 = arith.constant 0 : i32
    %dma_wait3A_1167 = arith.constant 0 : i32
    %dma_wait3A_1168 = tpu.memref_slice %arg3[%dma_wait3A_1166, %dma_wait3A_1167] : memref<100000x1024xf32, #tpu.memory_space<hbm>> -> memref<100000x1024xf32, #tpu.memory_space<hbm>>
    %dma_wait3A_1169 = tpu.memref_slice %arg7[%dma_wait3A_1159] : memref<3x!tpu.dma_semaphore, #tpu.memory_space<semaphore_mem>> -> memref<1x!tpu.dma_semaphore, #tpu.memory_space<semaphore_mem>>
    %dma_wait3A_1170 = tpu.memref_squeeze %dma_wait3A_1169 : memref<1x!tpu.dma_semaphore, #tpu.memory_space<semaphore_mem>> -> memref<!tpu.dma_semaphore, #tpu.memory_space<semaphore_mem>>
    tpu.wait_indirect_dma semaphore(%dma_wait3A_1170 : memref<!tpu.dma_semaphore, #tpu.memory_space<semaphore_mem>>) src(%dma_wait3A_1168 : memref<100000x1024xf32, #tpu.memory_space<hbm>>) dst(%dma_wait3A_1163 : memref<16x1024xf32, #tpu.memory_space<vmem>>)
    %add3A_1171 = arith.constant 272 : i32
    %add3A_1172 = arith.addi %mul3A_32, %add3A_1171 : i32
    %dma_start3A_1173 = arith.constant 2 : i32
    %dma_start3A_1174 = arith.constant 2 : i32
    %dma_start3A_1175 = arith.constant 0 : i32
    %dma_start3A_1176 = arith.constant 0 : i32
    %dma_start3A_1177 = tpu.memref_slice %arg6[%dma_start3A_1173, %dma_start3A_1175, %dma_start3A_1176] : memref<3x16x1024xf32, #tpu.memory_space<vmem>> -> memref<1x16x1024xf32, #tpu.memory_space<vmem>>
    %dma_start3A_1178 = tpu.memref_squeeze %dma_start3A_1177 : memref<1x16x1024xf32, #tpu.memory_space<vmem>> -> memref<16x1024xf32, #tpu.memory_space<vmem>>
    %dma_start3A_1179 = arith.constant 0 : i32
    %dma_start3A_1180 = tpu.memref_slice %arg4[%select_n3A, %add3A_1172, %dma_start3A_1179] : memref<4x4096x1024xf32, #tpu.memory_space<hbm>> -> memref<1x16x1024xf32, #tpu.memory_space<hbm>>
    %dma_start3A_1181 = tpu.memref_squeeze %dma_start3A_1180 : memref<1x16x1024xf32, #tpu.memory_space<hbm>> -> memref<16x1024xf32, #tpu.memory_space<hbm>>
    %dma_start3A_1182 = tpu.memref_slice %arg8[%dma_start3A_1174] : memref<3x!tpu.dma_semaphore, #tpu.memory_space<semaphore_mem>> -> memref<1x!tpu.dma_semaphore, #tpu.memory_space<semaphore_mem>>
    %dma_start3A_1183 = tpu.memref_squeeze %dma_start3A_1182 : memref<1x!tpu.dma_semaphore, #tpu.memory_space<semaphore_mem>> -> memref<!tpu.dma_semaphore, #tpu.memory_space<semaphore_mem>>
    %dma_start3A_1184 = arith.constant 0 : i32
    %dma_start3A_1185 = tpu.memref_slice %arg4[%select_n3A, %add3A_1172, %dma_start3A_1184] : memref<4x4096x1024xf32, #tpu.memory_space<hbm>> -> memref<1x16x1024xf32, #tpu.memory_space<hbm>>
    %dma_start3A_1186 = tpu.memref_squeeze %dma_start3A_1185 : memref<1x16x1024xf32, #tpu.memory_space<hbm>> -> memref<16x1024xf32, #tpu.memory_space<hbm>>
    %dma_start3A_1187 = arith.constant 0 : i32
    %dma_start3A_1188 = arith.constant 0 : i32
    %dma_start3A_1189 = tpu.memref_slice %arg6[%dma_start3A_1173, %dma_start3A_1187, %dma_start3A_1188] : memref<3x16x1024xf32, #tpu.memory_space<vmem>> -> memref<1x16x1024xf32, #tpu.memory_space<vmem>>
    %dma_start3A_1190 = tpu.memref_squeeze %dma_start3A_1189 : memref<1x16x1024xf32, #tpu.memory_space<vmem>> -> memref<16x1024xf32, #tpu.memory_space<vmem>>
    tpu.enqueue_dma source(%dma_start3A_1190 : memref<16x1024xf32, #tpu.memory_space<vmem>>) target(%dma_start3A_1186 : memref<16x1024xf32, #tpu.memory_space<hbm>>) target_semaphore(%dma_start3A_1183 : memref<!tpu.dma_semaphore, #tpu.memory_space<semaphore_mem>>)
    %dma_wait3A_1191 = arith.constant 2 : i32
    %dma_wait3A_1192 = arith.constant 2 : i32
    %dma_wait3A_1193 = arith.constant 0 : i32
    %dma_wait3A_1194 = arith.constant 0 : i32
    %dma_wait3A_1195 = tpu.memref_slice %arg6[%dma_wait3A_1191, %dma_wait3A_1193, %dma_wait3A_1194] : memref<3x16x1024xf32, #tpu.memory_space<vmem>> -> memref<1x16x1024xf32, #tpu.memory_space<vmem>>
    %dma_wait3A_1196 = tpu.memref_squeeze %dma_wait3A_1195 : memref<1x16x1024xf32, #tpu.memory_space<vmem>> -> memref<16x1024xf32, #tpu.memory_space<vmem>>
    %dma_wait3A_1197 = arith.constant 0 : i32
    %dma_wait3A_1198 = tpu.memref_slice %arg4[%select_n3A, %add3A_1172, %dma_wait3A_1197] : memref<4x4096x1024xf32, #tpu.memory_space<hbm>> -> memref<1x16x1024xf32, #tpu.memory_space<hbm>>
    %dma_wait3A_1199 = tpu.memref_squeeze %dma_wait3A_1198 : memref<1x16x1024xf32, #tpu.memory_space<hbm>> -> memref<16x1024xf32, #tpu.memory_space<hbm>>
    %dma_wait3A_1200 = tpu.memref_slice %arg8[%dma_wait3A_1192] : memref<3x!tpu.dma_semaphore, #tpu.memory_space<semaphore_mem>> -> memref<1x!tpu.dma_semaphore, #tpu.memory_space<semaphore_mem>>
    %dma_wait3A_1201 = tpu.memref_squeeze %dma_wait3A_1200 : memref<1x!tpu.dma_semaphore, #tpu.memory_space<semaphore_mem>> -> memref<!tpu.dma_semaphore, #tpu.memory_space<semaphore_mem>>
    %dma_wait3A_1202 = arith.constant 0 : i32
    %dma_wait3A_1203 = tpu.memref_slice %arg4[%select_n3A, %add3A_1172, %dma_wait3A_1202] : memref<4x4096x1024xf32, #tpu.memory_space<hbm>> -> memref<1x16x1024xf32, #tpu.memory_space<hbm>>
    %dma_wait3A_1204 = tpu.memref_squeeze %dma_wait3A_1203 : memref<1x16x1024xf32, #tpu.memory_space<hbm>> -> memref<16x1024xf32, #tpu.memory_space<hbm>>
    %dma_wait3A_1205 = arith.constant 0 : i32
    %dma_wait3A_1206 = arith.constant 0 : i32
    %dma_wait3A_1207 = tpu.memref_slice %arg6[%dma_wait3A_1191, %dma_wait3A_1205, %dma_wait3A_1206] : memref<3x16x1024xf32, #tpu.memory_space<vmem>> -> memref<1x16x1024xf32, #tpu.memory_space<vmem>>
    %dma_wait3A_1208 = tpu.memref_squeeze %dma_wait3A_1207 : memref<1x16x1024xf32, #tpu.memory_space<vmem>> -> memref<16x1024xf32, #tpu.memory_space<vmem>>
    tpu.wait_dma2 semaphore(%dma_wait3A_1201 : memref<!tpu.dma_semaphore, #tpu.memory_space<semaphore_mem>>) src(%dma_wait3A_1208 : memref<16x1024xf32, #tpu.memory_space<vmem>>) dst(%dma_wait3A_1204 : memref<16x1024xf32, #tpu.memory_space<hbm>>)
    %dma_start3A_1209 = arith.constant 2 : i32
    %dma_start3A_1210 = arith.constant 2 : i32
    %dma_start3A_1211 = arith.constant 0 : i32
    %dma_start3A_1212 = arith.constant 0 : i32
    %dma_start3A_1213 = tpu.memref_slice %arg6[%dma_start3A_1209, %dma_start3A_1211, %dma_start3A_1212] : memref<3x16x1024xf32, #tpu.memory_space<vmem>> -> memref<1x16x1024xf32, #tpu.memory_space<vmem>>
    %dma_start3A_1214 = tpu.memref_squeeze %dma_start3A_1213 : memref<1x16x1024xf32, #tpu.memory_space<vmem>> -> memref<16x1024xf32, #tpu.memory_space<vmem>>
    %dma_start3A_1215 = arith.constant 320 : i32
    %dma_start3A_1216 = tpu.memref_slice %arg5[%dma_start3A_1215] : memref<512xi32, #tpu.memory_space<vmem>> -> memref<16xi32, #tpu.memory_space<vmem>>
    %dma_start3A_1217 = arith.constant 0 : i32
    %dma_start3A_1218 = arith.constant 0 : i32
    %dma_start3A_1219 = tpu.memref_slice %arg3[%dma_start3A_1217, %dma_start3A_1218] : memref<100000x1024xf32, #tpu.memory_space<hbm>> -> memref<100000x1024xf32, #tpu.memory_space<hbm>>
    %dma_start3A_1220 = tpu.memref_slice %arg7[%dma_start3A_1210] : memref<3x!tpu.dma_semaphore, #tpu.memory_space<semaphore_mem>> -> memref<1x!tpu.dma_semaphore, #tpu.memory_space<semaphore_mem>>
    %dma_start3A_1221 = tpu.memref_squeeze %dma_start3A_1220 : memref<1x!tpu.dma_semaphore, #tpu.memory_space<semaphore_mem>> -> memref<!tpu.dma_semaphore, #tpu.memory_space<semaphore_mem>>
    tpu.enqueue_indirect_dma source(%dma_start3A_1219 : memref<100000x1024xf32, #tpu.memory_space<hbm>>) target(%dma_start3A_1214 : memref<16x1024xf32, #tpu.memory_space<vmem>>) offsets(%dma_start3A_1216 : memref<16xi32, #tpu.memory_space<vmem>>) semaphore(%dma_start3A_1221 : memref<!tpu.dma_semaphore, #tpu.memory_space<semaphore_mem>>)
    %dma_wait3A_1222 = arith.constant 0 : i32
    %dma_wait3A_1223 = arith.constant 0 : i32
    %dma_wait3A_1224 = arith.constant 0 : i32
    %dma_wait3A_1225 = arith.constant 0 : i32
    %dma_wait3A_1226 = tpu.memref_slice %arg6[%dma_wait3A_1222, %dma_wait3A_1224, %dma_wait3A_1225] : memref<3x16x1024xf32, #tpu.memory_space<vmem>> -> memref<1x16x1024xf32, #tpu.memory_space<vmem>>
    %dma_wait3A_1227 = tpu.memref_squeeze %dma_wait3A_1226 : memref<1x16x1024xf32, #tpu.memory_space<vmem>> -> memref<16x1024xf32, #tpu.memory_space<vmem>>
    %dma_wait3A_1228 = arith.constant 288 : i32
    %dma_wait3A_1229 = tpu.memref_slice %arg5[%dma_wait3A_1228] : memref<512xi32, #tpu.memory_space<vmem>> -> memref<16xi32, #tpu.memory_space<vmem>>
    %dma_wait3A_1230 = arith.constant 0 : i32
    %dma_wait3A_1231 = arith.constant 0 : i32
    %dma_wait3A_1232 = tpu.memref_slice %arg3[%dma_wait3A_1230, %dma_wait3A_1231] : memref<100000x1024xf32, #tpu.memory_space<hbm>> -> memref<100000x1024xf32, #tpu.memory_space<hbm>>
    %dma_wait3A_1233 = tpu.memref_slice %arg7[%dma_wait3A_1223] : memref<3x!tpu.dma_semaphore, #tpu.memory_space<semaphore_mem>> -> memref<1x!tpu.dma_semaphore, #tpu.memory_space<semaphore_mem>>
    %dma_wait3A_1234 = tpu.memref_squeeze %dma_wait3A_1233 : memref<1x!tpu.dma_semaphore, #tpu.memory_space<semaphore_mem>> -> memref<!tpu.dma_semaphore, #tpu.memory_space<semaphore_mem>>
    tpu.wait_indirect_dma semaphore(%dma_wait3A_1234 : memref<!tpu.dma_semaphore, #tpu.memory_space<semaphore_mem>>) src(%dma_wait3A_1232 : memref<100000x1024xf32, #tpu.memory_space<hbm>>) dst(%dma_wait3A_1227 : memref<16x1024xf32, #tpu.memory_space<vmem>>)
    %add3A_1235 = arith.constant 288 : i32
    %add3A_1236 = arith.addi %mul3A_32, %add3A_1235 : i32
    %dma_start3A_1237 = arith.constant 0 : i32
    %dma_start3A_1238 = arith.constant 0 : i32
    %dma_start3A_1239 = arith.constant 0 : i32
    %dma_start3A_1240 = arith.constant 0 : i32
    %dma_start3A_1241 = tpu.memref_slice %arg6[%dma_start3A_1237, %dma_start3A_1239, %dma_start3A_1240] : memref<3x16x1024xf32, #tpu.memory_space<vmem>> -> memref<1x16x1024xf32, #tpu.memory_space<vmem>>
    %dma_start3A_1242 = tpu.memref_squeeze %dma_start3A_1241 : memref<1x16x1024xf32, #tpu.memory_space<vmem>> -> memref<16x1024xf32, #tpu.memory_space<vmem>>
    %dma_start3A_1243 = arith.constant 0 : i32
    %dma_start3A_1244 = tpu.memref_slice %arg4[%select_n3A, %add3A_1236, %dma_start3A_1243] : memref<4x4096x1024xf32, #tpu.memory_space<hbm>> -> memref<1x16x1024xf32, #tpu.memory_space<hbm>>
    %dma_start3A_1245 = tpu.memref_squeeze %dma_start3A_1244 : memref<1x16x1024xf32, #tpu.memory_space<hbm>> -> memref<16x1024xf32, #tpu.memory_space<hbm>>
    %dma_start3A_1246 = tpu.memref_slice %arg8[%dma_start3A_1238] : memref<3x!tpu.dma_semaphore, #tpu.memory_space<semaphore_mem>> -> memref<1x!tpu.dma_semaphore, #tpu.memory_space<semaphore_mem>>
    %dma_start3A_1247 = tpu.memref_squeeze %dma_start3A_1246 : memref<1x!tpu.dma_semaphore, #tpu.memory_space<semaphore_mem>> -> memref<!tpu.dma_semaphore, #tpu.memory_space<semaphore_mem>>
    %dma_start3A_1248 = arith.constant 0 : i32
    %dma_start3A_1249 = tpu.memref_slice %arg4[%select_n3A, %add3A_1236, %dma_start3A_1248] : memref<4x4096x1024xf32, #tpu.memory_space<hbm>> -> memref<1x16x1024xf32, #tpu.memory_space<hbm>>
    %dma_start3A_1250 = tpu.memref_squeeze %dma_start3A_1249 : memref<1x16x1024xf32, #tpu.memory_space<hbm>> -> memref<16x1024xf32, #tpu.memory_space<hbm>>
    %dma_start3A_1251 = arith.constant 0 : i32
    %dma_start3A_1252 = arith.constant 0 : i32
    %dma_start3A_1253 = tpu.memref_slice %arg6[%dma_start3A_1237, %dma_start3A_1251, %dma_start3A_1252] : memref<3x16x1024xf32, #tpu.memory_space<vmem>> -> memref<1x16x1024xf32, #tpu.memory_space<vmem>>
    %dma_start3A_1254 = tpu.memref_squeeze %dma_start3A_1253 : memref<1x16x1024xf32, #tpu.memory_space<vmem>> -> memref<16x1024xf32, #tpu.memory_space<vmem>>
    tpu.enqueue_dma source(%dma_start3A_1254 : memref<16x1024xf32, #tpu.memory_space<vmem>>) target(%dma_start3A_1250 : memref<16x1024xf32, #tpu.memory_space<hbm>>) target_semaphore(%dma_start3A_1247 : memref<!tpu.dma_semaphore, #tpu.memory_space<semaphore_mem>>)
    %dma_wait3A_1255 = arith.constant 0 : i32
    %dma_wait3A_1256 = arith.constant 0 : i32
    %dma_wait3A_1257 = arith.constant 0 : i32
    %dma_wait3A_1258 = arith.constant 0 : i32
    %dma_wait3A_1259 = tpu.memref_slice %arg6[%dma_wait3A_1255, %dma_wait3A_1257, %dma_wait3A_1258] : memref<3x16x1024xf32, #tpu.memory_space<vmem>> -> memref<1x16x1024xf32, #tpu.memory_space<vmem>>
    %dma_wait3A_1260 = tpu.memref_squeeze %dma_wait3A_1259 : memref<1x16x1024xf32, #tpu.memory_space<vmem>> -> memref<16x1024xf32, #tpu.memory_space<vmem>>
    %dma_wait3A_1261 = arith.constant 0 : i32
    %dma_wait3A_1262 = tpu.memref_slice %arg4[%select_n3A, %add3A_1236, %dma_wait3A_1261] : memref<4x4096x1024xf32, #tpu.memory_space<hbm>> -> memref<1x16x1024xf32, #tpu.memory_space<hbm>>
    %dma_wait3A_1263 = tpu.memref_squeeze %dma_wait3A_1262 : memref<1x16x1024xf32, #tpu.memory_space<hbm>> -> memref<16x1024xf32, #tpu.memory_space<hbm>>
    %dma_wait3A_1264 = tpu.memref_slice %arg8[%dma_wait3A_1256] : memref<3x!tpu.dma_semaphore, #tpu.memory_space<semaphore_mem>> -> memref<1x!tpu.dma_semaphore, #tpu.memory_space<semaphore_mem>>
    %dma_wait3A_1265 = tpu.memref_squeeze %dma_wait3A_1264 : memref<1x!tpu.dma_semaphore, #tpu.memory_space<semaphore_mem>> -> memref<!tpu.dma_semaphore, #tpu.memory_space<semaphore_mem>>
    %dma_wait3A_1266 = arith.constant 0 : i32
    %dma_wait3A_1267 = tpu.memref_slice %arg4[%select_n3A, %add3A_1236, %dma_wait3A_1266] : memref<4x4096x1024xf32, #tpu.memory_space<hbm>> -> memref<1x16x1024xf32, #tpu.memory_space<hbm>>
    %dma_wait3A_1268 = tpu.memref_squeeze %dma_wait3A_1267 : memref<1x16x1024xf32, #tpu.memory_space<hbm>> -> memref<16x1024xf32, #tpu.memory_space<hbm>>
    %dma_wait3A_1269 = arith.constant 0 : i32
    %dma_wait3A_1270 = arith.constant 0 : i32
    %dma_wait3A_1271 = tpu.memref_slice %arg6[%dma_wait3A_1255, %dma_wait3A_1269, %dma_wait3A_1270] : memref<3x16x1024xf32, #tpu.memory_space<vmem>> -> memref<1x16x1024xf32, #tpu.memory_space<vmem>>
    %dma_wait3A_1272 = tpu.memref_squeeze %dma_wait3A_1271 : memref<1x16x1024xf32, #tpu.memory_space<vmem>> -> memref<16x1024xf32, #tpu.memory_space<vmem>>
    tpu.wait_dma2 semaphore(%dma_wait3A_1265 : memref<!tpu.dma_semaphore, #tpu.memory_space<semaphore_mem>>) src(%dma_wait3A_1272 : memref<16x1024xf32, #tpu.memory_space<vmem>>) dst(%dma_wait3A_1268 : memref<16x1024xf32, #tpu.memory_space<hbm>>)
    %dma_start3A_1273 = arith.constant 0 : i32
    %dma_start3A_1274 = arith.constant 0 : i32
    %dma_start3A_1275 = arith.constant 0 : i32
    %dma_start3A_1276 = arith.constant 0 : i32
    %dma_start3A_1277 = tpu.memref_slice %arg6[%dma_start3A_1273, %dma_start3A_1275, %dma_start3A_1276] : memref<3x16x1024xf32, #tpu.memory_space<vmem>> -> memref<1x16x1024xf32, #tpu.memory_space<vmem>>
    %dma_start3A_1278 = tpu.memref_squeeze %dma_start3A_1277 : memref<1x16x1024xf32, #tpu.memory_space<vmem>> -> memref<16x1024xf32, #tpu.memory_space<vmem>>
    %dma_start3A_1279 = arith.constant 336 : i32
    %dma_start3A_1280 = tpu.memref_slice %arg5[%dma_start3A_1279] : memref<512xi32, #tpu.memory_space<vmem>> -> memref<16xi32, #tpu.memory_space<vmem>>
    %dma_start3A_1281 = arith.constant 0 : i32
    %dma_start3A_1282 = arith.constant 0 : i32
    %dma_start3A_1283 = tpu.memref_slice %arg3[%dma_start3A_1281, %dma_start3A_1282] : memref<100000x1024xf32, #tpu.memory_space<hbm>> -> memref<100000x1024xf32, #tpu.memory_space<hbm>>
    %dma_start3A_1284 = tpu.memref_slice %arg7[%dma_start3A_1274] : memref<3x!tpu.dma_semaphore, #tpu.memory_space<semaphore_mem>> -> memref<1x!tpu.dma_semaphore, #tpu.memory_space<semaphore_mem>>
    %dma_start3A_1285 = tpu.memref_squeeze %dma_start3A_1284 : memref<1x!tpu.dma_semaphore, #tpu.memory_space<semaphore_mem>> -> memref<!tpu.dma_semaphore, #tpu.memory_space<semaphore_mem>>
    tpu.enqueue_indirect_dma source(%dma_start3A_1283 : memref<100000x1024xf32, #tpu.memory_space<hbm>>) target(%dma_start3A_1278 : memref<16x1024xf32, #tpu.memory_space<vmem>>) offsets(%dma_start3A_1280 : memref<16xi32, #tpu.memory_space<vmem>>) semaphore(%dma_start3A_1285 : memref<!tpu.dma_semaphore, #tpu.memory_space<semaphore_mem>>)
    %dma_wait3A_1286 = arith.constant 1 : i32
    %dma_wait3A_1287 = arith.constant 1 : i32
    %dma_wait3A_1288 = arith.constant 0 : i32
    %dma_wait3A_1289 = arith.constant 0 : i32
    %dma_wait3A_1290 = tpu.memref_slice %arg6[%dma_wait3A_1286, %dma_wait3A_1288, %dma_wait3A_1289] : memref<3x16x1024xf32, #tpu.memory_space<vmem>> -> memref<1x16x1024xf32, #tpu.memory_space<vmem>>
    %dma_wait3A_1291 = tpu.memref_squeeze %dma_wait3A_1290 : memref<1x16x1024xf32, #tpu.memory_space<vmem>> -> memref<16x1024xf32, #tpu.memory_space<vmem>>
    %dma_wait3A_1292 = arith.constant 304 : i32
    %dma_wait3A_1293 = tpu.memref_slice %arg5[%dma_wait3A_1292] : memref<512xi32, #tpu.memory_space<vmem>> -> memref<16xi32, #tpu.memory_space<vmem>>
    %dma_wait3A_1294 = arith.constant 0 : i32
    %dma_wait3A_1295 = arith.constant 0 : i32
    %dma_wait3A_1296 = tpu.memref_slice %arg3[%dma_wait3A_1294, %dma_wait3A_1295] : memref<100000x1024xf32, #tpu.memory_space<hbm>> -> memref<100000x1024xf32, #tpu.memory_space<hbm>>
    %dma_wait3A_1297 = tpu.memref_slice %arg7[%dma_wait3A_1287] : memref<3x!tpu.dma_semaphore, #tpu.memory_space<semaphore_mem>> -> memref<1x!tpu.dma_semaphore, #tpu.memory_space<semaphore_mem>>
    %dma_wait3A_1298 = tpu.memref_squeeze %dma_wait3A_1297 : memref<1x!tpu.dma_semaphore, #tpu.memory_space<semaphore_mem>> -> memref<!tpu.dma_semaphore, #tpu.memory_space<semaphore_mem>>
    tpu.wait_indirect_dma semaphore(%dma_wait3A_1298 : memref<!tpu.dma_semaphore, #tpu.memory_space<semaphore_mem>>) src(%dma_wait3A_1296 : memref<100000x1024xf32, #tpu.memory_space<hbm>>) dst(%dma_wait3A_1291 : memref<16x1024xf32, #tpu.memory_space<vmem>>)
    %add3A_1299 = arith.constant 304 : i32
    %add3A_1300 = arith.addi %mul3A_32, %add3A_1299 : i32
    %dma_start3A_1301 = arith.constant 1 : i32
    %dma_start3A_1302 = arith.constant 1 : i32
    %dma_start3A_1303 = arith.constant 0 : i32
    %dma_start3A_1304 = arith.constant 0 : i32
    %dma_start3A_1305 = tpu.memref_slice %arg6[%dma_start3A_1301, %dma_start3A_1303, %dma_start3A_1304] : memref<3x16x1024xf32, #tpu.memory_space<vmem>> -> memref<1x16x1024xf32, #tpu.memory_space<vmem>>
    %dma_start3A_1306 = tpu.memref_squeeze %dma_start3A_1305 : memref<1x16x1024xf32, #tpu.memory_space<vmem>> -> memref<16x1024xf32, #tpu.memory_space<vmem>>
    %dma_start3A_1307 = arith.constant 0 : i32
    %dma_start3A_1308 = tpu.memref_slice %arg4[%select_n3A, %add3A_1300, %dma_start3A_1307] : memref<4x4096x1024xf32, #tpu.memory_space<hbm>> -> memref<1x16x1024xf32, #tpu.memory_space<hbm>>
    %dma_start3A_1309 = tpu.memref_squeeze %dma_start3A_1308 : memref<1x16x1024xf32, #tpu.memory_space<hbm>> -> memref<16x1024xf32, #tpu.memory_space<hbm>>
    %dma_start3A_1310 = tpu.memref_slice %arg8[%dma_start3A_1302] : memref<3x!tpu.dma_semaphore, #tpu.memory_space<semaphore_mem>> -> memref<1x!tpu.dma_semaphore, #tpu.memory_space<semaphore_mem>>
    %dma_start3A_1311 = tpu.memref_squeeze %dma_start3A_1310 : memref<1x!tpu.dma_semaphore, #tpu.memory_space<semaphore_mem>> -> memref<!tpu.dma_semaphore, #tpu.memory_space<semaphore_mem>>
    %dma_start3A_1312 = arith.constant 0 : i32
    %dma_start3A_1313 = tpu.memref_slice %arg4[%select_n3A, %add3A_1300, %dma_start3A_1312] : memref<4x4096x1024xf32, #tpu.memory_space<hbm>> -> memref<1x16x1024xf32, #tpu.memory_space<hbm>>
    %dma_start3A_1314 = tpu.memref_squeeze %dma_start3A_1313 : memref<1x16x1024xf32, #tpu.memory_space<hbm>> -> memref<16x1024xf32, #tpu.memory_space<hbm>>
    %dma_start3A_1315 = arith.constant 0 : i32
    %dma_start3A_1316 = arith.constant 0 : i32
    %dma_start3A_1317 = tpu.memref_slice %arg6[%dma_start3A_1301, %dma_start3A_1315, %dma_start3A_1316] : memref<3x16x1024xf32, #tpu.memory_space<vmem>> -> memref<1x16x1024xf32, #tpu.memory_space<vmem>>
    %dma_start3A_1318 = tpu.memref_squeeze %dma_start3A_1317 : memref<1x16x1024xf32, #tpu.memory_space<vmem>> -> memref<16x1024xf32, #tpu.memory_space<vmem>>
    tpu.enqueue_dma source(%dma_start3A_1318 : memref<16x1024xf32, #tpu.memory_space<vmem>>) target(%dma_start3A_1314 : memref<16x1024xf32, #tpu.memory_space<hbm>>) target_semaphore(%dma_start3A_1311 : memref<!tpu.dma_semaphore, #tpu.memory_space<semaphore_mem>>)
    %dma_wait3A_1319 = arith.constant 1 : i32
    %dma_wait3A_1320 = arith.constant 1 : i32
    %dma_wait3A_1321 = arith.constant 0 : i32
    %dma_wait3A_1322 = arith.constant 0 : i32
    %dma_wait3A_1323 = tpu.memref_slice %arg6[%dma_wait3A_1319, %dma_wait3A_1321, %dma_wait3A_1322] : memref<3x16x1024xf32, #tpu.memory_space<vmem>> -> memref<1x16x1024xf32, #tpu.memory_space<vmem>>
    %dma_wait3A_1324 = tpu.memref_squeeze %dma_wait3A_1323 : memref<1x16x1024xf32, #tpu.memory_space<vmem>> -> memref<16x1024xf32, #tpu.memory_space<vmem>>
    %dma_wait3A_1325 = arith.constant 0 : i32
    %dma_wait3A_1326 = tpu.memref_slice %arg4[%select_n3A, %add3A_1300, %dma_wait3A_1325] : memref<4x4096x1024xf32, #tpu.memory_space<hbm>> -> memref<1x16x1024xf32, #tpu.memory_space<hbm>>
    %dma_wait3A_1327 = tpu.memref_squeeze %dma_wait3A_1326 : memref<1x16x1024xf32, #tpu.memory_space<hbm>> -> memref<16x1024xf32, #tpu.memory_space<hbm>>
    %dma_wait3A_1328 = tpu.memref_slice %arg8[%dma_wait3A_1320] : memref<3x!tpu.dma_semaphore, #tpu.memory_space<semaphore_mem>> -> memref<1x!tpu.dma_semaphore, #tpu.memory_space<semaphore_mem>>
    %dma_wait3A_1329 = tpu.memref_squeeze %dma_wait3A_1328 : memref<1x!tpu.dma_semaphore, #tpu.memory_space<semaphore_mem>> -> memref<!tpu.dma_semaphore, #tpu.memory_space<semaphore_mem>>
    %dma_wait3A_1330 = arith.constant 0 : i32
    %dma_wait3A_1331 = tpu.memref_slice %arg4[%select_n3A, %add3A_1300, %dma_wait3A_1330] : memref<4x4096x1024xf32, #tpu.memory_space<hbm>> -> memref<1x16x1024xf32, #tpu.memory_space<hbm>>
    %dma_wait3A_1332 = tpu.memref_squeeze %dma_wait3A_1331 : memref<1x16x1024xf32, #tpu.memory_space<hbm>> -> memref<16x1024xf32, #tpu.memory_space<hbm>>
    %dma_wait3A_1333 = arith.constant 0 : i32
    %dma_wait3A_1334 = arith.constant 0 : i32
    %dma_wait3A_1335 = tpu.memref_slice %arg6[%dma_wait3A_1319, %dma_wait3A_1333, %dma_wait3A_1334] : memref<3x16x1024xf32, #tpu.memory_space<vmem>> -> memref<1x16x1024xf32, #tpu.memory_space<vmem>>
    %dma_wait3A_1336 = tpu.memref_squeeze %dma_wait3A_1335 : memref<1x16x1024xf32, #tpu.memory_space<vmem>> -> memref<16x1024xf32, #tpu.memory_space<vmem>>
    tpu.wait_dma2 semaphore(%dma_wait3A_1329 : memref<!tpu.dma_semaphore, #tpu.memory_space<semaphore_mem>>) src(%dma_wait3A_1336 : memref<16x1024xf32, #tpu.memory_space<vmem>>) dst(%dma_wait3A_1332 : memref<16x1024xf32, #tpu.memory_space<hbm>>)
    %dma_start3A_1337 = arith.constant 1 : i32
    %dma_start3A_1338 = arith.constant 1 : i32
    %dma_start3A_1339 = arith.constant 0 : i32
    %dma_start3A_1340 = arith.constant 0 : i32
    %dma_start3A_1341 = tpu.memref_slice %arg6[%dma_start3A_1337, %dma_start3A_1339, %dma_start3A_1340] : memref<3x16x1024xf32, #tpu.memory_space<vmem>> -> memref<1x16x1024xf32, #tpu.memory_space<vmem>>
    %dma_start3A_1342 = tpu.memref_squeeze %dma_start3A_1341 : memref<1x16x1024xf32, #tpu.memory_space<vmem>> -> memref<16x1024xf32, #tpu.memory_space<vmem>>
    %dma_start3A_1343 = arith.constant 352 : i32
    %dma_start3A_1344 = tpu.memref_slice %arg5[%dma_start3A_1343] : memref<512xi32, #tpu.memory_space<vmem>> -> memref<16xi32, #tpu.memory_space<vmem>>
    %dma_start3A_1345 = arith.constant 0 : i32
    %dma_start3A_1346 = arith.constant 0 : i32
    %dma_start3A_1347 = tpu.memref_slice %arg3[%dma_start3A_1345, %dma_start3A_1346] : memref<100000x1024xf32, #tpu.memory_space<hbm>> -> memref<100000x1024xf32, #tpu.memory_space<hbm>>
    %dma_start3A_1348 = tpu.memref_slice %arg7[%dma_start3A_1338] : memref<3x!tpu.dma_semaphore, #tpu.memory_space<semaphore_mem>> -> memref<1x!tpu.dma_semaphore, #tpu.memory_space<semaphore_mem>>
    %dma_start3A_1349 = tpu.memref_squeeze %dma_start3A_1348 : memref<1x!tpu.dma_semaphore, #tpu.memory_space<semaphore_mem>> -> memref<!tpu.dma_semaphore, #tpu.memory_space<semaphore_mem>>
    tpu.enqueue_indirect_dma source(%dma_start3A_1347 : memref<100000x1024xf32, #tpu.memory_space<hbm>>) target(%dma_start3A_1342 : memref<16x1024xf32, #tpu.memory_space<vmem>>) offsets(%dma_start3A_1344 : memref<16xi32, #tpu.memory_space<vmem>>) semaphore(%dma_start3A_1349 : memref<!tpu.dma_semaphore, #tpu.memory_space<semaphore_mem>>)
    %dma_wait3A_1350 = arith.constant 2 : i32
    %dma_wait3A_1351 = arith.constant 2 : i32
    %dma_wait3A_1352 = arith.constant 0 : i32
    %dma_wait3A_1353 = arith.constant 0 : i32
    %dma_wait3A_1354 = tpu.memref_slice %arg6[%dma_wait3A_1350, %dma_wait3A_1352, %dma_wait3A_1353] : memref<3x16x1024xf32, #tpu.memory_space<vmem>> -> memref<1x16x1024xf32, #tpu.memory_space<vmem>>
    %dma_wait3A_1355 = tpu.memref_squeeze %dma_wait3A_1354 : memref<1x16x1024xf32, #tpu.memory_space<vmem>> -> memref<16x1024xf32, #tpu.memory_space<vmem>>
    %dma_wait3A_1356 = arith.constant 320 : i32
    %dma_wait3A_1357 = tpu.memref_slice %arg5[%dma_wait3A_1356] : memref<512xi32, #tpu.memory_space<vmem>> -> memref<16xi32, #tpu.memory_space<vmem>>
    %dma_wait3A_1358 = arith.constant 0 : i32
    %dma_wait3A_1359 = arith.constant 0 : i32
    %dma_wait3A_1360 = tpu.memref_slice %arg3[%dma_wait3A_1358, %dma_wait3A_1359] : memref<100000x1024xf32, #tpu.memory_space<hbm>> -> memref<100000x1024xf32, #tpu.memory_space<hbm>>
    %dma_wait3A_1361 = tpu.memref_slice %arg7[%dma_wait3A_1351] : memref<3x!tpu.dma_semaphore, #tpu.memory_space<semaphore_mem>> -> memref<1x!tpu.dma_semaphore, #tpu.memory_space<semaphore_mem>>
    %dma_wait3A_1362 = tpu.memref_squeeze %dma_wait3A_1361 : memref<1x!tpu.dma_semaphore, #tpu.memory_space<semaphore_mem>> -> memref<!tpu.dma_semaphore, #tpu.memory_space<semaphore_mem>>
    tpu.wait_indirect_dma semaphore(%dma_wait3A_1362 : memref<!tpu.dma_semaphore, #tpu.memory_space<semaphore_mem>>) src(%dma_wait3A_1360 : memref<100000x1024xf32, #tpu.memory_space<hbm>>) dst(%dma_wait3A_1355 : memref<16x1024xf32, #tpu.memory_space<vmem>>)
    %add3A_1363 = arith.constant 320 : i32
    %add3A_1364 = arith.addi %mul3A_32, %add3A_1363 : i32
    %dma_start3A_1365 = arith.constant 2 : i32
    %dma_start3A_1366 = arith.constant 2 : i32
    %dma_start3A_1367 = arith.constant 0 : i32
    %dma_start3A_1368 = arith.constant 0 : i32
    %dma_start3A_1369 = tpu.memref_slice %arg6[%dma_start3A_1365, %dma_start3A_1367, %dma_start3A_1368] : memref<3x16x1024xf32, #tpu.memory_space<vmem>> -> memref<1x16x1024xf32, #tpu.memory_space<vmem>>
    %dma_start3A_1370 = tpu.memref_squeeze %dma_start3A_1369 : memref<1x16x1024xf32, #tpu.memory_space<vmem>> -> memref<16x1024xf32, #tpu.memory_space<vmem>>
    %dma_start3A_1371 = arith.constant 0 : i32
    %dma_start3A_1372 = tpu.memref_slice %arg4[%select_n3A, %add3A_1364, %dma_start3A_1371] : memref<4x4096x1024xf32, #tpu.memory_space<hbm>> -> memref<1x16x1024xf32, #tpu.memory_space<hbm>>
    %dma_start3A_1373 = tpu.memref_squeeze %dma_start3A_1372 : memref<1x16x1024xf32, #tpu.memory_space<hbm>> -> memref<16x1024xf32, #tpu.memory_space<hbm>>
    %dma_start3A_1374 = tpu.memref_slice %arg8[%dma_start3A_1366] : memref<3x!tpu.dma_semaphore, #tpu.memory_space<semaphore_mem>> -> memref<1x!tpu.dma_semaphore, #tpu.memory_space<semaphore_mem>>
    %dma_start3A_1375 = tpu.memref_squeeze %dma_start3A_1374 : memref<1x!tpu.dma_semaphore, #tpu.memory_space<semaphore_mem>> -> memref<!tpu.dma_semaphore, #tpu.memory_space<semaphore_mem>>
    %dma_start3A_1376 = arith.constant 0 : i32
    %dma_start3A_1377 = tpu.memref_slice %arg4[%select_n3A, %add3A_1364, %dma_start3A_1376] : memref<4x4096x1024xf32, #tpu.memory_space<hbm>> -> memref<1x16x1024xf32, #tpu.memory_space<hbm>>
    %dma_start3A_1378 = tpu.memref_squeeze %dma_start3A_1377 : memref<1x16x1024xf32, #tpu.memory_space<hbm>> -> memref<16x1024xf32, #tpu.memory_space<hbm>>
    %dma_start3A_1379 = arith.constant 0 : i32
    %dma_start3A_1380 = arith.constant 0 : i32
    %dma_start3A_1381 = tpu.memref_slice %arg6[%dma_start3A_1365, %dma_start3A_1379, %dma_start3A_1380] : memref<3x16x1024xf32, #tpu.memory_space<vmem>> -> memref<1x16x1024xf32, #tpu.memory_space<vmem>>
    %dma_start3A_1382 = tpu.memref_squeeze %dma_start3A_1381 : memref<1x16x1024xf32, #tpu.memory_space<vmem>> -> memref<16x1024xf32, #tpu.memory_space<vmem>>
    tpu.enqueue_dma source(%dma_start3A_1382 : memref<16x1024xf32, #tpu.memory_space<vmem>>) target(%dma_start3A_1378 : memref<16x1024xf32, #tpu.memory_space<hbm>>) target_semaphore(%dma_start3A_1375 : memref<!tpu.dma_semaphore, #tpu.memory_space<semaphore_mem>>)
    %dma_wait3A_1383 = arith.constant 2 : i32
    %dma_wait3A_1384 = arith.constant 2 : i32
    %dma_wait3A_1385 = arith.constant 0 : i32
    %dma_wait3A_1386 = arith.constant 0 : i32
    %dma_wait3A_1387 = tpu.memref_slice %arg6[%dma_wait3A_1383, %dma_wait3A_1385, %dma_wait3A_1386] : memref<3x16x1024xf32, #tpu.memory_space<vmem>> -> memref<1x16x1024xf32, #tpu.memory_space<vmem>>
    %dma_wait3A_1388 = tpu.memref_squeeze %dma_wait3A_1387 : memref<1x16x1024xf32, #tpu.memory_space<vmem>> -> memref<16x1024xf32, #tpu.memory_space<vmem>>
    %dma_wait3A_1389 = arith.constant 0 : i32
    %dma_wait3A_1390 = tpu.memref_slice %arg4[%select_n3A, %add3A_1364, %dma_wait3A_1389] : memref<4x4096x1024xf32, #tpu.memory_space<hbm>> -> memref<1x16x1024xf32, #tpu.memory_space<hbm>>
    %dma_wait3A_1391 = tpu.memref_squeeze %dma_wait3A_1390 : memref<1x16x1024xf32, #tpu.memory_space<hbm>> -> memref<16x1024xf32, #tpu.memory_space<hbm>>
    %dma_wait3A_1392 = tpu.memref_slice %arg8[%dma_wait3A_1384] : memref<3x!tpu.dma_semaphore, #tpu.memory_space<semaphore_mem>> -> memref<1x!tpu.dma_semaphore, #tpu.memory_space<semaphore_mem>>
    %dma_wait3A_1393 = tpu.memref_squeeze %dma_wait3A_1392 : memref<1x!tpu.dma_semaphore, #tpu.memory_space<semaphore_mem>> -> memref<!tpu.dma_semaphore, #tpu.memory_space<semaphore_mem>>
    %dma_wait3A_1394 = arith.constant 0 : i32
    %dma_wait3A_1395 = tpu.memref_slice %arg4[%select_n3A, %add3A_1364, %dma_wait3A_1394] : memref<4x4096x1024xf32, #tpu.memory_space<hbm>> -> memref<1x16x1024xf32, #tpu.memory_space<hbm>>
    %dma_wait3A_1396 = tpu.memref_squeeze %dma_wait3A_1395 : memref<1x16x1024xf32, #tpu.memory_space<hbm>> -> memref<16x1024xf32, #tpu.memory_space<hbm>>
    %dma_wait3A_1397 = arith.constant 0 : i32
    %dma_wait3A_1398 = arith.constant 0 : i32
    %dma_wait3A_1399 = tpu.memref_slice %arg6[%dma_wait3A_1383, %dma_wait3A_1397, %dma_wait3A_1398] : memref<3x16x1024xf32, #tpu.memory_space<vmem>> -> memref<1x16x1024xf32, #tpu.memory_space<vmem>>
    %dma_wait3A_1400 = tpu.memref_squeeze %dma_wait3A_1399 : memref<1x16x1024xf32, #tpu.memory_space<vmem>> -> memref<16x1024xf32, #tpu.memory_space<vmem>>
    tpu.wait_dma2 semaphore(%dma_wait3A_1393 : memref<!tpu.dma_semaphore, #tpu.memory_space<semaphore_mem>>) src(%dma_wait3A_1400 : memref<16x1024xf32, #tpu.memory_space<vmem>>) dst(%dma_wait3A_1396 : memref<16x1024xf32, #tpu.memory_space<hbm>>)
    %dma_start3A_1401 = arith.constant 2 : i32
    %dma_start3A_1402 = arith.constant 2 : i32
    %dma_start3A_1403 = arith.constant 0 : i32
    %dma_start3A_1404 = arith.constant 0 : i32
    %dma_start3A_1405 = tpu.memref_slice %arg6[%dma_start3A_1401, %dma_start3A_1403, %dma_start3A_1404] : memref<3x16x1024xf32, #tpu.memory_space<vmem>> -> memref<1x16x1024xf32, #tpu.memory_space<vmem>>
    %dma_start3A_1406 = tpu.memref_squeeze %dma_start3A_1405 : memref<1x16x1024xf32, #tpu.memory_space<vmem>> -> memref<16x1024xf32, #tpu.memory_space<vmem>>
    %dma_start3A_1407 = arith.constant 368 : i32
    %dma_start3A_1408 = tpu.memref_slice %arg5[%dma_start3A_1407] : memref<512xi32, #tpu.memory_space<vmem>> -> memref<16xi32, #tpu.memory_space<vmem>>
    %dma_start3A_1409 = arith.constant 0 : i32
    %dma_start3A_1410 = arith.constant 0 : i32
    %dma_start3A_1411 = tpu.memref_slice %arg3[%dma_start3A_1409, %dma_start3A_1410] : memref<100000x1024xf32, #tpu.memory_space<hbm>> -> memref<100000x1024xf32, #tpu.memory_space<hbm>>
    %dma_start3A_1412 = tpu.memref_slice %arg7[%dma_start3A_1402] : memref<3x!tpu.dma_semaphore, #tpu.memory_space<semaphore_mem>> -> memref<1x!tpu.dma_semaphore, #tpu.memory_space<semaphore_mem>>
    %dma_start3A_1413 = tpu.memref_squeeze %dma_start3A_1412 : memref<1x!tpu.dma_semaphore, #tpu.memory_space<semaphore_mem>> -> memref<!tpu.dma_semaphore, #tpu.memory_space<semaphore_mem>>
    tpu.enqueue_indirect_dma source(%dma_start3A_1411 : memref<100000x1024xf32, #tpu.memory_space<hbm>>) target(%dma_start3A_1406 : memref<16x1024xf32, #tpu.memory_space<vmem>>) offsets(%dma_start3A_1408 : memref<16xi32, #tpu.memory_space<vmem>>) semaphore(%dma_start3A_1413 : memref<!tpu.dma_semaphore, #tpu.memory_space<semaphore_mem>>)
    %dma_wait3A_1414 = arith.constant 0 : i32
    %dma_wait3A_1415 = arith.constant 0 : i32
    %dma_wait3A_1416 = arith.constant 0 : i32
    %dma_wait3A_1417 = arith.constant 0 : i32
    %dma_wait3A_1418 = tpu.memref_slice %arg6[%dma_wait3A_1414, %dma_wait3A_1416, %dma_wait3A_1417] : memref<3x16x1024xf32, #tpu.memory_space<vmem>> -> memref<1x16x1024xf32, #tpu.memory_space<vmem>>
    %dma_wait3A_1419 = tpu.memref_squeeze %dma_wait3A_1418 : memref<1x16x1024xf32, #tpu.memory_space<vmem>> -> memref<16x1024xf32, #tpu.memory_space<vmem>>
    %dma_wait3A_1420 = arith.constant 336 : i32
    %dma_wait3A_1421 = tpu.memref_slice %arg5[%dma_wait3A_1420] : memref<512xi32, #tpu.memory_space<vmem>> -> memref<16xi32, #tpu.memory_space<vmem>>
    %dma_wait3A_1422 = arith.constant 0 : i32
    %dma_wait3A_1423 = arith.constant 0 : i32
    %dma_wait3A_1424 = tpu.memref_slice %arg3[%dma_wait3A_1422, %dma_wait3A_1423] : memref<100000x1024xf32, #tpu.memory_space<hbm>> -> memref<100000x1024xf32, #tpu.memory_space<hbm>>
    %dma_wait3A_1425 = tpu.memref_slice %arg7[%dma_wait3A_1415] : memref<3x!tpu.dma_semaphore, #tpu.memory_space<semaphore_mem>> -> memref<1x!tpu.dma_semaphore, #tpu.memory_space<semaphore_mem>>
    %dma_wait3A_1426 = tpu.memref_squeeze %dma_wait3A_1425 : memref<1x!tpu.dma_semaphore, #tpu.memory_space<semaphore_mem>> -> memref<!tpu.dma_semaphore, #tpu.memory_space<semaphore_mem>>
    tpu.wait_indirect_dma semaphore(%dma_wait3A_1426 : memref<!tpu.dma_semaphore, #tpu.memory_space<semaphore_mem>>) src(%dma_wait3A_1424 : memref<100000x1024xf32, #tpu.memory_space<hbm>>) dst(%dma_wait3A_1419 : memref<16x1024xf32, #tpu.memory_space<vmem>>)
    %add3A_1427 = arith.constant 336 : i32
    %add3A_1428 = arith.addi %mul3A_32, %add3A_1427 : i32
    %dma_start3A_1429 = arith.constant 0 : i32
    %dma_start3A_1430 = arith.constant 0 : i32
    %dma_start3A_1431 = arith.constant 0 : i32
    %dma_start3A_1432 = arith.constant 0 : i32
    %dma_start3A_1433 = tpu.memref_slice %arg6[%dma_start3A_1429, %dma_start3A_1431, %dma_start3A_1432] : memref<3x16x1024xf32, #tpu.memory_space<vmem>> -> memref<1x16x1024xf32, #tpu.memory_space<vmem>>
    %dma_start3A_1434 = tpu.memref_squeeze %dma_start3A_1433 : memref<1x16x1024xf32, #tpu.memory_space<vmem>> -> memref<16x1024xf32, #tpu.memory_space<vmem>>
    %dma_start3A_1435 = arith.constant 0 : i32
    %dma_start3A_1436 = tpu.memref_slice %arg4[%select_n3A, %add3A_1428, %dma_start3A_1435] : memref<4x4096x1024xf32, #tpu.memory_space<hbm>> -> memref<1x16x1024xf32, #tpu.memory_space<hbm>>
    %dma_start3A_1437 = tpu.memref_squeeze %dma_start3A_1436 : memref<1x16x1024xf32, #tpu.memory_space<hbm>> -> memref<16x1024xf32, #tpu.memory_space<hbm>>
    %dma_start3A_1438 = tpu.memref_slice %arg8[%dma_start3A_1430] : memref<3x!tpu.dma_semaphore, #tpu.memory_space<semaphore_mem>> -> memref<1x!tpu.dma_semaphore, #tpu.memory_space<semaphore_mem>>
    %dma_start3A_1439 = tpu.memref_squeeze %dma_start3A_1438 : memref<1x!tpu.dma_semaphore, #tpu.memory_space<semaphore_mem>> -> memref<!tpu.dma_semaphore, #tpu.memory_space<semaphore_mem>>
    %dma_start3A_1440 = arith.constant 0 : i32
    %dma_start3A_1441 = tpu.memref_slice %arg4[%select_n3A, %add3A_1428, %dma_start3A_1440] : memref<4x4096x1024xf32, #tpu.memory_space<hbm>> -> memref<1x16x1024xf32, #tpu.memory_space<hbm>>
    %dma_start3A_1442 = tpu.memref_squeeze %dma_start3A_1441 : memref<1x16x1024xf32, #tpu.memory_space<hbm>> -> memref<16x1024xf32, #tpu.memory_space<hbm>>
    %dma_start3A_1443 = arith.constant 0 : i32
    %dma_start3A_1444 = arith.constant 0 : i32
    %dma_start3A_1445 = tpu.memref_slice %arg6[%dma_start3A_1429, %dma_start3A_1443, %dma_start3A_1444] : memref<3x16x1024xf32, #tpu.memory_space<vmem>> -> memref<1x16x1024xf32, #tpu.memory_space<vmem>>
    %dma_start3A_1446 = tpu.memref_squeeze %dma_start3A_1445 : memref<1x16x1024xf32, #tpu.memory_space<vmem>> -> memref<16x1024xf32, #tpu.memory_space<vmem>>
    tpu.enqueue_dma source(%dma_start3A_1446 : memref<16x1024xf32, #tpu.memory_space<vmem>>) target(%dma_start3A_1442 : memref<16x1024xf32, #tpu.memory_space<hbm>>) target_semaphore(%dma_start3A_1439 : memref<!tpu.dma_semaphore, #tpu.memory_space<semaphore_mem>>)
    %dma_wait3A_1447 = arith.constant 0 : i32
    %dma_wait3A_1448 = arith.constant 0 : i32
    %dma_wait3A_1449 = arith.constant 0 : i32
    %dma_wait3A_1450 = arith.constant 0 : i32
    %dma_wait3A_1451 = tpu.memref_slice %arg6[%dma_wait3A_1447, %dma_wait3A_1449, %dma_wait3A_1450] : memref<3x16x1024xf32, #tpu.memory_space<vmem>> -> memref<1x16x1024xf32, #tpu.memory_space<vmem>>
    %dma_wait3A_1452 = tpu.memref_squeeze %dma_wait3A_1451 : memref<1x16x1024xf32, #tpu.memory_space<vmem>> -> memref<16x1024xf32, #tpu.memory_space<vmem>>
    %dma_wait3A_1453 = arith.constant 0 : i32
    %dma_wait3A_1454 = tpu.memref_slice %arg4[%select_n3A, %add3A_1428, %dma_wait3A_1453] : memref<4x4096x1024xf32, #tpu.memory_space<hbm>> -> memref<1x16x1024xf32, #tpu.memory_space<hbm>>
    %dma_wait3A_1455 = tpu.memref_squeeze %dma_wait3A_1454 : memref<1x16x1024xf32, #tpu.memory_space<hbm>> -> memref<16x1024xf32, #tpu.memory_space<hbm>>
    %dma_wait3A_1456 = tpu.memref_slice %arg8[%dma_wait3A_1448] : memref<3x!tpu.dma_semaphore, #tpu.memory_space<semaphore_mem>> -> memref<1x!tpu.dma_semaphore, #tpu.memory_space<semaphore_mem>>
    %dma_wait3A_1457 = tpu.memref_squeeze %dma_wait3A_1456 : memref<1x!tpu.dma_semaphore, #tpu.memory_space<semaphore_mem>> -> memref<!tpu.dma_semaphore, #tpu.memory_space<semaphore_mem>>
    %dma_wait3A_1458 = arith.constant 0 : i32
    %dma_wait3A_1459 = tpu.memref_slice %arg4[%select_n3A, %add3A_1428, %dma_wait3A_1458] : memref<4x4096x1024xf32, #tpu.memory_space<hbm>> -> memref<1x16x1024xf32, #tpu.memory_space<hbm>>
    %dma_wait3A_1460 = tpu.memref_squeeze %dma_wait3A_1459 : memref<1x16x1024xf32, #tpu.memory_space<hbm>> -> memref<16x1024xf32, #tpu.memory_space<hbm>>
    %dma_wait3A_1461 = arith.constant 0 : i32
    %dma_wait3A_1462 = arith.constant 0 : i32
    %dma_wait3A_1463 = tpu.memref_slice %arg6[%dma_wait3A_1447, %dma_wait3A_1461, %dma_wait3A_1462] : memref<3x16x1024xf32, #tpu.memory_space<vmem>> -> memref<1x16x1024xf32, #tpu.memory_space<vmem>>
    %dma_wait3A_1464 = tpu.memref_squeeze %dma_wait3A_1463 : memref<1x16x1024xf32, #tpu.memory_space<vmem>> -> memref<16x1024xf32, #tpu.memory_space<vmem>>
    tpu.wait_dma2 semaphore(%dma_wait3A_1457 : memref<!tpu.dma_semaphore, #tpu.memory_space<semaphore_mem>>) src(%dma_wait3A_1464 : memref<16x1024xf32, #tpu.memory_space<vmem>>) dst(%dma_wait3A_1460 : memref<16x1024xf32, #tpu.memory_space<hbm>>)
    %dma_start3A_1465 = arith.constant 0 : i32
    %dma_start3A_1466 = arith.constant 0 : i32
    %dma_start3A_1467 = arith.constant 0 : i32
    %dma_start3A_1468 = arith.constant 0 : i32
    %dma_start3A_1469 = tpu.memref_slice %arg6[%dma_start3A_1465, %dma_start3A_1467, %dma_start3A_1468] : memref<3x16x1024xf32, #tpu.memory_space<vmem>> -> memref<1x16x1024xf32, #tpu.memory_space<vmem>>
    %dma_start3A_1470 = tpu.memref_squeeze %dma_start3A_1469 : memref<1x16x1024xf32, #tpu.memory_space<vmem>> -> memref<16x1024xf32, #tpu.memory_space<vmem>>
    %dma_start3A_1471 = arith.constant 384 : i32
    %dma_start3A_1472 = tpu.memref_slice %arg5[%dma_start3A_1471] : memref<512xi32, #tpu.memory_space<vmem>> -> memref<16xi32, #tpu.memory_space<vmem>>
    %dma_start3A_1473 = arith.constant 0 : i32
    %dma_start3A_1474 = arith.constant 0 : i32
    %dma_start3A_1475 = tpu.memref_slice %arg3[%dma_start3A_1473, %dma_start3A_1474] : memref<100000x1024xf32, #tpu.memory_space<hbm>> -> memref<100000x1024xf32, #tpu.memory_space<hbm>>
    %dma_start3A_1476 = tpu.memref_slice %arg7[%dma_start3A_1466] : memref<3x!tpu.dma_semaphore, #tpu.memory_space<semaphore_mem>> -> memref<1x!tpu.dma_semaphore, #tpu.memory_space<semaphore_mem>>
    %dma_start3A_1477 = tpu.memref_squeeze %dma_start3A_1476 : memref<1x!tpu.dma_semaphore, #tpu.memory_space<semaphore_mem>> -> memref<!tpu.dma_semaphore, #tpu.memory_space<semaphore_mem>>
    tpu.enqueue_indirect_dma source(%dma_start3A_1475 : memref<100000x1024xf32, #tpu.memory_space<hbm>>) target(%dma_start3A_1470 : memref<16x1024xf32, #tpu.memory_space<vmem>>) offsets(%dma_start3A_1472 : memref<16xi32, #tpu.memory_space<vmem>>) semaphore(%dma_start3A_1477 : memref<!tpu.dma_semaphore, #tpu.memory_space<semaphore_mem>>)
    %dma_wait3A_1478 = arith.constant 1 : i32
    %dma_wait3A_1479 = arith.constant 1 : i32
    %dma_wait3A_1480 = arith.constant 0 : i32
    %dma_wait3A_1481 = arith.constant 0 : i32
    %dma_wait3A_1482 = tpu.memref_slice %arg6[%dma_wait3A_1478, %dma_wait3A_1480, %dma_wait3A_1481] : memref<3x16x1024xf32, #tpu.memory_space<vmem>> -> memref<1x16x1024xf32, #tpu.memory_space<vmem>>
    %dma_wait3A_1483 = tpu.memref_squeeze %dma_wait3A_1482 : memref<1x16x1024xf32, #tpu.memory_space<vmem>> -> memref<16x1024xf32, #tpu.memory_space<vmem>>
    %dma_wait3A_1484 = arith.constant 352 : i32
    %dma_wait3A_1485 = tpu.memref_slice %arg5[%dma_wait3A_1484] : memref<512xi32, #tpu.memory_space<vmem>> -> memref<16xi32, #tpu.memory_space<vmem>>
    %dma_wait3A_1486 = arith.constant 0 : i32
    %dma_wait3A_1487 = arith.constant 0 : i32
    %dma_wait3A_1488 = tpu.memref_slice %arg3[%dma_wait3A_1486, %dma_wait3A_1487] : memref<100000x1024xf32, #tpu.memory_space<hbm>> -> memref<100000x1024xf32, #tpu.memory_space<hbm>>
    %dma_wait3A_1489 = tpu.memref_slice %arg7[%dma_wait3A_1479] : memref<3x!tpu.dma_semaphore, #tpu.memory_space<semaphore_mem>> -> memref<1x!tpu.dma_semaphore, #tpu.memory_space<semaphore_mem>>
    %dma_wait3A_1490 = tpu.memref_squeeze %dma_wait3A_1489 : memref<1x!tpu.dma_semaphore, #tpu.memory_space<semaphore_mem>> -> memref<!tpu.dma_semaphore, #tpu.memory_space<semaphore_mem>>
    tpu.wait_indirect_dma semaphore(%dma_wait3A_1490 : memref<!tpu.dma_semaphore, #tpu.memory_space<semaphore_mem>>) src(%dma_wait3A_1488 : memref<100000x1024xf32, #tpu.memory_space<hbm>>) dst(%dma_wait3A_1483 : memref<16x1024xf32, #tpu.memory_space<vmem>>)
    %add3A_1491 = arith.constant 352 : i32
    %add3A_1492 = arith.addi %mul3A_32, %add3A_1491 : i32
    %dma_start3A_1493 = arith.constant 1 : i32
    %dma_start3A_1494 = arith.constant 1 : i32
    %dma_start3A_1495 = arith.constant 0 : i32
    %dma_start3A_1496 = arith.constant 0 : i32
    %dma_start3A_1497 = tpu.memref_slice %arg6[%dma_start3A_1493, %dma_start3A_1495, %dma_start3A_1496] : memref<3x16x1024xf32, #tpu.memory_space<vmem>> -> memref<1x16x1024xf32, #tpu.memory_space<vmem>>
    %dma_start3A_1498 = tpu.memref_squeeze %dma_start3A_1497 : memref<1x16x1024xf32, #tpu.memory_space<vmem>> -> memref<16x1024xf32, #tpu.memory_space<vmem>>
    %dma_start3A_1499 = arith.constant 0 : i32
    %dma_start3A_1500 = tpu.memref_slice %arg4[%select_n3A, %add3A_1492, %dma_start3A_1499] : memref<4x4096x1024xf32, #tpu.memory_space<hbm>> -> memref<1x16x1024xf32, #tpu.memory_space<hbm>>
    %dma_start3A_1501 = tpu.memref_squeeze %dma_start3A_1500 : memref<1x16x1024xf32, #tpu.memory_space<hbm>> -> memref<16x1024xf32, #tpu.memory_space<hbm>>
    %dma_start3A_1502 = tpu.memref_slice %arg8[%dma_start3A_1494] : memref<3x!tpu.dma_semaphore, #tpu.memory_space<semaphore_mem>> -> memref<1x!tpu.dma_semaphore, #tpu.memory_space<semaphore_mem>>
    %dma_start3A_1503 = tpu.memref_squeeze %dma_start3A_1502 : memref<1x!tpu.dma_semaphore, #tpu.memory_space<semaphore_mem>> -> memref<!tpu.dma_semaphore, #tpu.memory_space<semaphore_mem>>
    %dma_start3A_1504 = arith.constant 0 : i32
    %dma_start3A_1505 = tpu.memref_slice %arg4[%select_n3A, %add3A_1492, %dma_start3A_1504] : memref<4x4096x1024xf32, #tpu.memory_space<hbm>> -> memref<1x16x1024xf32, #tpu.memory_space<hbm>>
    %dma_start3A_1506 = tpu.memref_squeeze %dma_start3A_1505 : memref<1x16x1024xf32, #tpu.memory_space<hbm>> -> memref<16x1024xf32, #tpu.memory_space<hbm>>
    %dma_start3A_1507 = arith.constant 0 : i32
    %dma_start3A_1508 = arith.constant 0 : i32
    %dma_start3A_1509 = tpu.memref_slice %arg6[%dma_start3A_1493, %dma_start3A_1507, %dma_start3A_1508] : memref<3x16x1024xf32, #tpu.memory_space<vmem>> -> memref<1x16x1024xf32, #tpu.memory_space<vmem>>
    %dma_start3A_1510 = tpu.memref_squeeze %dma_start3A_1509 : memref<1x16x1024xf32, #tpu.memory_space<vmem>> -> memref<16x1024xf32, #tpu.memory_space<vmem>>
    tpu.enqueue_dma source(%dma_start3A_1510 : memref<16x1024xf32, #tpu.memory_space<vmem>>) target(%dma_start3A_1506 : memref<16x1024xf32, #tpu.memory_space<hbm>>) target_semaphore(%dma_start3A_1503 : memref<!tpu.dma_semaphore, #tpu.memory_space<semaphore_mem>>)
    %dma_wait3A_1511 = arith.constant 1 : i32
    %dma_wait3A_1512 = arith.constant 1 : i32
    %dma_wait3A_1513 = arith.constant 0 : i32
    %dma_wait3A_1514 = arith.constant 0 : i32
    %dma_wait3A_1515 = tpu.memref_slice %arg6[%dma_wait3A_1511, %dma_wait3A_1513, %dma_wait3A_1514] : memref<3x16x1024xf32, #tpu.memory_space<vmem>> -> memref<1x16x1024xf32, #tpu.memory_space<vmem>>
    %dma_wait3A_1516 = tpu.memref_squeeze %dma_wait3A_1515 : memref<1x16x1024xf32, #tpu.memory_space<vmem>> -> memref<16x1024xf32, #tpu.memory_space<vmem>>
    %dma_wait3A_1517 = arith.constant 0 : i32
    %dma_wait3A_1518 = tpu.memref_slice %arg4[%select_n3A, %add3A_1492, %dma_wait3A_1517] : memref<4x4096x1024xf32, #tpu.memory_space<hbm>> -> memref<1x16x1024xf32, #tpu.memory_space<hbm>>
    %dma_wait3A_1519 = tpu.memref_squeeze %dma_wait3A_1518 : memref<1x16x1024xf32, #tpu.memory_space<hbm>> -> memref<16x1024xf32, #tpu.memory_space<hbm>>
    %dma_wait3A_1520 = tpu.memref_slice %arg8[%dma_wait3A_1512] : memref<3x!tpu.dma_semaphore, #tpu.memory_space<semaphore_mem>> -> memref<1x!tpu.dma_semaphore, #tpu.memory_space<semaphore_mem>>
    %dma_wait3A_1521 = tpu.memref_squeeze %dma_wait3A_1520 : memref<1x!tpu.dma_semaphore, #tpu.memory_space<semaphore_mem>> -> memref<!tpu.dma_semaphore, #tpu.memory_space<semaphore_mem>>
    %dma_wait3A_1522 = arith.constant 0 : i32
    %dma_wait3A_1523 = tpu.memref_slice %arg4[%select_n3A, %add3A_1492, %dma_wait3A_1522] : memref<4x4096x1024xf32, #tpu.memory_space<hbm>> -> memref<1x16x1024xf32, #tpu.memory_space<hbm>>
    %dma_wait3A_1524 = tpu.memref_squeeze %dma_wait3A_1523 : memref<1x16x1024xf32, #tpu.memory_space<hbm>> -> memref<16x1024xf32, #tpu.memory_space<hbm>>
    %dma_wait3A_1525 = arith.constant 0 : i32
    %dma_wait3A_1526 = arith.constant 0 : i32
    %dma_wait3A_1527 = tpu.memref_slice %arg6[%dma_wait3A_1511, %dma_wait3A_1525, %dma_wait3A_1526] : memref<3x16x1024xf32, #tpu.memory_space<vmem>> -> memref<1x16x1024xf32, #tpu.memory_space<vmem>>
    %dma_wait3A_1528 = tpu.memref_squeeze %dma_wait3A_1527 : memref<1x16x1024xf32, #tpu.memory_space<vmem>> -> memref<16x1024xf32, #tpu.memory_space<vmem>>
    tpu.wait_dma2 semaphore(%dma_wait3A_1521 : memref<!tpu.dma_semaphore, #tpu.memory_space<semaphore_mem>>) src(%dma_wait3A_1528 : memref<16x1024xf32, #tpu.memory_space<vmem>>) dst(%dma_wait3A_1524 : memref<16x1024xf32, #tpu.memory_space<hbm>>)
    %dma_start3A_1529 = arith.constant 1 : i32
    %dma_start3A_1530 = arith.constant 1 : i32
    %dma_start3A_1531 = arith.constant 0 : i32
    %dma_start3A_1532 = arith.constant 0 : i32
    %dma_start3A_1533 = tpu.memref_slice %arg6[%dma_start3A_1529, %dma_start3A_1531, %dma_start3A_1532] : memref<3x16x1024xf32, #tpu.memory_space<vmem>> -> memref<1x16x1024xf32, #tpu.memory_space<vmem>>
    %dma_start3A_1534 = tpu.memref_squeeze %dma_start3A_1533 : memref<1x16x1024xf32, #tpu.memory_space<vmem>> -> memref<16x1024xf32, #tpu.memory_space<vmem>>
    %dma_start3A_1535 = arith.constant 400 : i32
    %dma_start3A_1536 = tpu.memref_slice %arg5[%dma_start3A_1535] : memref<512xi32, #tpu.memory_space<vmem>> -> memref<16xi32, #tpu.memory_space<vmem>>
    %dma_start3A_1537 = arith.constant 0 : i32
    %dma_start3A_1538 = arith.constant 0 : i32
    %dma_start3A_1539 = tpu.memref_slice %arg3[%dma_start3A_1537, %dma_start3A_1538] : memref<100000x1024xf32, #tpu.memory_space<hbm>> -> memref<100000x1024xf32, #tpu.memory_space<hbm>>
    %dma_start3A_1540 = tpu.memref_slice %arg7[%dma_start3A_1530] : memref<3x!tpu.dma_semaphore, #tpu.memory_space<semaphore_mem>> -> memref<1x!tpu.dma_semaphore, #tpu.memory_space<semaphore_mem>>
    %dma_start3A_1541 = tpu.memref_squeeze %dma_start3A_1540 : memref<1x!tpu.dma_semaphore, #tpu.memory_space<semaphore_mem>> -> memref<!tpu.dma_semaphore, #tpu.memory_space<semaphore_mem>>
    tpu.enqueue_indirect_dma source(%dma_start3A_1539 : memref<100000x1024xf32, #tpu.memory_space<hbm>>) target(%dma_start3A_1534 : memref<16x1024xf32, #tpu.memory_space<vmem>>) offsets(%dma_start3A_1536 : memref<16xi32, #tpu.memory_space<vmem>>) semaphore(%dma_start3A_1541 : memref<!tpu.dma_semaphore, #tpu.memory_space<semaphore_mem>>)
    %dma_wait3A_1542 = arith.constant 2 : i32
    %dma_wait3A_1543 = arith.constant 2 : i32
    %dma_wait3A_1544 = arith.constant 0 : i32
    %dma_wait3A_1545 = arith.constant 0 : i32
    %dma_wait3A_1546 = tpu.memref_slice %arg6[%dma_wait3A_1542, %dma_wait3A_1544, %dma_wait3A_1545] : memref<3x16x1024xf32, #tpu.memory_space<vmem>> -> memref<1x16x1024xf32, #tpu.memory_space<vmem>>
    %dma_wait3A_1547 = tpu.memref_squeeze %dma_wait3A_1546 : memref<1x16x1024xf32, #tpu.memory_space<vmem>> -> memref<16x1024xf32, #tpu.memory_space<vmem>>
    %dma_wait3A_1548 = arith.constant 368 : i32
    %dma_wait3A_1549 = tpu.memref_slice %arg5[%dma_wait3A_1548] : memref<512xi32, #tpu.memory_space<vmem>> -> memref<16xi32, #tpu.memory_space<vmem>>
    %dma_wait3A_1550 = arith.constant 0 : i32
    %dma_wait3A_1551 = arith.constant 0 : i32
    %dma_wait3A_1552 = tpu.memref_slice %arg3[%dma_wait3A_1550, %dma_wait3A_1551] : memref<100000x1024xf32, #tpu.memory_space<hbm>> -> memref<100000x1024xf32, #tpu.memory_space<hbm>>
    %dma_wait3A_1553 = tpu.memref_slice %arg7[%dma_wait3A_1543] : memref<3x!tpu.dma_semaphore, #tpu.memory_space<semaphore_mem>> -> memref<1x!tpu.dma_semaphore, #tpu.memory_space<semaphore_mem>>
    %dma_wait3A_1554 = tpu.memref_squeeze %dma_wait3A_1553 : memref<1x!tpu.dma_semaphore, #tpu.memory_space<semaphore_mem>> -> memref<!tpu.dma_semaphore, #tpu.memory_space<semaphore_mem>>
    tpu.wait_indirect_dma semaphore(%dma_wait3A_1554 : memref<!tpu.dma_semaphore, #tpu.memory_space<semaphore_mem>>) src(%dma_wait3A_1552 : memref<100000x1024xf32, #tpu.memory_space<hbm>>) dst(%dma_wait3A_1547 : memref<16x1024xf32, #tpu.memory_space<vmem>>)
    %add3A_1555 = arith.constant 368 : i32
    %add3A_1556 = arith.addi %mul3A_32, %add3A_1555 : i32
    %dma_start3A_1557 = arith.constant 2 : i32
    %dma_start3A_1558 = arith.constant 2 : i32
    %dma_start3A_1559 = arith.constant 0 : i32
    %dma_start3A_1560 = arith.constant 0 : i32
    %dma_start3A_1561 = tpu.memref_slice %arg6[%dma_start3A_1557, %dma_start3A_1559, %dma_start3A_1560] : memref<3x16x1024xf32, #tpu.memory_space<vmem>> -> memref<1x16x1024xf32, #tpu.memory_space<vmem>>
    %dma_start3A_1562 = tpu.memref_squeeze %dma_start3A_1561 : memref<1x16x1024xf32, #tpu.memory_space<vmem>> -> memref<16x1024xf32, #tpu.memory_space<vmem>>
    %dma_start3A_1563 = arith.constant 0 : i32
    %dma_start3A_1564 = tpu.memref_slice %arg4[%select_n3A, %add3A_1556, %dma_start3A_1563] : memref<4x4096x1024xf32, #tpu.memory_space<hbm>> -> memref<1x16x1024xf32, #tpu.memory_space<hbm>>
    %dma_start3A_1565 = tpu.memref_squeeze %dma_start3A_1564 : memref<1x16x1024xf32, #tpu.memory_space<hbm>> -> memref<16x1024xf32, #tpu.memory_space<hbm>>
    %dma_start3A_1566 = tpu.memref_slice %arg8[%dma_start3A_1558] : memref<3x!tpu.dma_semaphore, #tpu.memory_space<semaphore_mem>> -> memref<1x!tpu.dma_semaphore, #tpu.memory_space<semaphore_mem>>
    %dma_start3A_1567 = tpu.memref_squeeze %dma_start3A_1566 : memref<1x!tpu.dma_semaphore, #tpu.memory_space<semaphore_mem>> -> memref<!tpu.dma_semaphore, #tpu.memory_space<semaphore_mem>>
    %dma_start3A_1568 = arith.constant 0 : i32
    %dma_start3A_1569 = tpu.memref_slice %arg4[%select_n3A, %add3A_1556, %dma_start3A_1568] : memref<4x4096x1024xf32, #tpu.memory_space<hbm>> -> memref<1x16x1024xf32, #tpu.memory_space<hbm>>
    %dma_start3A_1570 = tpu.memref_squeeze %dma_start3A_1569 : memref<1x16x1024xf32, #tpu.memory_space<hbm>> -> memref<16x1024xf32, #tpu.memory_space<hbm>>
    %dma_start3A_1571 = arith.constant 0 : i32
    %dma_start3A_1572 = arith.constant 0 : i32
    %dma_start3A_1573 = tpu.memref_slice %arg6[%dma_start3A_1557, %dma_start3A_1571, %dma_start3A_1572] : memref<3x16x1024xf32, #tpu.memory_space<vmem>> -> memref<1x16x1024xf32, #tpu.memory_space<vmem>>
    %dma_start3A_1574 = tpu.memref_squeeze %dma_start3A_1573 : memref<1x16x1024xf32, #tpu.memory_space<vmem>> -> memref<16x1024xf32, #tpu.memory_space<vmem>>
    tpu.enqueue_dma source(%dma_start3A_1574 : memref<16x1024xf32, #tpu.memory_space<vmem>>) target(%dma_start3A_1570 : memref<16x1024xf32, #tpu.memory_space<hbm>>) target_semaphore(%dma_start3A_1567 : memref<!tpu.dma_semaphore, #tpu.memory_space<semaphore_mem>>)
    %dma_wait3A_1575 = arith.constant 2 : i32
    %dma_wait3A_1576 = arith.constant 2 : i32
    %dma_wait3A_1577 = arith.constant 0 : i32
    %dma_wait3A_1578 = arith.constant 0 : i32
    %dma_wait3A_1579 = tpu.memref_slice %arg6[%dma_wait3A_1575, %dma_wait3A_1577, %dma_wait3A_1578] : memref<3x16x1024xf32, #tpu.memory_space<vmem>> -> memref<1x16x1024xf32, #tpu.memory_space<vmem>>
    %dma_wait3A_1580 = tpu.memref_squeeze %dma_wait3A_1579 : memref<1x16x1024xf32, #tpu.memory_space<vmem>> -> memref<16x1024xf32, #tpu.memory_space<vmem>>
    %dma_wait3A_1581 = arith.constant 0 : i32
    %dma_wait3A_1582 = tpu.memref_slice %arg4[%select_n3A, %add3A_1556, %dma_wait3A_1581] : memref<4x4096x1024xf32, #tpu.memory_space<hbm>> -> memref<1x16x1024xf32, #tpu.memory_space<hbm>>
    %dma_wait3A_1583 = tpu.memref_squeeze %dma_wait3A_1582 : memref<1x16x1024xf32, #tpu.memory_space<hbm>> -> memref<16x1024xf32, #tpu.memory_space<hbm>>
    %dma_wait3A_1584 = tpu.memref_slice %arg8[%dma_wait3A_1576] : memref<3x!tpu.dma_semaphore, #tpu.memory_space<semaphore_mem>> -> memref<1x!tpu.dma_semaphore, #tpu.memory_space<semaphore_mem>>
    %dma_wait3A_1585 = tpu.memref_squeeze %dma_wait3A_1584 : memref<1x!tpu.dma_semaphore, #tpu.memory_space<semaphore_mem>> -> memref<!tpu.dma_semaphore, #tpu.memory_space<semaphore_mem>>
    %dma_wait3A_1586 = arith.constant 0 : i32
    %dma_wait3A_1587 = tpu.memref_slice %arg4[%select_n3A, %add3A_1556, %dma_wait3A_1586] : memref<4x4096x1024xf32, #tpu.memory_space<hbm>> -> memref<1x16x1024xf32, #tpu.memory_space<hbm>>
    %dma_wait3A_1588 = tpu.memref_squeeze %dma_wait3A_1587 : memref<1x16x1024xf32, #tpu.memory_space<hbm>> -> memref<16x1024xf32, #tpu.memory_space<hbm>>
    %dma_wait3A_1589 = arith.constant 0 : i32
    %dma_wait3A_1590 = arith.constant 0 : i32
    %dma_wait3A_1591 = tpu.memref_slice %arg6[%dma_wait3A_1575, %dma_wait3A_1589, %dma_wait3A_1590] : memref<3x16x1024xf32, #tpu.memory_space<vmem>> -> memref<1x16x1024xf32, #tpu.memory_space<vmem>>
    %dma_wait3A_1592 = tpu.memref_squeeze %dma_wait3A_1591 : memref<1x16x1024xf32, #tpu.memory_space<vmem>> -> memref<16x1024xf32, #tpu.memory_space<vmem>>
    tpu.wait_dma2 semaphore(%dma_wait3A_1585 : memref<!tpu.dma_semaphore, #tpu.memory_space<semaphore_mem>>) src(%dma_wait3A_1592 : memref<16x1024xf32, #tpu.memory_space<vmem>>) dst(%dma_wait3A_1588 : memref<16x1024xf32, #tpu.memory_space<hbm>>)
    %dma_start3A_1593 = arith.constant 2 : i32
    %dma_start3A_1594 = arith.constant 2 : i32
    %dma_start3A_1595 = arith.constant 0 : i32
    %dma_start3A_1596 = arith.constant 0 : i32
    %dma_start3A_1597 = tpu.memref_slice %arg6[%dma_start3A_1593, %dma_start3A_1595, %dma_start3A_1596] : memref<3x16x1024xf32, #tpu.memory_space<vmem>> -> memref<1x16x1024xf32, #tpu.memory_space<vmem>>
    %dma_start3A_1598 = tpu.memref_squeeze %dma_start3A_1597 : memref<1x16x1024xf32, #tpu.memory_space<vmem>> -> memref<16x1024xf32, #tpu.memory_space<vmem>>
    %dma_start3A_1599 = arith.constant 416 : i32
    %dma_start3A_1600 = tpu.memref_slice %arg5[%dma_start3A_1599] : memref<512xi32, #tpu.memory_space<vmem>> -> memref<16xi32, #tpu.memory_space<vmem>>
    %dma_start3A_1601 = arith.constant 0 : i32
    %dma_start3A_1602 = arith.constant 0 : i32
    %dma_start3A_1603 = tpu.memref_slice %arg3[%dma_start3A_1601, %dma_start3A_1602] : memref<100000x1024xf32, #tpu.memory_space<hbm>> -> memref<100000x1024xf32, #tpu.memory_space<hbm>>
    %dma_start3A_1604 = tpu.memref_slice %arg7[%dma_start3A_1594] : memref<3x!tpu.dma_semaphore, #tpu.memory_space<semaphore_mem>> -> memref<1x!tpu.dma_semaphore, #tpu.memory_space<semaphore_mem>>
    %dma_start3A_1605 = tpu.memref_squeeze %dma_start3A_1604 : memref<1x!tpu.dma_semaphore, #tpu.memory_space<semaphore_mem>> -> memref<!tpu.dma_semaphore, #tpu.memory_space<semaphore_mem>>
    tpu.enqueue_indirect_dma source(%dma_start3A_1603 : memref<100000x1024xf32, #tpu.memory_space<hbm>>) target(%dma_start3A_1598 : memref<16x1024xf32, #tpu.memory_space<vmem>>) offsets(%dma_start3A_1600 : memref<16xi32, #tpu.memory_space<vmem>>) semaphore(%dma_start3A_1605 : memref<!tpu.dma_semaphore, #tpu.memory_space<semaphore_mem>>)
    %dma_wait3A_1606 = arith.constant 0 : i32
    %dma_wait3A_1607 = arith.constant 0 : i32
    %dma_wait3A_1608 = arith.constant 0 : i32
    %dma_wait3A_1609 = arith.constant 0 : i32
    %dma_wait3A_1610 = tpu.memref_slice %arg6[%dma_wait3A_1606, %dma_wait3A_1608, %dma_wait3A_1609] : memref<3x16x1024xf32, #tpu.memory_space<vmem>> -> memref<1x16x1024xf32, #tpu.memory_space<vmem>>
    %dma_wait3A_1611 = tpu.memref_squeeze %dma_wait3A_1610 : memref<1x16x1024xf32, #tpu.memory_space<vmem>> -> memref<16x1024xf32, #tpu.memory_space<vmem>>
    %dma_wait3A_1612 = arith.constant 384 : i32
    %dma_wait3A_1613 = tpu.memref_slice %arg5[%dma_wait3A_1612] : memref<512xi32, #tpu.memory_space<vmem>> -> memref<16xi32, #tpu.memory_space<vmem>>
    %dma_wait3A_1614 = arith.constant 0 : i32
    %dma_wait3A_1615 = arith.constant 0 : i32
    %dma_wait3A_1616 = tpu.memref_slice %arg3[%dma_wait3A_1614, %dma_wait3A_1615] : memref<100000x1024xf32, #tpu.memory_space<hbm>> -> memref<100000x1024xf32, #tpu.memory_space<hbm>>
    %dma_wait3A_1617 = tpu.memref_slice %arg7[%dma_wait3A_1607] : memref<3x!tpu.dma_semaphore, #tpu.memory_space<semaphore_mem>> -> memref<1x!tpu.dma_semaphore, #tpu.memory_space<semaphore_mem>>
    %dma_wait3A_1618 = tpu.memref_squeeze %dma_wait3A_1617 : memref<1x!tpu.dma_semaphore, #tpu.memory_space<semaphore_mem>> -> memref<!tpu.dma_semaphore, #tpu.memory_space<semaphore_mem>>
    tpu.wait_indirect_dma semaphore(%dma_wait3A_1618 : memref<!tpu.dma_semaphore, #tpu.memory_space<semaphore_mem>>) src(%dma_wait3A_1616 : memref<100000x1024xf32, #tpu.memory_space<hbm>>) dst(%dma_wait3A_1611 : memref<16x1024xf32, #tpu.memory_space<vmem>>)
    %add3A_1619 = arith.constant 384 : i32
    %add3A_1620 = arith.addi %mul3A_32, %add3A_1619 : i32
    %dma_start3A_1621 = arith.constant 0 : i32
    %dma_start3A_1622 = arith.constant 0 : i32
    %dma_start3A_1623 = arith.constant 0 : i32
    %dma_start3A_1624 = arith.constant 0 : i32
    %dma_start3A_1625 = tpu.memref_slice %arg6[%dma_start3A_1621, %dma_start3A_1623, %dma_start3A_1624] : memref<3x16x1024xf32, #tpu.memory_space<vmem>> -> memref<1x16x1024xf32, #tpu.memory_space<vmem>>
    %dma_start3A_1626 = tpu.memref_squeeze %dma_start3A_1625 : memref<1x16x1024xf32, #tpu.memory_space<vmem>> -> memref<16x1024xf32, #tpu.memory_space<vmem>>
    %dma_start3A_1627 = arith.constant 0 : i32
    %dma_start3A_1628 = tpu.memref_slice %arg4[%select_n3A, %add3A_1620, %dma_start3A_1627] : memref<4x4096x1024xf32, #tpu.memory_space<hbm>> -> memref<1x16x1024xf32, #tpu.memory_space<hbm>>
    %dma_start3A_1629 = tpu.memref_squeeze %dma_start3A_1628 : memref<1x16x1024xf32, #tpu.memory_space<hbm>> -> memref<16x1024xf32, #tpu.memory_space<hbm>>
    %dma_start3A_1630 = tpu.memref_slice %arg8[%dma_start3A_1622] : memref<3x!tpu.dma_semaphore, #tpu.memory_space<semaphore_mem>> -> memref<1x!tpu.dma_semaphore, #tpu.memory_space<semaphore_mem>>
    %dma_start3A_1631 = tpu.memref_squeeze %dma_start3A_1630 : memref<1x!tpu.dma_semaphore, #tpu.memory_space<semaphore_mem>> -> memref<!tpu.dma_semaphore, #tpu.memory_space<semaphore_mem>>
    %dma_start3A_1632 = arith.constant 0 : i32
    %dma_start3A_1633 = tpu.memref_slice %arg4[%select_n3A, %add3A_1620, %dma_start3A_1632] : memref<4x4096x1024xf32, #tpu.memory_space<hbm>> -> memref<1x16x1024xf32, #tpu.memory_space<hbm>>
    %dma_start3A_1634 = tpu.memref_squeeze %dma_start3A_1633 : memref<1x16x1024xf32, #tpu.memory_space<hbm>> -> memref<16x1024xf32, #tpu.memory_space<hbm>>
    %dma_start3A_1635 = arith.constant 0 : i32
    %dma_start3A_1636 = arith.constant 0 : i32
    %dma_start3A_1637 = tpu.memref_slice %arg6[%dma_start3A_1621, %dma_start3A_1635, %dma_start3A_1636] : memref<3x16x1024xf32, #tpu.memory_space<vmem>> -> memref<1x16x1024xf32, #tpu.memory_space<vmem>>
    %dma_start3A_1638 = tpu.memref_squeeze %dma_start3A_1637 : memref<1x16x1024xf32, #tpu.memory_space<vmem>> -> memref<16x1024xf32, #tpu.memory_space<vmem>>
    tpu.enqueue_dma source(%dma_start3A_1638 : memref<16x1024xf32, #tpu.memory_space<vmem>>) target(%dma_start3A_1634 : memref<16x1024xf32, #tpu.memory_space<hbm>>) target_semaphore(%dma_start3A_1631 : memref<!tpu.dma_semaphore, #tpu.memory_space<semaphore_mem>>)
    %dma_wait3A_1639 = arith.constant 0 : i32
    %dma_wait3A_1640 = arith.constant 0 : i32
    %dma_wait3A_1641 = arith.constant 0 : i32
    %dma_wait3A_1642 = arith.constant 0 : i32
    %dma_wait3A_1643 = tpu.memref_slice %arg6[%dma_wait3A_1639, %dma_wait3A_1641, %dma_wait3A_1642] : memref<3x16x1024xf32, #tpu.memory_space<vmem>> -> memref<1x16x1024xf32, #tpu.memory_space<vmem>>
    %dma_wait3A_1644 = tpu.memref_squeeze %dma_wait3A_1643 : memref<1x16x1024xf32, #tpu.memory_space<vmem>> -> memref<16x1024xf32, #tpu.memory_space<vmem>>
    %dma_wait3A_1645 = arith.constant 0 : i32
    %dma_wait3A_1646 = tpu.memref_slice %arg4[%select_n3A, %add3A_1620, %dma_wait3A_1645] : memref<4x4096x1024xf32, #tpu.memory_space<hbm>> -> memref<1x16x1024xf32, #tpu.memory_space<hbm>>
    %dma_wait3A_1647 = tpu.memref_squeeze %dma_wait3A_1646 : memref<1x16x1024xf32, #tpu.memory_space<hbm>> -> memref<16x1024xf32, #tpu.memory_space<hbm>>
    %dma_wait3A_1648 = tpu.memref_slice %arg8[%dma_wait3A_1640] : memref<3x!tpu.dma_semaphore, #tpu.memory_space<semaphore_mem>> -> memref<1x!tpu.dma_semaphore, #tpu.memory_space<semaphore_mem>>
    %dma_wait3A_1649 = tpu.memref_squeeze %dma_wait3A_1648 : memref<1x!tpu.dma_semaphore, #tpu.memory_space<semaphore_mem>> -> memref<!tpu.dma_semaphore, #tpu.memory_space<semaphore_mem>>
    %dma_wait3A_1650 = arith.constant 0 : i32
    %dma_wait3A_1651 = tpu.memref_slice %arg4[%select_n3A, %add3A_1620, %dma_wait3A_1650] : memref<4x4096x1024xf32, #tpu.memory_space<hbm>> -> memref<1x16x1024xf32, #tpu.memory_space<hbm>>
    %dma_wait3A_1652 = tpu.memref_squeeze %dma_wait3A_1651 : memref<1x16x1024xf32, #tpu.memory_space<hbm>> -> memref<16x1024xf32, #tpu.memory_space<hbm>>
    %dma_wait3A_1653 = arith.constant 0 : i32
    %dma_wait3A_1654 = arith.constant 0 : i32
    %dma_wait3A_1655 = tpu.memref_slice %arg6[%dma_wait3A_1639, %dma_wait3A_1653, %dma_wait3A_1654] : memref<3x16x1024xf32, #tpu.memory_space<vmem>> -> memref<1x16x1024xf32, #tpu.memory_space<vmem>>
    %dma_wait3A_1656 = tpu.memref_squeeze %dma_wait3A_1655 : memref<1x16x1024xf32, #tpu.memory_space<vmem>> -> memref<16x1024xf32, #tpu.memory_space<vmem>>
    tpu.wait_dma2 semaphore(%dma_wait3A_1649 : memref<!tpu.dma_semaphore, #tpu.memory_space<semaphore_mem>>) src(%dma_wait3A_1656 : memref<16x1024xf32, #tpu.memory_space<vmem>>) dst(%dma_wait3A_1652 : memref<16x1024xf32, #tpu.memory_space<hbm>>)
    %dma_start3A_1657 = arith.constant 0 : i32
    %dma_start3A_1658 = arith.constant 0 : i32
    %dma_start3A_1659 = arith.constant 0 : i32
    %dma_start3A_1660 = arith.constant 0 : i32
    %dma_start3A_1661 = tpu.memref_slice %arg6[%dma_start3A_1657, %dma_start3A_1659, %dma_start3A_1660] : memref<3x16x1024xf32, #tpu.memory_space<vmem>> -> memref<1x16x1024xf32, #tpu.memory_space<vmem>>
    %dma_start3A_1662 = tpu.memref_squeeze %dma_start3A_1661 : memref<1x16x1024xf32, #tpu.memory_space<vmem>> -> memref<16x1024xf32, #tpu.memory_space<vmem>>
    %dma_start3A_1663 = arith.constant 432 : i32
    %dma_start3A_1664 = tpu.memref_slice %arg5[%dma_start3A_1663] : memref<512xi32, #tpu.memory_space<vmem>> -> memref<16xi32, #tpu.memory_space<vmem>>
    %dma_start3A_1665 = arith.constant 0 : i32
    %dma_start3A_1666 = arith.constant 0 : i32
    %dma_start3A_1667 = tpu.memref_slice %arg3[%dma_start3A_1665, %dma_start3A_1666] : memref<100000x1024xf32, #tpu.memory_space<hbm>> -> memref<100000x1024xf32, #tpu.memory_space<hbm>>
    %dma_start3A_1668 = tpu.memref_slice %arg7[%dma_start3A_1658] : memref<3x!tpu.dma_semaphore, #tpu.memory_space<semaphore_mem>> -> memref<1x!tpu.dma_semaphore, #tpu.memory_space<semaphore_mem>>
    %dma_start3A_1669 = tpu.memref_squeeze %dma_start3A_1668 : memref<1x!tpu.dma_semaphore, #tpu.memory_space<semaphore_mem>> -> memref<!tpu.dma_semaphore, #tpu.memory_space<semaphore_mem>>
    tpu.enqueue_indirect_dma source(%dma_start3A_1667 : memref<100000x1024xf32, #tpu.memory_space<hbm>>) target(%dma_start3A_1662 : memref<16x1024xf32, #tpu.memory_space<vmem>>) offsets(%dma_start3A_1664 : memref<16xi32, #tpu.memory_space<vmem>>) semaphore(%dma_start3A_1669 : memref<!tpu.dma_semaphore, #tpu.memory_space<semaphore_mem>>)
    %dma_wait3A_1670 = arith.constant 1 : i32
    %dma_wait3A_1671 = arith.constant 1 : i32
    %dma_wait3A_1672 = arith.constant 0 : i32
    %dma_wait3A_1673 = arith.constant 0 : i32
    %dma_wait3A_1674 = tpu.memref_slice %arg6[%dma_wait3A_1670, %dma_wait3A_1672, %dma_wait3A_1673] : memref<3x16x1024xf32, #tpu.memory_space<vmem>> -> memref<1x16x1024xf32, #tpu.memory_space<vmem>>
    %dma_wait3A_1675 = tpu.memref_squeeze %dma_wait3A_1674 : memref<1x16x1024xf32, #tpu.memory_space<vmem>> -> memref<16x1024xf32, #tpu.memory_space<vmem>>
    %dma_wait3A_1676 = arith.constant 400 : i32
    %dma_wait3A_1677 = tpu.memref_slice %arg5[%dma_wait3A_1676] : memref<512xi32, #tpu.memory_space<vmem>> -> memref<16xi32, #tpu.memory_space<vmem>>
    %dma_wait3A_1678 = arith.constant 0 : i32
    %dma_wait3A_1679 = arith.constant 0 : i32
    %dma_wait3A_1680 = tpu.memref_slice %arg3[%dma_wait3A_1678, %dma_wait3A_1679] : memref<100000x1024xf32, #tpu.memory_space<hbm>> -> memref<100000x1024xf32, #tpu.memory_space<hbm>>
    %dma_wait3A_1681 = tpu.memref_slice %arg7[%dma_wait3A_1671] : memref<3x!tpu.dma_semaphore, #tpu.memory_space<semaphore_mem>> -> memref<1x!tpu.dma_semaphore, #tpu.memory_space<semaphore_mem>>
    %dma_wait3A_1682 = tpu.memref_squeeze %dma_wait3A_1681 : memref<1x!tpu.dma_semaphore, #tpu.memory_space<semaphore_mem>> -> memref<!tpu.dma_semaphore, #tpu.memory_space<semaphore_mem>>
    tpu.wait_indirect_dma semaphore(%dma_wait3A_1682 : memref<!tpu.dma_semaphore, #tpu.memory_space<semaphore_mem>>) src(%dma_wait3A_1680 : memref<100000x1024xf32, #tpu.memory_space<hbm>>) dst(%dma_wait3A_1675 : memref<16x1024xf32, #tpu.memory_space<vmem>>)
    %add3A_1683 = arith.constant 400 : i32
    %add3A_1684 = arith.addi %mul3A_32, %add3A_1683 : i32
    %dma_start3A_1685 = arith.constant 1 : i32
    %dma_start3A_1686 = arith.constant 1 : i32
    %dma_start3A_1687 = arith.constant 0 : i32
    %dma_start3A_1688 = arith.constant 0 : i32
    %dma_start3A_1689 = tpu.memref_slice %arg6[%dma_start3A_1685, %dma_start3A_1687, %dma_start3A_1688] : memref<3x16x1024xf32, #tpu.memory_space<vmem>> -> memref<1x16x1024xf32, #tpu.memory_space<vmem>>
    %dma_start3A_1690 = tpu.memref_squeeze %dma_start3A_1689 : memref<1x16x1024xf32, #tpu.memory_space<vmem>> -> memref<16x1024xf32, #tpu.memory_space<vmem>>
    %dma_start3A_1691 = arith.constant 0 : i32
    %dma_start3A_1692 = tpu.memref_slice %arg4[%select_n3A, %add3A_1684, %dma_start3A_1691] : memref<4x4096x1024xf32, #tpu.memory_space<hbm>> -> memref<1x16x1024xf32, #tpu.memory_space<hbm>>
    %dma_start3A_1693 = tpu.memref_squeeze %dma_start3A_1692 : memref<1x16x1024xf32, #tpu.memory_space<hbm>> -> memref<16x1024xf32, #tpu.memory_space<hbm>>
    %dma_start3A_1694 = tpu.memref_slice %arg8[%dma_start3A_1686] : memref<3x!tpu.dma_semaphore, #tpu.memory_space<semaphore_mem>> -> memref<1x!tpu.dma_semaphore, #tpu.memory_space<semaphore_mem>>
    %dma_start3A_1695 = tpu.memref_squeeze %dma_start3A_1694 : memref<1x!tpu.dma_semaphore, #tpu.memory_space<semaphore_mem>> -> memref<!tpu.dma_semaphore, #tpu.memory_space<semaphore_mem>>
    %dma_start3A_1696 = arith.constant 0 : i32
    %dma_start3A_1697 = tpu.memref_slice %arg4[%select_n3A, %add3A_1684, %dma_start3A_1696] : memref<4x4096x1024xf32, #tpu.memory_space<hbm>> -> memref<1x16x1024xf32, #tpu.memory_space<hbm>>
    %dma_start3A_1698 = tpu.memref_squeeze %dma_start3A_1697 : memref<1x16x1024xf32, #tpu.memory_space<hbm>> -> memref<16x1024xf32, #tpu.memory_space<hbm>>
    %dma_start3A_1699 = arith.constant 0 : i32
    %dma_start3A_1700 = arith.constant 0 : i32
    %dma_start3A_1701 = tpu.memref_slice %arg6[%dma_start3A_1685, %dma_start3A_1699, %dma_start3A_1700] : memref<3x16x1024xf32, #tpu.memory_space<vmem>> -> memref<1x16x1024xf32, #tpu.memory_space<vmem>>
    %dma_start3A_1702 = tpu.memref_squeeze %dma_start3A_1701 : memref<1x16x1024xf32, #tpu.memory_space<vmem>> -> memref<16x1024xf32, #tpu.memory_space<vmem>>
    tpu.enqueue_dma source(%dma_start3A_1702 : memref<16x1024xf32, #tpu.memory_space<vmem>>) target(%dma_start3A_1698 : memref<16x1024xf32, #tpu.memory_space<hbm>>) target_semaphore(%dma_start3A_1695 : memref<!tpu.dma_semaphore, #tpu.memory_space<semaphore_mem>>)
    %dma_wait3A_1703 = arith.constant 1 : i32
    %dma_wait3A_1704 = arith.constant 1 : i32
    %dma_wait3A_1705 = arith.constant 0 : i32
    %dma_wait3A_1706 = arith.constant 0 : i32
    %dma_wait3A_1707 = tpu.memref_slice %arg6[%dma_wait3A_1703, %dma_wait3A_1705, %dma_wait3A_1706] : memref<3x16x1024xf32, #tpu.memory_space<vmem>> -> memref<1x16x1024xf32, #tpu.memory_space<vmem>>
    %dma_wait3A_1708 = tpu.memref_squeeze %dma_wait3A_1707 : memref<1x16x1024xf32, #tpu.memory_space<vmem>> -> memref<16x1024xf32, #tpu.memory_space<vmem>>
    %dma_wait3A_1709 = arith.constant 0 : i32
    %dma_wait3A_1710 = tpu.memref_slice %arg4[%select_n3A, %add3A_1684, %dma_wait3A_1709] : memref<4x4096x1024xf32, #tpu.memory_space<hbm>> -> memref<1x16x1024xf32, #tpu.memory_space<hbm>>
    %dma_wait3A_1711 = tpu.memref_squeeze %dma_wait3A_1710 : memref<1x16x1024xf32, #tpu.memory_space<hbm>> -> memref<16x1024xf32, #tpu.memory_space<hbm>>
    %dma_wait3A_1712 = tpu.memref_slice %arg8[%dma_wait3A_1704] : memref<3x!tpu.dma_semaphore, #tpu.memory_space<semaphore_mem>> -> memref<1x!tpu.dma_semaphore, #tpu.memory_space<semaphore_mem>>
    %dma_wait3A_1713 = tpu.memref_squeeze %dma_wait3A_1712 : memref<1x!tpu.dma_semaphore, #tpu.memory_space<semaphore_mem>> -> memref<!tpu.dma_semaphore, #tpu.memory_space<semaphore_mem>>
    %dma_wait3A_1714 = arith.constant 0 : i32
    %dma_wait3A_1715 = tpu.memref_slice %arg4[%select_n3A, %add3A_1684, %dma_wait3A_1714] : memref<4x4096x1024xf32, #tpu.memory_space<hbm>> -> memref<1x16x1024xf32, #tpu.memory_space<hbm>>
    %dma_wait3A_1716 = tpu.memref_squeeze %dma_wait3A_1715 : memref<1x16x1024xf32, #tpu.memory_space<hbm>> -> memref<16x1024xf32, #tpu.memory_space<hbm>>
    %dma_wait3A_1717 = arith.constant 0 : i32
    %dma_wait3A_1718 = arith.constant 0 : i32
    %dma_wait3A_1719 = tpu.memref_slice %arg6[%dma_wait3A_1703, %dma_wait3A_1717, %dma_wait3A_1718] : memref<3x16x1024xf32, #tpu.memory_space<vmem>> -> memref<1x16x1024xf32, #tpu.memory_space<vmem>>
    %dma_wait3A_1720 = tpu.memref_squeeze %dma_wait3A_1719 : memref<1x16x1024xf32, #tpu.memory_space<vmem>> -> memref<16x1024xf32, #tpu.memory_space<vmem>>
    tpu.wait_dma2 semaphore(%dma_wait3A_1713 : memref<!tpu.dma_semaphore, #tpu.memory_space<semaphore_mem>>) src(%dma_wait3A_1720 : memref<16x1024xf32, #tpu.memory_space<vmem>>) dst(%dma_wait3A_1716 : memref<16x1024xf32, #tpu.memory_space<hbm>>)
    %dma_start3A_1721 = arith.constant 1 : i32
    %dma_start3A_1722 = arith.constant 1 : i32
    %dma_start3A_1723 = arith.constant 0 : i32
    %dma_start3A_1724 = arith.constant 0 : i32
    %dma_start3A_1725 = tpu.memref_slice %arg6[%dma_start3A_1721, %dma_start3A_1723, %dma_start3A_1724] : memref<3x16x1024xf32, #tpu.memory_space<vmem>> -> memref<1x16x1024xf32, #tpu.memory_space<vmem>>
    %dma_start3A_1726 = tpu.memref_squeeze %dma_start3A_1725 : memref<1x16x1024xf32, #tpu.memory_space<vmem>> -> memref<16x1024xf32, #tpu.memory_space<vmem>>
    %dma_start3A_1727 = arith.constant 448 : i32
    %dma_start3A_1728 = tpu.memref_slice %arg5[%dma_start3A_1727] : memref<512xi32, #tpu.memory_space<vmem>> -> memref<16xi32, #tpu.memory_space<vmem>>
    %dma_start3A_1729 = arith.constant 0 : i32
    %dma_start3A_1730 = arith.constant 0 : i32
    %dma_start3A_1731 = tpu.memref_slice %arg3[%dma_start3A_1729, %dma_start3A_1730] : memref<100000x1024xf32, #tpu.memory_space<hbm>> -> memref<100000x1024xf32, #tpu.memory_space<hbm>>
    %dma_start3A_1732 = tpu.memref_slice %arg7[%dma_start3A_1722] : memref<3x!tpu.dma_semaphore, #tpu.memory_space<semaphore_mem>> -> memref<1x!tpu.dma_semaphore, #tpu.memory_space<semaphore_mem>>
    %dma_start3A_1733 = tpu.memref_squeeze %dma_start3A_1732 : memref<1x!tpu.dma_semaphore, #tpu.memory_space<semaphore_mem>> -> memref<!tpu.dma_semaphore, #tpu.memory_space<semaphore_mem>>
    tpu.enqueue_indirect_dma source(%dma_start3A_1731 : memref<100000x1024xf32, #tpu.memory_space<hbm>>) target(%dma_start3A_1726 : memref<16x1024xf32, #tpu.memory_space<vmem>>) offsets(%dma_start3A_1728 : memref<16xi32, #tpu.memory_space<vmem>>) semaphore(%dma_start3A_1733 : memref<!tpu.dma_semaphore, #tpu.memory_space<semaphore_mem>>)
    %dma_wait3A_1734 = arith.constant 2 : i32
    %dma_wait3A_1735 = arith.constant 2 : i32
    %dma_wait3A_1736 = arith.constant 0 : i32
    %dma_wait3A_1737 = arith.constant 0 : i32
    %dma_wait3A_1738 = tpu.memref_slice %arg6[%dma_wait3A_1734, %dma_wait3A_1736, %dma_wait3A_1737] : memref<3x16x1024xf32, #tpu.memory_space<vmem>> -> memref<1x16x1024xf32, #tpu.memory_space<vmem>>
    %dma_wait3A_1739 = tpu.memref_squeeze %dma_wait3A_1738 : memref<1x16x1024xf32, #tpu.memory_space<vmem>> -> memref<16x1024xf32, #tpu.memory_space<vmem>>
    %dma_wait3A_1740 = arith.constant 416 : i32
    %dma_wait3A_1741 = tpu.memref_slice %arg5[%dma_wait3A_1740] : memref<512xi32, #tpu.memory_space<vmem>> -> memref<16xi32, #tpu.memory_space<vmem>>
    %dma_wait3A_1742 = arith.constant 0 : i32
    %dma_wait3A_1743 = arith.constant 0 : i32
    %dma_wait3A_1744 = tpu.memref_slice %arg3[%dma_wait3A_1742, %dma_wait3A_1743] : memref<100000x1024xf32, #tpu.memory_space<hbm>> -> memref<100000x1024xf32, #tpu.memory_space<hbm>>
    %dma_wait3A_1745 = tpu.memref_slice %arg7[%dma_wait3A_1735] : memref<3x!tpu.dma_semaphore, #tpu.memory_space<semaphore_mem>> -> memref<1x!tpu.dma_semaphore, #tpu.memory_space<semaphore_mem>>
    %dma_wait3A_1746 = tpu.memref_squeeze %dma_wait3A_1745 : memref<1x!tpu.dma_semaphore, #tpu.memory_space<semaphore_mem>> -> memref<!tpu.dma_semaphore, #tpu.memory_space<semaphore_mem>>
    tpu.wait_indirect_dma semaphore(%dma_wait3A_1746 : memref<!tpu.dma_semaphore, #tpu.memory_space<semaphore_mem>>) src(%dma_wait3A_1744 : memref<100000x1024xf32, #tpu.memory_space<hbm>>) dst(%dma_wait3A_1739 : memref<16x1024xf32, #tpu.memory_space<vmem>>)
    %add3A_1747 = arith.constant 416 : i32
    %add3A_1748 = arith.addi %mul3A_32, %add3A_1747 : i32
    %dma_start3A_1749 = arith.constant 2 : i32
    %dma_start3A_1750 = arith.constant 2 : i32
    %dma_start3A_1751 = arith.constant 0 : i32
    %dma_start3A_1752 = arith.constant 0 : i32
    %dma_start3A_1753 = tpu.memref_slice %arg6[%dma_start3A_1749, %dma_start3A_1751, %dma_start3A_1752] : memref<3x16x1024xf32, #tpu.memory_space<vmem>> -> memref<1x16x1024xf32, #tpu.memory_space<vmem>>
    %dma_start3A_1754 = tpu.memref_squeeze %dma_start3A_1753 : memref<1x16x1024xf32, #tpu.memory_space<vmem>> -> memref<16x1024xf32, #tpu.memory_space<vmem>>
    %dma_start3A_1755 = arith.constant 0 : i32
    %dma_start3A_1756 = tpu.memref_slice %arg4[%select_n3A, %add3A_1748, %dma_start3A_1755] : memref<4x4096x1024xf32, #tpu.memory_space<hbm>> -> memref<1x16x1024xf32, #tpu.memory_space<hbm>>
    %dma_start3A_1757 = tpu.memref_squeeze %dma_start3A_1756 : memref<1x16x1024xf32, #tpu.memory_space<hbm>> -> memref<16x1024xf32, #tpu.memory_space<hbm>>
    %dma_start3A_1758 = tpu.memref_slice %arg8[%dma_start3A_1750] : memref<3x!tpu.dma_semaphore, #tpu.memory_space<semaphore_mem>> -> memref<1x!tpu.dma_semaphore, #tpu.memory_space<semaphore_mem>>
    %dma_start3A_1759 = tpu.memref_squeeze %dma_start3A_1758 : memref<1x!tpu.dma_semaphore, #tpu.memory_space<semaphore_mem>> -> memref<!tpu.dma_semaphore, #tpu.memory_space<semaphore_mem>>
    %dma_start3A_1760 = arith.constant 0 : i32
    %dma_start3A_1761 = tpu.memref_slice %arg4[%select_n3A, %add3A_1748, %dma_start3A_1760] : memref<4x4096x1024xf32, #tpu.memory_space<hbm>> -> memref<1x16x1024xf32, #tpu.memory_space<hbm>>
    %dma_start3A_1762 = tpu.memref_squeeze %dma_start3A_1761 : memref<1x16x1024xf32, #tpu.memory_space<hbm>> -> memref<16x1024xf32, #tpu.memory_space<hbm>>
    %dma_start3A_1763 = arith.constant 0 : i32
    %dma_start3A_1764 = arith.constant 0 : i32
    %dma_start3A_1765 = tpu.memref_slice %arg6[%dma_start3A_1749, %dma_start3A_1763, %dma_start3A_1764] : memref<3x16x1024xf32, #tpu.memory_space<vmem>> -> memref<1x16x1024xf32, #tpu.memory_space<vmem>>
    %dma_start3A_1766 = tpu.memref_squeeze %dma_start3A_1765 : memref<1x16x1024xf32, #tpu.memory_space<vmem>> -> memref<16x1024xf32, #tpu.memory_space<vmem>>
    tpu.enqueue_dma source(%dma_start3A_1766 : memref<16x1024xf32, #tpu.memory_space<vmem>>) target(%dma_start3A_1762 : memref<16x1024xf32, #tpu.memory_space<hbm>>) target_semaphore(%dma_start3A_1759 : memref<!tpu.dma_semaphore, #tpu.memory_space<semaphore_mem>>)
    %dma_wait3A_1767 = arith.constant 2 : i32
    %dma_wait3A_1768 = arith.constant 2 : i32
    %dma_wait3A_1769 = arith.constant 0 : i32
    %dma_wait3A_1770 = arith.constant 0 : i32
    %dma_wait3A_1771 = tpu.memref_slice %arg6[%dma_wait3A_1767, %dma_wait3A_1769, %dma_wait3A_1770] : memref<3x16x1024xf32, #tpu.memory_space<vmem>> -> memref<1x16x1024xf32, #tpu.memory_space<vmem>>
    %dma_wait3A_1772 = tpu.memref_squeeze %dma_wait3A_1771 : memref<1x16x1024xf32, #tpu.memory_space<vmem>> -> memref<16x1024xf32, #tpu.memory_space<vmem>>
    %dma_wait3A_1773 = arith.constant 0 : i32
    %dma_wait3A_1774 = tpu.memref_slice %arg4[%select_n3A, %add3A_1748, %dma_wait3A_1773] : memref<4x4096x1024xf32, #tpu.memory_space<hbm>> -> memref<1x16x1024xf32, #tpu.memory_space<hbm>>
    %dma_wait3A_1775 = tpu.memref_squeeze %dma_wait3A_1774 : memref<1x16x1024xf32, #tpu.memory_space<hbm>> -> memref<16x1024xf32, #tpu.memory_space<hbm>>
    %dma_wait3A_1776 = tpu.memref_slice %arg8[%dma_wait3A_1768] : memref<3x!tpu.dma_semaphore, #tpu.memory_space<semaphore_mem>> -> memref<1x!tpu.dma_semaphore, #tpu.memory_space<semaphore_mem>>
    %dma_wait3A_1777 = tpu.memref_squeeze %dma_wait3A_1776 : memref<1x!tpu.dma_semaphore, #tpu.memory_space<semaphore_mem>> -> memref<!tpu.dma_semaphore, #tpu.memory_space<semaphore_mem>>
    %dma_wait3A_1778 = arith.constant 0 : i32
    %dma_wait3A_1779 = tpu.memref_slice %arg4[%select_n3A, %add3A_1748, %dma_wait3A_1778] : memref<4x4096x1024xf32, #tpu.memory_space<hbm>> -> memref<1x16x1024xf32, #tpu.memory_space<hbm>>
    %dma_wait3A_1780 = tpu.memref_squeeze %dma_wait3A_1779 : memref<1x16x1024xf32, #tpu.memory_space<hbm>> -> memref<16x1024xf32, #tpu.memory_space<hbm>>
    %dma_wait3A_1781 = arith.constant 0 : i32
    %dma_wait3A_1782 = arith.constant 0 : i32
    %dma_wait3A_1783 = tpu.memref_slice %arg6[%dma_wait3A_1767, %dma_wait3A_1781, %dma_wait3A_1782] : memref<3x16x1024xf32, #tpu.memory_space<vmem>> -> memref<1x16x1024xf32, #tpu.memory_space<vmem>>
    %dma_wait3A_1784 = tpu.memref_squeeze %dma_wait3A_1783 : memref<1x16x1024xf32, #tpu.memory_space<vmem>> -> memref<16x1024xf32, #tpu.memory_space<vmem>>
    tpu.wait_dma2 semaphore(%dma_wait3A_1777 : memref<!tpu.dma_semaphore, #tpu.memory_space<semaphore_mem>>) src(%dma_wait3A_1784 : memref<16x1024xf32, #tpu.memory_space<vmem>>) dst(%dma_wait3A_1780 : memref<16x1024xf32, #tpu.memory_space<hbm>>)
    %dma_start3A_1785 = arith.constant 2 : i32
    %dma_start3A_1786 = arith.constant 2 : i32
    %dma_start3A_1787 = arith.constant 0 : i32
    %dma_start3A_1788 = arith.constant 0 : i32
    %dma_start3A_1789 = tpu.memref_slice %arg6[%dma_start3A_1785, %dma_start3A_1787, %dma_start3A_1788] : memref<3x16x1024xf32, #tpu.memory_space<vmem>> -> memref<1x16x1024xf32, #tpu.memory_space<vmem>>
    %dma_start3A_1790 = tpu.memref_squeeze %dma_start3A_1789 : memref<1x16x1024xf32, #tpu.memory_space<vmem>> -> memref<16x1024xf32, #tpu.memory_space<vmem>>
    %dma_start3A_1791 = arith.constant 464 : i32
    %dma_start3A_1792 = tpu.memref_slice %arg5[%dma_start3A_1791] : memref<512xi32, #tpu.memory_space<vmem>> -> memref<16xi32, #tpu.memory_space<vmem>>
    %dma_start3A_1793 = arith.constant 0 : i32
    %dma_start3A_1794 = arith.constant 0 : i32
    %dma_start3A_1795 = tpu.memref_slice %arg3[%dma_start3A_1793, %dma_start3A_1794] : memref<100000x1024xf32, #tpu.memory_space<hbm>> -> memref<100000x1024xf32, #tpu.memory_space<hbm>>
    %dma_start3A_1796 = tpu.memref_slice %arg7[%dma_start3A_1786] : memref<3x!tpu.dma_semaphore, #tpu.memory_space<semaphore_mem>> -> memref<1x!tpu.dma_semaphore, #tpu.memory_space<semaphore_mem>>
    %dma_start3A_1797 = tpu.memref_squeeze %dma_start3A_1796 : memref<1x!tpu.dma_semaphore, #tpu.memory_space<semaphore_mem>> -> memref<!tpu.dma_semaphore, #tpu.memory_space<semaphore_mem>>
    tpu.enqueue_indirect_dma source(%dma_start3A_1795 : memref<100000x1024xf32, #tpu.memory_space<hbm>>) target(%dma_start3A_1790 : memref<16x1024xf32, #tpu.memory_space<vmem>>) offsets(%dma_start3A_1792 : memref<16xi32, #tpu.memory_space<vmem>>) semaphore(%dma_start3A_1797 : memref<!tpu.dma_semaphore, #tpu.memory_space<semaphore_mem>>)
    %dma_wait3A_1798 = arith.constant 0 : i32
    %dma_wait3A_1799 = arith.constant 0 : i32
    %dma_wait3A_1800 = arith.constant 0 : i32
    %dma_wait3A_1801 = arith.constant 0 : i32
    %dma_wait3A_1802 = tpu.memref_slice %arg6[%dma_wait3A_1798, %dma_wait3A_1800, %dma_wait3A_1801] : memref<3x16x1024xf32, #tpu.memory_space<vmem>> -> memref<1x16x1024xf32, #tpu.memory_space<vmem>>
    %dma_wait3A_1803 = tpu.memref_squeeze %dma_wait3A_1802 : memref<1x16x1024xf32, #tpu.memory_space<vmem>> -> memref<16x1024xf32, #tpu.memory_space<vmem>>
    %dma_wait3A_1804 = arith.constant 432 : i32
    %dma_wait3A_1805 = tpu.memref_slice %arg5[%dma_wait3A_1804] : memref<512xi32, #tpu.memory_space<vmem>> -> memref<16xi32, #tpu.memory_space<vmem>>
    %dma_wait3A_1806 = arith.constant 0 : i32
    %dma_wait3A_1807 = arith.constant 0 : i32
    %dma_wait3A_1808 = tpu.memref_slice %arg3[%dma_wait3A_1806, %dma_wait3A_1807] : memref<100000x1024xf32, #tpu.memory_space<hbm>> -> memref<100000x1024xf32, #tpu.memory_space<hbm>>
    %dma_wait3A_1809 = tpu.memref_slice %arg7[%dma_wait3A_1799] : memref<3x!tpu.dma_semaphore, #tpu.memory_space<semaphore_mem>> -> memref<1x!tpu.dma_semaphore, #tpu.memory_space<semaphore_mem>>
    %dma_wait3A_1810 = tpu.memref_squeeze %dma_wait3A_1809 : memref<1x!tpu.dma_semaphore, #tpu.memory_space<semaphore_mem>> -> memref<!tpu.dma_semaphore, #tpu.memory_space<semaphore_mem>>
    tpu.wait_indirect_dma semaphore(%dma_wait3A_1810 : memref<!tpu.dma_semaphore, #tpu.memory_space<semaphore_mem>>) src(%dma_wait3A_1808 : memref<100000x1024xf32, #tpu.memory_space<hbm>>) dst(%dma_wait3A_1803 : memref<16x1024xf32, #tpu.memory_space<vmem>>)
    %add3A_1811 = arith.constant 432 : i32
    %add3A_1812 = arith.addi %mul3A_32, %add3A_1811 : i32
    %dma_start3A_1813 = arith.constant 0 : i32
    %dma_start3A_1814 = arith.constant 0 : i32
    %dma_start3A_1815 = arith.constant 0 : i32
    %dma_start3A_1816 = arith.constant 0 : i32
    %dma_start3A_1817 = tpu.memref_slice %arg6[%dma_start3A_1813, %dma_start3A_1815, %dma_start3A_1816] : memref<3x16x1024xf32, #tpu.memory_space<vmem>> -> memref<1x16x1024xf32, #tpu.memory_space<vmem>>
    %dma_start3A_1818 = tpu.memref_squeeze %dma_start3A_1817 : memref<1x16x1024xf32, #tpu.memory_space<vmem>> -> memref<16x1024xf32, #tpu.memory_space<vmem>>
    %dma_start3A_1819 = arith.constant 0 : i32
    %dma_start3A_1820 = tpu.memref_slice %arg4[%select_n3A, %add3A_1812, %dma_start3A_1819] : memref<4x4096x1024xf32, #tpu.memory_space<hbm>> -> memref<1x16x1024xf32, #tpu.memory_space<hbm>>
    %dma_start3A_1821 = tpu.memref_squeeze %dma_start3A_1820 : memref<1x16x1024xf32, #tpu.memory_space<hbm>> -> memref<16x1024xf32, #tpu.memory_space<hbm>>
    %dma_start3A_1822 = tpu.memref_slice %arg8[%dma_start3A_1814] : memref<3x!tpu.dma_semaphore, #tpu.memory_space<semaphore_mem>> -> memref<1x!tpu.dma_semaphore, #tpu.memory_space<semaphore_mem>>
    %dma_start3A_1823 = tpu.memref_squeeze %dma_start3A_1822 : memref<1x!tpu.dma_semaphore, #tpu.memory_space<semaphore_mem>> -> memref<!tpu.dma_semaphore, #tpu.memory_space<semaphore_mem>>
    %dma_start3A_1824 = arith.constant 0 : i32
    %dma_start3A_1825 = tpu.memref_slice %arg4[%select_n3A, %add3A_1812, %dma_start3A_1824] : memref<4x4096x1024xf32, #tpu.memory_space<hbm>> -> memref<1x16x1024xf32, #tpu.memory_space<hbm>>
    %dma_start3A_1826 = tpu.memref_squeeze %dma_start3A_1825 : memref<1x16x1024xf32, #tpu.memory_space<hbm>> -> memref<16x1024xf32, #tpu.memory_space<hbm>>
    %dma_start3A_1827 = arith.constant 0 : i32
    %dma_start3A_1828 = arith.constant 0 : i32
    %dma_start3A_1829 = tpu.memref_slice %arg6[%dma_start3A_1813, %dma_start3A_1827, %dma_start3A_1828] : memref<3x16x1024xf32, #tpu.memory_space<vmem>> -> memref<1x16x1024xf32, #tpu.memory_space<vmem>>
    %dma_start3A_1830 = tpu.memref_squeeze %dma_start3A_1829 : memref<1x16x1024xf32, #tpu.memory_space<vmem>> -> memref<16x1024xf32, #tpu.memory_space<vmem>>
    tpu.enqueue_dma source(%dma_start3A_1830 : memref<16x1024xf32, #tpu.memory_space<vmem>>) target(%dma_start3A_1826 : memref<16x1024xf32, #tpu.memory_space<hbm>>) target_semaphore(%dma_start3A_1823 : memref<!tpu.dma_semaphore, #tpu.memory_space<semaphore_mem>>)
    %dma_wait3A_1831 = arith.constant 0 : i32
    %dma_wait3A_1832 = arith.constant 0 : i32
    %dma_wait3A_1833 = arith.constant 0 : i32
    %dma_wait3A_1834 = arith.constant 0 : i32
    %dma_wait3A_1835 = tpu.memref_slice %arg6[%dma_wait3A_1831, %dma_wait3A_1833, %dma_wait3A_1834] : memref<3x16x1024xf32, #tpu.memory_space<vmem>> -> memref<1x16x1024xf32, #tpu.memory_space<vmem>>
    %dma_wait3A_1836 = tpu.memref_squeeze %dma_wait3A_1835 : memref<1x16x1024xf32, #tpu.memory_space<vmem>> -> memref<16x1024xf32, #tpu.memory_space<vmem>>
    %dma_wait3A_1837 = arith.constant 0 : i32
    %dma_wait3A_1838 = tpu.memref_slice %arg4[%select_n3A, %add3A_1812, %dma_wait3A_1837] : memref<4x4096x1024xf32, #tpu.memory_space<hbm>> -> memref<1x16x1024xf32, #tpu.memory_space<hbm>>
    %dma_wait3A_1839 = tpu.memref_squeeze %dma_wait3A_1838 : memref<1x16x1024xf32, #tpu.memory_space<hbm>> -> memref<16x1024xf32, #tpu.memory_space<hbm>>
    %dma_wait3A_1840 = tpu.memref_slice %arg8[%dma_wait3A_1832] : memref<3x!tpu.dma_semaphore, #tpu.memory_space<semaphore_mem>> -> memref<1x!tpu.dma_semaphore, #tpu.memory_space<semaphore_mem>>
    %dma_wait3A_1841 = tpu.memref_squeeze %dma_wait3A_1840 : memref<1x!tpu.dma_semaphore, #tpu.memory_space<semaphore_mem>> -> memref<!tpu.dma_semaphore, #tpu.memory_space<semaphore_mem>>
    %dma_wait3A_1842 = arith.constant 0 : i32
    %dma_wait3A_1843 = tpu.memref_slice %arg4[%select_n3A, %add3A_1812, %dma_wait3A_1842] : memref<4x4096x1024xf32, #tpu.memory_space<hbm>> -> memref<1x16x1024xf32, #tpu.memory_space<hbm>>
    %dma_wait3A_1844 = tpu.memref_squeeze %dma_wait3A_1843 : memref<1x16x1024xf32, #tpu.memory_space<hbm>> -> memref<16x1024xf32, #tpu.memory_space<hbm>>
    %dma_wait3A_1845 = arith.constant 0 : i32
    %dma_wait3A_1846 = arith.constant 0 : i32
    %dma_wait3A_1847 = tpu.memref_slice %arg6[%dma_wait3A_1831, %dma_wait3A_1845, %dma_wait3A_1846] : memref<3x16x1024xf32, #tpu.memory_space<vmem>> -> memref<1x16x1024xf32, #tpu.memory_space<vmem>>
    %dma_wait3A_1848 = tpu.memref_squeeze %dma_wait3A_1847 : memref<1x16x1024xf32, #tpu.memory_space<vmem>> -> memref<16x1024xf32, #tpu.memory_space<vmem>>
    tpu.wait_dma2 semaphore(%dma_wait3A_1841 : memref<!tpu.dma_semaphore, #tpu.memory_space<semaphore_mem>>) src(%dma_wait3A_1848 : memref<16x1024xf32, #tpu.memory_space<vmem>>) dst(%dma_wait3A_1844 : memref<16x1024xf32, #tpu.memory_space<hbm>>)
    %dma_start3A_1849 = arith.constant 0 : i32
    %dma_start3A_1850 = arith.constant 0 : i32
    %dma_start3A_1851 = arith.constant 0 : i32
    %dma_start3A_1852 = arith.constant 0 : i32
    %dma_start3A_1853 = tpu.memref_slice %arg6[%dma_start3A_1849, %dma_start3A_1851, %dma_start3A_1852] : memref<3x16x1024xf32, #tpu.memory_space<vmem>> -> memref<1x16x1024xf32, #tpu.memory_space<vmem>>
    %dma_start3A_1854 = tpu.memref_squeeze %dma_start3A_1853 : memref<1x16x1024xf32, #tpu.memory_space<vmem>> -> memref<16x1024xf32, #tpu.memory_space<vmem>>
    %dma_start3A_1855 = arith.constant 480 : i32
    %dma_start3A_1856 = tpu.memref_slice %arg5[%dma_start3A_1855] : memref<512xi32, #tpu.memory_space<vmem>> -> memref<16xi32, #tpu.memory_space<vmem>>
    %dma_start3A_1857 = arith.constant 0 : i32
    %dma_start3A_1858 = arith.constant 0 : i32
    %dma_start3A_1859 = tpu.memref_slice %arg3[%dma_start3A_1857, %dma_start3A_1858] : memref<100000x1024xf32, #tpu.memory_space<hbm>> -> memref<100000x1024xf32, #tpu.memory_space<hbm>>
    %dma_start3A_1860 = tpu.memref_slice %arg7[%dma_start3A_1850] : memref<3x!tpu.dma_semaphore, #tpu.memory_space<semaphore_mem>> -> memref<1x!tpu.dma_semaphore, #tpu.memory_space<semaphore_mem>>
    %dma_start3A_1861 = tpu.memref_squeeze %dma_start3A_1860 : memref<1x!tpu.dma_semaphore, #tpu.memory_space<semaphore_mem>> -> memref<!tpu.dma_semaphore, #tpu.memory_space<semaphore_mem>>
    tpu.enqueue_indirect_dma source(%dma_start3A_1859 : memref<100000x1024xf32, #tpu.memory_space<hbm>>) target(%dma_start3A_1854 : memref<16x1024xf32, #tpu.memory_space<vmem>>) offsets(%dma_start3A_1856 : memref<16xi32, #tpu.memory_space<vmem>>) semaphore(%dma_start3A_1861 : memref<!tpu.dma_semaphore, #tpu.memory_space<semaphore_mem>>)
    %dma_wait3A_1862 = arith.constant 1 : i32
    %dma_wait3A_1863 = arith.constant 1 : i32
    %dma_wait3A_1864 = arith.constant 0 : i32
    %dma_wait3A_1865 = arith.constant 0 : i32
    %dma_wait3A_1866 = tpu.memref_slice %arg6[%dma_wait3A_1862, %dma_wait3A_1864, %dma_wait3A_1865] : memref<3x16x1024xf32, #tpu.memory_space<vmem>> -> memref<1x16x1024xf32, #tpu.memory_space<vmem>>
    %dma_wait3A_1867 = tpu.memref_squeeze %dma_wait3A_1866 : memref<1x16x1024xf32, #tpu.memory_space<vmem>> -> memref<16x1024xf32, #tpu.memory_space<vmem>>
    %dma_wait3A_1868 = arith.constant 448 : i32
    %dma_wait3A_1869 = tpu.memref_slice %arg5[%dma_wait3A_1868] : memref<512xi32, #tpu.memory_space<vmem>> -> memref<16xi32, #tpu.memory_space<vmem>>
    %dma_wait3A_1870 = arith.constant 0 : i32
    %dma_wait3A_1871 = arith.constant 0 : i32
    %dma_wait3A_1872 = tpu.memref_slice %arg3[%dma_wait3A_1870, %dma_wait3A_1871] : memref<100000x1024xf32, #tpu.memory_space<hbm>> -> memref<100000x1024xf32, #tpu.memory_space<hbm>>
    %dma_wait3A_1873 = tpu.memref_slice %arg7[%dma_wait3A_1863] : memref<3x!tpu.dma_semaphore, #tpu.memory_space<semaphore_mem>> -> memref<1x!tpu.dma_semaphore, #tpu.memory_space<semaphore_mem>>
    %dma_wait3A_1874 = tpu.memref_squeeze %dma_wait3A_1873 : memref<1x!tpu.dma_semaphore, #tpu.memory_space<semaphore_mem>> -> memref<!tpu.dma_semaphore, #tpu.memory_space<semaphore_mem>>
    tpu.wait_indirect_dma semaphore(%dma_wait3A_1874 : memref<!tpu.dma_semaphore, #tpu.memory_space<semaphore_mem>>) src(%dma_wait3A_1872 : memref<100000x1024xf32, #tpu.memory_space<hbm>>) dst(%dma_wait3A_1867 : memref<16x1024xf32, #tpu.memory_space<vmem>>)
    %add3A_1875 = arith.constant 448 : i32
    %add3A_1876 = arith.addi %mul3A_32, %add3A_1875 : i32
    %dma_start3A_1877 = arith.constant 1 : i32
    %dma_start3A_1878 = arith.constant 1 : i32
    %dma_start3A_1879 = arith.constant 0 : i32
    %dma_start3A_1880 = arith.constant 0 : i32
    %dma_start3A_1881 = tpu.memref_slice %arg6[%dma_start3A_1877, %dma_start3A_1879, %dma_start3A_1880] : memref<3x16x1024xf32, #tpu.memory_space<vmem>> -> memref<1x16x1024xf32, #tpu.memory_space<vmem>>
    %dma_start3A_1882 = tpu.memref_squeeze %dma_start3A_1881 : memref<1x16x1024xf32, #tpu.memory_space<vmem>> -> memref<16x1024xf32, #tpu.memory_space<vmem>>
    %dma_start3A_1883 = arith.constant 0 : i32
    %dma_start3A_1884 = tpu.memref_slice %arg4[%select_n3A, %add3A_1876, %dma_start3A_1883] : memref<4x4096x1024xf32, #tpu.memory_space<hbm>> -> memref<1x16x1024xf32, #tpu.memory_space<hbm>>
    %dma_start3A_1885 = tpu.memref_squeeze %dma_start3A_1884 : memref<1x16x1024xf32, #tpu.memory_space<hbm>> -> memref<16x1024xf32, #tpu.memory_space<hbm>>
    %dma_start3A_1886 = tpu.memref_slice %arg8[%dma_start3A_1878] : memref<3x!tpu.dma_semaphore, #tpu.memory_space<semaphore_mem>> -> memref<1x!tpu.dma_semaphore, #tpu.memory_space<semaphore_mem>>
    %dma_start3A_1887 = tpu.memref_squeeze %dma_start3A_1886 : memref<1x!tpu.dma_semaphore, #tpu.memory_space<semaphore_mem>> -> memref<!tpu.dma_semaphore, #tpu.memory_space<semaphore_mem>>
    %dma_start3A_1888 = arith.constant 0 : i32
    %dma_start3A_1889 = tpu.memref_slice %arg4[%select_n3A, %add3A_1876, %dma_start3A_1888] : memref<4x4096x1024xf32, #tpu.memory_space<hbm>> -> memref<1x16x1024xf32, #tpu.memory_space<hbm>>
    %dma_start3A_1890 = tpu.memref_squeeze %dma_start3A_1889 : memref<1x16x1024xf32, #tpu.memory_space<hbm>> -> memref<16x1024xf32, #tpu.memory_space<hbm>>
    %dma_start3A_1891 = arith.constant 0 : i32
    %dma_start3A_1892 = arith.constant 0 : i32
    %dma_start3A_1893 = tpu.memref_slice %arg6[%dma_start3A_1877, %dma_start3A_1891, %dma_start3A_1892] : memref<3x16x1024xf32, #tpu.memory_space<vmem>> -> memref<1x16x1024xf32, #tpu.memory_space<vmem>>
    %dma_start3A_1894 = tpu.memref_squeeze %dma_start3A_1893 : memref<1x16x1024xf32, #tpu.memory_space<vmem>> -> memref<16x1024xf32, #tpu.memory_space<vmem>>
    tpu.enqueue_dma source(%dma_start3A_1894 : memref<16x1024xf32, #tpu.memory_space<vmem>>) target(%dma_start3A_1890 : memref<16x1024xf32, #tpu.memory_space<hbm>>) target_semaphore(%dma_start3A_1887 : memref<!tpu.dma_semaphore, #tpu.memory_space<semaphore_mem>>)
    %dma_wait3A_1895 = arith.constant 1 : i32
    %dma_wait3A_1896 = arith.constant 1 : i32
    %dma_wait3A_1897 = arith.constant 0 : i32
    %dma_wait3A_1898 = arith.constant 0 : i32
    %dma_wait3A_1899 = tpu.memref_slice %arg6[%dma_wait3A_1895, %dma_wait3A_1897, %dma_wait3A_1898] : memref<3x16x1024xf32, #tpu.memory_space<vmem>> -> memref<1x16x1024xf32, #tpu.memory_space<vmem>>
    %dma_wait3A_1900 = tpu.memref_squeeze %dma_wait3A_1899 : memref<1x16x1024xf32, #tpu.memory_space<vmem>> -> memref<16x1024xf32, #tpu.memory_space<vmem>>
    %dma_wait3A_1901 = arith.constant 0 : i32
    %dma_wait3A_1902 = tpu.memref_slice %arg4[%select_n3A, %add3A_1876, %dma_wait3A_1901] : memref<4x4096x1024xf32, #tpu.memory_space<hbm>> -> memref<1x16x1024xf32, #tpu.memory_space<hbm>>
    %dma_wait3A_1903 = tpu.memref_squeeze %dma_wait3A_1902 : memref<1x16x1024xf32, #tpu.memory_space<hbm>> -> memref<16x1024xf32, #tpu.memory_space<hbm>>
    %dma_wait3A_1904 = tpu.memref_slice %arg8[%dma_wait3A_1896] : memref<3x!tpu.dma_semaphore, #tpu.memory_space<semaphore_mem>> -> memref<1x!tpu.dma_semaphore, #tpu.memory_space<semaphore_mem>>
    %dma_wait3A_1905 = tpu.memref_squeeze %dma_wait3A_1904 : memref<1x!tpu.dma_semaphore, #tpu.memory_space<semaphore_mem>> -> memref<!tpu.dma_semaphore, #tpu.memory_space<semaphore_mem>>
    %dma_wait3A_1906 = arith.constant 0 : i32
    %dma_wait3A_1907 = tpu.memref_slice %arg4[%select_n3A, %add3A_1876, %dma_wait3A_1906] : memref<4x4096x1024xf32, #tpu.memory_space<hbm>> -> memref<1x16x1024xf32, #tpu.memory_space<hbm>>
    %dma_wait3A_1908 = tpu.memref_squeeze %dma_wait3A_1907 : memref<1x16x1024xf32, #tpu.memory_space<hbm>> -> memref<16x1024xf32, #tpu.memory_space<hbm>>
    %dma_wait3A_1909 = arith.constant 0 : i32
    %dma_wait3A_1910 = arith.constant 0 : i32
    %dma_wait3A_1911 = tpu.memref_slice %arg6[%dma_wait3A_1895, %dma_wait3A_1909, %dma_wait3A_1910] : memref<3x16x1024xf32, #tpu.memory_space<vmem>> -> memref<1x16x1024xf32, #tpu.memory_space<vmem>>
    %dma_wait3A_1912 = tpu.memref_squeeze %dma_wait3A_1911 : memref<1x16x1024xf32, #tpu.memory_space<vmem>> -> memref<16x1024xf32, #tpu.memory_space<vmem>>
    tpu.wait_dma2 semaphore(%dma_wait3A_1905 : memref<!tpu.dma_semaphore, #tpu.memory_space<semaphore_mem>>) src(%dma_wait3A_1912 : memref<16x1024xf32, #tpu.memory_space<vmem>>) dst(%dma_wait3A_1908 : memref<16x1024xf32, #tpu.memory_space<hbm>>)
    %dma_start3A_1913 = arith.constant 1 : i32
    %dma_start3A_1914 = arith.constant 1 : i32
    %dma_start3A_1915 = arith.constant 0 : i32
    %dma_start3A_1916 = arith.constant 0 : i32
    %dma_start3A_1917 = tpu.memref_slice %arg6[%dma_start3A_1913, %dma_start3A_1915, %dma_start3A_1916] : memref<3x16x1024xf32, #tpu.memory_space<vmem>> -> memref<1x16x1024xf32, #tpu.memory_space<vmem>>
    %dma_start3A_1918 = tpu.memref_squeeze %dma_start3A_1917 : memref<1x16x1024xf32, #tpu.memory_space<vmem>> -> memref<16x1024xf32, #tpu.memory_space<vmem>>
    %dma_start3A_1919 = arith.constant 496 : i32
    %dma_start3A_1920 = tpu.memref_slice %arg5[%dma_start3A_1919] : memref<512xi32, #tpu.memory_space<vmem>> -> memref<16xi32, #tpu.memory_space<vmem>>
    %dma_start3A_1921 = arith.constant 0 : i32
    %dma_start3A_1922 = arith.constant 0 : i32
    %dma_start3A_1923 = tpu.memref_slice %arg3[%dma_start3A_1921, %dma_start3A_1922] : memref<100000x1024xf32, #tpu.memory_space<hbm>> -> memref<100000x1024xf32, #tpu.memory_space<hbm>>
    %dma_start3A_1924 = tpu.memref_slice %arg7[%dma_start3A_1914] : memref<3x!tpu.dma_semaphore, #tpu.memory_space<semaphore_mem>> -> memref<1x!tpu.dma_semaphore, #tpu.memory_space<semaphore_mem>>
    %dma_start3A_1925 = tpu.memref_squeeze %dma_start3A_1924 : memref<1x!tpu.dma_semaphore, #tpu.memory_space<semaphore_mem>> -> memref<!tpu.dma_semaphore, #tpu.memory_space<semaphore_mem>>
    tpu.enqueue_indirect_dma source(%dma_start3A_1923 : memref<100000x1024xf32, #tpu.memory_space<hbm>>) target(%dma_start3A_1918 : memref<16x1024xf32, #tpu.memory_space<vmem>>) offsets(%dma_start3A_1920 : memref<16xi32, #tpu.memory_space<vmem>>) semaphore(%dma_start3A_1925 : memref<!tpu.dma_semaphore, #tpu.memory_space<semaphore_mem>>)
    %dma_wait3A_1926 = arith.constant 2 : i32
    %dma_wait3A_1927 = arith.constant 2 : i32
    %dma_wait3A_1928 = arith.constant 0 : i32
    %dma_wait3A_1929 = arith.constant 0 : i32
    %dma_wait3A_1930 = tpu.memref_slice %arg6[%dma_wait3A_1926, %dma_wait3A_1928, %dma_wait3A_1929] : memref<3x16x1024xf32, #tpu.memory_space<vmem>> -> memref<1x16x1024xf32, #tpu.memory_space<vmem>>
    %dma_wait3A_1931 = tpu.memref_squeeze %dma_wait3A_1930 : memref<1x16x1024xf32, #tpu.memory_space<vmem>> -> memref<16x1024xf32, #tpu.memory_space<vmem>>
    %dma_wait3A_1932 = arith.constant 464 : i32
    %dma_wait3A_1933 = tpu.memref_slice %arg5[%dma_wait3A_1932] : memref<512xi32, #tpu.memory_space<vmem>> -> memref<16xi32, #tpu.memory_space<vmem>>
    %dma_wait3A_1934 = arith.constant 0 : i32
    %dma_wait3A_1935 = arith.constant 0 : i32
    %dma_wait3A_1936 = tpu.memref_slice %arg3[%dma_wait3A_1934, %dma_wait3A_1935] : memref<100000x1024xf32, #tpu.memory_space<hbm>> -> memref<100000x1024xf32, #tpu.memory_space<hbm>>
    %dma_wait3A_1937 = tpu.memref_slice %arg7[%dma_wait3A_1927] : memref<3x!tpu.dma_semaphore, #tpu.memory_space<semaphore_mem>> -> memref<1x!tpu.dma_semaphore, #tpu.memory_space<semaphore_mem>>
    %dma_wait3A_1938 = tpu.memref_squeeze %dma_wait3A_1937 : memref<1x!tpu.dma_semaphore, #tpu.memory_space<semaphore_mem>> -> memref<!tpu.dma_semaphore, #tpu.memory_space<semaphore_mem>>
    tpu.wait_indirect_dma semaphore(%dma_wait3A_1938 : memref<!tpu.dma_semaphore, #tpu.memory_space<semaphore_mem>>) src(%dma_wait3A_1936 : memref<100000x1024xf32, #tpu.memory_space<hbm>>) dst(%dma_wait3A_1931 : memref<16x1024xf32, #tpu.memory_space<vmem>>)
    %add3A_1939 = arith.constant 464 : i32
    %add3A_1940 = arith.addi %mul3A_32, %add3A_1939 : i32
    %dma_start3A_1941 = arith.constant 2 : i32
    %dma_start3A_1942 = arith.constant 2 : i32
    %dma_start3A_1943 = arith.constant 0 : i32
    %dma_start3A_1944 = arith.constant 0 : i32
    %dma_start3A_1945 = tpu.memref_slice %arg6[%dma_start3A_1941, %dma_start3A_1943, %dma_start3A_1944] : memref<3x16x1024xf32, #tpu.memory_space<vmem>> -> memref<1x16x1024xf32, #tpu.memory_space<vmem>>
    %dma_start3A_1946 = tpu.memref_squeeze %dma_start3A_1945 : memref<1x16x1024xf32, #tpu.memory_space<vmem>> -> memref<16x1024xf32, #tpu.memory_space<vmem>>
    %dma_start3A_1947 = arith.constant 0 : i32
    %dma_start3A_1948 = tpu.memref_slice %arg4[%select_n3A, %add3A_1940, %dma_start3A_1947] : memref<4x4096x1024xf32, #tpu.memory_space<hbm>> -> memref<1x16x1024xf32, #tpu.memory_space<hbm>>
    %dma_start3A_1949 = tpu.memref_squeeze %dma_start3A_1948 : memref<1x16x1024xf32, #tpu.memory_space<hbm>> -> memref<16x1024xf32, #tpu.memory_space<hbm>>
    %dma_start3A_1950 = tpu.memref_slice %arg8[%dma_start3A_1942] : memref<3x!tpu.dma_semaphore, #tpu.memory_space<semaphore_mem>> -> memref<1x!tpu.dma_semaphore, #tpu.memory_space<semaphore_mem>>
    %dma_start3A_1951 = tpu.memref_squeeze %dma_start3A_1950 : memref<1x!tpu.dma_semaphore, #tpu.memory_space<semaphore_mem>> -> memref<!tpu.dma_semaphore, #tpu.memory_space<semaphore_mem>>
    %dma_start3A_1952 = arith.constant 0 : i32
    %dma_start3A_1953 = tpu.memref_slice %arg4[%select_n3A, %add3A_1940, %dma_start3A_1952] : memref<4x4096x1024xf32, #tpu.memory_space<hbm>> -> memref<1x16x1024xf32, #tpu.memory_space<hbm>>
    %dma_start3A_1954 = tpu.memref_squeeze %dma_start3A_1953 : memref<1x16x1024xf32, #tpu.memory_space<hbm>> -> memref<16x1024xf32, #tpu.memory_space<hbm>>
    %dma_start3A_1955 = arith.constant 0 : i32
    %dma_start3A_1956 = arith.constant 0 : i32
    %dma_start3A_1957 = tpu.memref_slice %arg6[%dma_start3A_1941, %dma_start3A_1955, %dma_start3A_1956] : memref<3x16x1024xf32, #tpu.memory_space<vmem>> -> memref<1x16x1024xf32, #tpu.memory_space<vmem>>
    %dma_start3A_1958 = tpu.memref_squeeze %dma_start3A_1957 : memref<1x16x1024xf32, #tpu.memory_space<vmem>> -> memref<16x1024xf32, #tpu.memory_space<vmem>>
    tpu.enqueue_dma source(%dma_start3A_1958 : memref<16x1024xf32, #tpu.memory_space<vmem>>) target(%dma_start3A_1954 : memref<16x1024xf32, #tpu.memory_space<hbm>>) target_semaphore(%dma_start3A_1951 : memref<!tpu.dma_semaphore, #tpu.memory_space<semaphore_mem>>)
    %dma_wait3A_1959 = arith.constant 0 : i32
    %dma_wait3A_1960 = arith.constant 0 : i32
    %dma_wait3A_1961 = arith.constant 0 : i32
    %dma_wait3A_1962 = arith.constant 0 : i32
    %dma_wait3A_1963 = tpu.memref_slice %arg6[%dma_wait3A_1959, %dma_wait3A_1961, %dma_wait3A_1962] : memref<3x16x1024xf32, #tpu.memory_space<vmem>> -> memref<1x16x1024xf32, #tpu.memory_space<vmem>>
    %dma_wait3A_1964 = tpu.memref_squeeze %dma_wait3A_1963 : memref<1x16x1024xf32, #tpu.memory_space<vmem>> -> memref<16x1024xf32, #tpu.memory_space<vmem>>
    %dma_wait3A_1965 = arith.constant 480 : i32
    %dma_wait3A_1966 = tpu.memref_slice %arg5[%dma_wait3A_1965] : memref<512xi32, #tpu.memory_space<vmem>> -> memref<16xi32, #tpu.memory_space<vmem>>
    %dma_wait3A_1967 = arith.constant 0 : i32
    %dma_wait3A_1968 = arith.constant 0 : i32
    %dma_wait3A_1969 = tpu.memref_slice %arg3[%dma_wait3A_1967, %dma_wait3A_1968] : memref<100000x1024xf32, #tpu.memory_space<hbm>> -> memref<100000x1024xf32, #tpu.memory_space<hbm>>
    %dma_wait3A_1970 = tpu.memref_slice %arg7[%dma_wait3A_1960] : memref<3x!tpu.dma_semaphore, #tpu.memory_space<semaphore_mem>> -> memref<1x!tpu.dma_semaphore, #tpu.memory_space<semaphore_mem>>
    %dma_wait3A_1971 = tpu.memref_squeeze %dma_wait3A_1970 : memref<1x!tpu.dma_semaphore, #tpu.memory_space<semaphore_mem>> -> memref<!tpu.dma_semaphore, #tpu.memory_space<semaphore_mem>>
    tpu.wait_indirect_dma semaphore(%dma_wait3A_1971 : memref<!tpu.dma_semaphore, #tpu.memory_space<semaphore_mem>>) src(%dma_wait3A_1969 : memref<100000x1024xf32, #tpu.memory_space<hbm>>) dst(%dma_wait3A_1964 : memref<16x1024xf32, #tpu.memory_space<vmem>>)
    %add3A_1972 = arith.constant 480 : i32
    %add3A_1973 = arith.addi %mul3A_32, %add3A_1972 : i32
    %dma_start3A_1974 = arith.constant 0 : i32
    %dma_start3A_1975 = arith.constant 0 : i32
    %dma_start3A_1976 = arith.constant 0 : i32
    %dma_start3A_1977 = arith.constant 0 : i32
    %dma_start3A_1978 = tpu.memref_slice %arg6[%dma_start3A_1974, %dma_start3A_1976, %dma_start3A_1977] : memref<3x16x1024xf32, #tpu.memory_space<vmem>> -> memref<1x16x1024xf32, #tpu.memory_space<vmem>>
    %dma_start3A_1979 = tpu.memref_squeeze %dma_start3A_1978 : memref<1x16x1024xf32, #tpu.memory_space<vmem>> -> memref<16x1024xf32, #tpu.memory_space<vmem>>
    %dma_start3A_1980 = arith.constant 0 : i32
    %dma_start3A_1981 = tpu.memref_slice %arg4[%select_n3A, %add3A_1973, %dma_start3A_1980] : memref<4x4096x1024xf32, #tpu.memory_space<hbm>> -> memref<1x16x1024xf32, #tpu.memory_space<hbm>>
    %dma_start3A_1982 = tpu.memref_squeeze %dma_start3A_1981 : memref<1x16x1024xf32, #tpu.memory_space<hbm>> -> memref<16x1024xf32, #tpu.memory_space<hbm>>
    %dma_start3A_1983 = tpu.memref_slice %arg8[%dma_start3A_1975] : memref<3x!tpu.dma_semaphore, #tpu.memory_space<semaphore_mem>> -> memref<1x!tpu.dma_semaphore, #tpu.memory_space<semaphore_mem>>
    %dma_start3A_1984 = tpu.memref_squeeze %dma_start3A_1983 : memref<1x!tpu.dma_semaphore, #tpu.memory_space<semaphore_mem>> -> memref<!tpu.dma_semaphore, #tpu.memory_space<semaphore_mem>>
    %dma_start3A_1985 = arith.constant 0 : i32
    %dma_start3A_1986 = tpu.memref_slice %arg4[%select_n3A, %add3A_1973, %dma_start3A_1985] : memref<4x4096x1024xf32, #tpu.memory_space<hbm>> -> memref<1x16x1024xf32, #tpu.memory_space<hbm>>
    %dma_start3A_1987 = tpu.memref_squeeze %dma_start3A_1986 : memref<1x16x1024xf32, #tpu.memory_space<hbm>> -> memref<16x1024xf32, #tpu.memory_space<hbm>>
    %dma_start3A_1988 = arith.constant 0 : i32
    %dma_start3A_1989 = arith.constant 0 : i32
    %dma_start3A_1990 = tpu.memref_slice %arg6[%dma_start3A_1974, %dma_start3A_1988, %dma_start3A_1989] : memref<3x16x1024xf32, #tpu.memory_space<vmem>> -> memref<1x16x1024xf32, #tpu.memory_space<vmem>>
    %dma_start3A_1991 = tpu.memref_squeeze %dma_start3A_1990 : memref<1x16x1024xf32, #tpu.memory_space<vmem>> -> memref<16x1024xf32, #tpu.memory_space<vmem>>
    tpu.enqueue_dma source(%dma_start3A_1991 : memref<16x1024xf32, #tpu.memory_space<vmem>>) target(%dma_start3A_1987 : memref<16x1024xf32, #tpu.memory_space<hbm>>) target_semaphore(%dma_start3A_1984 : memref<!tpu.dma_semaphore, #tpu.memory_space<semaphore_mem>>)
    %dma_wait3A_1992 = arith.constant 1 : i32
    %dma_wait3A_1993 = arith.constant 1 : i32
    %dma_wait3A_1994 = arith.constant 0 : i32
    %dma_wait3A_1995 = arith.constant 0 : i32
    %dma_wait3A_1996 = tpu.memref_slice %arg6[%dma_wait3A_1992, %dma_wait3A_1994, %dma_wait3A_1995] : memref<3x16x1024xf32, #tpu.memory_space<vmem>> -> memref<1x16x1024xf32, #tpu.memory_space<vmem>>
    %dma_wait3A_1997 = tpu.memref_squeeze %dma_wait3A_1996 : memref<1x16x1024xf32, #tpu.memory_space<vmem>> -> memref<16x1024xf32, #tpu.memory_space<vmem>>
    %dma_wait3A_1998 = arith.constant 496 : i32
    %dma_wait3A_1999 = tpu.memref_slice %arg5[%dma_wait3A_1998] : memref<512xi32, #tpu.memory_space<vmem>> -> memref<16xi32, #tpu.memory_space<vmem>>
    %dma_wait3A_2000 = arith.constant 0 : i32
    %dma_wait3A_2001 = arith.constant 0 : i32
    %dma_wait3A_2002 = tpu.memref_slice %arg3[%dma_wait3A_2000, %dma_wait3A_2001] : memref<100000x1024xf32, #tpu.memory_space<hbm>> -> memref<100000x1024xf32, #tpu.memory_space<hbm>>
    %dma_wait3A_2003 = tpu.memref_slice %arg7[%dma_wait3A_1993] : memref<3x!tpu.dma_semaphore, #tpu.memory_space<semaphore_mem>> -> memref<1x!tpu.dma_semaphore, #tpu.memory_space<semaphore_mem>>
    %dma_wait3A_2004 = tpu.memref_squeeze %dma_wait3A_2003 : memref<1x!tpu.dma_semaphore, #tpu.memory_space<semaphore_mem>> -> memref<!tpu.dma_semaphore, #tpu.memory_space<semaphore_mem>>
    tpu.wait_indirect_dma semaphore(%dma_wait3A_2004 : memref<!tpu.dma_semaphore, #tpu.memory_space<semaphore_mem>>) src(%dma_wait3A_2002 : memref<100000x1024xf32, #tpu.memory_space<hbm>>) dst(%dma_wait3A_1997 : memref<16x1024xf32, #tpu.memory_space<vmem>>)
    %add3A_2005 = arith.constant 496 : i32
    %add3A_2006 = arith.addi %mul3A_32, %add3A_2005 : i32
    %dma_start3A_2007 = arith.constant 1 : i32
    %dma_start3A_2008 = arith.constant 1 : i32
    %dma_start3A_2009 = arith.constant 0 : i32
    %dma_start3A_2010 = arith.constant 0 : i32
    %dma_start3A_2011 = tpu.memref_slice %arg6[%dma_start3A_2007, %dma_start3A_2009, %dma_start3A_2010] : memref<3x16x1024xf32, #tpu.memory_space<vmem>> -> memref<1x16x1024xf32, #tpu.memory_space<vmem>>
    %dma_start3A_2012 = tpu.memref_squeeze %dma_start3A_2011 : memref<1x16x1024xf32, #tpu.memory_space<vmem>> -> memref<16x1024xf32, #tpu.memory_space<vmem>>
    %dma_start3A_2013 = arith.constant 0 : i32
    %dma_start3A_2014 = tpu.memref_slice %arg4[%select_n3A, %add3A_2006, %dma_start3A_2013] : memref<4x4096x1024xf32, #tpu.memory_space<hbm>> -> memref<1x16x1024xf32, #tpu.memory_space<hbm>>
    %dma_start3A_2015 = tpu.memref_squeeze %dma_start3A_2014 : memref<1x16x1024xf32, #tpu.memory_space<hbm>> -> memref<16x1024xf32, #tpu.memory_space<hbm>>
    %dma_start3A_2016 = tpu.memref_slice %arg8[%dma_start3A_2008] : memref<3x!tpu.dma_semaphore, #tpu.memory_space<semaphore_mem>> -> memref<1x!tpu.dma_semaphore, #tpu.memory_space<semaphore_mem>>
    %dma_start3A_2017 = tpu.memref_squeeze %dma_start3A_2016 : memref<1x!tpu.dma_semaphore, #tpu.memory_space<semaphore_mem>> -> memref<!tpu.dma_semaphore, #tpu.memory_space<semaphore_mem>>
    %dma_start3A_2018 = arith.constant 0 : i32
    %dma_start3A_2019 = tpu.memref_slice %arg4[%select_n3A, %add3A_2006, %dma_start3A_2018] : memref<4x4096x1024xf32, #tpu.memory_space<hbm>> -> memref<1x16x1024xf32, #tpu.memory_space<hbm>>
    %dma_start3A_2020 = tpu.memref_squeeze %dma_start3A_2019 : memref<1x16x1024xf32, #tpu.memory_space<hbm>> -> memref<16x1024xf32, #tpu.memory_space<hbm>>
    %dma_start3A_2021 = arith.constant 0 : i32
    %dma_start3A_2022 = arith.constant 0 : i32
    %dma_start3A_2023 = tpu.memref_slice %arg6[%dma_start3A_2007, %dma_start3A_2021, %dma_start3A_2022] : memref<3x16x1024xf32, #tpu.memory_space<vmem>> -> memref<1x16x1024xf32, #tpu.memory_space<vmem>>
    %dma_start3A_2024 = tpu.memref_squeeze %dma_start3A_2023 : memref<1x16x1024xf32, #tpu.memory_space<vmem>> -> memref<16x1024xf32, #tpu.memory_space<vmem>>
    tpu.enqueue_dma source(%dma_start3A_2024 : memref<16x1024xf32, #tpu.memory_space<vmem>>) target(%dma_start3A_2020 : memref<16x1024xf32, #tpu.memory_space<hbm>>) target_semaphore(%dma_start3A_2017 : memref<!tpu.dma_semaphore, #tpu.memory_space<semaphore_mem>>)
    %dma_wait3A_2025 = arith.constant 2 : i32
    %dma_wait3A_2026 = arith.constant 2 : i32
    %dma_wait3A_2027 = arith.constant 0 : i32
    %dma_wait3A_2028 = arith.constant 0 : i32
    %dma_wait3A_2029 = tpu.memref_slice %arg6[%dma_wait3A_2025, %dma_wait3A_2027, %dma_wait3A_2028] : memref<3x16x1024xf32, #tpu.memory_space<vmem>> -> memref<1x16x1024xf32, #tpu.memory_space<vmem>>
    %dma_wait3A_2030 = tpu.memref_squeeze %dma_wait3A_2029 : memref<1x16x1024xf32, #tpu.memory_space<vmem>> -> memref<16x1024xf32, #tpu.memory_space<vmem>>
    %dma_wait3A_2031 = arith.constant 0 : i32
    %dma_wait3A_2032 = tpu.memref_slice %arg4[%select_n3A, %add3A_1940, %dma_wait3A_2031] : memref<4x4096x1024xf32, #tpu.memory_space<hbm>> -> memref<1x16x1024xf32, #tpu.memory_space<hbm>>
    %dma_wait3A_2033 = tpu.memref_squeeze %dma_wait3A_2032 : memref<1x16x1024xf32, #tpu.memory_space<hbm>> -> memref<16x1024xf32, #tpu.memory_space<hbm>>
    %dma_wait3A_2034 = tpu.memref_slice %arg8[%dma_wait3A_2026] : memref<3x!tpu.dma_semaphore, #tpu.memory_space<semaphore_mem>> -> memref<1x!tpu.dma_semaphore, #tpu.memory_space<semaphore_mem>>
    %dma_wait3A_2035 = tpu.memref_squeeze %dma_wait3A_2034 : memref<1x!tpu.dma_semaphore, #tpu.memory_space<semaphore_mem>> -> memref<!tpu.dma_semaphore, #tpu.memory_space<semaphore_mem>>
    %dma_wait3A_2036 = arith.constant 0 : i32
    %dma_wait3A_2037 = tpu.memref_slice %arg4[%select_n3A, %add3A_1940, %dma_wait3A_2036] : memref<4x4096x1024xf32, #tpu.memory_space<hbm>> -> memref<1x16x1024xf32, #tpu.memory_space<hbm>>
    %dma_wait3A_2038 = tpu.memref_squeeze %dma_wait3A_2037 : memref<1x16x1024xf32, #tpu.memory_space<hbm>> -> memref<16x1024xf32, #tpu.memory_space<hbm>>
    %dma_wait3A_2039 = arith.constant 0 : i32
    %dma_wait3A_2040 = arith.constant 0 : i32
    %dma_wait3A_2041 = tpu.memref_slice %arg6[%dma_wait3A_2025, %dma_wait3A_2039, %dma_wait3A_2040] : memref<3x16x1024xf32, #tpu.memory_space<vmem>> -> memref<1x16x1024xf32, #tpu.memory_space<vmem>>
    %dma_wait3A_2042 = tpu.memref_squeeze %dma_wait3A_2041 : memref<1x16x1024xf32, #tpu.memory_space<vmem>> -> memref<16x1024xf32, #tpu.memory_space<vmem>>
    tpu.wait_dma2 semaphore(%dma_wait3A_2035 : memref<!tpu.dma_semaphore, #tpu.memory_space<semaphore_mem>>) src(%dma_wait3A_2042 : memref<16x1024xf32, #tpu.memory_space<vmem>>) dst(%dma_wait3A_2038 : memref<16x1024xf32, #tpu.memory_space<hbm>>)
    %dma_wait3A_2043 = arith.constant 0 : i32
    %dma_wait3A_2044 = arith.constant 0 : i32
    %dma_wait3A_2045 = arith.constant 0 : i32
    %dma_wait3A_2046 = arith.constant 0 : i32
    %dma_wait3A_2047 = tpu.memref_slice %arg6[%dma_wait3A_2043, %dma_wait3A_2045, %dma_wait3A_2046] : memref<3x16x1024xf32, #tpu.memory_space<vmem>> -> memref<1x16x1024xf32, #tpu.memory_space<vmem>>
    %dma_wait3A_2048 = tpu.memref_squeeze %dma_wait3A_2047 : memref<1x16x1024xf32, #tpu.memory_space<vmem>> -> memref<16x1024xf32, #tpu.memory_space<vmem>>
    %dma_wait3A_2049 = arith.constant 0 : i32
    %dma_wait3A_2050 = tpu.memref_slice %arg4[%select_n3A, %add3A_1973, %dma_wait3A_2049] : memref<4x4096x1024xf32, #tpu.memory_space<hbm>> -> memref<1x16x1024xf32, #tpu.memory_space<hbm>>
    %dma_wait3A_2051 = tpu.memref_squeeze %dma_wait3A_2050 : memref<1x16x1024xf32, #tpu.memory_space<hbm>> -> memref<16x1024xf32, #tpu.memory_space<hbm>>
    %dma_wait3A_2052 = tpu.memref_slice %arg8[%dma_wait3A_2044] : memref<3x!tpu.dma_semaphore, #tpu.memory_space<semaphore_mem>> -> memref<1x!tpu.dma_semaphore, #tpu.memory_space<semaphore_mem>>
    %dma_wait3A_2053 = tpu.memref_squeeze %dma_wait3A_2052 : memref<1x!tpu.dma_semaphore, #tpu.memory_space<semaphore_mem>> -> memref<!tpu.dma_semaphore, #tpu.memory_space<semaphore_mem>>
    %dma_wait3A_2054 = arith.constant 0 : i32
    %dma_wait3A_2055 = tpu.memref_slice %arg4[%select_n3A, %add3A_1973, %dma_wait3A_2054] : memref<4x4096x1024xf32, #tpu.memory_space<hbm>> -> memref<1x16x1024xf32, #tpu.memory_space<hbm>>
    %dma_wait3A_2056 = tpu.memref_squeeze %dma_wait3A_2055 : memref<1x16x1024xf32, #tpu.memory_space<hbm>> -> memref<16x1024xf32, #tpu.memory_space<hbm>>
    %dma_wait3A_2057 = arith.constant 0 : i32
    %dma_wait3A_2058 = arith.constant 0 : i32
    %dma_wait3A_2059 = tpu.memref_slice %arg6[%dma_wait3A_2043, %dma_wait3A_2057, %dma_wait3A_2058] : memref<3x16x1024xf32, #tpu.memory_space<vmem>> -> memref<1x16x1024xf32, #tpu.memory_space<vmem>>
    %dma_wait3A_2060 = tpu.memref_squeeze %dma_wait3A_2059 : memref<1x16x1024xf32, #tpu.memory_space<vmem>> -> memref<16x1024xf32, #tpu.memory_space<vmem>>
    tpu.wait_dma2 semaphore(%dma_wait3A_2053 : memref<!tpu.dma_semaphore, #tpu.memory_space<semaphore_mem>>) src(%dma_wait3A_2060 : memref<16x1024xf32, #tpu.memory_space<vmem>>) dst(%dma_wait3A_2056 : memref<16x1024xf32, #tpu.memory_space<hbm>>)
    %dma_wait3A_2061 = arith.constant 1 : i32
    %dma_wait3A_2062 = arith.constant 1 : i32
    %dma_wait3A_2063 = arith.constant 0 : i32
    %dma_wait3A_2064 = arith.constant 0 : i32
    %dma_wait3A_2065 = tpu.memref_slice %arg6[%dma_wait3A_2061, %dma_wait3A_2063, %dma_wait3A_2064] : memref<3x16x1024xf32, #tpu.memory_space<vmem>> -> memref<1x16x1024xf32, #tpu.memory_space<vmem>>
    %dma_wait3A_2066 = tpu.memref_squeeze %dma_wait3A_2065 : memref<1x16x1024xf32, #tpu.memory_space<vmem>> -> memref<16x1024xf32, #tpu.memory_space<vmem>>
    %dma_wait3A_2067 = arith.constant 0 : i32
    %dma_wait3A_2068 = tpu.memref_slice %arg4[%select_n3A, %add3A_2006, %dma_wait3A_2067] : memref<4x4096x1024xf32, #tpu.memory_space<hbm>> -> memref<1x16x1024xf32, #tpu.memory_space<hbm>>
    %dma_wait3A_2069 = tpu.memref_squeeze %dma_wait3A_2068 : memref<1x16x1024xf32, #tpu.memory_space<hbm>> -> memref<16x1024xf32, #tpu.memory_space<hbm>>
    %dma_wait3A_2070 = tpu.memref_slice %arg8[%dma_wait3A_2062] : memref<3x!tpu.dma_semaphore, #tpu.memory_space<semaphore_mem>> -> memref<1x!tpu.dma_semaphore, #tpu.memory_space<semaphore_mem>>
    %dma_wait3A_2071 = tpu.memref_squeeze %dma_wait3A_2070 : memref<1x!tpu.dma_semaphore, #tpu.memory_space<semaphore_mem>> -> memref<!tpu.dma_semaphore, #tpu.memory_space<semaphore_mem>>
    %dma_wait3A_2072 = arith.constant 0 : i32
    %dma_wait3A_2073 = tpu.memref_slice %arg4[%select_n3A, %add3A_2006, %dma_wait3A_2072] : memref<4x4096x1024xf32, #tpu.memory_space<hbm>> -> memref<1x16x1024xf32, #tpu.memory_space<hbm>>
    %dma_wait3A_2074 = tpu.memref_squeeze %dma_wait3A_2073 : memref<1x16x1024xf32, #tpu.memory_space<hbm>> -> memref<16x1024xf32, #tpu.memory_space<hbm>>
    %dma_wait3A_2075 = arith.constant 0 : i32
    %dma_wait3A_2076 = arith.constant 0 : i32
    %dma_wait3A_2077 = tpu.memref_slice %arg6[%dma_wait3A_2061, %dma_wait3A_2075, %dma_wait3A_2076] : memref<3x16x1024xf32, #tpu.memory_space<vmem>> -> memref<1x16x1024xf32, #tpu.memory_space<vmem>>
    %dma_wait3A_2078 = tpu.memref_squeeze %dma_wait3A_2077 : memref<1x16x1024xf32, #tpu.memory_space<vmem>> -> memref<16x1024xf32, #tpu.memory_space<vmem>>
    tpu.wait_dma2 semaphore(%dma_wait3A_2071 : memref<!tpu.dma_semaphore, #tpu.memory_space<semaphore_mem>>) src(%dma_wait3A_2078 : memref<16x1024xf32, #tpu.memory_space<vmem>>) dst(%dma_wait3A_2074 : memref<16x1024xf32, #tpu.memory_space<hbm>>)
    return
  }
}

</mosaic_0001>

<sc_bundles>
// kernel: _sc_gather.3.cloned.1.call-start
scs
__scs_entry_jumppad:
0x0: {  	(pc) =	sbr.rel $0x88, $3  }
0x1: {  	(tag) =	ssettag $0x0;
	lr =	simm.s32 $0x1  }
0x2: {  	[smem:$0x3F9F] =	sst lr;
	_ =	strace $0xD0000000  }
0x3: {  	_ = 	snop  }
0x4: {  	_ = 	snop  }
0x5: {  	_ = 	snop  }
0x6: {  	_ = 	snop  }
0x7: {  	_ = 	snop  }
__scs_overlays_trampoline_lowered:
0x8: {  	[smem:$0x3FAE] =	sst s0  }
0x9: {  	[smem:$0x3FAF] =	sst s1  }
0xa: {  	[smem:$0x3FB0] =	sst s2  }
0xb: {  	[smem:$0x3FB1] =	sst s3  }
0xc: {  	[smem:$0x3FB2] =	sst s4  }
0xd: {  	[smem:$0x3FB3] =	sst s5  }
0xe: {  	[smem:$0x3FB4] =	sst s6  }
0xf: {  	[smem:$0x3FB5] =	sst s7  }
0x10: {  	[smem:$0x3FB6] =	sst s8  }
0x11: {  	[smem:$0x3FB7] =	sst s9;
	s0 =	simm.s32 @!p0 $0x0  }
0x12: {  	s1 =	sld [smem:$0x3F9D];
	s0 =	simm.s32 @p0 $0x1  }
0x13: {  	[smem:$0x3FB8] =	sst s0;
	s0 =	simm.s32 @!p1 $0x0  }
0x14: {  	s2 =	sld [smem:$0x3F9C];
	s0 =	simm.s32 @p1 $0x1  }
0x15: {  	[smem:$0x3FB9] =	sst s0;
	s0 =	simm.s32 @!p2 $0x0  }
0x16: {  	s3 =	sld [smem:$0x3FDB];
	s0 =	simm.s32 @p2 $0x1  }
0x17: {  	s4 =	simm.s32 $0x1BF5;
	[smem:$0x3FBB] =	sst s0  }
0x18: {  	s0 =	sld [smem:$0x3F9E];
	_ =	swait.ge [sflag:s4], $0x0  }
0x19: {  	s7 =	sld [smem:$0x3F9F]  }
0x1a: {  	s8 =	sadd.s32 $0xFFFFE003, lr  }
0x1b: {  	s9 =	sadd.s32 $0xFFFFFEF7, lr;
	s5 =	simm.s32 $0xFFFFFFFF;
	p2 =	slt.u32 s8, $0xFFFFF086  }
0x1c: {  	p1 =	slt.u32 s9, $0xF7A;
	s5 =	simm.s32 @!p2 $0x0  }
0x1d: {  	s5 =	simm.s32 @p1 $0x1;
	p0 =	seq.s32 s7, s2  }
0x1e: {  	s7 =	smul.u32 @!p0 $0xF7A, s2;
	p2 =	seq.s32 @!p0 s5, $0x0  }
0x1f: {  	s9 =	smul.u32 $0xF7A, s1;
	s8 =	simm.s32 @!p0 $0x1BF5;
	p2 =	por !p2, p0  }
0x20: {  	[sflag:s8] =	ssyncset.s32 @!p0 $0xFFFFF086;
	s6 =	sadd.s32 @!p0 s3, s7;
	s7 =	simm.s32 @!p0 $0x108  }
0x21: {  	s3 =	sadd.s32 s3, s9;
	s6 =	sadd.s32 @!p0 $0x88, s6;
	s7 =	simm.s32 @p2 $0x1082  }
0x22: {  	[simem:s7], [sflag:s8] =	dma.local @!p0 [hbm:s6], $0xF7A  }
0x23: {  	s9 =	sor.u32 $0xD0000000, s2;
	s6 =	simm.s32 $0x108;
	_ =	swait.ge @!p0 [sflag:s8], $0x0  }
0x24: {  	s3 =	sadd.s32 $0x88, s3;
	s6 =	simm.s32 @!p1 $0x1082;
	[sflag:s4] =	ssyncset.s32 $0xFFFFF086  }
0x25: {  	[simem:s6], [sflag:s4] =	dma.local [hbm:s3], $0xF7A  }
0x26: {  	[smem:$0x3F9F] =	sst s1;
	(tag) =	ssettag s2;
	_ =	strace s9  }
0x27: {  	s1 =	sld [smem:$0x3FAF]  }
0x28: {  	s2 =	sld [smem:$0x3FB0]  }
0x29: {  	s4 =	sld [smem:$0x3FB2]  }
0x2a: {  	p0 =	seq.s32 s5, $0x0;
	s5 =	sld [smem:$0x3FB3]  }
0x2b: {  	s6 =	sld [smem:$0x3FB4]  }
0x2c: {  	s7 =	sld [smem:$0x3FB5]  }
0x2d: {  	s3 =	simm.s32 $0x108;
	s8 =	sld [smem:$0x3FB6]  }
0x2e: {  	s3 =	simm.s32 @!p0 $0x1082;
	s9 =	sld [smem:$0x3FB7]  }
0x2f: {  	lr =	sadd.s32 s0, s3;
	s0 =	sld [smem:$0x3FAE]  }
0x30: {  	s3 =	sld [smem:$0x3FB1]  }
0x31: {  	[smem:$0x3FBA] =	sst s10  }
0x32: {  	s10 =	sld [smem:$0x3FB8];
	_ =	sdelay $0x3  }
0x33: {  	p0 =	seq.s32 s10, $0x1;
	s10 =	sld [smem:$0x3FBA];
	_ =	sdelay $0x3  }
0x34: {  	[smem:$0x3FBA] =	sst s10  }
0x35: {  	s10 =	sld [smem:$0x3FB9];
	_ =	sdelay $0x3  }
0x36: {  	p1 =	seq.s32 s10, $0x1;
	s10 =	sld [smem:$0x3FBA];
	_ =	sdelay $0x3  }
0x37: {  	[smem:$0x3FBA] =	sst s10  }
0x38: {  	s10 =	sld [smem:$0x3FBB]  }
0x39: {  	_ = 	snop;
	(pc) =	sbr.ind lr, $3  }
0x3a: {  	_ = 	snop  }
0x3b: {  	_ = 	snop  }
0x3c: {  	p2 =	seq.s32 s10, $0x1;
	s10 =	sld [smem:$0x3FBA]  }
0x3d: {  	_ =	shalt  }
0x3e: {  	_ =	shalt  }
0x3f: {  	_ =	shalt  }
0x40: {  	_ =	shalt  }
0x41: {  	_ =	shalt  }
0x42: {  	_ =	shalt  }
0x43: {  	_ =	shalt  }
0x44: {  	_ =	shalt  }
0x45: {  	_ =	shalt  }
0x46: {  	_ =	shalt  }
0x47: {  	_ =	shalt  }
0x48: {  	_ =	shalt  }
0x49: {  	_ =	shalt  }
0x4a: {  	_ =	shalt  }
0x4b: {  	_ =	shalt  }
0x4c: {  	_ =	shalt  }
0x4d: {  	_ =	shalt  }
0x4e: {  	_ =	shalt  }
0x4f: {  	_ =	shalt  }
0x50: {  	_ =	shalt  }
0x51: {  	_ =	shalt  }
0x52: {  	_ =	shalt  }
0x53: {  	_ =	shalt  }
0x54: {  	_ =	shalt  }
0x55: {  	_ =	shalt  }
0x56: {  	_ =	shalt  }
0x57: {  	_ =	shalt  }
0x58: {  	_ =	shalt  }
0x59: {  	_ =	shalt  }
0x5a: {  	_ =	shalt  }
0x5b: {  	_ =	shalt  }
0x5c: {  	_ =	shalt  }
0x5d: {  	_ =	shalt  }
0x5e: {  	_ =	shalt  }
0x5f: {  	_ =	shalt  }
0x60: {  	_ =	shalt  }
0x61: {  	_ =	shalt  }
0x62: {  	_ =	shalt  }
0x63: {  	_ =	shalt  }
0x64: {  	_ =	shalt  }
0x65: {  	_ =	shalt  }
0x66: {  	_ =	shalt  }
0x67: {  	_ =	shalt  }
0x68: {  	_ =	shalt  }
0x69: {  	_ =	shalt  }
0x6a: {  	_ =	shalt  }
0x6b: {  	_ =	shalt  }
0x6c: {  	_ =	shalt  }
0x6d: {  	_ =	shalt  }
0x6e: {  	_ =	shalt  }
0x6f: {  	_ =	shalt  }
0x70: {  	_ =	shalt  }
0x71: {  	_ =	shalt  }
0x72: {  	_ =	shalt  }
0x73: {  	_ =	shalt  }
0x74: {  	_ =	shalt  }
0x75: {  	_ =	shalt  }
0x76: {  	_ =	shalt  }
0x77: {  	_ =	shalt  }
0x78: {  	_ =	shalt  }
0x79: {  	_ =	shalt  }
0x7a: {  	_ =	shalt  }
0x7b: {  	_ =	shalt  }
0x7c: {  	_ =	shalt  }
0x7d: {  	_ =	shalt  }
0x7e: {  	_ =	shalt  }
0x7f: {  	_ =	shalt  }
0x80: {  	_ =	shalt  }
0x81: {  	_ =	shalt  }
0x82: {  	_ =	shalt  }
0x83: {  	_ =	shalt  }
0x84: {  	_ =	shalt  }
0x85: {  	_ =	shalt  }
0x86: {  	_ =	shalt  }
0x87: {  	_ =	shalt  }
.Lfunc_end0:
.L_simem_size_0:
called_computation_lowered:
.L_overlay_start_0:
0x88: {  	s2 =	sld [smem:$0x3FD9]  }
0x89: {  	s3 =	sld [smem:$0x3FFE];
	_ =	sdelay $0x1  }
0x8a: {  	s1 =	srdreg.scid  }
0x8b: {  	s0 =	sand.u32 $0x1, s1  }
0x8c: {  	s18 =	sshll.u32 s0, $0xA;
	s2 =	sadd.s32 s3, s2  }
0x8d: {  	s2 =	sadd.s32 s2, s18  }
0x8e: {  	[smem:$0x3FC6] =	sst s2  }
0x8f: {  	_ = 	snop  }
0x90: {  	s2 =	sld [smem:$0x3FC9]  }
0x91: {  	s19 =	sld [smem:$0x3FC8]  }
0x92: {  	s4 =	sld [smem:$0x3FD0];
	(tm) =	ssettm $0x1  }
0x93: {  	s5 =	sld [smem:$0x3FFB];
	_ =	sdelay $0x3  }
0x94: {  	_ =	strace s5  }
0x95: {  	s5 =	sld [smem:$0x3FFC];
	_ =	sdelay $0x3  }
0x96: {  	_ =	strace s5  }
0x97: {  	s5 =	sld [smem:$0x3FFD];
	_ =	sdelay $0x3  }
0x98: {  	_ =	strace s5  }
0x99: {  	_ =	strace $0x8FFFFFFF  }
0x9a: {  	s20 =	sld [smem:$0x3FDB];
	_ =	sdelay $0x1  }
0x9b: {  	s6 =	simm.s32 $_scs_section_size  }
0x9c: {  	s7 =	simm.s32 $_size__tile_overlayer_lowered;
	s8 =	simm.s32 $_tile_overlayer_lowered  }
0x9d: {  	s23 =	simm.s32 $0x1BFF;
	s22 =	sshll.u32 s8, $0x1;
	s5 =	sadd.s32 s6, s20  }
0x9e: {  	s9 =	simm.s32 $0x0;
	s21 =	sshll.u32 s7, $0x1;
	s7 =	sadd.s32 s22, s5  }
0x9f: {  	[timem:s9], [sflag:s23] =	dma.local [hbm:s7], s21  }
0xa0: {  	_ =	swait.ge [sflag:s23], s21  }
0xa1: {  	s6 =	ssub.s32 $0x0, s21;
	[sflag:s23] =	ssyncset.done $0x0  }
0xa2: {  	[sflag:s23] =	ssyncadd.s32 s6;
	_ =	sdelay $0x1  }
0xa3: {  	s24 =	simm.s32 $0x1B8B  }
0xa4: {  	_ =	swait.ge [sflag:s24], $0x1  }
0xa5: {  	[sflag:s24] =	ssyncset.done $0x0  }
0xa6: {  	s25 =	simm.s32 $0x1B8E;
	[sflag:s24] =	ssyncadd.s32 $0xFFFFFFFF  }
0xa7: {  	s26 =	simm.s32 $execute0_lowered;
	[smem:$0x3FD2] =	sst s25  }
0xa8: {  	s6 =	sshll.u32 s26, $0x1;
	_ =	strace $0x80000046;
	[dreg:$0x1] =	wrdreg $0xFFFFFFFF  }
0xa9: {  	s28 =	simm.s32 $_size_execute0_lowered;
	s5 =	sadd.s32 s5, s6;
	[dreg:$0x0] =	wrdreg $0x0  }
0xaa: {  	s6 =	sshll.u32 s28, $0x1;
	[dreg:$0x2] =	wrdreg s5  }
0xab: {  	[dreg:$0x3] =	wrdreg s6  }
0xac: {  	[dreg:$0x4] =	wrdreg $0xC0  }
0xad: {  	_ =	task [dreg:s9], $0x5FFFF  }
0xae: {  	[dreg:$0x1] =	wrdreg $0xFFFFFFFF  }
0xaf: {  	[dreg:$0x0] =	wrdreg $0x60  }
0xb0: {  	[dreg:$0x2] =	wrdreg s2  }
0xb1: {  	[dreg:$0x3] =	wrdreg s19  }
0xb2: {  	[dreg:$0x4] =	wrdreg s4  }
0xb3: {  	[dreg:$0x5] =	wrdreg $0x9  }
0xb4: {  	_ =	task.clear_ibuf [dreg:s9], $0x6FFFF;
	_ =	strace $0x90000046  }
0xb5: {  	s29 =	simm.s32 $0x9;
	_ =	strace $0x80000048  }
0xb6: {  	_ =	swait.ge [sflag:s29], $0x1  }
0xb7: {  	[sflag:s29] =	ssyncadd.s32 $0xFFFFFFFF  }
0xb8: {  	_ =	strace $0x90000048  }
0xb9: {  	_ =	sfence  }
0xba: {  	s30 =	sld [smem:$0x0];
	_ =	sdelay $0x2  }
0xbb: {  	s31 =	sshll.u32 s1, $0xD;
	s1 =	sshrl.u32 s1, $0x2  }
0xbc: {  	s3 =	sand.u32 $0x4000, s31;
	s1 =	sadd.s32 s1, s30  }
0xbd: {  	s0 =	sor.u32 s3, s0;
	s1 =	sshll.u32 s1, $0x11  }
0xbe: {  	s0 =	sor.u32 s1, s0  }
0xbf: {  	s0 =	sadd.s32 $0x8F2B, s0  }
0xc0: {  	[sflag:s0] =	ssyncadd.remote.s32 $0x1  }
0xc1: {  	_ =	sfence.sel $0xFFFF  }
0xc2: {  	[dreg:$0x0] =	wrdreg $0xFFFFFFFF;
	(pc) =	sbr.abs _section_cstart, $3  }
0xc3: {  	[dreg:$0x1] =	wrdreg $0xFFFFFFFF  }
0xc4: {  	_ =	task.clear_ibuf [dreg:s9], $0x2FFFF;
	_ =	strace $0x9FFFFFFF  }
0xc5: {  	(tm) =	ssettm $0x7FFFFFFF  }
tec
execute0_lowered:
.L_overlay_start_1:
0x0: {  	(tag) =	ssettag $0x1  }
0x1: {  	s1 =	rddreg [dreg:$0x0]  }
0x2: {  	s2 =	rddreg [dreg:$0x1]  }
0x3: {  	s4 =	rddreg [dreg:$0x2];
	s6 =	stileid.u32  }
0x4: {  	s0 =	srdreg.scid;
	s3 =	simm.s32 $0x0;
	s5 =	sshll.u32 s6, $0x1  }
0x5: {  	s0 =	sand.u32 $0x1, s0;
	s6 =	sshrl.u32 s6, $0x2;
	s5 =	sand.u32 $0x6, s5  }
0x6: {  	s8 =	sshll.u32 s6, $0x4;
	s6 =	sshll.u32 s6, $0x13;
	s5 =	sor.u32 s0, s5  }
0x7: {  	s1 =	sadd.s32 s1, s8;
	s7 =	sshll.u32 s5, $0x10;
	s5 =	sshll.u32 s5, $0x8  }
0x8: {  	[smem:$0x7FF] =	sst s3;
	s6 =	sor.u32 s6, s7;
	s1 =	sadd.s32 s5, s1  }
0x9: {  	_ =	strace $0x80000047;
	s7 =	sadd.s32 s4, s6;
	[dreg:$0x4] =	wrdreg s1  }
0xa: {  	s16 =	sadd.s32 $0x800, s7;
	[smem:$0x7FB] =	sst s7  }
0xb: {  	s17 =	sadd.s32 $0x1000, s7;
	[dreg:$0x5] =	wrdreg s16  }
0xc: {  	s18 =	sadd.s32 $0x1800, s7;
	[dreg:$0x6] =	wrdreg s17  }
0xd: {  	s19 =	sadd.s32 $0x2000, s7;
	[dreg:$0x7] =	wrdreg s18  }
0xe: {  	s20 =	sadd.s32 $0x2800, s7;
	[dreg:$0x8] =	wrdreg s19  }
0xf: {  	s21 =	sadd.s32 $0x3000, s7;
	[dreg:$0x9] =	wrdreg s20  }
0x10: {  	s22 =	sadd.s32 $0x3800, s7;
	[dreg:$0xa] =	wrdreg s21  }
0x11: {  	s23 =	sadd.s32 $0x4000, s7;
	[dreg:$0xb] =	wrdreg s22  }
0x12: {  	s24 =	sadd.s32 $0x4800, s7;
	[dreg:$0xc] =	wrdreg s23  }
0x13: {  	s25 =	sadd.s32 $0x5000, s7;
	[dreg:$0xd] =	wrdreg s24  }
0x14: {  	s26 =	sadd.s32 $0x5800, s7;
	[dreg:$0xe] =	wrdreg s25  }
0x15: {  	s4 =	sadd.s32 $0x6000, s7;
	[dreg:$0xf] =	wrdreg s26  }
0x16: {  	s5 =	sadd.s32 $0x6800, s7;
	[dreg:$0x10] =	wrdreg s4  }
0x17: {  	s6 =	sadd.s32 $0x7000, s7;
	[dreg:$0x11] =	wrdreg s5  }
0x18: {  	s8 =	sadd.s32 $0x7800, s7;
	[dreg:$0x12] =	wrdreg s6  }
0x19: {  	s9 =	sadd.s32 $0x8000, s7;
	[dreg:$0x13] =	wrdreg s8  }
0x1a: {  	s10 =	sadd.s32 $0x8800, s7;
	[dreg:$0x14] =	wrdreg s9  }
0x1b: {  	s11 =	sadd.s32 $0x9000, s7;
	[dreg:$0x15] =	wrdreg s10  }
0x1c: {  	s12 =	sadd.s32 $0x9800, s7;
	[dreg:$0x16] =	wrdreg s11  }
0x1d: {  	s13 =	sadd.s32 $0xA000, s7;
	[dreg:$0x17] =	wrdreg s12  }
0x1e: {  	s14 =	sadd.s32 $0xA800, s7;
	[dreg:$0x18] =	wrdreg s13  }
0x1f: {  	s28 =	simm.s32 $0x4;
	s15 =	sadd.s32 $0xB000, s7;
	[dreg:$0x19] =	wrdreg s14  }
0x20: {  	s29 =	simm.s32 $0x2;
	[dreg:$0x1a] =	wrdreg s15;
	s16 =	sadd.s32 $0xB800, s7  }
0x21: {  	s30 =	simm.s32 $0x5;
	s17 =	sadd.s32 $0xC000, s7;
	[dreg:$0x1b] =	wrdreg s16  }
0x22: {  	s31 =	simm.s32 $0x3;
	s18 =	sadd.s32 $0xC800, s7;
	[dreg:$0x1c] =	wrdreg s17  }
0x23: {  	s0 =	ssub.s32 $0x2, s0;
	s19 =	sadd.s32 $0xD000, s7;
	[dreg:$0x1d] =	wrdreg s18  }
0x24: {  	s20 =	sadd.s32 $0xD800, s7;
	s21 =	sshrl.u32 s0, $0x1;
	[dreg:$0x1e] =	wrdreg s19  }
0x25: {  	s22 =	sadd.s32 $0xE000, s7;
	s23 =	sadd.s32 $0xE800, s7;
	[dreg:$0x1f] =	wrdreg s20  }
0x26: {  	s5 =	sadd.s32 $0x100, s2;
	s24 =	sadd.s32 $0xF000, s7;
	[smem:$0x7F8] =	sst s22  }
0x27: {  	s6 =	sadd.s32 $0x200, s2;
	s25 =	sadd.s32 $0xF800, s7;
	[smem:$0x7F9] =	sst s23  }
0x28: {  	s7 =	sadd.s32 $0x300, s2;
	s26 =	simm.s32 $0x80;
	[smem:$0x7FA] =	sst s24  }
0x29: {  	v2 =	vlaneseq.u32;
	s9 =	simm.s32 $0x200;
	s4 =	simm.s32 $0x1;
	[smem:$0x7FC] =	sst s25  }
0x2a: {  	vm0 =	vmmov $0xffff;
	v1 =	vshrl.u32 v2, $0x3;
	s0 =	ssub.s32 s0, s21;
	[smem:$0x7FD] =	sst s26;
	s18 =	simm.s32 $0x4200  }
0x2b: {  	v0 =	vand.u32 $0x7, v2;
	v2 =	vor.u32 $0x8, v2;
	v1 =	vmul.u32 $0x8, v1;
	s26 =	simm.s32 $0x8200;
	s8 =	smax.u32 s0, $0x1;
	s0 =	simm.s32 $0x6  }
.LBB2_1:
0x2c: {  	s10 =	sld [smem:$0x7FD]  }
0x2d: {  	[smem:$0x7F7] =	sst s8  }
0x2e: {  	s1 =	rddreg [dreg:$0x4];
	s17 =	simm.s32 $0x7  }
0x2f: {  	[tilespmem:s3], [sflag:$0x7] =	stream.strided.gather [hbm4b:s1+s10], $0x200, s9, s10, $0x38;
	[tilespmem:$0xC200] =	vst v63  }
0x30: {  	_ =	swait.ge [sflag:s17], $0x200  }
0x31: {  	[sflag:s17] =	ssyncset.done $0x0  }
0x32: {  	[sflag:s17] =	ssyncadd.s32 $0xFFFFFE00  }
0x33: {  	v3 =	vld [tilespmem:$0x0];
	_ =	sdelay $0x4  }
0x34: {  	v4 =	vshll.u32 v3, $0x3  }
0x35: {  	v3 =	vand.u32 $0x7, v3;
	v4 =	vand.u32 $0xFFFFFFC0, v4  }
0x36: {  	v3 =	vor.u32 v3, v4  }
0x37: {  	v4 =	vperm.xlane v3, v0;
	_ =	sdelay $0x1  }
0x38: {  	v4 =	vadd.s32 v1, v4;
	_ =	sdelay $0x4  }
0x39: {  	[tilespmem:s9], [sflag:$0x1] =	stream.indirect_vreg.gather [hbm4b:s2+s3], $0x80, v4, vm0, $0xb8;
	[tilespmem:$0xC200] =	vst v63  }
0x3a: {  	s19 =	simm.s32 $0xA00;
	v3 =	vperm.xlane v3, v2  }
0x3b: {  	[tilespmem:s19], [sflag:$0x1] =	stream.indirect_vreg.gather [hbm4b:s5+s3], $0x80, v4, vm0, $0xb8;
	[tilespmem:$0xC200] =	vst v63  }
0x3c: {  	s20 =	simm.s32 $0x1200;
	v3 =	vadd.s32 v1, v3  }
0x3d: {  	[tilespmem:s20], [sflag:$0x1] =	stream.indirect_vreg.gather [hbm4b:s6+s3], $0x80, v4, vm0, $0xb8;
	[tilespmem:$0xC200] =	vst v63  }
0x3e: {  	s21 =	simm.s32 $0x1A00  }
0x3f: {  	[tilespmem:s21], [sflag:$0x1] =	stream.indirect_vreg.gather [hbm4b:s7+s3], $0x80, v4, vm0, $0xb8;
	[tilespmem:$0xC200] =	vst v63  }
0x40: {  	s22 =	simm.s32 $0x2200  }
0x41: {  	[tilespmem:s22], [sflag:$0x1] =	stream.indirect_vreg.gather [hbm4b:s2+s3], $0x80, v3, vm0, $0xb8;
	[tilespmem:$0xC200] =	vst v63  }
0x42: {  	s23 =	simm.s32 $0x2A00  }
0x43: {  	[tilespmem:s23], [sflag:$0x1] =	stream.indirect_vreg.gather [hbm4b:s5+s3], $0x80, v3, vm0, $0xb8;
	[tilespmem:$0xC200] =	vst v63  }
0x44: {  	s25 =	simm.s32 $0x3200  }
0x45: {  	[tilespmem:s25], [sflag:$0x1] =	stream.indirect_vreg.gather [hbm4b:s6+s3], $0x80, v3, vm0, $0xb8;
	[tilespmem:$0xC200] =	vst v63  }
0x46: {  	s8 =	simm.s32 $0x3A00  }
0x47: {  	[tilespmem:s8], [sflag:$0x1] =	stream.indirect_vreg.gather [hbm4b:s7+s3], $0x80, v3, vm0, $0xb8;
	[tilespmem:$0xC200] =	vst v63  }
0x48: {  	v3 =	vld [tilespmem:$0x10];
	_ =	sdelay $0x4  }
0x49: {  	v33 =	vshll.u32 v3, $0x3  }
0x4a: {  	v3 =	vand.u32 $0x7, v3;
	v4 =	vand.u32 $0xFFFFFFC0, v33  }
0x4b: {  	v3 =	vor.u32 v3, v4  }
0x4c: {  	v4 =	vperm.xlane v3, v0;
	_ =	sdelay $0x1  }
0x4d: {  	v4 =	vadd.s32 v1, v4;
	_ =	sdelay $0x4  }
0x4e: {  	[tilespmem:s18], [sflag:$0x2] =	stream.indirect_vreg.gather [hbm4b:s2+s3], $0x80, v4, vm0, $0xb8;
	[tilespmem:$0xC200] =	vst v63  }
0x4f: {  	s10 =	simm.s32 $0x4A00;
	v3 =	vperm.xlane v3, v2  }
0x50: {  	[tilespmem:s10], [sflag:$0x2] =	stream.indirect_vreg.gather [hbm4b:s5+s3], $0x80, v4, vm0, $0xb8;
	[tilespmem:$0xC200] =	vst v63  }
0x51: {  	s11 =	simm.s32 $0x5200;
	v3 =	vadd.s32 v1, v3  }
0x52: {  	[tilespmem:s11], [sflag:$0x2] =	stream.indirect_vreg.gather [hbm4b:s6+s3], $0x80, v4, vm0, $0xb8;
	[tilespmem:$0xC200] =	vst v63  }
0x53: {  	s12 =	simm.s32 $0x5A00  }
0x54: {  	[tilespmem:s12], [sflag:$0x2] =	stream.indirect_vreg.gather [hbm4b:s7+s3], $0x80, v4, vm0, $0xb8;
	[tilespmem:$0xC200] =	vst v63  }
0x55: {  	s13 =	simm.s32 $0x6200  }
0x56: {  	[tilespmem:s13], [sflag:$0x2] =	stream.indirect_vreg.gather [hbm4b:s2+s3], $0x80, v3, vm0, $0xb8;
	[tilespmem:$0xC200] =	vst v63  }
0x57: {  	s21 =	simm.s32 $0x6A00  }
0x58: {  	[tilespmem:s21], [sflag:$0x2] =	stream.indirect_vreg.gather [hbm4b:s5+s3], $0x80, v3, vm0, $0xb8;
	[tilespmem:$0xC200] =	vst v63  }
0x59: {  	s22 =	simm.s32 $0x7200  }
0x5a: {  	[tilespmem:s22], [sflag:$0x2] =	stream.indirect_vreg.gather [hbm4b:s6+s3], $0x80, v3, vm0, $0xb8;
	[tilespmem:$0xC200] =	vst v63  }
0x5b: {  	s23 =	simm.s32 $0x7A00  }
0x5c: {  	[tilespmem:s23], [sflag:$0x2] =	stream.indirect_vreg.gather [hbm4b:s7+s3], $0x80, v3, vm0, $0xb8;
	[tilespmem:$0xC200] =	vst v63  }
0x5d: {  	v3 =	vld [tilespmem:$0x20];
	_ =	sdelay $0x4  }
0x5e: {  	v34 =	vshll.u32 v3, $0x3  }
0x5f: {  	v3 =	vand.u32 $0x7, v3;
	v4 =	vand.u32 $0xFFFFFFC0, v34  }
0x60: {  	v3 =	vor.u32 v3, v4  }
0x61: {  	v4 =	vperm.xlane v3, v0;
	_ =	sdelay $0x1  }
0x62: {  	v4 =	vadd.s32 v1, v4;
	_ =	sdelay $0x4  }
0x63: {  	[tilespmem:s26], [sflag:$0x3] =	stream.indirect_vreg.gather [hbm4b:s2+s3], $0x80, v4, vm0, $0xb8;
	[tilespmem:$0xC200] =	vst v63  }
0x64: {  	s21 =	simm.s32 $0x8A00;
	v3 =	vperm.xlane v3, v2  }
0x65: {  	[tilespmem:s21], [sflag:$0x3] =	stream.indirect_vreg.gather [hbm4b:s5+s3], $0x80, v4, vm0, $0xb8;
	[tilespmem:$0xC200] =	vst v63  }
0x66: {  	s23 =	simm.s32 $0x9200;
	v3 =	vadd.s32 v1, v3  }
0x67: {  	[tilespmem:s23], [sflag:$0x3] =	stream.indirect_vreg.gather [hbm4b:s6+s3], $0x80, v4, vm0, $0xb8;
	[tilespmem:$0xC200] =	vst v63  }
0x68: {  	s23 =	simm.s32 $0x9A00  }
0x69: {  	[tilespmem:s23], [sflag:$0x3] =	stream.indirect_vreg.gather [hbm4b:s7+s3], $0x80, v4, vm0, $0xb8;
	[tilespmem:$0xC200] =	vst v63  }
0x6a: {  	s23 =	simm.s32 $0xA200  }
0x6b: {  	[tilespmem:s23], [sflag:$0x3] =	stream.indirect_vreg.gather [hbm4b:s2+s3], $0x80, v3, vm0, $0xb8;
	[tilespmem:$0xC200] =	vst v63  }
0x6c: {  	s23 =	simm.s32 $0xAA00  }
0x6d: {  	[tilespmem:s23], [sflag:$0x3] =	stream.indirect_vreg.gather [hbm4b:s5+s3], $0x80, v3, vm0, $0xb8;
	[tilespmem:$0xC200] =	vst v63  }
0x6e: {  	s23 =	simm.s32 $0xB200  }
0x6f: {  	[tilespmem:s23], [sflag:$0x3] =	stream.indirect_vreg.gather [hbm4b:s6+s3], $0x80, v3, vm0, $0xb8;
	[tilespmem:$0xC200] =	vst v63  }
0x70: {  	s23 =	simm.s32 $0xBA00  }
0x71: {  	[tilespmem:s23], [sflag:$0x3] =	stream.indirect_vreg.gather [hbm4b:s7+s3], $0x80, v3, vm0, $0xb8;
	[tilespmem:$0xC200] =	vst v63  }
0x72: {  	_ =	swait.ge [sflag:s4], $0x4000  }
0x73: {  	s1 =	sld [smem:$0x7FB]  }
0x74: {  	[sflag:s4] =	ssyncset.done $0x0  }
0x75: {  	[sflag:s4] =	ssyncadd.s32 $0xFFFFC000  }
0x76: {  	[hbm4b:s1+s3] =	stream.linear.scatter [tilespmem:s9], [sflag:$0x4], $0x4000, $0x38;
	[tilespmem:$0xC200] =	vst v63  }
0x77: {  	_ =	swait.ge [sflag:s28], $0x4000  }
0x78: {  	[sflag:s28] =	ssyncset.done $0x0  }
0x79: {  	[sflag:s28] =	ssyncadd.s32 $0xFFFFC000  }
0x7a: {  	v3 =	vld [tilespmem:$0x30];
	_ =	sdelay $0x4  }
0x7b: {  	v35 =	vshll.u32 v3, $0x3  }
0x7c: {  	v3 =	vand.u32 $0x7, v3;
	v4 =	vand.u32 $0xFFFFFFC0, v35  }
0x7d: {  	v3 =	vor.u32 v3, v4  }
0x7e: {  	v4 =	vperm.xlane v3, v0;
	_ =	sdelay $0x1  }
0x7f: {  	v4 =	vadd.s32 v1, v4;
	_ =	sdelay $0x4  }
0x80: {  	[tilespmem:s9], [sflag:$0x1] =	stream.indirect_vreg.gather [hbm4b:s2+s3], $0x80, v4, vm0, $0xb8;
	[tilespmem:$0xC200] =	vst v63  }
0x81: {  	s15 =	simm.s32 $0xA00;
	v3 =	vperm.xlane v3, v2  }
0x82: {  	[tilespmem:s15], [sflag:$0x1] =	stream.indirect_vreg.gather [hbm4b:s5+s3], $0x80, v4, vm0, $0xb8;
	[tilespmem:$0xC200] =	vst v63  }
0x83: {  	s20 =	simm.s32 $0x1200;
	v3 =	vadd.s32 v1, v3  }
0x84: {  	[tilespmem:s20], [sflag:$0x1] =	stream.indirect_vreg.gather [hbm4b:s6+s3], $0x80, v4, vm0, $0xb8;
	[tilespmem:$0xC200] =	vst v63  }
0x85: {  	s24 =	simm.s32 $0x1A00  }
0x86: {  	[tilespmem:s24], [sflag:$0x1] =	stream.indirect_vreg.gather [hbm4b:s7+s3], $0x80, v4, vm0, $0xb8;
	[tilespmem:$0xC200] =	vst v63  }
0x87: {  	s14 =	simm.s32 $0x2200  }
0x88: {  	[tilespmem:s14], [sflag:$0x1] =	stream.indirect_vreg.gather [hbm4b:s2+s3], $0x80, v3, vm0, $0xb8;
	[tilespmem:$0xC200] =	vst v63  }
0x89: {  	s16 =	simm.s32 $0x2A00  }
0x8a: {  	[tilespmem:s16], [sflag:$0x1] =	stream.indirect_vreg.gather [hbm4b:s5+s3], $0x80, v3, vm0, $0xb8;
	[tilespmem:$0xC200] =	vst v63  }
0x8b: {  	s17 =	simm.s32 $0x3200  }
0x8c: {  	[tilespmem:s17], [sflag:$0x1] =	stream.indirect_vreg.gather [hbm4b:s6+s3], $0x80, v3, vm0, $0xb8;
	[tilespmem:$0xC200] =	vst v63  }
0x8d: {  	s19 =	simm.s32 $0x3A00  }
0x8e: {  	[tilespmem:s19], [sflag:$0x1] =	stream.indirect_vreg.gather [hbm4b:s7+s3], $0x80, v3, vm0, $0xb8;
	[tilespmem:$0xC200] =	vst v63  }
0x8f: {  	_ =	swait.ge [sflag:s29], $0x4000  }
0x90: {  	[sflag:s29] =	ssyncset.done $0x0  }
0x91: {  	s20 =	rddreg [dreg:$0x5];
	[sflag:s29] =	ssyncadd.s32 $0xFFFFC000  }
0x92: {  	[hbm4b:s20+s3] =	stream.linear.scatter [tilespmem:s18], [sflag:$0x5], $0x4000, $0x38;
	[tilespmem:$0xC200] =	vst v63  }
0x93: {  	_ =	swait.ge [sflag:s30], $0x4000  }
0x94: {  	[sflag:s30] =	ssyncset.done $0x0  }
0x95: {  	[sflag:s30] =	ssyncadd.s32 $0xFFFFC000  }
0x96: {  	v3 =	vld [tilespmem:$0x40];
	_ =	sdelay $0x4  }
0x97: {  	v36 =	vshll.u32 v3, $0x3  }
0x98: {  	v3 =	vand.u32 $0x7, v3;
	v4 =	vand.u32 $0xFFFFFFC0, v36  }
0x99: {  	v3 =	vor.u32 v3, v4  }
0x9a: {  	v4 =	vperm.xlane v3, v0;
	_ =	sdelay $0x1  }
0x9b: {  	v4 =	vadd.s32 v1, v4;
	_ =	sdelay $0x4  }
0x9c: {  	[tilespmem:s18], [sflag:$0x2] =	stream.indirect_vreg.gather [hbm4b:s2+s3], $0x80, v4, vm0, $0xb8;
	[tilespmem:$0xC200] =	vst v63  }
0x9d: {  	s25 =	simm.s32 $0x4A00;
	v3 =	vperm.xlane v3, v2  }
0x9e: {  	[tilespmem:s25], [sflag:$0x2] =	stream.indirect_vreg.gather [hbm4b:s5+s3], $0x80, v4, vm0, $0xb8;
	[tilespmem:$0xC200] =	vst v63  }
0x9f: {  	s8 =	simm.s32 $0x5200;
	v3 =	vadd.s32 v1, v3  }
0xa0: {  	[tilespmem:s8], [sflag:$0x2] =	stream.indirect_vreg.gather [hbm4b:s6+s3], $0x80, v4, vm0, $0xb8;
	[tilespmem:$0xC200] =	vst v63  }
0xa1: {  	s10 =	simm.s32 $0x5A00  }
0xa2: {  	[tilespmem:s10], [sflag:$0x2] =	stream.indirect_vreg.gather [hbm4b:s7+s3], $0x80, v4, vm0, $0xb8;
	[tilespmem:$0xC200] =	vst v63  }
0xa3: {  	s11 =	simm.s32 $0x6200  }
0xa4: {  	[tilespmem:s11], [sflag:$0x2] =	stream.indirect_vreg.gather [hbm4b:s2+s3], $0x80, v3, vm0, $0xb8;
	[tilespmem:$0xC200] =	vst v63  }
0xa5: {  	s12 =	simm.s32 $0x6A00  }
0xa6: {  	[tilespmem:s12], [sflag:$0x2] =	stream.indirect_vreg.gather [hbm4b:s5+s3], $0x80, v3, vm0, $0xb8;
	[tilespmem:$0xC200] =	vst v63  }
0xa7: {  	s13 =	simm.s32 $0x7200  }
0xa8: {  	[tilespmem:s13], [sflag:$0x2] =	stream.indirect_vreg.gather [hbm4b:s6+s3], $0x80, v3, vm0, $0xb8;
	[tilespmem:$0xC200] =	vst v63  }
0xa9: {  	s22 =	simm.s32 $0x7A00  }
0xaa: {  	[tilespmem:s22], [sflag:$0x2] =	stream.indirect_vreg.gather [hbm4b:s7+s3], $0x80, v3, vm0, $0xb8;
	[tilespmem:$0xC200] =	vst v63  }
0xab: {  	_ =	swait.ge [sflag:s31], $0x4000  }
0xac: {  	[sflag:s31] =	ssyncset.done $0x0  }
0xad: {  	s25 =	rddreg [dreg:$0x6];
	[sflag:s31] =	ssyncadd.s32 $0xFFFFC000  }
0xae: {  	[hbm4b:s25+s3] =	stream.linear.scatter [tilespmem:s26], [sflag:$0x6], $0x4000, $0x38;
	[tilespmem:$0xC200] =	vst v63  }
0xaf: {  	_ =	swait.ge [sflag:s0], $0x4000  }
0xb0: {  	[sflag:s0] =	ssyncset.done $0x0  }
0xb1: {  	[sflag:s0] =	ssyncadd.s32 $0xFFFFC000  }
0xb2: {  	v3 =	vld [tilespmem:$0x50];
	_ =	sdelay $0x4  }
0xb3: {  	v37 =	vshll.u32 v3, $0x3  }
0xb4: {  	v3 =	vand.u32 $0x7, v3;
	v4 =	vand.u32 $0xFFFFFFC0, v37  }
0xb5: {  	v3 =	vor.u32 v3, v4  }
0xb6: {  	v4 =	vperm.xlane v3, v0;
	_ =	sdelay $0x1  }
0xb7: {  	v4 =	vadd.s32 v1, v4;
	_ =	sdelay $0x4  }
0xb8: {  	[tilespmem:s26], [sflag:$0x3] =	stream.indirect_vreg.gather [hbm4b:s2+s3], $0x80, v4, vm0, $0xb8;
	[tilespmem:$0xC200] =	vst v63  }
0xb9: {  	s21 =	simm.s32 $0x8A00;
	v3 =	vperm.xlane v3, v2  }
0xba: {  	[tilespmem:s21], [sflag:$0x3] =	stream.indirect_vreg.gather [hbm4b:s5+s3], $0x80, v4, vm0, $0xb8;
	[tilespmem:$0xC200] =	vst v63  }
0xbb: {  	s22 =	simm.s32 $0x9200;
	v3 =	vadd.s32 v1, v3  }
0xbc: {  	[tilespmem:s22], [sflag:$0x3] =	stream.indirect_vreg.gather [hbm4b:s6+s3], $0x80, v4, vm0, $0xb8;
	[tilespmem:$0xC200] =	vst v63  }
0xbd: {  	s25 =	simm.s32 $0x9A00  }
0xbe: {  	[tilespmem:s25], [sflag:$0x3] =	stream.indirect_vreg.gather [hbm4b:s7+s3], $0x80, v4, vm0, $0xb8;
	[tilespmem:$0xC200] =	vst v63  }
0xbf: {  	s22 =	simm.s32 $0xA200  }
0xc0: {  	[tilespmem:s22], [sflag:$0x3] =	stream.indirect_vreg.gather [hbm4b:s2+s3], $0x80, v3, vm0, $0xb8;
	[tilespmem:$0xC200] =	vst v63  }
0xc1: {  	s22 =	simm.s32 $0xAA00  }
0xc2: {  	[tilespmem:s22], [sflag:$0x3] =	stream.indirect_vreg.gather [hbm4b:s5+s3], $0x80, v3, vm0, $0xb8;
	[tilespmem:$0xC200] =	vst v63  }
0xc3: {  	s22 =	simm.s32 $0xB200  }
0xc4: {  	[tilespmem:s22], [sflag:$0x3] =	stream.indirect_vreg.gather [hbm4b:s6+s3], $0x80, v3, vm0, $0xb8;
	[tilespmem:$0xC200] =	vst v63  }
0xc5: {  	s23 =	simm.s32 $0xBA00  }
0xc6: {  	[tilespmem:s23], [sflag:$0x3] =	stream.indirect_vreg.gather [hbm4b:s7+s3], $0x80, v3, vm0, $0xb8;
	[tilespmem:$0xC200] =	vst v63  }
0xc7: {  	_ =	swait.ge [sflag:s4], $0x4000  }
0xc8: {  	[sflag:s4] =	ssyncset.done $0x0  }
0xc9: {  	s23 =	rddreg [dreg:$0x7];
	[sflag:s4] =	ssyncadd.s32 $0xFFFFC000  }
0xca: {  	[hbm4b:s23+s3] =	stream.linear.scatter [tilespmem:s9], [sflag:$0x4], $0x4000, $0x38;
	[tilespmem:$0xC200] =	vst v63  }
0xcb: {  	_ =	swait.ge [sflag:s28], $0x4000  }
0xcc: {  	[sflag:s28] =	ssyncset.done $0x0  }
0xcd: {  	[sflag:s28] =	ssyncadd.s32 $0xFFFFC000  }
0xce: {  	v3 =	vld [tilespmem:$0x60];
	_ =	sdelay $0x4  }
0xcf: {  	v38 =	vshll.u32 v3, $0x3  }
0xd0: {  	v3 =	vand.u32 $0x7, v3;
	v4 =	vand.u32 $0xFFFFFFC0, v38  }
0xd1: {  	v3 =	vor.u32 v3, v4  }
0xd2: {  	v4 =	vperm.xlane v3, v0;
	_ =	sdelay $0x1  }
0xd3: {  	v4 =	vadd.s32 v1, v4;
	_ =	sdelay $0x4  }
0xd4: {  	[tilespmem:s9], [sflag:$0x1] =	stream.indirect_vreg.gather [hbm4b:s2+s3], $0x80, v4, vm0, $0xb8;
	[tilespmem:$0xC200] =	vst v63  }
0xd5: {  	s22 =	simm.s32 $0xA00;
	v3 =	vperm.xlane v3, v2  }
0xd6: {  	[tilespmem:s22], [sflag:$0x1] =	stream.indirect_vreg.gather [hbm4b:s5+s3], $0x80, v4, vm0, $0xb8;
	[tilespmem:$0xC200] =	vst v63  }
0xd7: {  	s23 =	simm.s32 $0x1200;
	v3 =	vadd.s32 v1, v3  }
0xd8: {  	[tilespmem:s23], [sflag:$0x1] =	stream.indirect_vreg.gather [hbm4b:s6+s3], $0x80, v4, vm0, $0xb8;
	[tilespmem:$0xC200] =	vst v63  }
0xd9: {  	s24 =	simm.s32 $0x1A00  }
0xda: {  	[tilespmem:s24], [sflag:$0x1] =	stream.indirect_vreg.gather [hbm4b:s7+s3], $0x80, v4, vm0, $0xb8;
	[tilespmem:$0xC200] =	vst v63  }
0xdb: {  	s15 =	simm.s32 $0x2200  }
0xdc: {  	[tilespmem:s15], [sflag:$0x1] =	stream.indirect_vreg.gather [hbm4b:s2+s3], $0x80, v3, vm0, $0xb8;
	[tilespmem:$0xC200] =	vst v63  }
0xdd: {  	s16 =	simm.s32 $0x2A00  }
0xde: {  	[tilespmem:s16], [sflag:$0x1] =	stream.indirect_vreg.gather [hbm4b:s5+s3], $0x80, v3, vm0, $0xb8;
	[tilespmem:$0xC200] =	vst v63  }
0xdf: {  	s17 =	simm.s32 $0x3200  }
0xe0: {  	[tilespmem:s17], [sflag:$0x1] =	stream.indirect_vreg.gather [hbm4b:s6+s3], $0x80, v3, vm0, $0xb8;
	[tilespmem:$0xC200] =	vst v63  }
0xe1: {  	s19 =	simm.s32 $0x3A00  }
0xe2: {  	[tilespmem:s19], [sflag:$0x1] =	stream.indirect_vreg.gather [hbm4b:s7+s3], $0x80, v3, vm0, $0xb8;
	[tilespmem:$0xC200] =	vst v63  }
0xe3: {  	_ =	swait.ge [sflag:s29], $0x4000  }
0xe4: {  	[sflag:s29] =	ssyncset.done $0x0  }
0xe5: {  	s24 =	rddreg [dreg:$0x8];
	[sflag:s29] =	ssyncadd.s32 $0xFFFFC000  }
0xe6: {  	[hbm4b:s24+s3] =	stream.linear.scatter [tilespmem:s18], [sflag:$0x5], $0x4000, $0x38;
	[tilespmem:$0xC200] =	vst v63  }
0xe7: {  	_ =	swait.ge [sflag:s30], $0x4000  }
0xe8: {  	[sflag:s30] =	ssyncset.done $0x0  }
0xe9: {  	[sflag:s30] =	ssyncadd.s32 $0xFFFFC000  }
0xea: {  	v3 =	vld [tilespmem:$0x70];
	_ =	sdelay $0x4  }
0xeb: {  	v39 =	vshll.u32 v3, $0x3  }
0xec: {  	v3 =	vand.u32 $0x7, v3;
	v4 =	vand.u32 $0xFFFFFFC0, v39  }
0xed: {  	v3 =	vor.u32 v3, v4  }
0xee: {  	v4 =	vperm.xlane v3, v0;
	_ =	sdelay $0x1  }
0xef: {  	v4 =	vadd.s32 v1, v4;
	_ =	sdelay $0x4  }
0xf0: {  	[tilespmem:s18], [sflag:$0x2] =	stream.indirect_vreg.gather [hbm4b:s2+s3], $0x80, v4, vm0, $0xb8;
	[tilespmem:$0xC200] =	vst v63  }
0xf1: {  	s14 =	simm.s32 $0x4A00;
	v3 =	vperm.xlane v3, v2  }
0xf2: {  	[tilespmem:s14], [sflag:$0x2] =	stream.indirect_vreg.gather [hbm4b:s5+s3], $0x80, v4, vm0, $0xb8;
	[tilespmem:$0xC200] =	vst v63  }
0xf3: {  	s20 =	simm.s32 $0x5200;
	v3 =	vadd.s32 v1, v3  }
0xf4: {  	[tilespmem:s20], [sflag:$0x2] =	stream.indirect_vreg.gather [hbm4b:s6+s3], $0x80, v4, vm0, $0xb8;
	[tilespmem:$0xC200] =	vst v63  }
0xf5: {  	s8 =	simm.s32 $0x5A00  }
0xf6: {  	[tilespmem:s8], [sflag:$0x2] =	stream.indirect_vreg.gather [hbm4b:s7+s3], $0x80, v4, vm0, $0xb8;
	[tilespmem:$0xC200] =	vst v63  }
0xf7: {  	s10 =	simm.s32 $0x6200  }
0xf8: {  	[tilespmem:s10], [sflag:$0x2] =	stream.indirect_vreg.gather [hbm4b:s2+s3], $0x80, v3, vm0, $0xb8;
	[tilespmem:$0xC200] =	vst v63  }
0xf9: {  	s11 =	simm.s32 $0x6A00  }
0xfa: {  	[tilespmem:s11], [sflag:$0x2] =	stream.indirect_vreg.gather [hbm4b:s5+s3], $0x80, v3, vm0, $0xb8;
	[tilespmem:$0xC200] =	vst v63  }
0xfb: {  	s12 =	simm.s32 $0x7200  }
0xfc: {  	[tilespmem:s12], [sflag:$0x2] =	stream.indirect_vreg.gather [hbm4b:s6+s3], $0x80, v3, vm0, $0xb8;
	[tilespmem:$0xC200] =	vst v63  }
0xfd: {  	s13 =	simm.s32 $0x7A00  }
0xfe: {  	[tilespmem:s13], [sflag:$0x2] =	stream.indirect_vreg.gather [hbm4b:s7+s3], $0x80, v3, vm0, $0xb8;
	[tilespmem:$0xC200] =	vst v63  }
0xff: {  	_ =	swait.ge [sflag:s31], $0x4000  }
0x100: {  	[sflag:s31] =	ssyncset.done $0x0  }
0x101: {  	s20 =	rddreg [dreg:$0x9];
	[sflag:s31] =	ssyncadd.s32 $0xFFFFC000  }
0x102: {  	[hbm4b:s20+s3] =	stream.linear.scatter [tilespmem:s26], [sflag:$0x6], $0x4000, $0x38;
	[tilespmem:$0xC200] =	vst v63  }
0x103: {  	_ =	swait.ge [sflag:s0], $0x4000  }
0x104: {  	[sflag:s0] =	ssyncset.done $0x0  }
0x105: {  	[sflag:s0] =	ssyncadd.s32 $0xFFFFC000  }
0x106: {  	v3 =	vld [tilespmem:$0x80];
	_ =	sdelay $0x4  }
0x107: {  	v40 =	vshll.u32 v3, $0x3  }
0x108: {  	v3 =	vand.u32 $0x7, v3;
	v4 =	vand.u32 $0xFFFFFFC0, v40  }
0x109: {  	v3 =	vor.u32 v3, v4  }
0x10a: {  	v4 =	vperm.xlane v3, v0;
	_ =	sdelay $0x1  }
0x10b: {  	v4 =	vadd.s32 v1, v4;
	_ =	sdelay $0x4  }
0x10c: {  	[tilespmem:s26], [sflag:$0x3] =	stream.indirect_vreg.gather [hbm4b:s2+s3], $0x80, v4, vm0, $0xb8;
	[tilespmem:$0xC200] =	vst v63  }
0x10d: {  	s20 =	simm.s32 $0x8A00;
	v3 =	vperm.xlane v3, v2  }
0x10e: {  	[tilespmem:s20], [sflag:$0x3] =	stream.indirect_vreg.gather [hbm4b:s5+s3], $0x80, v4, vm0, $0xb8;
	[tilespmem:$0xC200] =	vst v63  }
0x10f: {  	s21 =	simm.s32 $0x9200;
	v3 =	vadd.s32 v1, v3  }
0x110: {  	[tilespmem:s21], [sflag:$0x3] =	stream.indirect_vreg.gather [hbm4b:s6+s3], $0x80, v4, vm0, $0xb8;
	[tilespmem:$0xC200] =	vst v63  }
0x111: {  	s25 =	simm.s32 $0x9A00  }
0x112: {  	[tilespmem:s25], [sflag:$0x3] =	stream.indirect_vreg.gather [hbm4b:s7+s3], $0x80, v4, vm0, $0xb8;
	[tilespmem:$0xC200] =	vst v63  }
0x113: {  	s21 =	simm.s32 $0xA200  }
0x114: {  	[tilespmem:s21], [sflag:$0x3] =	stream.indirect_vreg.gather [hbm4b:s2+s3], $0x80, v3, vm0, $0xb8;
	[tilespmem:$0xC200] =	vst v63  }
0x115: {  	s21 =	simm.s32 $0xAA00  }
0x116: {  	[tilespmem:s21], [sflag:$0x3] =	stream.indirect_vreg.gather [hbm4b:s5+s3], $0x80, v3, vm0, $0xb8;
	[tilespmem:$0xC200] =	vst v63  }
0x117: {  	s21 =	simm.s32 $0xB200  }
0x118: {  	[tilespmem:s21], [sflag:$0x3] =	stream.indirect_vreg.gather [hbm4b:s6+s3], $0x80, v3, vm0, $0xb8;
	[tilespmem:$0xC200] =	vst v63  }
0x119: {  	s21 =	simm.s32 $0xBA00  }
0x11a: {  	[tilespmem:s21], [sflag:$0x3] =	stream.indirect_vreg.gather [hbm4b:s7+s3], $0x80, v3, vm0, $0xb8;
	[tilespmem:$0xC200] =	vst v63  }
0x11b: {  	_ =	swait.ge [sflag:s4], $0x4000  }
0x11c: {  	[sflag:s4] =	ssyncset.done $0x0  }
0x11d: {  	s21 =	rddreg [dreg:$0xa];
	[sflag:s4] =	ssyncadd.s32 $0xFFFFC000  }
0x11e: {  	[hbm4b:s21+s3] =	stream.linear.scatter [tilespmem:s9], [sflag:$0x4], $0x4000, $0x38;
	[tilespmem:$0xC200] =	vst v63  }
0x11f: {  	_ =	swait.ge [sflag:s28], $0x4000  }
0x120: {  	[sflag:s28] =	ssyncset.done $0x0  }
0x121: {  	[sflag:s28] =	ssyncadd.s32 $0xFFFFC000  }
0x122: {  	v3 =	vld [tilespmem:$0x90];
	_ =	sdelay $0x4  }
0x123: {  	v41 =	vshll.u32 v3, $0x3  }
0x124: {  	v3 =	vand.u32 $0x7, v3;
	v4 =	vand.u32 $0xFFFFFFC0, v41  }
0x125: {  	v3 =	vor.u32 v3, v4  }
0x126: {  	v4 =	vperm.xlane v3, v0;
	_ =	sdelay $0x1  }
0x127: {  	v4 =	vadd.s32 v1, v4;
	_ =	sdelay $0x4  }
0x128: {  	[tilespmem:s9], [sflag:$0x1] =	stream.indirect_vreg.gather [hbm4b:s2+s3], $0x80, v4, vm0, $0xb8;
	[tilespmem:$0xC200] =	vst v63  }
0x129: {  	s22 =	simm.s32 $0xA00;
	v3 =	vperm.xlane v3, v2  }
0x12a: {  	[tilespmem:s22], [sflag:$0x1] =	stream.indirect_vreg.gather [hbm4b:s5+s3], $0x80, v4, vm0, $0xb8;
	[tilespmem:$0xC200] =	vst v63  }
0x12b: {  	s23 =	simm.s32 $0x1200;
	v3 =	vadd.s32 v1, v3  }
0x12c: {  	[tilespmem:s23], [sflag:$0x1] =	stream.indirect_vreg.gather [hbm4b:s6+s3], $0x80, v4, vm0, $0xb8;
	[tilespmem:$0xC200] =	vst v63  }
0x12d: {  	s23 =	simm.s32 $0x1A00  }
0x12e: {  	[tilespmem:s23], [sflag:$0x1] =	stream.indirect_vreg.gather [hbm4b:s7+s3], $0x80, v4, vm0, $0xb8;
	[tilespmem:$0xC200] =	vst v63  }
0x12f: {  	s15 =	simm.s32 $0x2200  }
0x130: {  	[tilespmem:s15], [sflag:$0x1] =	stream.indirect_vreg.gather [hbm4b:s2+s3], $0x80, v3, vm0, $0xb8;
	[tilespmem:$0xC200] =	vst v63  }
0x131: {  	s16 =	simm.s32 $0x2A00  }
0x132: {  	[tilespmem:s16], [sflag:$0x1] =	stream.indirect_vreg.gather [hbm4b:s5+s3], $0x80, v3, vm0, $0xb8;
	[tilespmem:$0xC200] =	vst v63  }
0x133: {  	s17 =	simm.s32 $0x3200  }
0x134: {  	[tilespmem:s17], [sflag:$0x1] =	stream.indirect_vreg.gather [hbm4b:s6+s3], $0x80, v3, vm0, $0xb8;
	[tilespmem:$0xC200] =	vst v63  }
0x135: {  	s19 =	simm.s32 $0x3A00  }
0x136: {  	[tilespmem:s19], [sflag:$0x1] =	stream.indirect_vreg.gather [hbm4b:s7+s3], $0x80, v3, vm0, $0xb8;
	[tilespmem:$0xC200] =	vst v63  }
0x137: {  	_ =	swait.ge [sflag:s29], $0x4000  }
0x138: {  	[sflag:s29] =	ssyncset.done $0x0  }
0x139: {  	s23 =	rddreg [dreg:$0xb];
	[sflag:s29] =	ssyncadd.s32 $0xFFFFC000  }
0x13a: {  	[hbm4b:s23+s3] =	stream.linear.scatter [tilespmem:s18], [sflag:$0x5], $0x4000, $0x38;
	[tilespmem:$0xC200] =	vst v63  }
0x13b: {  	_ =	swait.ge [sflag:s30], $0x4000  }
0x13c: {  	[sflag:s30] =	ssyncset.done $0x0  }
0x13d: {  	[sflag:s30] =	ssyncadd.s32 $0xFFFFC000  }
0x13e: {  	v3 =	vld [tilespmem:$0xA0];
	_ =	sdelay $0x4  }
0x13f: {  	v42 =	vshll.u32 v3, $0x3  }
0x140: {  	v3 =	vand.u32 $0x7, v3;
	v4 =	vand.u32 $0xFFFFFFC0, v42  }
0x141: {  	v3 =	vor.u32 v3, v4  }
0x142: {  	v4 =	vperm.xlane v3, v0;
	_ =	sdelay $0x1  }
0x143: {  	v4 =	vadd.s32 v1, v4;
	_ =	sdelay $0x4  }
0x144: {  	[tilespmem:s18], [sflag:$0x2] =	stream.indirect_vreg.gather [hbm4b:s2+s3], $0x80, v4, vm0, $0xb8;
	[tilespmem:$0xC200] =	vst v63  }
0x145: {  	s24 =	simm.s32 $0x4A00;
	v3 =	vperm.xlane v3, v2  }
0x146: {  	[tilespmem:s24], [sflag:$0x2] =	stream.indirect_vreg.gather [hbm4b:s5+s3], $0x80, v4, vm0, $0xb8;
	[tilespmem:$0xC200] =	vst v63  }
0x147: {  	s14 =	simm.s32 $0x5200;
	v3 =	vadd.s32 v1, v3  }
0x148: {  	[tilespmem:s14], [sflag:$0x2] =	stream.indirect_vreg.gather [hbm4b:s6+s3], $0x80, v4, vm0, $0xb8;
	[tilespmem:$0xC200] =	vst v63  }
0x149: {  	s8 =	simm.s32 $0x5A00  }
0x14a: {  	[tilespmem:s8], [sflag:$0x2] =	stream.indirect_vreg.gather [hbm4b:s7+s3], $0x80, v4, vm0, $0xb8;
	[tilespmem:$0xC200] =	vst v63  }
0x14b: {  	s10 =	simm.s32 $0x6200  }
0x14c: {  	[tilespmem:s10], [sflag:$0x2] =	stream.indirect_vreg.gather [hbm4b:s2+s3], $0x80, v3, vm0, $0xb8;
	[tilespmem:$0xC200] =	vst v63  }
0x14d: {  	s11 =	simm.s32 $0x6A00  }
0x14e: {  	[tilespmem:s11], [sflag:$0x2] =	stream.indirect_vreg.gather [hbm4b:s5+s3], $0x80, v3, vm0, $0xb8;
	[tilespmem:$0xC200] =	vst v63  }
0x14f: {  	s12 =	simm.s32 $0x7200  }
0x150: {  	[tilespmem:s12], [sflag:$0x2] =	stream.indirect_vreg.gather [hbm4b:s6+s3], $0x80, v3, vm0, $0xb8;
	[tilespmem:$0xC200] =	vst v63  }
0x151: {  	s13 =	simm.s32 $0x7A00  }
0x152: {  	[tilespmem:s13], [sflag:$0x2] =	stream.indirect_vreg.gather [hbm4b:s7+s3], $0x80, v3, vm0, $0xb8;
	[tilespmem:$0xC200] =	vst v63  }
0x153: {  	_ =	swait.ge [sflag:s31], $0x4000  }
0x154: {  	[sflag:s31] =	ssyncset.done $0x0  }
0x155: {  	s24 =	rddreg [dreg:$0xc];
	[sflag:s31] =	ssyncadd.s32 $0xFFFFC000  }
0x156: {  	[hbm4b:s24+s3] =	stream.linear.scatter [tilespmem:s26], [sflag:$0x6], $0x4000, $0x38;
	[tilespmem:$0xC200] =	vst v63  }
0x157: {  	_ =	swait.ge [sflag:s0], $0x4000  }
0x158: {  	[sflag:s0] =	ssyncset.done $0x0  }
0x159: {  	[sflag:s0] =	ssyncadd.s32 $0xFFFFC000  }
0x15a: {  	v3 =	vld [tilespmem:$0xB0];
	_ =	sdelay $0x4  }
0x15b: {  	v43 =	vshll.u32 v3, $0x3  }
0x15c: {  	v3 =	vand.u32 $0x7, v3;
	v4 =	vand.u32 $0xFFFFFFC0, v43  }
0x15d: {  	v3 =	vor.u32 v3, v4  }
0x15e: {  	v4 =	vperm.xlane v3, v0;
	_ =	sdelay $0x1  }
0x15f: {  	v4 =	vadd.s32 v1, v4;
	_ =	sdelay $0x4  }
0x160: {  	[tilespmem:s26], [sflag:$0x3] =	stream.indirect_vreg.gather [hbm4b:s2+s3], $0x80, v4, vm0, $0xb8;
	[tilespmem:$0xC200] =	vst v63  }
0x161: {  	s24 =	simm.s32 $0x8A00;
	v3 =	vperm.xlane v3, v2  }
0x162: {  	[tilespmem:s24], [sflag:$0x3] =	stream.indirect_vreg.gather [hbm4b:s5+s3], $0x80, v4, vm0, $0xb8;
	[tilespmem:$0xC200] =	vst v63  }
0x163: {  	s20 =	simm.s32 $0x9200;
	v3 =	vadd.s32 v1, v3  }
0x164: {  	[tilespmem:s20], [sflag:$0x3] =	stream.indirect_vreg.gather [hbm4b:s6+s3], $0x80, v4, vm0, $0xb8;
	[tilespmem:$0xC200] =	vst v63  }
0x165: {  	s25 =	simm.s32 $0x9A00  }
0x166: {  	[tilespmem:s25], [sflag:$0x3] =	stream.indirect_vreg.gather [hbm4b:s7+s3], $0x80, v4, vm0, $0xb8;
	[tilespmem:$0xC200] =	vst v63  }
0x167: {  	s24 =	simm.s32 $0xA200  }
0x168: {  	[tilespmem:s24], [sflag:$0x3] =	stream.indirect_vreg.gather [hbm4b:s2+s3], $0x80, v3, vm0, $0xb8;
	[tilespmem:$0xC200] =	vst v63  }
0x169: {  	s24 =	simm.s32 $0xAA00  }
0x16a: {  	[tilespmem:s24], [sflag:$0x3] =	stream.indirect_vreg.gather [hbm4b:s5+s3], $0x80, v3, vm0, $0xb8;
	[tilespmem:$0xC200] =	vst v63  }
0x16b: {  	s24 =	simm.s32 $0xB200  }
0x16c: {  	[tilespmem:s24], [sflag:$0x3] =	stream.indirect_vreg.gather [hbm4b:s6+s3], $0x80, v3, vm0, $0xb8;
	[tilespmem:$0xC200] =	vst v63  }
0x16d: {  	s24 =	simm.s32 $0xBA00  }
0x16e: {  	[tilespmem:s24], [sflag:$0x3] =	stream.indirect_vreg.gather [hbm4b:s7+s3], $0x80, v3, vm0, $0xb8;
	[tilespmem:$0xC200] =	vst v63  }
0x16f: {  	_ =	swait.ge [sflag:s4], $0x4000  }
0x170: {  	[sflag:s4] =	ssyncset.done $0x0  }
0x171: {  	s24 =	rddreg [dreg:$0xd];
	[sflag:s4] =	ssyncadd.s32 $0xFFFFC000  }
0x172: {  	[hbm4b:s24+s3] =	stream.linear.scatter [tilespmem:s9], [sflag:$0x4], $0x4000, $0x38;
	[tilespmem:$0xC200] =	vst v63  }
0x173: {  	_ =	swait.ge [sflag:s28], $0x4000  }
0x174: {  	[sflag:s28] =	ssyncset.done $0x0  }
0x175: {  	[sflag:s28] =	ssyncadd.s32 $0xFFFFC000  }
0x176: {  	v3 =	vld [tilespmem:$0xC0];
	_ =	sdelay $0x4  }
0x177: {  	v44 =	vshll.u32 v3, $0x3  }
0x178: {  	v3 =	vand.u32 $0x7, v3;
	v4 =	vand.u32 $0xFFFFFFC0, v44  }
0x179: {  	v3 =	vor.u32 v3, v4  }
0x17a: {  	v4 =	vperm.xlane v3, v0;
	_ =	sdelay $0x1  }
0x17b: {  	v4 =	vadd.s32 v1, v4;
	_ =	sdelay $0x4  }
0x17c: {  	[tilespmem:s9], [sflag:$0x1] =	stream.indirect_vreg.gather [hbm4b:s2+s3], $0x80, v4, vm0, $0xb8;
	[tilespmem:$0xC200] =	vst v63  }
0x17d: {  	s21 =	simm.s32 $0xA00;
	v3 =	vperm.xlane v3, v2  }
0x17e: {  	[tilespmem:s21], [sflag:$0x1] =	stream.indirect_vreg.gather [hbm4b:s5+s3], $0x80, v4, vm0, $0xb8;
	[tilespmem:$0xC200] =	vst v63  }
0x17f: {  	s22 =	simm.s32 $0x1200;
	v3 =	vadd.s32 v1, v3  }
0x180: {  	[tilespmem:s22], [sflag:$0x1] =	stream.indirect_vreg.gather [hbm4b:s6+s3], $0x80, v4, vm0, $0xb8;
	[tilespmem:$0xC200] =	vst v63  }
0x181: {  	s24 =	simm.s32 $0x1A00  }
0x182: {  	[tilespmem:s24], [sflag:$0x1] =	stream.indirect_vreg.gather [hbm4b:s7+s3], $0x80, v4, vm0, $0xb8;
	[tilespmem:$0xC200] =	vst v63  }
0x183: {  	s15 =	simm.s32 $0x2200  }
0x184: {  	[tilespmem:s15], [sflag:$0x1] =	stream.indirect_vreg.gather [hbm4b:s2+s3], $0x80, v3, vm0, $0xb8;
	[tilespmem:$0xC200] =	vst v63  }
0x185: {  	s16 =	simm.s32 $0x2A00  }
0x186: {  	[tilespmem:s16], [sflag:$0x1] =	stream.indirect_vreg.gather [hbm4b:s5+s3], $0x80, v3, vm0, $0xb8;
	[tilespmem:$0xC200] =	vst v63  }
0x187: {  	s17 =	simm.s32 $0x3200  }
0x188: {  	[tilespmem:s17], [sflag:$0x1] =	stream.indirect_vreg.gather [hbm4b:s6+s3], $0x80, v3, vm0, $0xb8;
	[tilespmem:$0xC200] =	vst v63  }
0x189: {  	s19 =	simm.s32 $0x3A00  }
0x18a: {  	[tilespmem:s19], [sflag:$0x1] =	stream.indirect_vreg.gather [hbm4b:s7+s3], $0x80, v3, vm0, $0xb8;
	[tilespmem:$0xC200] =	vst v63  }
0x18b: {  	_ =	swait.ge [sflag:s29], $0x4000  }
0x18c: {  	[sflag:s29] =	ssyncset.done $0x0  }
0x18d: {  	s1 =	rddreg [dreg:$0xe];
	[sflag:s29] =	ssyncadd.s32 $0xFFFFC000  }
0x18e: {  	[hbm4b:s1+s3] =	stream.linear.scatter [tilespmem:s18], [sflag:$0x5], $0x4000, $0x38;
	[tilespmem:$0xC200] =	vst v63  }
0x18f: {  	_ =	swait.ge [sflag:s30], $0x4000  }
0x190: {  	[sflag:s30] =	ssyncset.done $0x0  }
0x191: {  	[sflag:s30] =	ssyncadd.s32 $0xFFFFC000  }
0x192: {  	v3 =	vld [tilespmem:$0xD0];
	_ =	sdelay $0x4  }
0x193: {  	v45 =	vshll.u32 v3, $0x3  }
0x194: {  	v3 =	vand.u32 $0x7, v3;
	v4 =	vand.u32 $0xFFFFFFC0, v45  }
0x195: {  	v3 =	vor.u32 v3, v4  }
0x196: {  	v4 =	vperm.xlane v3, v0;
	_ =	sdelay $0x1  }
0x197: {  	v4 =	vadd.s32 v1, v4;
	_ =	sdelay $0x4  }
0x198: {  	[tilespmem:s18], [sflag:$0x2] =	stream.indirect_vreg.gather [hbm4b:s2+s3], $0x80, v4, vm0, $0xb8;
	[tilespmem:$0xC200] =	vst v63  }
0x199: {  	s23 =	simm.s32 $0x4A00;
	v3 =	vperm.xlane v3, v2  }
0x19a: {  	[tilespmem:s23], [sflag:$0x2] =	stream.indirect_vreg.gather [hbm4b:s5+s3], $0x80, v4, vm0, $0xb8;
	[tilespmem:$0xC200] =	vst v63  }
0x19b: {  	s14 =	simm.s32 $0x5200;
	v3 =	vadd.s32 v1, v3  }
0x19c: {  	[tilespmem:s14], [sflag:$0x2] =	stream.indirect_vreg.gather [hbm4b:s6+s3], $0x80, v4, vm0, $0xb8;
	[tilespmem:$0xC200] =	vst v63  }
0x19d: {  	s8 =	simm.s32 $0x5A00  }
0x19e: {  	[tilespmem:s8], [sflag:$0x2] =	stream.indirect_vreg.gather [hbm4b:s7+s3], $0x80, v4, vm0, $0xb8;
	[tilespmem:$0xC200] =	vst v63  }
0x19f: {  	s10 =	simm.s32 $0x6200  }
0x1a0: {  	[tilespmem:s10], [sflag:$0x2] =	stream.indirect_vreg.gather [hbm4b:s2+s3], $0x80, v3, vm0, $0xb8;
	[tilespmem:$0xC200] =	vst v63  }
0x1a1: {  	s11 =	simm.s32 $0x6A00  }
0x1a2: {  	[tilespmem:s11], [sflag:$0x2] =	stream.indirect_vreg.gather [hbm4b:s5+s3], $0x80, v3, vm0, $0xb8;
	[tilespmem:$0xC200] =	vst v63  }
0x1a3: {  	s12 =	simm.s32 $0x7200  }
0x1a4: {  	[tilespmem:s12], [sflag:$0x2] =	stream.indirect_vreg.gather [hbm4b:s6+s3], $0x80, v3, vm0, $0xb8;
	[tilespmem:$0xC200] =	vst v63  }
0x1a5: {  	s13 =	simm.s32 $0x7A00  }
0x1a6: {  	[tilespmem:s13], [sflag:$0x2] =	stream.indirect_vreg.gather [hbm4b:s7+s3], $0x80, v3, vm0, $0xb8;
	[tilespmem:$0xC200] =	vst v63  }
0x1a7: {  	_ =	swait.ge [sflag:s31], $0x4000  }
0x1a8: {  	[sflag:s31] =	ssyncset.done $0x0  }
0x1a9: {  	s13 =	rddreg [dreg:$0xf];
	[sflag:s31] =	ssyncadd.s32 $0xFFFFC000  }
0x1aa: {  	[hbm4b:s13+s3] =	stream.linear.scatter [tilespmem:s26], [sflag:$0x6], $0x4000, $0x38;
	[tilespmem:$0xC200] =	vst v63  }
0x1ab: {  	_ =	swait.ge [sflag:s0], $0x4000  }
0x1ac: {  	[sflag:s0] =	ssyncset.done $0x0  }
0x1ad: {  	[sflag:s0] =	ssyncadd.s32 $0xFFFFC000  }
0x1ae: {  	v3 =	vld [tilespmem:$0xE0];
	_ =	sdelay $0x4  }
0x1af: {  	v46 =	vshll.u32 v3, $0x3  }
0x1b0: {  	v3 =	vand.u32 $0x7, v3;
	v4 =	vand.u32 $0xFFFFFFC0, v46  }
0x1b1: {  	v3 =	vor.u32 v3, v4  }
0x1b2: {  	v4 =	vperm.xlane v3, v0;
	_ =	sdelay $0x1  }
0x1b3: {  	v4 =	vadd.s32 v1, v4;
	_ =	sdelay $0x4  }
0x1b4: {  	[tilespmem:s26], [sflag:$0x3] =	stream.indirect_vreg.gather [hbm4b:s2+s3], $0x80, v4, vm0, $0xb8;
	[tilespmem:$0xC200] =	vst v63  }
0x1b5: {  	s13 =	simm.s32 $0x8A00;
	v3 =	vperm.xlane v3, v2  }
0x1b6: {  	[tilespmem:s13], [sflag:$0x3] =	stream.indirect_vreg.gather [hbm4b:s5+s3], $0x80, v4, vm0, $0xb8;
	[tilespmem:$0xC200] =	vst v63  }
0x1b7: {  	s20 =	simm.s32 $0x9200;
	v3 =	vadd.s32 v1, v3  }
0x1b8: {  	[tilespmem:s20], [sflag:$0x3] =	stream.indirect_vreg.gather [hbm4b:s6+s3], $0x80, v4, vm0, $0xb8;
	[tilespmem:$0xC200] =	vst v63  }
0x1b9: {  	s25 =	simm.s32 $0x9A00  }
0x1ba: {  	[tilespmem:s25], [sflag:$0x3] =	stream.indirect_vreg.gather [hbm4b:s7+s3], $0x80, v4, vm0, $0xb8;
	[tilespmem:$0xC200] =	vst v63  }
0x1bb: {  	s25 =	simm.s32 $0xA200  }
0x1bc: {  	[tilespmem:s25], [sflag:$0x3] =	stream.indirect_vreg.gather [hbm4b:s2+s3], $0x80, v3, vm0, $0xb8;
	[tilespmem:$0xC200] =	vst v63  }
0x1bd: {  	s25 =	simm.s32 $0xAA00  }
0x1be: {  	[tilespmem:s25], [sflag:$0x3] =	stream.indirect_vreg.gather [hbm4b:s5+s3], $0x80, v3, vm0, $0xb8;
	[tilespmem:$0xC200] =	vst v63  }
0x1bf: {  	s25 =	simm.s32 $0xB200  }
0x1c0: {  	[tilespmem:s25], [sflag:$0x3] =	stream.indirect_vreg.gather [hbm4b:s6+s3], $0x80, v3, vm0, $0xb8;
	[tilespmem:$0xC200] =	vst v63  }
0x1c1: {  	s25 =	simm.s32 $0xBA00  }
0x1c2: {  	[tilespmem:s25], [sflag:$0x3] =	stream.indirect_vreg.gather [hbm4b:s7+s3], $0x80, v3, vm0, $0xb8;
	[tilespmem:$0xC200] =	vst v63  }
0x1c3: {  	_ =	swait.ge [sflag:s4], $0x4000  }
0x1c4: {  	[sflag:s4] =	ssyncset.done $0x0  }
0x1c5: {  	s25 =	rddreg [dreg:$0x10];
	[sflag:s4] =	ssyncadd.s32 $0xFFFFC000  }
0x1c6: {  	[hbm4b:s25+s3] =	stream.linear.scatter [tilespmem:s9], [sflag:$0x4], $0x4000, $0x38;
	[tilespmem:$0xC200] =	vst v63  }
0x1c7: {  	_ =	swait.ge [sflag:s28], $0x4000  }
0x1c8: {  	[sflag:s28] =	ssyncset.done $0x0  }
0x1c9: {  	[sflag:s28] =	ssyncadd.s32 $0xFFFFC000  }
0x1ca: {  	v3 =	vld [tilespmem:$0xF0];
	_ =	sdelay $0x4  }
0x1cb: {  	v47 =	vshll.u32 v3, $0x3  }
0x1cc: {  	v3 =	vand.u32 $0x7, v3;
	v4 =	vand.u32 $0xFFFFFFC0, v47  }
0x1cd: {  	v3 =	vor.u32 v3, v4  }
0x1ce: {  	v4 =	vperm.xlane v3, v0;
	_ =	sdelay $0x1  }
0x1cf: {  	v4 =	vadd.s32 v1, v4;
	_ =	sdelay $0x4  }
0x1d0: {  	[tilespmem:s9], [sflag:$0x1] =	stream.indirect_vreg.gather [hbm4b:s2+s3], $0x80, v4, vm0, $0xb8;
	[tilespmem:$0xC200] =	vst v63  }
0x1d1: {  	s21 =	simm.s32 $0xA00;
	v3 =	vperm.xlane v3, v2  }
0x1d2: {  	[tilespmem:s21], [sflag:$0x1] =	stream.indirect_vreg.gather [hbm4b:s5+s3], $0x80, v4, vm0, $0xb8;
	[tilespmem:$0xC200] =	vst v63  }
0x1d3: {  	s22 =	simm.s32 $0x1200;
	v3 =	vadd.s32 v1, v3  }
0x1d4: {  	[tilespmem:s22], [sflag:$0x1] =	stream.indirect_vreg.gather [hbm4b:s6+s3], $0x80, v4, vm0, $0xb8;
	[tilespmem:$0xC200] =	vst v63  }
0x1d5: {  	s24 =	simm.s32 $0x1A00  }
0x1d6: {  	[tilespmem:s24], [sflag:$0x1] =	stream.indirect_vreg.gather [hbm4b:s7+s3], $0x80, v4, vm0, $0xb8;
	[tilespmem:$0xC200] =	vst v63  }
0x1d7: {  	s15 =	simm.s32 $0x2200  }
0x1d8: {  	[tilespmem:s15], [sflag:$0x1] =	stream.indirect_vreg.gather [hbm4b:s2+s3], $0x80, v3, vm0, $0xb8;
	[tilespmem:$0xC200] =	vst v63  }
0x1d9: {  	s16 =	simm.s32 $0x2A00  }
0x1da: {  	[tilespmem:s16], [sflag:$0x1] =	stream.indirect_vreg.gather [hbm4b:s5+s3], $0x80, v3, vm0, $0xb8;
	[tilespmem:$0xC200] =	vst v63  }
0x1db: {  	s17 =	simm.s32 $0x3200  }
0x1dc: {  	[tilespmem:s17], [sflag:$0x1] =	stream.indirect_vreg.gather [hbm4b:s6+s3], $0x80, v3, vm0, $0xb8;
	[tilespmem:$0xC200] =	vst v63  }
0x1dd: {  	s19 =	simm.s32 $0x3A00  }
0x1de: {  	[tilespmem:s19], [sflag:$0x1] =	stream.indirect_vreg.gather [hbm4b:s7+s3], $0x80, v3, vm0, $0xb8;
	[tilespmem:$0xC200] =	vst v63  }
0x1df: {  	_ =	swait.ge [sflag:s29], $0x4000  }
0x1e0: {  	[sflag:s29] =	ssyncset.done $0x0  }
0x1e1: {  	s24 =	rddreg [dreg:$0x11];
	[sflag:s29] =	ssyncadd.s32 $0xFFFFC000  }
0x1e2: {  	[hbm4b:s24+s3] =	stream.linear.scatter [tilespmem:s18], [sflag:$0x5], $0x4000, $0x38;
	[tilespmem:$0xC200] =	vst v63  }
0x1e3: {  	_ =	swait.ge [sflag:s30], $0x4000  }
0x1e4: {  	[sflag:s30] =	ssyncset.done $0x0  }
0x1e5: {  	[sflag:s30] =	ssyncadd.s32 $0xFFFFC000  }
0x1e6: {  	v3 =	vld [tilespmem:$0x100];
	_ =	sdelay $0x4  }
0x1e7: {  	v48 =	vshll.u32 v3, $0x3  }
0x1e8: {  	v3 =	vand.u32 $0x7, v3;
	v4 =	vand.u32 $0xFFFFFFC0, v48  }
0x1e9: {  	v3 =	vor.u32 v3, v4  }
0x1ea: {  	v4 =	vperm.xlane v3, v0;
	_ =	sdelay $0x1  }
0x1eb: {  	v4 =	vadd.s32 v1, v4;
	_ =	sdelay $0x4  }
0x1ec: {  	[tilespmem:s18], [sflag:$0x2] =	stream.indirect_vreg.gather [hbm4b:s2+s3], $0x80, v4, vm0, $0xb8;
	[tilespmem:$0xC200] =	vst v63  }
0x1ed: {  	s24 =	simm.s32 $0x4A00;
	v3 =	vperm.xlane v3, v2  }
0x1ee: {  	[tilespmem:s24], [sflag:$0x2] =	stream.indirect_vreg.gather [hbm4b:s5+s3], $0x80, v4, vm0, $0xb8;
	[tilespmem:$0xC200] =	vst v63  }
0x1ef: {  	s14 =	simm.s32 $0x5200;
	v3 =	vadd.s32 v1, v3  }
0x1f0: {  	[tilespmem:s14], [sflag:$0x2] =	stream.indirect_vreg.gather [hbm4b:s6+s3], $0x80, v4, vm0, $0xb8;
	[tilespmem:$0xC200] =	vst v63  }
0x1f1: {  	s23 =	simm.s32 $0x5A00  }
0x1f2: {  	[tilespmem:s23], [sflag:$0x2] =	stream.indirect_vreg.gather [hbm4b:s7+s3], $0x80, v4, vm0, $0xb8;
	[tilespmem:$0xC200] =	vst v63  }
0x1f3: {  	s8 =	simm.s32 $0x6200  }
0x1f4: {  	[tilespmem:s8], [sflag:$0x2] =	stream.indirect_vreg.gather [hbm4b:s2+s3], $0x80, v3, vm0, $0xb8;
	[tilespmem:$0xC200] =	vst v63  }
0x1f5: {  	s10 =	simm.s32 $0x6A00  }
0x1f6: {  	[tilespmem:s10], [sflag:$0x2] =	stream.indirect_vreg.gather [hbm4b:s5+s3], $0x80, v3, vm0, $0xb8;
	[tilespmem:$0xC200] =	vst v63  }
0x1f7: {  	s11 =	simm.s32 $0x7200  }
0x1f8: {  	[tilespmem:s11], [sflag:$0x2] =	stream.indirect_vreg.gather [hbm4b:s6+s3], $0x80, v3, vm0, $0xb8;
	[tilespmem:$0xC200] =	vst v63  }
0x1f9: {  	s12 =	simm.s32 $0x7A00  }
0x1fa: {  	[tilespmem:s12], [sflag:$0x2] =	stream.indirect_vreg.gather [hbm4b:s7+s3], $0x80, v3, vm0, $0xb8;
	[tilespmem:$0xC200] =	vst v63  }
0x1fb: {  	_ =	swait.ge [sflag:s31], $0x4000  }
0x1fc: {  	[sflag:s31] =	ssyncset.done $0x0  }
0x1fd: {  	s12 =	rddreg [dreg:$0x12];
	[sflag:s31] =	ssyncadd.s32 $0xFFFFC000  }
0x1fe: {  	[hbm4b:s12+s3] =	stream.linear.scatter [tilespmem:s26], [sflag:$0x6], $0x4000, $0x38;
	[tilespmem:$0xC200] =	vst v63  }
0x1ff: {  	_ =	swait.ge [sflag:s0], $0x4000  }
0x200: {  	[sflag:s0] =	ssyncset.done $0x0  }
0x201: {  	[sflag:s0] =	ssyncadd.s32 $0xFFFFC000  }
0x202: {  	v3 =	vld [tilespmem:$0x110];
	_ =	sdelay $0x4  }
0x203: {  	v49 =	vshll.u32 v3, $0x3  }
0x204: {  	v3 =	vand.u32 $0x7, v3;
	v4 =	vand.u32 $0xFFFFFFC0, v49  }
0x205: {  	v3 =	vor.u32 v3, v4  }
0x206: {  	v4 =	vperm.xlane v3, v0;
	_ =	sdelay $0x1  }
0x207: {  	v4 =	vadd.s32 v1, v4;
	_ =	sdelay $0x4  }
0x208: {  	[tilespmem:s26], [sflag:$0x3] =	stream.indirect_vreg.gather [hbm4b:s2+s3], $0x80, v4, vm0, $0xb8;
	[tilespmem:$0xC200] =	vst v63  }
0x209: {  	s12 =	simm.s32 $0x8A00;
	v3 =	vperm.xlane v3, v2  }
0x20a: {  	[tilespmem:s12], [sflag:$0x3] =	stream.indirect_vreg.gather [hbm4b:s5+s3], $0x80, v4, vm0, $0xb8;
	[tilespmem:$0xC200] =	vst v63  }
0x20b: {  	s20 =	simm.s32 $0x9200;
	v3 =	vadd.s32 v1, v3  }
0x20c: {  	[tilespmem:s20], [sflag:$0x3] =	stream.indirect_vreg.gather [hbm4b:s6+s3], $0x80, v4, vm0, $0xb8;
	[tilespmem:$0xC200] =	vst v63  }
0x20d: {  	s13 =	simm.s32 $0x9A00  }
0x20e: {  	[tilespmem:s13], [sflag:$0x3] =	stream.indirect_vreg.gather [hbm4b:s7+s3], $0x80, v4, vm0, $0xb8;
	[tilespmem:$0xC200] =	vst v63  }
0x20f: {  	s13 =	simm.s32 $0xA200  }
0x210: {  	[tilespmem:s13], [sflag:$0x3] =	stream.indirect_vreg.gather [hbm4b:s2+s3], $0x80, v3, vm0, $0xb8;
	[tilespmem:$0xC200] =	vst v63  }
0x211: {  	s13 =	simm.s32 $0xAA00  }
0x212: {  	[tilespmem:s13], [sflag:$0x3] =	stream.indirect_vreg.gather [hbm4b:s5+s3], $0x80, v3, vm0, $0xb8;
	[tilespmem:$0xC200] =	vst v63  }
0x213: {  	s13 =	simm.s32 $0xB200  }
0x214: {  	[tilespmem:s13], [sflag:$0x3] =	stream.indirect_vreg.gather [hbm4b:s6+s3], $0x80, v3, vm0, $0xb8;
	[tilespmem:$0xC200] =	vst v63  }
0x215: {  	s13 =	simm.s32 $0xBA00  }
0x216: {  	[tilespmem:s13], [sflag:$0x3] =	stream.indirect_vreg.gather [hbm4b:s7+s3], $0x80, v3, vm0, $0xb8;
	[tilespmem:$0xC200] =	vst v63  }
0x217: {  	_ =	swait.ge [sflag:s4], $0x4000  }
0x218: {  	[sflag:s4] =	ssyncset.done $0x0  }
0x219: {  	s13 =	rddreg [dreg:$0x13];
	[sflag:s4] =	ssyncadd.s32 $0xFFFFC000  }
0x21a: {  	[hbm4b:s13+s3] =	stream.linear.scatter [tilespmem:s9], [sflag:$0x4], $0x4000, $0x38;
	[tilespmem:$0xC200] =	vst v63  }
0x21b: {  	_ =	swait.ge [sflag:s28], $0x4000  }
0x21c: {  	[sflag:s28] =	ssyncset.done $0x0  }
0x21d: {  	[sflag:s28] =	ssyncadd.s32 $0xFFFFC000  }
0x21e: {  	v3 =	vld [tilespmem:$0x120];
	_ =	sdelay $0x4  }
0x21f: {  	v50 =	vshll.u32 v3, $0x3  }
0x220: {  	v3 =	vand.u32 $0x7, v3;
	v4 =	vand.u32 $0xFFFFFFC0, v50  }
0x221: {  	v3 =	vor.u32 v3, v4  }
0x222: {  	v4 =	vperm.xlane v3, v0;
	_ =	sdelay $0x1  }
0x223: {  	v4 =	vadd.s32 v1, v4;
	_ =	sdelay $0x4  }
0x224: {  	[tilespmem:s9], [sflag:$0x1] =	stream.indirect_vreg.gather [hbm4b:s2+s3], $0x80, v4, vm0, $0xb8;
	[tilespmem:$0xC200] =	vst v63  }
0x225: {  	s21 =	simm.s32 $0xA00;
	v3 =	vperm.xlane v3, v2  }
0x226: {  	[tilespmem:s21], [sflag:$0x1] =	stream.indirect_vreg.gather [hbm4b:s5+s3], $0x80, v4, vm0, $0xb8;
	[tilespmem:$0xC200] =	vst v63  }
0x227: {  	s22 =	simm.s32 $0x1200;
	v3 =	vadd.s32 v1, v3  }
0x228: {  	[tilespmem:s22], [sflag:$0x1] =	stream.indirect_vreg.gather [hbm4b:s6+s3], $0x80, v4, vm0, $0xb8;
	[tilespmem:$0xC200] =	vst v63  }
0x229: {  	s25 =	simm.s32 $0x1A00  }
0x22a: {  	[tilespmem:s25], [sflag:$0x1] =	stream.indirect_vreg.gather [hbm4b:s7+s3], $0x80, v4, vm0, $0xb8;
	[tilespmem:$0xC200] =	vst v63  }
0x22b: {  	s15 =	simm.s32 $0x2200  }
0x22c: {  	[tilespmem:s15], [sflag:$0x1] =	stream.indirect_vreg.gather [hbm4b:s2+s3], $0x80, v3, vm0, $0xb8;
	[tilespmem:$0xC200] =	vst v63  }
0x22d: {  	s16 =	simm.s32 $0x2A00  }
0x22e: {  	[tilespmem:s16], [sflag:$0x1] =	stream.indirect_vreg.gather [hbm4b:s5+s3], $0x80, v3, vm0, $0xb8;
	[tilespmem:$0xC200] =	vst v63  }
0x22f: {  	s17 =	simm.s32 $0x3200  }
0x230: {  	[tilespmem:s17], [sflag:$0x1] =	stream.indirect_vreg.gather [hbm4b:s6+s3], $0x80, v3, vm0, $0xb8;
	[tilespmem:$0xC200] =	vst v63  }
0x231: {  	s19 =	simm.s32 $0x3A00  }
0x232: {  	[tilespmem:s19], [sflag:$0x1] =	stream.indirect_vreg.gather [hbm4b:s7+s3], $0x80, v3, vm0, $0xb8;
	[tilespmem:$0xC200] =	vst v63  }
0x233: {  	_ =	swait.ge [sflag:s29], $0x4000  }
0x234: {  	[sflag:s29] =	ssyncset.done $0x0  }
0x235: {  	s25 =	rddreg [dreg:$0x14];
	[sflag:s29] =	ssyncadd.s32 $0xFFFFC000  }
0x236: {  	[hbm4b:s25+s3] =	stream.linear.scatter [tilespmem:s18], [sflag:$0x5], $0x4000, $0x38;
	[tilespmem:$0xC200] =	vst v63  }
0x237: {  	_ =	swait.ge [sflag:s30], $0x4000  }
0x238: {  	[sflag:s30] =	ssyncset.done $0x0  }
0x239: {  	[sflag:s30] =	ssyncadd.s32 $0xFFFFC000  }
0x23a: {  	v3 =	vld [tilespmem:$0x130];
	_ =	sdelay $0x4  }
0x23b: {  	v51 =	vshll.u32 v3, $0x3  }
0x23c: {  	v3 =	vand.u32 $0x7, v3;
	v4 =	vand.u32 $0xFFFFFFC0, v51  }
0x23d: {  	v3 =	vor.u32 v3, v4  }
0x23e: {  	v4 =	vperm.xlane v3, v0;
	_ =	sdelay $0x1  }
0x23f: {  	v4 =	vadd.s32 v1, v4;
	_ =	sdelay $0x4  }
0x240: {  	[tilespmem:s18], [sflag:$0x2] =	stream.indirect_vreg.gather [hbm4b:s2+s3], $0x80, v4, vm0, $0xb8;
	[tilespmem:$0xC200] =	vst v63  }
0x241: {  	s22 =	simm.s32 $0x4A00;
	v3 =	vperm.xlane v3, v2  }
0x242: {  	[tilespmem:s22], [sflag:$0x2] =	stream.indirect_vreg.gather [hbm4b:s5+s3], $0x80, v4, vm0, $0xb8;
	[tilespmem:$0xC200] =	vst v63  }
0x243: {  	s24 =	simm.s32 $0x5200;
	v3 =	vadd.s32 v1, v3  }
0x244: {  	[tilespmem:s24], [sflag:$0x2] =	stream.indirect_vreg.gather [hbm4b:s6+s3], $0x80, v4, vm0, $0xb8;
	[tilespmem:$0xC200] =	vst v63  }
0x245: {  	s14 =	simm.s32 $0x5A00  }
0x246: {  	[tilespmem:s14], [sflag:$0x2] =	stream.indirect_vreg.gather [hbm4b:s7+s3], $0x80, v4, vm0, $0xb8;
	[tilespmem:$0xC200] =	vst v63  }
0x247: {  	s8 =	simm.s32 $0x6200  }
0x248: {  	[tilespmem:s8], [sflag:$0x2] =	stream.indirect_vreg.gather [hbm4b:s2+s3], $0x80, v3, vm0, $0xb8;
	[tilespmem:$0xC200] =	vst v63  }
0x249: {  	s23 =	simm.s32 $0x6A00  }
0x24a: {  	[tilespmem:s23], [sflag:$0x2] =	stream.indirect_vreg.gather [hbm4b:s5+s3], $0x80, v3, vm0, $0xb8;
	[tilespmem:$0xC200] =	vst v63  }
0x24b: {  	s10 =	simm.s32 $0x7200  }
0x24c: {  	[tilespmem:s10], [sflag:$0x2] =	stream.indirect_vreg.gather [hbm4b:s6+s3], $0x80, v3, vm0, $0xb8;
	[tilespmem:$0xC200] =	vst v63  }
0x24d: {  	s11 =	simm.s32 $0x7A00  }
0x24e: {  	[tilespmem:s11], [sflag:$0x2] =	stream.indirect_vreg.gather [hbm4b:s7+s3], $0x80, v3, vm0, $0xb8;
	[tilespmem:$0xC200] =	vst v63  }
0x24f: {  	_ =	swait.ge [sflag:s31], $0x4000  }
0x250: {  	[sflag:s31] =	ssyncset.done $0x0  }
0x251: {  	s23 =	rddreg [dreg:$0x15];
	[sflag:s31] =	ssyncadd.s32 $0xFFFFC000  }
0x252: {  	[hbm4b:s23+s3] =	stream.linear.scatter [tilespmem:s26], [sflag:$0x6], $0x4000, $0x38;
	[tilespmem:$0xC200] =	vst v63  }
0x253: {  	_ =	swait.ge [sflag:s0], $0x4000  }
0x254: {  	[sflag:s0] =	ssyncset.done $0x0  }
0x255: {  	[sflag:s0] =	ssyncadd.s32 $0xFFFFC000  }
0x256: {  	v3 =	vld [tilespmem:$0x140];
	_ =	sdelay $0x4  }
0x257: {  	v52 =	vshll.u32 v3, $0x3  }
0x258: {  	v3 =	vand.u32 $0x7, v3;
	v4 =	vand.u32 $0xFFFFFFC0, v52  }
0x259: {  	v3 =	vor.u32 v3, v4  }
0x25a: {  	v4 =	vperm.xlane v3, v0;
	_ =	sdelay $0x1  }
0x25b: {  	v4 =	vadd.s32 v1, v4;
	_ =	sdelay $0x4  }
0x25c: {  	[tilespmem:s26], [sflag:$0x3] =	stream.indirect_vreg.gather [hbm4b:s2+s3], $0x80, v4, vm0, $0xb8;
	[tilespmem:$0xC200] =	vst v63  }
0x25d: {  	s11 =	simm.s32 $0x8A00;
	v3 =	vperm.xlane v3, v2  }
0x25e: {  	[tilespmem:s11], [sflag:$0x3] =	stream.indirect_vreg.gather [hbm4b:s5+s3], $0x80, v4, vm0, $0xb8;
	[tilespmem:$0xC200] =	vst v63  }
0x25f: {  	s20 =	simm.s32 $0x9200;
	v3 =	vadd.s32 v1, v3  }
0x260: {  	[tilespmem:s20], [sflag:$0x3] =	stream.indirect_vreg.gather [hbm4b:s6+s3], $0x80, v4, vm0, $0xb8;
	[tilespmem:$0xC200] =	vst v63  }
0x261: {  	s12 =	simm.s32 $0x9A00  }
0x262: {  	[tilespmem:s12], [sflag:$0x3] =	stream.indirect_vreg.gather [hbm4b:s7+s3], $0x80, v4, vm0, $0xb8;
	[tilespmem:$0xC200] =	vst v63  }
0x263: {  	s12 =	simm.s32 $0xA200  }
0x264: {  	[tilespmem:s12], [sflag:$0x3] =	stream.indirect_vreg.gather [hbm4b:s2+s3], $0x80, v3, vm0, $0xb8;
	[tilespmem:$0xC200] =	vst v63  }
0x265: {  	s11 =	simm.s32 $0xAA00  }
0x266: {  	[tilespmem:s11], [sflag:$0x3] =	stream.indirect_vreg.gather [hbm4b:s5+s3], $0x80, v3, vm0, $0xb8;
	[tilespmem:$0xC200] =	vst v63  }
0x267: {  	s12 =	simm.s32 $0xB200  }
0x268: {  	[tilespmem:s12], [sflag:$0x3] =	stream.indirect_vreg.gather [hbm4b:s6+s3], $0x80, v3, vm0, $0xb8;
	[tilespmem:$0xC200] =	vst v63  }
0x269: {  	s11 =	simm.s32 $0xBA00  }
0x26a: {  	[tilespmem:s11], [sflag:$0x3] =	stream.indirect_vreg.gather [hbm4b:s7+s3], $0x80, v3, vm0, $0xb8;
	[tilespmem:$0xC200] =	vst v63  }
0x26b: {  	_ =	swait.ge [sflag:s4], $0x4000  }
0x26c: {  	[sflag:s4] =	ssyncset.done $0x0  }
0x26d: {  	s12 =	rddreg [dreg:$0x16];
	[sflag:s4] =	ssyncadd.s32 $0xFFFFC000  }
0x26e: {  	[hbm4b:s12+s3] =	stream.linear.scatter [tilespmem:s9], [sflag:$0x4], $0x4000, $0x38;
	[tilespmem:$0xC200] =	vst v63  }
0x26f: {  	_ =	swait.ge [sflag:s28], $0x4000  }
0x270: {  	[sflag:s28] =	ssyncset.done $0x0  }
0x271: {  	[sflag:s28] =	ssyncadd.s32 $0xFFFFC000  }
0x272: {  	v3 =	vld [tilespmem:$0x150];
	_ =	sdelay $0x4  }
0x273: {  	v53 =	vshll.u32 v3, $0x3  }
0x274: {  	v3 =	vand.u32 $0x7, v3;
	v4 =	vand.u32 $0xFFFFFFC0, v53  }
0x275: {  	v3 =	vor.u32 v3, v4  }
0x276: {  	v4 =	vperm.xlane v3, v0;
	_ =	sdelay $0x1  }
0x277: {  	v4 =	vadd.s32 v1, v4;
	_ =	sdelay $0x4  }
0x278: {  	[tilespmem:s9], [sflag:$0x1] =	stream.indirect_vreg.gather [hbm4b:s2+s3], $0x80, v4, vm0, $0xb8;
	[tilespmem:$0xC200] =	vst v63  }
0x279: {  	s21 =	simm.s32 $0xA00;
	v3 =	vperm.xlane v3, v2  }
0x27a: {  	[tilespmem:s21], [sflag:$0x1] =	stream.indirect_vreg.gather [hbm4b:s5+s3], $0x80, v4, vm0, $0xb8;
	[tilespmem:$0xC200] =	vst v63  }
0x27b: {  	s13 =	simm.s32 $0x1200;
	v3 =	vadd.s32 v1, v3  }
0x27c: {  	[tilespmem:s13], [sflag:$0x1] =	stream.indirect_vreg.gather [hbm4b:s6+s3], $0x80, v4, vm0, $0xb8;
	[tilespmem:$0xC200] =	vst v63  }
0x27d: {  	s11 =	simm.s32 $0x1A00  }
0x27e: {  	[tilespmem:s11], [sflag:$0x1] =	stream.indirect_vreg.gather [hbm4b:s7+s3], $0x80, v4, vm0, $0xb8;
	[tilespmem:$0xC200] =	vst v63  }
0x27f: {  	s15 =	simm.s32 $0x2200  }
0x280: {  	[tilespmem:s15], [sflag:$0x1] =	stream.indirect_vreg.gather [hbm4b:s2+s3], $0x80, v3, vm0, $0xb8;
	[tilespmem:$0xC200] =	vst v63  }
0x281: {  	s16 =	simm.s32 $0x2A00  }
0x282: {  	[tilespmem:s16], [sflag:$0x1] =	stream.indirect_vreg.gather [hbm4b:s5+s3], $0x80, v3, vm0, $0xb8;
	[tilespmem:$0xC200] =	vst v63  }
0x283: {  	s17 =	simm.s32 $0x3200  }
0x284: {  	[tilespmem:s17], [sflag:$0x1] =	stream.indirect_vreg.gather [hbm4b:s6+s3], $0x80, v3, vm0, $0xb8;
	[tilespmem:$0xC200] =	vst v63  }
0x285: {  	s19 =	simm.s32 $0x3A00  }
0x286: {  	[tilespmem:s19], [sflag:$0x1] =	stream.indirect_vreg.gather [hbm4b:s7+s3], $0x80, v3, vm0, $0xb8;
	[tilespmem:$0xC200] =	vst v63  }
0x287: {  	_ =	swait.ge [sflag:s29], $0x4000  }
0x288: {  	[sflag:s29] =	ssyncset.done $0x0  }
0x289: {  	s21 =	rddreg [dreg:$0x17];
	[sflag:s29] =	ssyncadd.s32 $0xFFFFC000  }
0x28a: {  	[hbm4b:s21+s3] =	stream.linear.scatter [tilespmem:s18], [sflag:$0x5], $0x4000, $0x38;
	[tilespmem:$0xC200] =	vst v63  }
0x28b: {  	_ =	swait.ge [sflag:s30], $0x4000  }
0x28c: {  	[sflag:s30] =	ssyncset.done $0x0  }
0x28d: {  	[sflag:s30] =	ssyncadd.s32 $0xFFFFC000  }
0x28e: {  	v3 =	vld [tilespmem:$0x160];
	_ =	sdelay $0x4  }
0x28f: {  	v54 =	vshll.u32 v3, $0x3  }
0x290: {  	v3 =	vand.u32 $0x7, v3;
	v4 =	vand.u32 $0xFFFFFFC0, v54  }
0x291: {  	v3 =	vor.u32 v3, v4  }
0x292: {  	v4 =	vperm.xlane v3, v0;
	_ =	sdelay $0x1  }
0x293: {  	v4 =	vadd.s32 v1, v4;
	_ =	sdelay $0x4  }
0x294: {  	[tilespmem:s18], [sflag:$0x2] =	stream.indirect_vreg.gather [hbm4b:s2+s3], $0x80, v4, vm0, $0xb8;
	[tilespmem:$0xC200] =	vst v63  }
0x295: {  	s21 =	simm.s32 $0x4A00;
	v3 =	vperm.xlane v3, v2  }
0x296: {  	[tilespmem:s21], [sflag:$0x2] =	stream.indirect_vreg.gather [hbm4b:s5+s3], $0x80, v4, vm0, $0xb8;
	[tilespmem:$0xC200] =	vst v63  }
0x297: {  	s22 =	simm.s32 $0x5200;
	v3 =	vadd.s32 v1, v3  }
0x298: {  	[tilespmem:s22], [sflag:$0x2] =	stream.indirect_vreg.gather [hbm4b:s6+s3], $0x80, v4, vm0, $0xb8;
	[tilespmem:$0xC200] =	vst v63  }
0x299: {  	s14 =	simm.s32 $0x5A00  }
0x29a: {  	[tilespmem:s14], [sflag:$0x2] =	stream.indirect_vreg.gather [hbm4b:s7+s3], $0x80, v4, vm0, $0xb8;
	[tilespmem:$0xC200] =	vst v63  }
0x29b: {  	s25 =	simm.s32 $0x6200  }
0x29c: {  	[tilespmem:s25], [sflag:$0x2] =	stream.indirect_vreg.gather [hbm4b:s2+s3], $0x80, v3, vm0, $0xb8;
	[tilespmem:$0xC200] =	vst v63  }
0x29d: {  	s8 =	simm.s32 $0x6A00  }
0x29e: {  	[tilespmem:s8], [sflag:$0x2] =	stream.indirect_vreg.gather [hbm4b:s5+s3], $0x80, v3, vm0, $0xb8;
	[tilespmem:$0xC200] =	vst v63  }
0x29f: {  	s24 =	simm.s32 $0x7200  }
0x2a0: {  	[tilespmem:s24], [sflag:$0x2] =	stream.indirect_vreg.gather [hbm4b:s6+s3], $0x80, v3, vm0, $0xb8;
	[tilespmem:$0xC200] =	vst v63  }
0x2a1: {  	s10 =	simm.s32 $0x7A00  }
0x2a2: {  	[tilespmem:s10], [sflag:$0x2] =	stream.indirect_vreg.gather [hbm4b:s7+s3], $0x80, v3, vm0, $0xb8;
	[tilespmem:$0xC200] =	vst v63  }
0x2a3: {  	_ =	swait.ge [sflag:s31], $0x4000  }
0x2a4: {  	[sflag:s31] =	ssyncset.done $0x0  }
0x2a5: {  	s24 =	rddreg [dreg:$0x18];
	[sflag:s31] =	ssyncadd.s32 $0xFFFFC000  }
0x2a6: {  	[hbm4b:s24+s3] =	stream.linear.scatter [tilespmem:s26], [sflag:$0x6], $0x4000, $0x38;
	[tilespmem:$0xC200] =	vst v63  }
0x2a7: {  	_ =	swait.ge [sflag:s0], $0x4000  }
0x2a8: {  	[sflag:s0] =	ssyncset.done $0x0  }
0x2a9: {  	[sflag:s0] =	ssyncadd.s32 $0xFFFFC000  }
0x2aa: {  	v3 =	vld [tilespmem:$0x170];
	_ =	sdelay $0x4  }
0x2ab: {  	v55 =	vshll.u32 v3, $0x3  }
0x2ac: {  	v3 =	vand.u32 $0x7, v3;
	v4 =	vand.u32 $0xFFFFFFC0, v55  }
0x2ad: {  	v3 =	vor.u32 v3, v4  }
0x2ae: {  	v4 =	vperm.xlane v3, v0;
	_ =	sdelay $0x1  }
0x2af: {  	v4 =	vadd.s32 v1, v4;
	_ =	sdelay $0x4  }
0x2b0: {  	[tilespmem:s26], [sflag:$0x3] =	stream.indirect_vreg.gather [hbm4b:s2+s3], $0x80, v4, vm0, $0xb8;
	[tilespmem:$0xC200] =	vst v63  }
0x2b1: {  	s24 =	simm.s32 $0x8A00;
	v3 =	vperm.xlane v3, v2  }
0x2b2: {  	[tilespmem:s24], [sflag:$0x3] =	stream.indirect_vreg.gather [hbm4b:s5+s3], $0x80, v4, vm0, $0xb8;
	[tilespmem:$0xC200] =	vst v63  }
0x2b3: {  	s20 =	simm.s32 $0x9200;
	v3 =	vadd.s32 v1, v3  }
0x2b4: {  	[tilespmem:s20], [sflag:$0x3] =	stream.indirect_vreg.gather [hbm4b:s6+s3], $0x80, v4, vm0, $0xb8;
	[tilespmem:$0xC200] =	vst v63  }
0x2b5: {  	s23 =	simm.s32 $0x9A00  }
0x2b6: {  	[tilespmem:s23], [sflag:$0x3] =	stream.indirect_vreg.gather [hbm4b:s7+s3], $0x80, v4, vm0, $0xb8;
	[tilespmem:$0xC200] =	vst v63  }
0x2b7: {  	s24 =	simm.s32 $0xA200  }
0x2b8: {  	[tilespmem:s24], [sflag:$0x3] =	stream.indirect_vreg.gather [hbm4b:s2+s3], $0x80, v3, vm0, $0xb8;
	[tilespmem:$0xC200] =	vst v63  }
0x2b9: {  	s23 =	simm.s32 $0xAA00  }
0x2ba: {  	[tilespmem:s23], [sflag:$0x3] =	stream.indirect_vreg.gather [hbm4b:s5+s3], $0x80, v3, vm0, $0xb8;
	[tilespmem:$0xC200] =	vst v63  }
0x2bb: {  	s24 =	simm.s32 $0xB200  }
0x2bc: {  	[tilespmem:s24], [sflag:$0x3] =	stream.indirect_vreg.gather [hbm4b:s6+s3], $0x80, v3, vm0, $0xb8;
	[tilespmem:$0xC200] =	vst v63  }
0x2bd: {  	s23 =	simm.s32 $0xBA00  }
0x2be: {  	[tilespmem:s23], [sflag:$0x3] =	stream.indirect_vreg.gather [hbm4b:s7+s3], $0x80, v3, vm0, $0xb8;
	[tilespmem:$0xC200] =	vst v63  }
0x2bf: {  	_ =	swait.ge [sflag:s4], $0x4000  }
0x2c0: {  	[sflag:s4] =	ssyncset.done $0x0  }
0x2c1: {  	s24 =	rddreg [dreg:$0x19];
	[sflag:s4] =	ssyncadd.s32 $0xFFFFC000  }
0x2c2: {  	[hbm4b:s24+s3] =	stream.linear.scatter [tilespmem:s9], [sflag:$0x4], $0x4000, $0x38;
	[tilespmem:$0xC200] =	vst v63  }
0x2c3: {  	_ =	swait.ge [sflag:s28], $0x4000  }
0x2c4: {  	[sflag:s28] =	ssyncset.done $0x0  }
0x2c5: {  	[sflag:s28] =	ssyncadd.s32 $0xFFFFC000  }
0x2c6: {  	v3 =	vld [tilespmem:$0x180];
	_ =	sdelay $0x4  }
0x2c7: {  	v56 =	vshll.u32 v3, $0x3  }
0x2c8: {  	v3 =	vand.u32 $0x7, v3;
	v4 =	vand.u32 $0xFFFFFFC0, v56  }
0x2c9: {  	v3 =	vor.u32 v3, v4  }
0x2ca: {  	v4 =	vperm.xlane v3, v0;
	_ =	sdelay $0x1  }
0x2cb: {  	v4 =	vadd.s32 v1, v4;
	_ =	sdelay $0x4  }
0x2cc: {  	[tilespmem:s9], [sflag:$0x1] =	stream.indirect_vreg.gather [hbm4b:s2+s3], $0x80, v4, vm0, $0xb8;
	[tilespmem:$0xC200] =	vst v63  }
0x2cd: {  	s12 =	simm.s32 $0xA00;
	v3 =	vperm.xlane v3, v2  }
0x2ce: {  	[tilespmem:s12], [sflag:$0x1] =	stream.indirect_vreg.gather [hbm4b:s5+s3], $0x80, v4, vm0, $0xb8;
	[tilespmem:$0xC200] =	vst v63  }
0x2cf: {  	s13 =	simm.s32 $0x1200;
	v3 =	vadd.s32 v1, v3  }
0x2d0: {  	[tilespmem:s13], [sflag:$0x1] =	stream.indirect_vreg.gather [hbm4b:s6+s3], $0x80, v4, vm0, $0xb8;
	[tilespmem:$0xC200] =	vst v63  }
0x2d1: {  	s11 =	simm.s32 $0x1A00  }
0x2d2: {  	[tilespmem:s11], [sflag:$0x1] =	stream.indirect_vreg.gather [hbm4b:s7+s3], $0x80, v4, vm0, $0xb8;
	[tilespmem:$0xC200] =	vst v63  }
0x2d3: {  	s15 =	simm.s32 $0x2200  }
0x2d4: {  	[tilespmem:s15], [sflag:$0x1] =	stream.indirect_vreg.gather [hbm4b:s2+s3], $0x80, v3, vm0, $0xb8;
	[tilespmem:$0xC200] =	vst v63  }
0x2d5: {  	s16 =	simm.s32 $0x2A00  }
0x2d6: {  	[tilespmem:s16], [sflag:$0x1] =	stream.indirect_vreg.gather [hbm4b:s5+s3], $0x80, v3, vm0, $0xb8;
	[tilespmem:$0xC200] =	vst v63  }
0x2d7: {  	s17 =	simm.s32 $0x3200  }
0x2d8: {  	[tilespmem:s17], [sflag:$0x1] =	stream.indirect_vreg.gather [hbm4b:s6+s3], $0x80, v3, vm0, $0xb8;
	[tilespmem:$0xC200] =	vst v63  }
0x2d9: {  	s19 =	simm.s32 $0x3A00  }
0x2da: {  	[tilespmem:s19], [sflag:$0x1] =	stream.indirect_vreg.gather [hbm4b:s7+s3], $0x80, v3, vm0, $0xb8;
	[tilespmem:$0xC200] =	vst v63  }
0x2db: {  	_ =	swait.ge [sflag:s29], $0x4000  }
0x2dc: {  	[sflag:s29] =	ssyncset.done $0x0  }
0x2dd: {  	s23 =	rddreg [dreg:$0x1a];
	[sflag:s29] =	ssyncadd.s32 $0xFFFFC000  }
0x2de: {  	[hbm4b:s23+s3] =	stream.linear.scatter [tilespmem:s18], [sflag:$0x5], $0x4000, $0x38;
	[tilespmem:$0xC200] =	vst v63  }
0x2df: {  	_ =	swait.ge [sflag:s30], $0x4000  }
0x2e0: {  	[sflag:s30] =	ssyncset.done $0x0  }
0x2e1: {  	[sflag:s30] =	ssyncadd.s32 $0xFFFFC000  }
0x2e2: {  	v3 =	vld [tilespmem:$0x190];
	_ =	sdelay $0x4  }
0x2e3: {  	v57 =	vshll.u32 v3, $0x3  }
0x2e4: {  	v3 =	vand.u32 $0x7, v3;
	v4 =	vand.u32 $0xFFFFFFC0, v57  }
0x2e5: {  	v3 =	vor.u32 v3, v4  }
0x2e6: {  	v4 =	vperm.xlane v3, v0;
	_ =	sdelay $0x1  }
0x2e7: {  	v4 =	vadd.s32 v1, v4;
	_ =	sdelay $0x4  }
0x2e8: {  	[tilespmem:s18], [sflag:$0x2] =	stream.indirect_vreg.gather [hbm4b:s2+s3], $0x80, v4, vm0, $0xb8;
	[tilespmem:$0xC200] =	vst v63  }
0x2e9: {  	s24 =	simm.s32 $0x4A00;
	v3 =	vperm.xlane v3, v2  }
0x2ea: {  	[tilespmem:s24], [sflag:$0x2] =	stream.indirect_vreg.gather [hbm4b:s5+s3], $0x80, v4, vm0, $0xb8;
	[tilespmem:$0xC200] =	vst v63  }
0x2eb: {  	s21 =	simm.s32 $0x5200;
	v3 =	vadd.s32 v1, v3  }
0x2ec: {  	[tilespmem:s21], [sflag:$0x2] =	stream.indirect_vreg.gather [hbm4b:s6+s3], $0x80, v4, vm0, $0xb8;
	[tilespmem:$0xC200] =	vst v63  }
0x2ed: {  	s14 =	simm.s32 $0x5A00  }
0x2ee: {  	[tilespmem:s14], [sflag:$0x2] =	stream.indirect_vreg.gather [hbm4b:s7+s3], $0x80, v4, vm0, $0xb8;
	[tilespmem:$0xC200] =	vst v63  }
0x2ef: {  	s25 =	simm.s32 $0x6200  }
0x2f0: {  	[tilespmem:s25], [sflag:$0x2] =	stream.indirect_vreg.gather [hbm4b:s2+s3], $0x80, v3, vm0, $0xb8;
	[tilespmem:$0xC200] =	vst v63  }
0x2f1: {  	s8 =	simm.s32 $0x6A00  }
0x2f2: {  	[tilespmem:s8], [sflag:$0x2] =	stream.indirect_vreg.gather [hbm4b:s5+s3], $0x80, v3, vm0, $0xb8;
	[tilespmem:$0xC200] =	vst v63  }
0x2f3: {  	s22 =	simm.s32 $0x7200  }
0x2f4: {  	[tilespmem:s22], [sflag:$0x2] =	stream.indirect_vreg.gather [hbm4b:s6+s3], $0x80, v3, vm0, $0xb8;
	[tilespmem:$0xC200] =	vst v63  }
0x2f5: {  	s10 =	simm.s32 $0x7A00  }
0x2f6: {  	[tilespmem:s10], [sflag:$0x2] =	stream.indirect_vreg.gather [hbm4b:s7+s3], $0x80, v3, vm0, $0xb8;
	[tilespmem:$0xC200] =	vst v63  }
0x2f7: {  	_ =	swait.ge [sflag:s31], $0x4000  }
0x2f8: {  	[sflag:s31] =	ssyncset.done $0x0  }
0x2f9: {  	s8 =	rddreg [dreg:$0x1b];
	[sflag:s31] =	ssyncadd.s32 $0xFFFFC000  }
0x2fa: {  	[hbm4b:s8+s3] =	stream.linear.scatter [tilespmem:s26], [sflag:$0x6], $0x4000, $0x38;
	[tilespmem:$0xC200] =	vst v63  }
0x2fb: {  	_ =	swait.ge [sflag:s0], $0x4000  }
0x2fc: {  	[sflag:s0] =	ssyncset.done $0x0  }
0x2fd: {  	[sflag:s0] =	ssyncadd.s32 $0xFFFFC000  }
0x2fe: {  	v3 =	vld [tilespmem:$0x1A0];
	_ =	sdelay $0x4  }
0x2ff: {  	v58 =	vshll.u32 v3, $0x3  }
0x300: {  	v3 =	vand.u32 $0x7, v3;
	v4 =	vand.u32 $0xFFFFFFC0, v58  }
0x301: {  	v3 =	vor.u32 v3, v4  }
0x302: {  	v4 =	vperm.xlane v3, v0;
	_ =	sdelay $0x1  }
0x303: {  	v4 =	vadd.s32 v1, v4;
	_ =	sdelay $0x4  }
0x304: {  	[tilespmem:s26], [sflag:$0x3] =	stream.indirect_vreg.gather [hbm4b:s2+s3], $0x80, v4, vm0, $0xb8;
	[tilespmem:$0xC200] =	vst v63  }
0x305: {  	s10 =	simm.s32 $0x8A00;
	v3 =	vperm.xlane v3, v2  }
0x306: {  	[tilespmem:s10], [sflag:$0x3] =	stream.indirect_vreg.gather [hbm4b:s5+s3], $0x80, v4, vm0, $0xb8;
	[tilespmem:$0xC200] =	vst v63  }
0x307: {  	s20 =	simm.s32 $0x9200;
	v3 =	vadd.s32 v1, v3  }
0x308: {  	[tilespmem:s20], [sflag:$0x3] =	stream.indirect_vreg.gather [hbm4b:s6+s3], $0x80, v4, vm0, $0xb8;
	[tilespmem:$0xC200] =	vst v63  }
0x309: {  	s25 =	simm.s32 $0x9A00  }
0x30a: {  	[tilespmem:s25], [sflag:$0x3] =	stream.indirect_vreg.gather [hbm4b:s7+s3], $0x80, v4, vm0, $0xb8;
	[tilespmem:$0xC200] =	vst v63  }
0x30b: {  	s8 =	simm.s32 $0xA200  }
0x30c: {  	[tilespmem:s8], [sflag:$0x3] =	stream.indirect_vreg.gather [hbm4b:s2+s3], $0x80, v3, vm0, $0xb8;
	[tilespmem:$0xC200] =	vst v63  }
0x30d: {  	s20 =	simm.s32 $0xAA00  }
0x30e: {  	[tilespmem:s20], [sflag:$0x3] =	stream.indirect_vreg.gather [hbm4b:s5+s3], $0x80, v3, vm0, $0xb8;
	[tilespmem:$0xC200] =	vst v63  }
0x30f: {  	s8 =	simm.s32 $0xB200  }
0x310: {  	[tilespmem:s8], [sflag:$0x3] =	stream.indirect_vreg.gather [hbm4b:s6+s3], $0x80, v3, vm0, $0xb8;
	[tilespmem:$0xC200] =	vst v63  }
0x311: {  	s20 =	simm.s32 $0xBA00  }
0x312: {  	[tilespmem:s20], [sflag:$0x3] =	stream.indirect_vreg.gather [hbm4b:s7+s3], $0x80, v3, vm0, $0xb8;
	[tilespmem:$0xC200] =	vst v63  }
0x313: {  	_ =	swait.ge [sflag:s4], $0x4000  }
0x314: {  	[sflag:s4] =	ssyncset.done $0x0  }
0x315: {  	s8 =	rddreg [dreg:$0x1c];
	[sflag:s4] =	ssyncadd.s32 $0xFFFFC000  }
0x316: {  	[hbm4b:s8+s3] =	stream.linear.scatter [tilespmem:s9], [sflag:$0x4], $0x4000, $0x38;
	[tilespmem:$0xC200] =	vst v63  }
0x317: {  	_ =	swait.ge [sflag:s28], $0x4000  }
0x318: {  	[sflag:s28] =	ssyncset.done $0x0  }
0x319: {  	[sflag:s28] =	ssyncadd.s32 $0xFFFFC000  }
0x31a: {  	v3 =	vld [tilespmem:$0x1B0];
	_ =	sdelay $0x4  }
0x31b: {  	v59 =	vshll.u32 v3, $0x3  }
0x31c: {  	v3 =	vand.u32 $0x7, v3;
	v4 =	vand.u32 $0xFFFFFFC0, v59  }
0x31d: {  	v3 =	vor.u32 v3, v4  }
0x31e: {  	v4 =	vperm.xlane v3, v0;
	_ =	sdelay $0x1  }
0x31f: {  	v4 =	vadd.s32 v1, v4;
	_ =	sdelay $0x4  }
0x320: {  	[tilespmem:s9], [sflag:$0x1] =	stream.indirect_vreg.gather [hbm4b:s2+s3], $0x80, v4, vm0, $0xb8;
	[tilespmem:$0xC200] =	vst v63  }
0x321: {  	s12 =	simm.s32 $0xA00;
	v3 =	vperm.xlane v3, v2  }
0x322: {  	[tilespmem:s12], [sflag:$0x1] =	stream.indirect_vreg.gather [hbm4b:s5+s3], $0x80, v4, vm0, $0xb8;
	[tilespmem:$0xC200] =	vst v63  }
0x323: {  	s13 =	simm.s32 $0x1200;
	v3 =	vadd.s32 v1, v3  }
0x324: {  	[tilespmem:s13], [sflag:$0x1] =	stream.indirect_vreg.gather [hbm4b:s6+s3], $0x80, v4, vm0, $0xb8;
	[tilespmem:$0xC200] =	vst v63  }
0x325: {  	s11 =	simm.s32 $0x1A00  }
0x326: {  	[tilespmem:s11], [sflag:$0x1] =	stream.indirect_vreg.gather [hbm4b:s7+s3], $0x80, v4, vm0, $0xb8;
	[tilespmem:$0xC200] =	vst v63  }
0x327: {  	s15 =	simm.s32 $0x2200  }
0x328: {  	[tilespmem:s15], [sflag:$0x1] =	stream.indirect_vreg.gather [hbm4b:s2+s3], $0x80, v3, vm0, $0xb8;
	[tilespmem:$0xC200] =	vst v63  }
0x329: {  	s16 =	simm.s32 $0x2A00  }
0x32a: {  	[tilespmem:s16], [sflag:$0x1] =	stream.indirect_vreg.gather [hbm4b:s5+s3], $0x80, v3, vm0, $0xb8;
	[tilespmem:$0xC200] =	vst v63  }
0x32b: {  	s17 =	simm.s32 $0x3200  }
0x32c: {  	[tilespmem:s17], [sflag:$0x1] =	stream.indirect_vreg.gather [hbm4b:s6+s3], $0x80, v3, vm0, $0xb8;
	[tilespmem:$0xC200] =	vst v63  }
0x32d: {  	s19 =	simm.s32 $0x3A00  }
0x32e: {  	[tilespmem:s19], [sflag:$0x1] =	stream.indirect_vreg.gather [hbm4b:s7+s3], $0x80, v3, vm0, $0xb8;
	[tilespmem:$0xC200] =	vst v63  }
0x32f: {  	_ =	swait.ge [sflag:s29], $0x4000  }
0x330: {  	[sflag:s29] =	ssyncset.done $0x0  }
0x331: {  	s17 =	rddreg [dreg:$0x1d];
	[sflag:s29] =	ssyncadd.s32 $0xFFFFC000  }
0x332: {  	[hbm4b:s17+s3] =	stream.linear.scatter [tilespmem:s18], [sflag:$0x5], $0x4000, $0x38;
	[tilespmem:$0xC200] =	vst v63  }
0x333: {  	_ =	swait.ge [sflag:s30], $0x4000  }
0x334: {  	[sflag:s30] =	ssyncset.done $0x0  }
0x335: {  	[sflag:s30] =	ssyncadd.s32 $0xFFFFC000  }
0x336: {  	v3 =	vld [tilespmem:$0x1C0];
	_ =	sdelay $0x4  }
0x337: {  	v60 =	vshll.u32 v3, $0x3  }
0x338: {  	v3 =	vand.u32 $0x7, v3;
	v4 =	vand.u32 $0xFFFFFFC0, v60  }
0x339: {  	v3 =	vor.u32 v3, v4  }
0x33a: {  	v4 =	vperm.xlane v3, v0;
	_ =	sdelay $0x1  }
0x33b: {  	v4 =	vadd.s32 v1, v4;
	_ =	sdelay $0x4  }
0x33c: {  	[tilespmem:s18], [sflag:$0x2] =	stream.indirect_vreg.gather [hbm4b:s2+s3], $0x80, v4, vm0, $0xb8;
	[tilespmem:$0xC200] =	vst v63  }
0x33d: {  	s19 =	simm.s32 $0x4A00;
	v3 =	vperm.xlane v3, v2  }
0x33e: {  	[tilespmem:s19], [sflag:$0x2] =	stream.indirect_vreg.gather [hbm4b:s5+s3], $0x80, v4, vm0, $0xb8;
	[tilespmem:$0xC200] =	vst v63  }
0x33f: {  	s21 =	simm.s32 $0x5200;
	v3 =	vadd.s32 v1, v3  }
0x340: {  	[tilespmem:s21], [sflag:$0x2] =	stream.indirect_vreg.gather [hbm4b:s6+s3], $0x80, v4, vm0, $0xb8;
	[tilespmem:$0xC200] =	vst v63  }
0x341: {  	s14 =	simm.s32 $0x5A00  }
0x342: {  	[tilespmem:s14], [sflag:$0x2] =	stream.indirect_vreg.gather [hbm4b:s7+s3], $0x80, v4, vm0, $0xb8;
	[tilespmem:$0xC200] =	vst v63  }
0x343: {  	s23 =	simm.s32 $0x6200  }
0x344: {  	[tilespmem:s23], [sflag:$0x2] =	stream.indirect_vreg.gather [hbm4b:s2+s3], $0x80, v3, vm0, $0xb8;
	[tilespmem:$0xC200] =	vst v63  }
0x345: {  	s23 =	simm.s32 $0x6A00  }
0x346: {  	[tilespmem:s23], [sflag:$0x2] =	stream.indirect_vreg.gather [hbm4b:s5+s3], $0x80, v3, vm0, $0xb8;
	[tilespmem:$0xC200] =	vst v63  }
0x347: {  	s22 =	simm.s32 $0x7200  }
0x348: {  	[tilespmem:s22], [sflag:$0x2] =	stream.indirect_vreg.gather [hbm4b:s6+s3], $0x80, v3, vm0, $0xb8;
	[tilespmem:$0xC200] =	vst v63  }
0x349: {  	s24 =	simm.s32 $0x7A00  }
0x34a: {  	[tilespmem:s24], [sflag:$0x2] =	stream.indirect_vreg.gather [hbm4b:s7+s3], $0x80, v3, vm0, $0xb8;
	[tilespmem:$0xC200] =	vst v63  }
0x34b: {  	_ =	swait.ge [sflag:s31], $0x4000  }
0x34c: {  	[sflag:s31] =	ssyncset.done $0x0  }
0x34d: {  	s24 =	rddreg [dreg:$0x1e];
	[sflag:s31] =	ssyncadd.s32 $0xFFFFC000  }
0x34e: {  	[hbm4b:s24+s3] =	stream.linear.scatter [tilespmem:s26], [sflag:$0x6], $0x4000, $0x38;
	[tilespmem:$0xC200] =	vst v63  }
0x34f: {  	_ =	swait.ge [sflag:s0], $0x4000  }
0x350: {  	[sflag:s0] =	ssyncset.done $0x0  }
0x351: {  	[sflag:s0] =	ssyncadd.s32 $0xFFFFC000  }
0x352: {  	v3 =	vld [tilespmem:$0x1D0];
	_ =	sdelay $0x4  }
0x353: {  	v61 =	vshll.u32 v3, $0x3  }
0x354: {  	v3 =	vand.u32 $0x7, v3;
	v4 =	vand.u32 $0xFFFFFFC0, v61  }
0x355: {  	v3 =	vor.u32 v3, v4  }
0x356: {  	v4 =	vperm.xlane v3, v0;
	_ =	sdelay $0x1  }
0x357: {  	v4 =	vadd.s32 v1, v4;
	_ =	sdelay $0x4  }
0x358: {  	[tilespmem:s26], [sflag:$0x3] =	stream.indirect_vreg.gather [hbm4b:s2+s3], $0x80, v4, vm0, $0xb8;
	[tilespmem:$0xC200] =	vst v63  }
0x359: {  	s24 =	simm.s32 $0x8A00;
	v3 =	vperm.xlane v3, v2  }
0x35a: {  	[tilespmem:s24], [sflag:$0x3] =	stream.indirect_vreg.gather [hbm4b:s5+s3], $0x80, v4, vm0, $0xb8;
	[tilespmem:$0xC200] =	vst v63  }
0x35b: {  	s10 =	simm.s32 $0x9200;
	v3 =	vadd.s32 v1, v3  }
0x35c: {  	[tilespmem:s10], [sflag:$0x3] =	stream.indirect_vreg.gather [hbm4b:s6+s3], $0x80, v4, vm0, $0xb8;
	[tilespmem:$0xC200] =	vst v63  }
0x35d: {  	s25 =	simm.s32 $0x9A00  }
0x35e: {  	[tilespmem:s25], [sflag:$0x3] =	stream.indirect_vreg.gather [hbm4b:s7+s3], $0x80, v4, vm0, $0xb8;
	[tilespmem:$0xC200] =	vst v63  }
0x35f: {  	s25 =	simm.s32 $0xA200  }
0x360: {  	[tilespmem:s25], [sflag:$0x3] =	stream.indirect_vreg.gather [hbm4b:s2+s3], $0x80, v3, vm0, $0xb8;
	[tilespmem:$0xC200] =	vst v63  }
0x361: {  	s10 =	simm.s32 $0xAA00  }
0x362: {  	[tilespmem:s10], [sflag:$0x3] =	stream.indirect_vreg.gather [hbm4b:s5+s3], $0x80, v3, vm0, $0xb8;
	[tilespmem:$0xC200] =	vst v63  }
0x363: {  	s24 =	simm.s32 $0xB200  }
0x364: {  	[tilespmem:s24], [sflag:$0x3] =	stream.indirect_vreg.gather [hbm4b:s6+s3], $0x80, v3, vm0, $0xb8;
	[tilespmem:$0xC200] =	vst v63  }
0x365: {  	s25 =	simm.s32 $0xBA00  }
0x366: {  	[tilespmem:s25], [sflag:$0x3] =	stream.indirect_vreg.gather [hbm4b:s7+s3], $0x80, v3, vm0, $0xb8;
	[tilespmem:$0xC200] =	vst v63  }
0x367: {  	_ =	swait.ge [sflag:s4], $0x4000  }
0x368: {  	[sflag:s4] =	ssyncset.done $0x0  }
0x369: {  	s10 =	rddreg [dreg:$0x1f];
	[sflag:s4] =	ssyncadd.s32 $0xFFFFC000  }
0x36a: {  	[hbm4b:s10+s3] =	stream.linear.scatter [tilespmem:s9], [sflag:$0x4], $0x4000, $0x38;
	[tilespmem:$0xC200] =	vst v63  }
0x36b: {  	_ =	swait.ge [sflag:s28], $0x4000  }
0x36c: {  	[sflag:s28] =	ssyncset.done $0x0  }
0x36d: {  	[sflag:s28] =	ssyncadd.s32 $0xFFFFC000  }
0x36e: {  	v3 =	vld [tilespmem:$0x1E0];
	_ =	sdelay $0x4  }
0x36f: {  	v62 =	vshll.u32 v3, $0x3  }
0x370: {  	v3 =	vand.u32 $0x7, v3;
	v4 =	vand.u32 $0xFFFFFFC0, v62  }
0x371: {  	v3 =	vor.u32 v3, v4  }
0x372: {  	v4 =	vperm.xlane v3, v0;
	_ =	sdelay $0x1  }
0x373: {  	v4 =	vadd.s32 v1, v4;
	_ =	sdelay $0x4  }
0x374: {  	[tilespmem:s9], [sflag:$0x1] =	stream.indirect_vreg.gather [hbm4b:s2+s3], $0x80, v4, vm0, $0xb8;
	[tilespmem:$0xC200] =	vst v63  }
0x375: {  	s20 =	simm.s32 $0xA00;
	v3 =	vperm.xlane v3, v2  }
0x376: {  	[tilespmem:s20], [sflag:$0x1] =	stream.indirect_vreg.gather [hbm4b:s5+s3], $0x80, v4, vm0, $0xb8;
	[tilespmem:$0xC200] =	vst v63  }
0x377: {  	s12 =	simm.s32 $0x1200;
	v3 =	vadd.s32 v1, v3  }
0x378: {  	[tilespmem:s12], [sflag:$0x1] =	stream.indirect_vreg.gather [hbm4b:s6+s3], $0x80, v4, vm0, $0xb8;
	[tilespmem:$0xC200] =	vst v63  }
0x379: {  	s8 =	simm.s32 $0x1A00  }
0x37a: {  	[tilespmem:s8], [sflag:$0x1] =	stream.indirect_vreg.gather [hbm4b:s7+s3], $0x80, v4, vm0, $0xb8;
	[tilespmem:$0xC200] =	vst v63  }
0x37b: {  	s11 =	simm.s32 $0x2200  }
0x37c: {  	[tilespmem:s11], [sflag:$0x1] =	stream.indirect_vreg.gather [hbm4b:s2+s3], $0x80, v3, vm0, $0xb8;
	[tilespmem:$0xC200] =	vst v63  }
0x37d: {  	s13 =	simm.s32 $0x2A00  }
0x37e: {  	[tilespmem:s13], [sflag:$0x1] =	stream.indirect_vreg.gather [hbm4b:s5+s3], $0x80, v3, vm0, $0xb8;
	[tilespmem:$0xC200] =	vst v63  }
0x37f: {  	s15 =	simm.s32 $0x3200  }
0x380: {  	[tilespmem:s15], [sflag:$0x1] =	stream.indirect_vreg.gather [hbm4b:s6+s3], $0x80, v3, vm0, $0xb8;
	[tilespmem:$0xC200] =	vst v63  }
0x381: {  	s16 =	simm.s32 $0x3A00  }
0x382: {  	[tilespmem:s16], [sflag:$0x1] =	stream.indirect_vreg.gather [hbm4b:s7+s3], $0x80, v3, vm0, $0xb8;
	[tilespmem:$0xC200] =	vst v63  }
0x383: {  	_ =	swait.ge [sflag:s29], $0x4000  }
0x384: {  	s15 =	sld [smem:$0x7F8]  }
0x385: {  	[sflag:s29] =	ssyncset.done $0x0  }
0x386: {  	[sflag:s29] =	ssyncadd.s32 $0xFFFFC000  }
0x387: {  	[hbm4b:s15+s3] =	stream.linear.scatter [tilespmem:s18], [sflag:$0x5], $0x4000, $0x38;
	[tilespmem:$0xC200] =	vst v63  }
0x388: {  	_ =	swait.ge [sflag:s30], $0x4000  }
0x389: {  	[sflag:s30] =	ssyncset.done $0x0  }
0x38a: {  	[sflag:s30] =	ssyncadd.s32 $0xFFFFC000  }
0x38b: {  	v3 =	vld [tilespmem:$0x1F0];
	_ =	sdelay $0x4  }
0x38c: {  	v63 =	vshll.u32 v3, $0x3  }
0x38d: {  	v3 =	vand.u32 $0x7, v3;
	v4 =	vand.u32 $0xFFFFFFC0, v63  }
0x38e: {  	v3 =	vor.u32 v3, v4  }
0x38f: {  	v4 =	vperm.xlane v3, v0;
	_ =	sdelay $0x1  }
0x390: {  	v4 =	vadd.s32 v1, v4;
	_ =	sdelay $0x4  }
0x391: {  	[tilespmem:s18], [sflag:$0x2] =	stream.indirect_vreg.gather [hbm4b:s2+s3], $0x80, v4, vm0, $0xb8;
	[tilespmem:$0xC200] =	vst v63  }
0x392: {  	s16 =	simm.s32 $0x4A00;
	v3 =	vperm.xlane v3, v2  }
0x393: {  	[tilespmem:s16], [sflag:$0x2] =	stream.indirect_vreg.gather [hbm4b:s5+s3], $0x80, v4, vm0, $0xb8;
	[tilespmem:$0xC200] =	vst v63  }
0x394: {  	s17 =	simm.s32 $0x5200;
	v3 =	vadd.s32 v1, v3  }
0x395: {  	[tilespmem:s17], [sflag:$0x2] =	stream.indirect_vreg.gather [hbm4b:s6+s3], $0x80, v4, vm0, $0xb8;
	[tilespmem:$0xC200] =	vst v63  }
0x396: {  	s19 =	simm.s32 $0x5A00  }
0x397: {  	[tilespmem:s19], [sflag:$0x2] =	stream.indirect_vreg.gather [hbm4b:s7+s3], $0x80, v4, vm0, $0xb8;
	[tilespmem:$0xC200] =	vst v63  }
0x398: {  	s14 =	simm.s32 $0x6200  }
0x399: {  	[tilespmem:s14], [sflag:$0x2] =	stream.indirect_vreg.gather [hbm4b:s2+s3], $0x80, v3, vm0, $0xb8;
	[tilespmem:$0xC200] =	vst v63  }
0x39a: {  	s23 =	simm.s32 $0x6A00  }
0x39b: {  	[tilespmem:s23], [sflag:$0x2] =	stream.indirect_vreg.gather [hbm4b:s5+s3], $0x80, v3, vm0, $0xb8;
	[tilespmem:$0xC200] =	vst v63  }
0x39c: {  	s21 =	simm.s32 $0x7200  }
0x39d: {  	[tilespmem:s21], [sflag:$0x2] =	stream.indirect_vreg.gather [hbm4b:s6+s3], $0x80, v3, vm0, $0xb8;
	[tilespmem:$0xC200] =	vst v63  }
0x39e: {  	s22 =	simm.s32 $0x7A00  }
0x39f: {  	[tilespmem:s22], [sflag:$0x2] =	stream.indirect_vreg.gather [hbm4b:s7+s3], $0x80, v3, vm0, $0xb8;
	[tilespmem:$0xC200] =	vst v63  }
0x3a0: {  	s20 =	sld [smem:$0x7F7];
	_ =	swait.ge [sflag:s31], $0x4000  }
0x3a1: {  	s23 =	sld [smem:$0x7F9]  }
0x3a2: {  	[sflag:s31] =	ssyncset.done $0x0  }
0x3a3: {  	[sflag:s31] =	ssyncadd.s32 $0xFFFFC000  }
0x3a4: {  	[hbm4b:s23+s3] =	stream.linear.scatter [tilespmem:s26], [sflag:$0x6], $0x4000, $0x38;
	[tilespmem:$0xC200] =	vst v63  }
0x3a5: {  	_ =	swait.ge [sflag:s4], $0x4000  }
0x3a6: {  	s24 =	sld [smem:$0x7FA]  }
0x3a7: {  	[sflag:s4] =	ssyncset.done $0x0  }
0x3a8: {  	[sflag:s4] =	ssyncadd.s32 $0xFFFFC000  }
0x3a9: {  	[hbm4b:s24+s3] =	stream.linear.scatter [tilespmem:s9], [sflag:$0x4], $0x4000, $0x38;
	[tilespmem:$0xC200] =	vst v63  }
0x3aa: {  	_ =	swait.ge [sflag:s29], $0x4000  }
0x3ab: {  	s25 =	sld [smem:$0x7FC]  }
0x3ac: {  	[sflag:s29] =	ssyncset.done $0x0  }
0x3ad: {  	[sflag:s29] =	ssyncadd.s32 $0xFFFFC000  }
0x3ae: {  	[hbm4b:s25+s3] =	stream.linear.scatter [tilespmem:s18], [sflag:$0x5], $0x4000, $0x38;
	[tilespmem:$0xC200] =	vst v63  }
0x3af: {  	_ =	swait.ge [sflag:s0], $0x4000  }
0x3b0: {  	[sflag:s0] =	ssyncset.done $0x0  }
0x3b1: {  	[sflag:s0] =	ssyncadd.s32 $0xFFFFC000  }
0x3b2: {  	p0 =	sne.s32 s20, $0x1;
	_ =	swait.ge [sflag:s28], $0x4000  }
.Ltmp0:
0x3b3: {  	[sflag:s28] =	ssyncset.done $0x0;
	(pc) =	sbr.rel @p0 .LBB2_1-.Ltmp0, $4  }
0x3b4: {  	[sflag:s28] =	ssyncadd.s32 $0xFFFFC000  }
0x3b5: {  	_ =	swait.ge [sflag:s30], $0x4000  }
0x3b6: {  	[sflag:s30] =	ssyncset.done $0x0  }
0x3b7: {  	s8 =	sadd.s32 $0xFFFFFFFF, s20;
	[sflag:s30] =	ssyncadd.s32 $0xFFFFC000  }
0x3b8: {  	_ =	sfence.sel $0x180000  }
0x3b9: {  	[bflag:$0x0] =	sbarrier.arrive $0xFFFF  }
0x3ba: {  	_ =	strace $0x90000047  }
0x3bb: {  	s0 =	stileid.u32;
	[bflag:$0x2] =	sbarrier.arrive $0xFFFF  }
0x3bc: {  	p0 =	sne.s32 s0, $0x0;
	s0 =	rddreg [dreg:$0x3]  }
0x3bd: {  	s0 =	sadd.s32 @!p0 $0x100000, s0  }
0x3be: {  	[sflag:s0] =	ssyncadd.tile.s32 @!p0 $0x1;
	_ =	shalt  }
.Lfunc_end2:
_tile_overlayer_lowered:
.L_overlay_start_2:
0x3bf: {  	(tag) =	ssettag $0x2  }
0x3c0: {  	s0 =	rddreg [dreg:$0x0];
	s2 =	stileid.u32  }
0x3c1: {  	s1 =	rddreg [dreg:$0x1];
	p0 =	sne.s32 s2, $0x0  }
0x3c2: {  	s3 =	rddreg [dreg:$0x2];
	[bflag:$0x3] =	sbarrier.arrive $0xFFFF;
	s2 =	simm.s32 @!p0 $0x1C07  }
0x3c3: {  	[timem:s3], [sflag:s2] =	dma.local @!p0 [hbm:s0], s1  }
0x3c4: {  	s0 =	simm.s32 @!p0 $0x7  }
0x3c5: {  	_ =	swait.ge @!p0 [sflag:s0], s1  }
0x3c6: {  	s1 =	ssub.s32 @!p0 $0x0, s1;
	[sflag:s0] =	ssyncset.done @!p0 $0x0  }
0x3c7: {  	[sflag:s0] =	ssyncadd.s32 @!p0 s1  }
0x3c8: {  	[bflag:$0x3] =	sbarrier.arrive $0xFFFF  }
0x3c9: {  	_ =	shalt  }

</sc_bundles>
